<compile_context>
chip_gen: v7x
topology: tpu7x:2x2x1
jax: 0.10.2.dev20260603
libtpu: 0.0.44.dev20260713+nightly
codegen_flags: <defaults>
</compile_context>

<pallas_src>
import functools

import jax
import jax.numpy as jnp
from jax import lax
from jax.experimental import pallas as pl
from jax.experimental.pallas import tpu as pltpu
from jax.experimental.pallas import tpu_sc as plsc

NN = 10000
DD = 128
HH = 128
LAT = 64
DCH = 128
NHEADS = 2

NC = 2
NS = 16
LANES = 16
CH = 128

NPAD = 10240


def _ceil_to(x, m):
    return (x + m - 1) // m * m



def _tc1_body(x_ref, w_ref, wa_ref, h0_ref, h1_ref, asad_ref):
    xv = x_ref[...]
    h = jnp.dot(xv, w_ref[...], preferred_element_type=jnp.float32)
    h0_ref[...] = h[:, :HH]
    h1_ref[...] = h[:, HH:]
    asad_ref[...] = jnp.dot(xv, wa_ref[...], preferred_element_type=jnp.float32)


def _tc3_body(a0_ref, a1_ref, d0_ref, d1_ref, deg_ref, bgat_ref, g1_ref,
              be1_ref, wgcn_ref, hg_ref, dinv_ref):
    a = a0_ref[...] / (d0_ref[...] + 1e-16)
    b = a1_ref[...] / (d1_ref[...] + 1e-16)
    gat = 0.5 * (a + b) + bgat_ref[...]
    gat = jnp.maximum(gat, 0.0)
    mu = jnp.mean(gat, axis=0, keepdims=True)
    var = jnp.mean((gat - mu) ** 2, axis=0, keepdims=True)
    h1 = (gat - mu) / jnp.sqrt(var + 1e-5) * g1_ref[...] + be1_ref[...]
    hg_ref[...] = jnp.dot(h1, wgcn_ref[...], preferred_element_type=jnp.float32)
    dinv_ref[...] = lax.rsqrt(jnp.maximum(deg_ref[...], 1.0))


def _tc5_body(p0_ref, p1_ref, bgcn_ref, g2_ref, be2_ref, wmu_ref, bmu_ref,
              wlv_ref, blv_ref, wres_ref, bres_ref, wd1t_ref, wd1b_ref,
              bd1_ref, eps_ref, mu_ref, lv_ref, aa_ref, bb_ref):
    z2 = jnp.maximum(p0_ref[...] + p1_ref[...] + bgcn_ref[...], 0.0)
    m = jnp.mean(z2, axis=0, keepdims=True)
    var = jnp.mean((z2 - m) ** 2, axis=0, keepdims=True)
    z2 = (z2 - m) / jnp.sqrt(var + 1e-5) * g2_ref[...] + be2_ref[...]
    mu = jnp.dot(z2, wmu_ref[...], preferred_element_type=jnp.float32) + bmu_ref[...]
    lv = jnp.dot(z2, wlv_ref[...], preferred_element_type=jnp.float32) + blv_ref[...]
    mu_ref[...] = mu
    lv_ref[...] = lv
    z = mu + eps_ref[...] * jnp.exp(0.5 * lv)
    zr = jnp.dot(z, wres_ref[...], preferred_element_type=jnp.float32) + bres_ref[...]
    aa_ref[...] = jnp.dot(zr, wd1t_ref[...], preferred_element_type=jnp.float32) + bd1_ref[...]
    bb_ref[...] = jnp.dot(zr, wd1b_ref[...], preferred_element_type=jnp.float32)



def _make_gat_kernel(epad, etot):
    epw = epad // NS
    nchunks = epw // CH
    rpw = NPAD // NS
    mesh = plsc.VectorSubcoreMesh(core_axis_name="c", subcore_axis_name="s",
                                  num_cores=NC, num_subcores=NS)

    @functools.partial(
        pl.kernel,
        out_type=[
            jax.ShapeDtypeStruct((NC * NPAD, HH), jnp.float32),
            jax.ShapeDtypeStruct((NC * NPAD,), jnp.float32),
            jax.ShapeDtypeStruct((NPAD,), jnp.float32),
        ],
        mesh=mesh,
        compiler_params=pltpu.CompilerParams(needs_layout_passes=False),
        scratch_types=[
            pltpu.VMEM((NPAD,), jnp.float32),
            pltpu.VMEM((NPAD,), jnp.float32),
            pltpu.VMEM((CH,), jnp.int32),
            pltpu.VMEM((CH,), jnp.int32),
            pltpu.VMEM((CH,), jnp.int32),
            pltpu.VMEM((CH,), jnp.float32),
            pltpu.VMEM((CH,), jnp.float32),
            pltpu.VMEM((CH, HH), jnp.float32),
            pltpu.VMEM_SHARED((NPAD, HH), jnp.float32),
            pltpu.VMEM_SHARED((NPAD,), jnp.float32),
            pltpu.VMEM_SHARED((NPAD,), jnp.float32),
            pltpu.SemaphoreType.DMA,
        ],
    )
    def gat_kernel(hcat, ascat, adcat, srcg, dstg, z2d, z1d,
                   acc_out, den_out, deg_out,
                   as_loc, ad_loc, src_v, dst_v, hix_v, w_v, one_v, rows_v,
                   acc_sh, den_sh, deg_sh, sem):
        c = lax.axis_index("c")
        s = lax.axis_index("s")
        r0 = s * rpw
        for t in range(rpw // CH):
            pltpu.sync_copy(z2d, acc_sh.at[pl.ds(r0 + t * CH, CH)])
        pltpu.sync_copy(z1d, den_sh.at[pl.ds(r0, rpw)])
        pltpu.sync_copy(z1d, deg_sh.at[pl.ds(r0, rpw)])
        pltpu.sync_copy(ascat.at[pl.ds(c * NPAD, NPAD)], as_loc)
        pltpu.sync_copy(adcat.at[pl.ds(c * NPAD, NPAD)], ad_loc)
        plsc.subcore_barrier()

        def chunk(k, carry):
            off = s * epw + k * CH
            pltpu.sync_copy(srcg.at[pl.ds(off, CH)], src_v)
            pltpu.sync_copy(dstg.at[pl.ds(off, CH)], dst_v)
            for g in range(CH // LANES):
                sl = pl.ds(g * LANES, LANES)
                sv = src_v[sl]
                dv = dst_v[sl]
                hix_v[sl] = sv + c * NPAD
                e = (plsc.load_gather(as_loc, [sv])
                     + plsc.load_gather(ad_loc, [dv]))
                e = jnp.maximum(e, 0.0) + 0.2 * jnp.minimum(e, 0.0)
                eid = lax.iota(jnp.int32, LANES) + (off + g * LANES)
                m = eid < etot
                w_v[sl] = jnp.where(m, jnp.exp(e), 0.0)
                one_v[sl] = jnp.where(m, 1.0, 0.0)
            pltpu.async_copy(hcat.at[hix_v], rows_v, sem).wait()

            def scale(g, carry2):
                wv16 = w_v[pl.ds(g * LANES, LANES)]
                for l in range(LANES):
                    i = g * LANES + l
                    wsc = wv16[l]
                    for j in range(HH // LANES):
                        jl = pl.ds(j * LANES, LANES)
                        rows_v[i, jl] = rows_v[i, jl] * wsc
                return carry2
            lax.fori_loop(0, CH // LANES, scale, 0)
            pltpu.sync_copy(rows_v, acc_sh.at[dst_v], add=True)
            pltpu.sync_copy(w_v, den_sh.at[dst_v], add=True)
            @pl.when(c == 0)
            def _():
                pltpu.sync_copy(one_v, deg_sh.at[dst_v], add=True)
            return carry
        lax.fori_loop(0, nchunks, chunk, 0)

        plsc.subcore_barrier()
        pltpu.sync_copy(acc_sh.at[pl.ds(r0, rpw)],
                        acc_out.at[pl.ds(c * NPAD + r0, rpw)])
        pltpu.sync_copy(den_sh.at[pl.ds(r0, rpw)],
                        den_out.at[pl.ds(c * NPAD + r0, rpw)])
        @pl.when(c == 0)
        def _():
            pltpu.sync_copy(deg_sh.at[pl.ds(r0, rpw)], deg_out.at[pl.ds(r0, rpw)])

    return gat_kernel



def _make_gcn_kernel(epad, etot):
    epw = epad // (NC * NS)
    nchunks = epw // CH
    rpw = NPAD // NS
    mesh = plsc.VectorSubcoreMesh(core_axis_name="c", subcore_axis_name="s",
                                  num_cores=NC, num_subcores=NS)

    @functools.partial(
        pl.kernel,
        out_type=jax.ShapeDtypeStruct((NC * NPAD, HH), jnp.float32),
        mesh=mesh,
        compiler_params=pltpu.CompilerParams(needs_layout_passes=False),
        scratch_types=[
            pltpu.VMEM((NPAD,), jnp.float32),
            pltpu.VMEM((CH,), jnp.int32),
            pltpu.VMEM((CH,), jnp.int32),
            pltpu.VMEM((CH,), jnp.float32),
            pltpu.VMEM((CH, HH), jnp.float32),
            pltpu.VMEM_SHARED((NPAD, HH), jnp.float32),
            pltpu.SemaphoreType.DMA,
        ],
    )
    def gcn_kernel(hgp, dinvp, srcg, dstg, z2d,
                   acc_out,
                   dinv_loc, src_v, dst_v, w_v, rows_v, acc_sh, sem):
        c = lax.axis_index("c")
        s = lax.axis_index("s")
        wid = c * NS + s
        r0 = s * rpw
        for t in range(rpw // CH):
            pltpu.sync_copy(z2d, acc_sh.at[pl.ds(r0 + t * CH, CH)])
        pltpu.sync_copy(dinvp, dinv_loc)
        plsc.subcore_barrier()

        def chunk(k, carry):
            off = wid * epw + k * CH
            pltpu.sync_copy(srcg.at[pl.ds(off, CH)], src_v)
            pltpu.sync_copy(dstg.at[pl.ds(off, CH)], dst_v)
            for g in range(CH // LANES):
                sl = pl.ds(g * LANES, LANES)
                sv = src_v[sl]
                dv = dst_v[sl]
                w = (plsc.load_gather(dinv_loc, [sv])
                     * plsc.load_gather(dinv_loc, [dv]))
                eid = lax.iota(jnp.int32, LANES) + (off + g * LANES)
                w_v[sl] = jnp.where(eid < etot, w, 0.0)
            pltpu.async_copy(hgp.at[src_v], rows_v, sem).wait()

            def scale(g, carry2):
                wv16 = w_v[pl.ds(g * LANES, LANES)]
                for l in range(LANES):
                    i = g * LANES + l
                    wsc = wv16[l]
                    for j in range(LAT // LANES):
                        jl = pl.ds(j * LANES, LANES)
                        rows_v[i, jl] = rows_v[i, jl] * wsc
                return carry2
            lax.fori_loop(0, CH // LANES, scale, 0)
            pltpu.sync_copy(rows_v, acc_sh.at[dst_v], add=True)
            return carry
        lax.fori_loop(0, nchunks, chunk, 0)

        plsc.subcore_barrier()
        pltpu.sync_copy(acc_sh.at[pl.ds(r0, rpw)],
                        acc_out.at[pl.ds(c * NPAD + r0, rpw)])

    return gcn_kernel



def _make_decode_kernel(epad):
    epw = epad // (NC * NS)
    nchunks = epw // CH
    mesh = plsc.VectorSubcoreMesh(core_axis_name="c", subcore_axis_name="s",
                                  num_cores=NC, num_subcores=NS)

    @functools.partial(
        pl.kernel,
        out_type=jax.ShapeDtypeStruct((epad,), jnp.float32),
        mesh=mesh,
        compiler_params=pltpu.CompilerParams(needs_layout_passes=False),
        scratch_types=[
            pltpu.VMEM((CH,), jnp.int32),
            pltpu.VMEM((CH,), jnp.int32),
            pltpu.VMEM((CH, DCH), jnp.float32),
            pltpu.VMEM((CH, DCH), jnp.float32),
            pltpu.VMEM((DCH,), jnp.float32),
            pltpu.VMEM((LANES,), jnp.float32),
            pltpu.VMEM((CH, LANES), jnp.float32),
            pltpu.VMEM((CH,), jnp.float32),
            pltpu.SemaphoreType.DMA,
            pltpu.SemaphoreType.DMA,
        ],
    )
    def dec_kernel(atab, btab, srcd, dstd, w2p, b16,
                   recon_out,
                   src_v, dst_v, abuf, bbuf, w2_loc, b16_loc, sums_v, out_v,
                   sem, sem2):
        c = lax.axis_index("c")
        s = lax.axis_index("s")
        wid = c * NS + s
        pltpu.sync_copy(w2p, w2_loc)
        pltpu.sync_copy(b16, b16_loc)

        def chunk(k, carry):
            off = wid * epw + k * CH
            pltpu.sync_copy(srcd.at[pl.ds(off, CH)], src_v)
            pltpu.sync_copy(dstd.at[pl.ds(off, CH)], dst_v)
            cpa = pltpu.async_copy(atab.at[src_v], abuf, sem)
            cpb = pltpu.async_copy(btab.at[dst_v], bbuf, sem2)
            cpa.wait()
            cpb.wait()

            def edge(i, carry2):
                vacc = b16_loc[...]
                for j in range(DCH // LANES):
                    jl = pl.ds(j * LANES, LANES)
                    t = jnp.maximum(abuf[i, jl] + bbuf[i, jl], 0.0)
                    vacc = vacc + t * w2_loc[jl]
                sums_v[i, :] = vacc
                return carry2
            lax.fori_loop(0, CH, edge, 0, unroll=2)
            for g in range(CH // LANES):
                eix = lax.iota(jnp.int32, LANES) + g * LANES
                tot = plsc.load_gather(sums_v, [eix, jnp.zeros((LANES,), jnp.int32)])
                for l in range(1, LANES):
                    tot = tot + plsc.load_gather(
                        sums_v, [eix, jnp.full((LANES,), l, jnp.int32)])
                out_v[pl.ds(g * LANES, LANES)] = tot
            pltpu.sync_copy(out_v, recon_out.at[pl.ds(off, CH)])
            return carry
        lax.fori_loop(0, nchunks, chunk, 0)

    return dec_kernel



def kernel(x, edge_index, W_gat, att_src, att_dst, b_gat, g1, beta1, W_gcn,
           b_gcn, g2, beta2, W_mu, b_mu, W_lv, b_lv, W_res, b_res, W_d1,
           b_d1, W_d2, b_d2):
    n = x.shape[0]
    e = edge_index.shape[1]
    etot = e + n
    epad = _ceil_to(etot, NC * NS * CH)
    epad_dec = _ceil_to(e, NC * NS * CH)

    f32 = jnp.float32

    wa = jnp.zeros((NHEADS * HH, 4), f32)
    wa = wa.at[:HH, 0].set(att_src[0]).at[HH:, 1].set(att_src[1])
    wa = wa.at[:HH, 2].set(att_dst[0]).at[HH:, 3].set(att_dst[1])
    wa = W_gat @ wa
    h0, h1, asad = pl.pallas_call(
        _tc1_body,
        out_shape=[
            jax.ShapeDtypeStruct((n, HH), f32),
            jax.ShapeDtypeStruct((n, HH), f32),
            jax.ShapeDtypeStruct((n, 4), f32),
        ],
    )(x, W_gat, wa)

    pad_n = [(0, NPAD - n), (0, 0)]
    hcat = jnp.concatenate([jnp.pad(h0, pad_n), jnp.pad(h1, pad_n)], axis=0)
    ascat = jnp.concatenate([jnp.pad(asad[:, 0], (0, NPAD - n)),
                             jnp.pad(asad[:, 1], (0, NPAD - n))])
    adcat = jnp.concatenate([jnp.pad(asad[:, 2], (0, NPAD - n)),
                             jnp.pad(asad[:, 3], (0, NPAD - n))])

    loop_ids = jnp.arange(n, dtype=jnp.int32)
    fill_g = jnp.arange(epad - etot, dtype=jnp.int32) % n
    srcg = jnp.concatenate([edge_index[0], loop_ids, fill_g])
    dstg = jnp.concatenate([edge_index[1], loop_ids, fill_g])
    fill_d = jnp.arange(epad_dec - e, dtype=jnp.int32) % n
    srcd = jnp.concatenate([edge_index[0], fill_d])
    dstd = jnp.concatenate([edge_index[1], fill_d])

    z2d = jnp.zeros((CH, HH), f32)
    z1d = jnp.zeros((NPAD // NS,), f32)

    acc, den, deg = _make_gat_kernel(epad, etot)(
        hcat, ascat, adcat, srcg, dstg, z2d, z1d)

    hg, dinv = pl.pallas_call(
        _tc3_body,
        out_shape=[
            jax.ShapeDtypeStruct((n, LAT), f32),
            jax.ShapeDtypeStruct((n, 1), f32),
        ],
    )(acc[:n], acc[NPAD:NPAD + n], den[:n, None], den[NPAD:NPAD + n, None],
      deg[:n, None], b_gat[None, :], g1[None, :], beta1[None, :], W_gcn)

    hgp = jnp.pad(hg, [(0, NPAD - n), (0, HH - LAT)])
    dinvp = jnp.pad(dinv[:, 0], (0, NPAD - n))

    acc2 = _make_gcn_kernel(epad, etot)(hgp, dinvp, srcg, dstg, z2d)

    eps = jax.random.normal(jax.random.key(1), (n, LAT), dtype=f32)
    mu, logvar, atab, btab = pl.pallas_call(
        _tc5_body,
        out_shape=[
            jax.ShapeDtypeStruct((n, LAT), f32),
            jax.ShapeDtypeStruct((n, LAT), f32),
            jax.ShapeDtypeStruct((n, DCH), f32),
            jax.ShapeDtypeStruct((n, DCH), f32),
        ],
    )(acc2[:n, :LAT], acc2[NPAD:NPAD + n, :LAT], b_gcn[None, :], g2[None, :],
      beta2[None, :], W_mu, b_mu[None, :], W_lv, b_lv[None, :], W_res,
      b_res[None, :], W_d1[:LAT], W_d1[LAT:], b_d1[None, :], eps)

    w2p = W_d2[:, 0]
    b16 = jnp.full((LANES,), b_d2[0] / LANES, f32)
    recon_pad = _make_decode_kernel(epad_dec)(atab, btab, srcd, dstd, w2p, b16)
    recon = recon_pad[:e]

    return recon, mu, logvar

# --- scband reference (transcript-rebuilt; emitter-appended) ---
"""Pipeline reference for scband-gnn-vae-25245817766163 (READ-ONLY COPY).

The authoritative reference and input builder live on the scoring server;
editing this copy changes nothing except your own understanding.
"""

import jax, jax.numpy as jnp
import numpy as np

N = 10000
E = 320000
D = 128
H = 128
L = 64
DC = 128
HEADS = 2

def setup_inputs(seed: int = 0):
    key = jax.random.key(seed)
    ks = jax.random.split(key, 24)
    s = 0.05
    inp = {}
    inp["x"] = jax.random.normal(ks[0], (N, D), dtype=jnp.float32)
    inp["edge_index"] = jax.random.randint(ks[1], (2, E), 0, N, dtype=jnp.int32)
    inp["W_gat"] = jax.random.normal(ks[2], (D, HEADS * H), dtype=jnp.float32) * s
    inp["att_src"] = jax.random.normal(ks[3], (HEADS, H), dtype=jnp.float32) * s
    inp["att_dst"] = jax.random.normal(ks[4], (HEADS, H), dtype=jnp.float32) * s
    inp["b_gat"] = jnp.zeros((H,), dtype=jnp.float32)
    inp["g1"] = jnp.ones((H,), dtype=jnp.float32)
    inp["beta1"] = jnp.zeros((H,), dtype=jnp.float32)
    inp["W_gcn"] = jax.random.normal(ks[5], (H, L), dtype=jnp.float32) * s
    inp["b_gcn"] = jnp.zeros((L,), dtype=jnp.float32)
    inp["g2"] = jnp.ones((L,), dtype=jnp.float32)
    inp["beta2"] = jnp.zeros((L,), dtype=jnp.float32)
    inp["W_mu"] = jax.random.normal(ks[6], (L, L), dtype=jnp.float32) * s
    inp["b_mu"] = jnp.zeros((L,), dtype=jnp.float32)
    inp["W_lv"] = jax.random.normal(ks[7], (L, L), dtype=jnp.float32) * s
    inp["b_lv"] = jnp.zeros((L,), dtype=jnp.float32)
    inp["W_res"] = jax.random.normal(ks[8], (L, L), dtype=jnp.float32) * s
    inp["b_res"] = jnp.zeros((L,), dtype=jnp.float32)
    inp["W_d1"] = jax.random.normal(ks[9], (2 * L, DC), dtype=jnp.float32) * s
    inp["b_d1"] = jnp.zeros((DC,), dtype=jnp.float32)
    inp["W_d2"] = jax.random.normal(ks[10], (DC, 1), dtype=jnp.float32) * s
    inp["b_d2"] = jnp.zeros((1,), dtype=jnp.float32)
    return inp

def _bn(x, g, b):
    mu = x.mean(axis=0, keepdims=True)
    var = x.var(axis=0, keepdims=True)
    return (x - mu) / jnp.sqrt(var + 1e-5) * g + b

def _gat(x, src, dst, W, a_s, a_d, bias):
    n = x.shape[0]
    h = (x @ W).reshape(n, HEADS, H)
    as_ = (h * a_s[None]).sum(-1)
    ad_ = (h * a_d[None]).sum(-1)
    e = as_[src] + ad_[dst]
    e = jnp.where(e > 0, e, 0.2 * e)
    emax = jax.ops.segment_max(e, dst, num_segments=n)
    ex = jnp.exp(e - emax[dst])
    den = jax.ops.segment_sum(ex, dst, num_segments=n)
    alpha = ex / (den[dst] + 1e-16)
    out = jax.ops.segment_sum(h[src] * alpha[:, :, None], dst, num_segments=n)
    return out.mean(axis=1) + bias

def _gcn(x, src, dst, W, bias):
    n = x.shape[0]
    deg = jax.ops.segment_sum(jnp.ones(src.shape, dtype=x.dtype), dst, num_segments=n)
    dinv = 1.0 / jnp.sqrt(jnp.maximum(deg, 1.0))
    h = x @ W
    norm = dinv[src] * dinv[dst]
    out = jax.ops.segment_sum(h[src] * norm[:, None], dst, num_segments=n)
    return out + bias

def _forward(x, edge_index, W_gat, att_src, att_dst, b_gat, g1, beta1, W_gcn, b_gcn, g2, beta2, W_mu, b_mu, W_lv, b_lv, W_res, b_res, W_d1, b_d1, W_d2, b_d2):
    n = x.shape[0]
    loop = jnp.arange(n, dtype=edge_index.dtype)
    src = jnp.concatenate([edge_index[0], loop])
    dst = jnp.concatenate([edge_index[1], loop])
    h = jax.nn.relu(_gat(x, src, dst, W_gat, att_src, att_dst, b_gat))
    h = _bn(h, g1, beta1)
    z2 = jax.nn.relu(_gcn(h, src, dst, W_gcn, b_gcn))
    z2 = _bn(z2, g2, beta2)
    mu = z2 @ W_mu + b_mu
    logvar = z2 @ W_lv + b_lv
    eps = jax.random.normal(jax.random.key(1), mu.shape, dtype=mu.dtype)
    z = mu + eps * jnp.exp(0.5 * logvar)
    row = edge_index[0]
    col = edge_index[1]
    z_row = z[row] @ W_res + b_res
    z_col = z[col] @ W_res + b_res
    ee = jnp.concatenate([z_row, z_col], axis=1)
    hdec = jax.nn.relu(ee @ W_d1 + b_d1)
    recon = (hdec @ W_d2 + b_d2).squeeze(-1)
    return recon, mu, logvar

def reference(x, edge_index, W_gat, att_src, att_dst, b_gat, g1, beta1, W_gcn, b_gcn, g2, beta2, W_mu, b_mu, W_lv, b_lv, W_res, b_res, W_d1, b_d1, W_d2, b_d2):
    return _forward(x, edge_index, W_gat, att_src, att_dst, b_gat, g1, beta1, W_gcn, b_gcn, g2, beta2, W_mu, b_mu, W_lv, b_lv, W_res, b_res, W_d1, b_d1, W_d2, b_d2)

if __name__ == "__main__":
    import jax
    _d = setup_inputs()
    print(jax.jit(kernel)(*tuple(_d.values())))

</pallas_src>

<mosaic_0001>
#map = affine_map<(d0, d1) -> (0, 0)>
#map1 = affine_map<(d0, d1) -> (0)>
module attributes {stable_mosaic.version = 14 : i64} {
  func.func @gcn_kernel(%arg0: i32, %arg1: i32, %arg2: memref<10240x128xf32, #tpu.memory_space<hbm>>, %arg3: memref<10240xf32, #tpu.memory_space<hbm>>, %arg4: memref<331776xi32, #tpu.memory_space<hbm>>, %arg5: memref<331776xi32, #tpu.memory_space<hbm>>, %arg6: memref<128x128xf32, #tpu.memory_space<hbm>>, %arg7: memref<20480x128xf32, #tpu.memory_space<hbm>>, %arg8: memref<10240xf32, #tpu.memory_space<vmem>>, %arg9: memref<128xi32, #tpu.memory_space<vmem>>, %arg10: memref<128xi32, #tpu.memory_space<vmem>>, %arg11: memref<128xf32, #tpu.memory_space<vmem>>, %arg12: memref<128x128xf32, #tpu.memory_space<vmem>>, %arg13: memref<10240x128xf32, #tpu.memory_space<vmem_shared>>, %arg14: memref<!tpu.dma_semaphore, #tpu.memory_space<semaphore_mem>>) attributes {dimension_semantics = [#tpu.dimension_semantics<core_parallel>, #tpu.dimension_semantics<subcore_parallel>], iteration_bounds = array<i64: 2, 16>, scalar_prefetch = 0 : i64, scratch_operands = 7 : i64, tpu.core_type = #tpu.core_type<sc_vector_subcore>, window_params = [{transform_indices = #map}, {transform_indices = #map1}, {transform_indices = #map1}, {transform_indices = #map1}, {transform_indices = #map}, {transform_indices = #map}]} {
    %mul3A = arith.constant 16 : i32
    %mul3A_0 = arith.muli %arg0, %mul3A : i32
    %add3A = arith.addi %mul3A_0, %arg1 : i32
    %mul3A_1 = arith.constant 640 : i32
    %mul3A_2 = arith.muli %arg1, %mul3A_1 : i32
    %add3A_3 = arith.constant 0 : i32
    %add3A_4 = arith.addi %mul3A_2, %add3A_3 : i32
    "tpu.region"() ({
      %run_scoped3A = tpu.sem_alloc : memref<!tpu.dma_semaphore, #tpu.memory_space<semaphore_mem>>
      %dma_start3A = arith.constant 0 : i32
      %dma_start3A_22 = tpu.memref_slice %arg13[%add3A_4, %dma_start3A] : memref<10240x128xf32, #tpu.memory_space<vmem_shared>> -> memref<128x128xf32, #tpu.memory_space<vmem_shared>>
      tpu.enqueue_dma source(%arg6 : memref<128x128xf32, #tpu.memory_space<hbm>>) target(%dma_start3A_22 : memref<128x128xf32, #tpu.memory_space<vmem_shared>>) target_semaphore(%run_scoped3A : memref<!tpu.dma_semaphore, #tpu.memory_space<semaphore_mem>>)
      %dma_wait3A = arith.constant 0 : i32
      %dma_wait3A_23 = tpu.memref_slice %arg13[%add3A_4, %dma_wait3A] : memref<10240x128xf32, #tpu.memory_space<vmem_shared>> -> memref<128x128xf32, #tpu.memory_space<vmem_shared>>
      tpu.wait_dma2 semaphore(%run_scoped3A : memref<!tpu.dma_semaphore, #tpu.memory_space<semaphore_mem>>) src(%arg6 : memref<128x128xf32, #tpu.memory_space<hbm>>) dst(%dma_wait3A_23 : memref<128x128xf32, #tpu.memory_space<vmem_shared>>)
      tpu.yield
    }) : () -> ()
    %add3A_5 = arith.constant 128 : i32
    %add3A_6 = arith.addi %mul3A_2, %add3A_5 : i32
    "tpu.region"() ({
      %run_scoped3A = tpu.sem_alloc : memref<!tpu.dma_semaphore, #tpu.memory_space<semaphore_mem>>
      %dma_start3A = arith.constant 0 : i32
      %dma_start3A_22 = tpu.memref_slice %arg13[%add3A_6, %dma_start3A] : memref<10240x128xf32, #tpu.memory_space<vmem_shared>> -> memref<128x128xf32, #tpu.memory_space<vmem_shared>>
      tpu.enqueue_dma source(%arg6 : memref<128x128xf32, #tpu.memory_space<hbm>>) target(%dma_start3A_22 : memref<128x128xf32, #tpu.memory_space<vmem_shared>>) target_semaphore(%run_scoped3A : memref<!tpu.dma_semaphore, #tpu.memory_space<semaphore_mem>>)
      %dma_wait3A = arith.constant 0 : i32
      %dma_wait3A_23 = tpu.memref_slice %arg13[%add3A_6, %dma_wait3A] : memref<10240x128xf32, #tpu.memory_space<vmem_shared>> -> memref<128x128xf32, #tpu.memory_space<vmem_shared>>
      tpu.wait_dma2 semaphore(%run_scoped3A : memref<!tpu.dma_semaphore, #tpu.memory_space<semaphore_mem>>) src(%arg6 : memref<128x128xf32, #tpu.memory_space<hbm>>) dst(%dma_wait3A_23 : memref<128x128xf32, #tpu.memory_space<vmem_shared>>)
      tpu.yield
    }) : () -> ()
    %add3A_7 = arith.constant 256 : i32
    %add3A_8 = arith.addi %mul3A_2, %add3A_7 : i32
    "tpu.region"() ({
      %run_scoped3A = tpu.sem_alloc : memref<!tpu.dma_semaphore, #tpu.memory_space<semaphore_mem>>
      %dma_start3A = arith.constant 0 : i32
      %dma_start3A_22 = tpu.memref_slice %arg13[%add3A_8, %dma_start3A] : memref<10240x128xf32, #tpu.memory_space<vmem_shared>> -> memref<128x128xf32, #tpu.memory_space<vmem_shared>>
      tpu.enqueue_dma source(%arg6 : memref<128x128xf32, #tpu.memory_space<hbm>>) target(%dma_start3A_22 : memref<128x128xf32, #tpu.memory_space<vmem_shared>>) target_semaphore(%run_scoped3A : memref<!tpu.dma_semaphore, #tpu.memory_space<semaphore_mem>>)
      %dma_wait3A = arith.constant 0 : i32
      %dma_wait3A_23 = tpu.memref_slice %arg13[%add3A_8, %dma_wait3A] : memref<10240x128xf32, #tpu.memory_space<vmem_shared>> -> memref<128x128xf32, #tpu.memory_space<vmem_shared>>
      tpu.wait_dma2 semaphore(%run_scoped3A : memref<!tpu.dma_semaphore, #tpu.memory_space<semaphore_mem>>) src(%arg6 : memref<128x128xf32, #tpu.memory_space<hbm>>) dst(%dma_wait3A_23 : memref<128x128xf32, #tpu.memory_space<vmem_shared>>)
      tpu.yield
    }) : () -> ()
    %add3A_9 = arith.constant 384 : i32
    %add3A_10 = arith.addi %mul3A_2, %add3A_9 : i32
    "tpu.region"() ({
      %run_scoped3A = tpu.sem_alloc : memref<!tpu.dma_semaphore, #tpu.memory_space<semaphore_mem>>
      %dma_start3A = arith.constant 0 : i32
      %dma_start3A_22 = tpu.memref_slice %arg13[%add3A_10, %dma_start3A] : memref<10240x128xf32, #tpu.memory_space<vmem_shared>> -> memref<128x128xf32, #tpu.memory_space<vmem_shared>>
      tpu.enqueue_dma source(%arg6 : memref<128x128xf32, #tpu.memory_space<hbm>>) target(%dma_start3A_22 : memref<128x128xf32, #tpu.memory_space<vmem_shared>>) target_semaphore(%run_scoped3A : memref<!tpu.dma_semaphore, #tpu.memory_space<semaphore_mem>>)
      %dma_wait3A = arith.constant 0 : i32
      %dma_wait3A_23 = tpu.memref_slice %arg13[%add3A_10, %dma_wait3A] : memref<10240x128xf32, #tpu.memory_space<vmem_shared>> -> memref<128x128xf32, #tpu.memory_space<vmem_shared>>
      tpu.wait_dma2 semaphore(%run_scoped3A : memref<!tpu.dma_semaphore, #tpu.memory_space<semaphore_mem>>) src(%arg6 : memref<128x128xf32, #tpu.memory_space<hbm>>) dst(%dma_wait3A_23 : memref<128x128xf32, #tpu.memory_space<vmem_shared>>)
      tpu.yield
    }) : () -> ()
    %add3A_11 = arith.constant 512 : i32
    %add3A_12 = arith.addi %mul3A_2, %add3A_11 : i32
    "tpu.region"() ({
      %run_scoped3A = tpu.sem_alloc : memref<!tpu.dma_semaphore, #tpu.memory_space<semaphore_mem>>
      %dma_start3A = arith.constant 0 : i32
      %dma_start3A_22 = tpu.memref_slice %arg13[%add3A_12, %dma_start3A] : memref<10240x128xf32, #tpu.memory_space<vmem_shared>> -> memref<128x128xf32, #tpu.memory_space<vmem_shared>>
      tpu.enqueue_dma source(%arg6 : memref<128x128xf32, #tpu.memory_space<hbm>>) target(%dma_start3A_22 : memref<128x128xf32, #tpu.memory_space<vmem_shared>>) target_semaphore(%run_scoped3A : memref<!tpu.dma_semaphore, #tpu.memory_space<semaphore_mem>>)
      %dma_wait3A = arith.constant 0 : i32
      %dma_wait3A_23 = tpu.memref_slice %arg13[%add3A_12, %dma_wait3A] : memref<10240x128xf32, #tpu.memory_space<vmem_shared>> -> memref<128x128xf32, #tpu.memory_space<vmem_shared>>
      tpu.wait_dma2 semaphore(%run_scoped3A : memref<!tpu.dma_semaphore, #tpu.memory_space<semaphore_mem>>) src(%arg6 : memref<128x128xf32, #tpu.memory_space<hbm>>) dst(%dma_wait3A_23 : memref<128x128xf32, #tpu.memory_space<vmem_shared>>)
      tpu.yield
    }) : () -> ()
    "tpu.region"() ({
      %run_scoped3A = tpu.sem_alloc : memref<!tpu.dma_semaphore, #tpu.memory_space<semaphore_mem>>
      tpu.enqueue_dma source(%arg3 : memref<10240xf32, #tpu.memory_space<hbm>>) target(%arg8 : memref<10240xf32, #tpu.memory_space<vmem>>) target_semaphore(%run_scoped3A : memref<!tpu.dma_semaphore, #tpu.memory_space<semaphore_mem>>)
      tpu.wait_dma2 semaphore(%run_scoped3A : memref<!tpu.dma_semaphore, #tpu.memory_space<semaphore_mem>>) src(%arg3 : memref<10240xf32, #tpu.memory_space<hbm>>) dst(%arg8 : memref<10240xf32, #tpu.memory_space<vmem>>)
      tpu.yield
    }) : () -> ()
    %barrier3A = arith.constant 0 : index
    tpu.barrier barrier_id(%barrier3A)
    %scan3A = arith.constant 0 : i32
    %scan3A_13 = arith.constant 0 : i32
    %scan3A_14 = arith.constant 81 : i32
    %scan3A_15 = arith.addi %scan3A_13, %scan3A_14 : i32
    %scan3A_16 = arith.constant 1 : i32
    scf.for %scan3A_22 = %scan3A_13 to %scan3A_15 step %scan3A_16  : i32 {
      %mul3A_23 = arith.constant 10368 : i32
      %mul3A_24 = arith.muli %add3A, %mul3A_23 : i32
      %mul3A_25 = arith.constant 128 : i32
      %mul3A_26 = arith.muli %scan3A_22, %mul3A_25 : i32
      %add3A_27 = arith.addi %mul3A_24, %mul3A_26 : i32
      "tpu.region"() ({
        %run_scoped3A = tpu.sem_alloc : memref<!tpu.dma_semaphore, #tpu.memory_space<semaphore_mem>>
        %dma_start3A_190 = tpu.memref_slice %arg4[%add3A_27] : memref<331776xi32, #tpu.memory_space<hbm>> -> memref<128xi32, #tpu.memory_space<hbm>>
        %dma_start3A_191 = tpu.memref_slice %arg4[%add3A_27] : memref<331776xi32, #tpu.memory_space<hbm>> -> memref<128xi32, #tpu.memory_space<hbm>>
        tpu.enqueue_dma source(%dma_start3A_191 : memref<128xi32, #tpu.memory_space<hbm>>) target(%arg9 : memref<128xi32, #tpu.memory_space<vmem>>) target_semaphore(%run_scoped3A : memref<!tpu.dma_semaphore, #tpu.memory_space<semaphore_mem>>)
        %dma_wait3A_192 = tpu.memref_slice %arg4[%add3A_27] : memref<331776xi32, #tpu.memory_space<hbm>> -> memref<128xi32, #tpu.memory_space<hbm>>
        %dma_wait3A_193 = tpu.memref_slice %arg4[%add3A_27] : memref<331776xi32, #tpu.memory_space<hbm>> -> memref<128xi32, #tpu.memory_space<hbm>>
        tpu.wait_dma2 semaphore(%run_scoped3A : memref<!tpu.dma_semaphore, #tpu.memory_space<semaphore_mem>>) src(%dma_wait3A_193 : memref<128xi32, #tpu.memory_space<hbm>>) dst(%arg9 : memref<128xi32, #tpu.memory_space<vmem>>)
        tpu.yield
      }) : () -> ()
      "tpu.region"() ({
        %run_scoped3A = tpu.sem_alloc : memref<!tpu.dma_semaphore, #tpu.memory_space<semaphore_mem>>
        %dma_start3A_190 = tpu.memref_slice %arg5[%add3A_27] : memref<331776xi32, #tpu.memory_space<hbm>> -> memref<128xi32, #tpu.memory_space<hbm>>
        %dma_start3A_191 = tpu.memref_slice %arg5[%add3A_27] : memref<331776xi32, #tpu.memory_space<hbm>> -> memref<128xi32, #tpu.memory_space<hbm>>
        tpu.enqueue_dma source(%dma_start3A_191 : memref<128xi32, #tpu.memory_space<hbm>>) target(%arg10 : memref<128xi32, #tpu.memory_space<vmem>>) target_semaphore(%run_scoped3A : memref<!tpu.dma_semaphore, #tpu.memory_space<semaphore_mem>>)
        %dma_wait3A_192 = tpu.memref_slice %arg5[%add3A_27] : memref<331776xi32, #tpu.memory_space<hbm>> -> memref<128xi32, #tpu.memory_space<hbm>>
        %dma_wait3A_193 = tpu.memref_slice %arg5[%add3A_27] : memref<331776xi32, #tpu.memory_space<hbm>> -> memref<128xi32, #tpu.memory_space<hbm>>
        tpu.wait_dma2 semaphore(%run_scoped3A : memref<!tpu.dma_semaphore, #tpu.memory_space<semaphore_mem>>) src(%dma_wait3A_193 : memref<128xi32, #tpu.memory_space<hbm>>) dst(%arg10 : memref<128xi32, #tpu.memory_space<vmem>>)
        tpu.yield
      }) : () -> ()
      %get3A = arith.constant 0 : index
      %get3A_28 = tpu.vector_load %arg9[%get3A] {strides = array<i32>} : memref<128xi32, #tpu.memory_space<vmem>>, vector<16xi32>,
      %get3A_29 = arith.constant 0 : index
      %get3A_30 = tpu.vector_load %arg10[%get3A_29] {strides = array<i32>} : memref<128xi32, #tpu.memory_space<vmem>>, vector<16xi32>,
      %gather3A = tpu.vector_load_idx %arg8[%get3A_28] : memref<10240xf32, #tpu.memory_space<vmem>>[vector<16xi32>], vector<16xf32>,
      %gather3A_31 = tpu.vector_load_idx %arg8[%get3A_30] : memref<10240xf32, #tpu.memory_space<vmem>>[vector<16xi32>], vector<16xf32>,
      %mul3A_32 = arith.mulf %gather3A, %gather3A_31 : vector<16xf32>
      %iota3A = tpu.iota {dimensions = array<i32: 0>} : vector<16xi32>
      %add3A_33 = arith.constant 0 : i32
      %add3A_34 = arith.addi %add3A_27, %add3A_33 : i32
      %add3A_35 = vector.broadcast %add3A_34 : i32 to vector<16xi32>
      %add3A_36 = arith.addi %iota3A, %add3A_35 : vector<16xi32>
      %lt3A = arith.constant 330000 : i32
      %lt3A_37 = vector.broadcast %lt3A : i32 to vector<16xi32>
      %lt3A_38 = arith.cmpi slt, %add3A_36, %lt3A_37 : vector<16xi32>
      %jit3A = arith.constant 0.000000e+00 : f32
      %broadcast_in_dim3A = vector.broadcast %jit3A : f32 to vector<16xf32>
      %select_n3A = arith.select %lt3A_38, %mul3A_32, %broadcast_in_dim3A : vector<16xi1>, vector<16xf32>
      %swap3A = arith.constant 0 : index
      %swap3A_39 = tpu.vector_load %arg11[%swap3A] {strides = array<i32>} : memref<128xf32, #tpu.memory_space<vmem>>, vector<16xf32>,
      tpu.vector_store %arg11[%swap3A], %select_n3A {strides = array<i32>} : memref<128xf32, #tpu.memory_space<vmem>>, vector<16xf32>,
      %get3A_40 = arith.constant 16 : index
      %get3A_41 = tpu.vector_load %arg9[%get3A_40] {strides = array<i32>} : memref<128xi32, #tpu.memory_space<vmem>>, vector<16xi32>,
      %get3A_42 = arith.constant 16 : index
      %get3A_43 = tpu.vector_load %arg10[%get3A_42] {strides = array<i32>} : memref<128xi32, #tpu.memory_space<vmem>>, vector<16xi32>,
      %gather3A_44 = tpu.vector_load_idx %arg8[%get3A_41] : memref<10240xf32, #tpu.memory_space<vmem>>[vector<16xi32>], vector<16xf32>,
      %gather3A_45 = tpu.vector_load_idx %arg8[%get3A_43] : memref<10240xf32, #tpu.memory_space<vmem>>[vector<16xi32>], vector<16xf32>,
      %mul3A_46 = arith.mulf %gather3A_44, %gather3A_45 : vector<16xf32>
      %iota3A_47 = tpu.iota {dimensions = array<i32: 0>} : vector<16xi32>
      %add3A_48 = arith.constant 16 : i32
      %add3A_49 = arith.addi %add3A_27, %add3A_48 : i32
      %add3A_50 = vector.broadcast %add3A_49 : i32 to vector<16xi32>
      %add3A_51 = arith.addi %iota3A_47, %add3A_50 : vector<16xi32>
      %lt3A_52 = arith.constant 330000 : i32
      %lt3A_53 = vector.broadcast %lt3A_52 : i32 to vector<16xi32>
      %lt3A_54 = arith.cmpi slt, %add3A_51, %lt3A_53 : vector<16xi32>
      %jit3A_55 = arith.constant 0.000000e+00 : f32
      %broadcast_in_dim3A_56 = vector.broadcast %jit3A_55 : f32 to vector<16xf32>
      %select_n3A_57 = arith.select %lt3A_54, %mul3A_46, %broadcast_in_dim3A_56 : vector<16xi1>, vector<16xf32>
      %swap3A_58 = arith.constant 16 : index
      %swap3A_59 = tpu.vector_load %arg11[%swap3A_58] {strides = array<i32>} : memref<128xf32, #tpu.memory_space<vmem>>, vector<16xf32>,
      tpu.vector_store %arg11[%swap3A_58], %select_n3A_57 {strides = array<i32>} : memref<128xf32, #tpu.memory_space<vmem>>, vector<16xf32>,
      %get3A_60 = arith.constant 32 : index
      %get3A_61 = tpu.vector_load %arg9[%get3A_60] {strides = array<i32>} : memref<128xi32, #tpu.memory_space<vmem>>, vector<16xi32>,
      %get3A_62 = arith.constant 32 : index
      %get3A_63 = tpu.vector_load %arg10[%get3A_62] {strides = array<i32>} : memref<128xi32, #tpu.memory_space<vmem>>, vector<16xi32>,
      %gather3A_64 = tpu.vector_load_idx %arg8[%get3A_61] : memref<10240xf32, #tpu.memory_space<vmem>>[vector<16xi32>], vector<16xf32>,
      %gather3A_65 = tpu.vector_load_idx %arg8[%get3A_63] : memref<10240xf32, #tpu.memory_space<vmem>>[vector<16xi32>], vector<16xf32>,
      %mul3A_66 = arith.mulf %gather3A_64, %gather3A_65 : vector<16xf32>
      %iota3A_67 = tpu.iota {dimensions = array<i32: 0>} : vector<16xi32>
      %add3A_68 = arith.constant 32 : i32
      %add3A_69 = arith.addi %add3A_27, %add3A_68 : i32
      %add3A_70 = vector.broadcast %add3A_69 : i32 to vector<16xi32>
      %add3A_71 = arith.addi %iota3A_67, %add3A_70 : vector<16xi32>
      %lt3A_72 = arith.constant 330000 : i32
      %lt3A_73 = vector.broadcast %lt3A_72 : i32 to vector<16xi32>
      %lt3A_74 = arith.cmpi slt, %add3A_71, %lt3A_73 : vector<16xi32>
      %jit3A_75 = arith.constant 0.000000e+00 : f32
      %broadcast_in_dim3A_76 = vector.broadcast %jit3A_75 : f32 to vector<16xf32>
      %select_n3A_77 = arith.select %lt3A_74, %mul3A_66, %broadcast_in_dim3A_76 : vector<16xi1>, vector<16xf32>
      %swap3A_78 = arith.constant 32 : index
      %swap3A_79 = tpu.vector_load %arg11[%swap3A_78] {strides = array<i32>} : memref<128xf32, #tpu.memory_space<vmem>>, vector<16xf32>,
      tpu.vector_store %arg11[%swap3A_78], %select_n3A_77 {strides = array<i32>} : memref<128xf32, #tpu.memory_space<vmem>>, vector<16xf32>,
      %get3A_80 = arith.constant 48 : index
      %get3A_81 = tpu.vector_load %arg9[%get3A_80] {strides = array<i32>} : memref<128xi32, #tpu.memory_space<vmem>>, vector<16xi32>,
      %get3A_82 = arith.constant 48 : index
      %get3A_83 = tpu.vector_load %arg10[%get3A_82] {strides = array<i32>} : memref<128xi32, #tpu.memory_space<vmem>>, vector<16xi32>,
      %gather3A_84 = tpu.vector_load_idx %arg8[%get3A_81] : memref<10240xf32, #tpu.memory_space<vmem>>[vector<16xi32>], vector<16xf32>,
      %gather3A_85 = tpu.vector_load_idx %arg8[%get3A_83] : memref<10240xf32, #tpu.memory_space<vmem>>[vector<16xi32>], vector<16xf32>,
      %mul3A_86 = arith.mulf %gather3A_84, %gather3A_85 : vector<16xf32>
      %iota3A_87 = tpu.iota {dimensions = array<i32: 0>} : vector<16xi32>
      %add3A_88 = arith.constant 48 : i32
      %add3A_89 = arith.addi %add3A_27, %add3A_88 : i32
      %add3A_90 = vector.broadcast %add3A_89 : i32 to vector<16xi32>
      %add3A_91 = arith.addi %iota3A_87, %add3A_90 : vector<16xi32>
      %lt3A_92 = arith.constant 330000 : i32
      %lt3A_93 = vector.broadcast %lt3A_92 : i32 to vector<16xi32>
      %lt3A_94 = arith.cmpi slt, %add3A_91, %lt3A_93 : vector<16xi32>
      %jit3A_95 = arith.constant 0.000000e+00 : f32
      %broadcast_in_dim3A_96 = vector.broadcast %jit3A_95 : f32 to vector<16xf32>
      %select_n3A_97 = arith.select %lt3A_94, %mul3A_86, %broadcast_in_dim3A_96 : vector<16xi1>, vector<16xf32>
      %swap3A_98 = arith.constant 48 : index
      %swap3A_99 = tpu.vector_load %arg11[%swap3A_98] {strides = array<i32>} : memref<128xf32, #tpu.memory_space<vmem>>, vector<16xf32>,
      tpu.vector_store %arg11[%swap3A_98], %select_n3A_97 {strides = array<i32>} : memref<128xf32, #tpu.memory_space<vmem>>, vector<16xf32>,
      %get3A_100 = arith.constant 64 : index
      %get3A_101 = tpu.vector_load %arg9[%get3A_100] {strides = array<i32>} : memref<128xi32, #tpu.memory_space<vmem>>, vector<16xi32>,
      %get3A_102 = arith.constant 64 : index
      %get3A_103 = tpu.vector_load %arg10[%get3A_102] {strides = array<i32>} : memref<128xi32, #tpu.memory_space<vmem>>, vector<16xi32>,
      %gather3A_104 = tpu.vector_load_idx %arg8[%get3A_101] : memref<10240xf32, #tpu.memory_space<vmem>>[vector<16xi32>], vector<16xf32>,
      %gather3A_105 = tpu.vector_load_idx %arg8[%get3A_103] : memref<10240xf32, #tpu.memory_space<vmem>>[vector<16xi32>], vector<16xf32>,
      %mul3A_106 = arith.mulf %gather3A_104, %gather3A_105 : vector<16xf32>
      %iota3A_107 = tpu.iota {dimensions = array<i32: 0>} : vector<16xi32>
      %add3A_108 = arith.constant 64 : i32
      %add3A_109 = arith.addi %add3A_27, %add3A_108 : i32
      %add3A_110 = vector.broadcast %add3A_109 : i32 to vector<16xi32>
      %add3A_111 = arith.addi %iota3A_107, %add3A_110 : vector<16xi32>
      %lt3A_112 = arith.constant 330000 : i32
      %lt3A_113 = vector.broadcast %lt3A_112 : i32 to vector<16xi32>
      %lt3A_114 = arith.cmpi slt, %add3A_111, %lt3A_113 : vector<16xi32>
      %jit3A_115 = arith.constant 0.000000e+00 : f32
      %broadcast_in_dim3A_116 = vector.broadcast %jit3A_115 : f32 to vector<16xf32>
      %select_n3A_117 = arith.select %lt3A_114, %mul3A_106, %broadcast_in_dim3A_116 : vector<16xi1>, vector<16xf32>
      %swap3A_118 = arith.constant 64 : index
      %swap3A_119 = tpu.vector_load %arg11[%swap3A_118] {strides = array<i32>} : memref<128xf32, #tpu.memory_space<vmem>>, vector<16xf32>,
      tpu.vector_store %arg11[%swap3A_118], %select_n3A_117 {strides = array<i32>} : memref<128xf32, #tpu.memory_space<vmem>>, vector<16xf32>,
      %get3A_120 = arith.constant 80 : index
      %get3A_121 = tpu.vector_load %arg9[%get3A_120] {strides = array<i32>} : memref<128xi32, #tpu.memory_space<vmem>>, vector<16xi32>,
      %get3A_122 = arith.constant 80 : index
      %get3A_123 = tpu.vector_load %arg10[%get3A_122] {strides = array<i32>} : memref<128xi32, #tpu.memory_space<vmem>>, vector<16xi32>,
      %gather3A_124 = tpu.vector_load_idx %arg8[%get3A_121] : memref<10240xf32, #tpu.memory_space<vmem>>[vector<16xi32>], vector<16xf32>,
      %gather3A_125 = tpu.vector_load_idx %arg8[%get3A_123] : memref<10240xf32, #tpu.memory_space<vmem>>[vector<16xi32>], vector<16xf32>,
      %mul3A_126 = arith.mulf %gather3A_124, %gather3A_125 : vector<16xf32>
      %iota3A_127 = tpu.iota {dimensions = array<i32: 0>} : vector<16xi32>
      %add3A_128 = arith.constant 80 : i32
      %add3A_129 = arith.addi %add3A_27, %add3A_128 : i32
      %add3A_130 = vector.broadcast %add3A_129 : i32 to vector<16xi32>
      %add3A_131 = arith.addi %iota3A_127, %add3A_130 : vector<16xi32>
      %lt3A_132 = arith.constant 330000 : i32
      %lt3A_133 = vector.broadcast %lt3A_132 : i32 to vector<16xi32>
      %lt3A_134 = arith.cmpi slt, %add3A_131, %lt3A_133 : vector<16xi32>
      %jit3A_135 = arith.constant 0.000000e+00 : f32
      %broadcast_in_dim3A_136 = vector.broadcast %jit3A_135 : f32 to vector<16xf32>
      %select_n3A_137 = arith.select %lt3A_134, %mul3A_126, %broadcast_in_dim3A_136 : vector<16xi1>, vector<16xf32>
      %swap3A_138 = arith.constant 80 : index
      %swap3A_139 = tpu.vector_load %arg11[%swap3A_138] {strides = array<i32>} : memref<128xf32, #tpu.memory_space<vmem>>, vector<16xf32>,
      tpu.vector_store %arg11[%swap3A_138], %select_n3A_137 {strides = array<i32>} : memref<128xf32, #tpu.memory_space<vmem>>, vector<16xf32>,
      %get3A_140 = arith.constant 96 : index
      %get3A_141 = tpu.vector_load %arg9[%get3A_140] {strides = array<i32>} : memref<128xi32, #tpu.memory_space<vmem>>, vector<16xi32>,
      %get3A_142 = arith.constant 96 : index
      %get3A_143 = tpu.vector_load %arg10[%get3A_142] {strides = array<i32>} : memref<128xi32, #tpu.memory_space<vmem>>, vector<16xi32>,
      %gather3A_144 = tpu.vector_load_idx %arg8[%get3A_141] : memref<10240xf32, #tpu.memory_space<vmem>>[vector<16xi32>], vector<16xf32>,
      %gather3A_145 = tpu.vector_load_idx %arg8[%get3A_143] : memref<10240xf32, #tpu.memory_space<vmem>>[vector<16xi32>], vector<16xf32>,
      %mul3A_146 = arith.mulf %gather3A_144, %gather3A_145 : vector<16xf32>
      %iota3A_147 = tpu.iota {dimensions = array<i32: 0>} : vector<16xi32>
      %add3A_148 = arith.constant 96 : i32
      %add3A_149 = arith.addi %add3A_27, %add3A_148 : i32
      %add3A_150 = vector.broadcast %add3A_149 : i32 to vector<16xi32>
      %add3A_151 = arith.addi %iota3A_147, %add3A_150 : vector<16xi32>
      %lt3A_152 = arith.constant 330000 : i32
      %lt3A_153 = vector.broadcast %lt3A_152 : i32 to vector<16xi32>
      %lt3A_154 = arith.cmpi slt, %add3A_151, %lt3A_153 : vector<16xi32>
      %jit3A_155 = arith.constant 0.000000e+00 : f32
      %broadcast_in_dim3A_156 = vector.broadcast %jit3A_155 : f32 to vector<16xf32>
      %select_n3A_157 = arith.select %lt3A_154, %mul3A_146, %broadcast_in_dim3A_156 : vector<16xi1>, vector<16xf32>
      %swap3A_158 = arith.constant 96 : index
      %swap3A_159 = tpu.vector_load %arg11[%swap3A_158] {strides = array<i32>} : memref<128xf32, #tpu.memory_space<vmem>>, vector<16xf32>,
      tpu.vector_store %arg11[%swap3A_158], %select_n3A_157 {strides = array<i32>} : memref<128xf32, #tpu.memory_space<vmem>>, vector<16xf32>,
      %get3A_160 = arith.constant 112 : index
      %get3A_161 = tpu.vector_load %arg9[%get3A_160] {strides = array<i32>} : memref<128xi32, #tpu.memory_space<vmem>>, vector<16xi32>,
      %get3A_162 = arith.constant 112 : index
      %get3A_163 = tpu.vector_load %arg10[%get3A_162] {strides = array<i32>} : memref<128xi32, #tpu.memory_space<vmem>>, vector<16xi32>,
      %gather3A_164 = tpu.vector_load_idx %arg8[%get3A_161] : memref<10240xf32, #tpu.memory_space<vmem>>[vector<16xi32>], vector<16xf32>,
      %gather3A_165 = tpu.vector_load_idx %arg8[%get3A_163] : memref<10240xf32, #tpu.memory_space<vmem>>[vector<16xi32>], vector<16xf32>,
      %mul3A_166 = arith.mulf %gather3A_164, %gather3A_165 : vector<16xf32>
      %iota3A_167 = tpu.iota {dimensions = array<i32: 0>} : vector<16xi32>
      %add3A_168 = arith.constant 112 : i32
      %add3A_169 = arith.addi %add3A_27, %add3A_168 : i32
      %add3A_170 = vector.broadcast %add3A_169 : i32 to vector<16xi32>
      %add3A_171 = arith.addi %iota3A_167, %add3A_170 : vector<16xi32>
      %lt3A_172 = arith.constant 330000 : i32
      %lt3A_173 = vector.broadcast %lt3A_172 : i32 to vector<16xi32>
      %lt3A_174 = arith.cmpi slt, %add3A_171, %lt3A_173 : vector<16xi32>
      %jit3A_175 = arith.constant 0.000000e+00 : f32
      %broadcast_in_dim3A_176 = vector.broadcast %jit3A_175 : f32 to vector<16xf32>
      %select_n3A_177 = arith.select %lt3A_174, %mul3A_166, %broadcast_in_dim3A_176 : vector<16xi1>, vector<16xf32>
      %swap3A_178 = arith.constant 112 : index
      %swap3A_179 = tpu.vector_load %arg11[%swap3A_178] {strides = array<i32>} : memref<128xf32, #tpu.memory_space<vmem>>, vector<16xf32>,
      tpu.vector_store %arg11[%swap3A_178], %select_n3A_177 {strides = array<i32>} : memref<128xf32, #tpu.memory_space<vmem>>, vector<16xf32>,
      %dma_start3A = arith.constant 0 : i32
      %dma_start3A_180 = arith.constant 0 : i32
      %dma_start3A_181 = tpu.memref_slice %arg2[%dma_start3A, %dma_start3A_180] : memref<10240x128xf32, #tpu.memory_space<hbm>> -> memref<10240x128xf32, #tpu.memory_space<hbm>>
      tpu.enqueue_indirect_dma source(%dma_start3A_181 : memref<10240x128xf32, #tpu.memory_space<hbm>>) target(%arg12 : memref<128x128xf32, #tpu.memory_space<vmem>>) offsets(%arg9 : memref<128xi32, #tpu.memory_space<vmem>>) semaphore(%arg14 : memref<!tpu.dma_semaphore, #tpu.memory_space<semaphore_mem>>)
      %dma_wait3A = arith.constant 0 : i32
      %dma_wait3A_182 = arith.constant 0 : i32
      %dma_wait3A_183 = tpu.memref_slice %arg2[%dma_wait3A, %dma_wait3A_182] : memref<10240x128xf32, #tpu.memory_space<hbm>> -> memref<10240x128xf32, #tpu.memory_space<hbm>>
      tpu.wait_indirect_dma semaphore(%arg14 : memref<!tpu.dma_semaphore, #tpu.memory_space<semaphore_mem>>) src(%dma_wait3A_183 : memref<10240x128xf32, #tpu.memory_space<hbm>>) dst(%arg12 : memref<128x128xf32, #tpu.memory_space<vmem>>)
      %scan3A_184 = arith.constant 0 : i32
      %scan3A_185 = arith.constant 0 : i32
      %scan3A_186 = arith.constant 8 : i32
      %scan3A_187 = arith.addi %scan3A_185, %scan3A_186 : i32
      %scan3A_188 = arith.constant 1 : i32
      scf.for %scan3A_190 = %scan3A_185 to %scan3A_187 step %scan3A_188  : i32 {
        %mul3A_191 = arith.constant 16 : i32
        %mul3A_192 = arith.muli %scan3A_190, %mul3A_191 : i32
        %get3A_193 = arith.index_cast %mul3A_192 : i32 to index
        %get3A_194 = tpu.vector_load %arg11[%get3A_193] {strides = array<i32>} : memref<128xf32, #tpu.memory_space<vmem>>, vector<16xf32>,
        %mul3A_195 = arith.constant 16 : i32
        %mul3A_196 = arith.muli %scan3A_190, %mul3A_195 : i32
        %add3A_197 = arith.constant 0 : i32
        %add3A_198 = arith.addi %mul3A_196, %add3A_197 : i32
        %slice3A = vector.extract_strided_slice %get3A_194 {offsets = [0], sizes = [1], strides = [1]} : vector<16xf32> to vector<1xf32>
        %squeeze3A = vector.extract %slice3A[0] : f32 from vector<1xf32>
        %get3A_199 = arith.index_cast %add3A_198 : i32 to index
        %get3A_200 = arith.constant 0 : index
        %get3A_201 = tpu.vector_load %arg12[%get3A_199, %get3A_200] {strides = array<i32>} : memref<128x128xf32, #tpu.memory_space<vmem>>, vector<16xf32>,
        %mul3A_202 = vector.broadcast %squeeze3A : f32 to vector<16xf32>
        %mul3A_203 = arith.mulf %get3A_201, %mul3A_202 : vector<16xf32>
        %swap3A_204 = arith.index_cast %add3A_198 : i32 to index
        %swap3A_205 = arith.constant 0 : index
        %swap3A_206 = tpu.vector_load %arg12[%swap3A_204, %swap3A_205] {strides = array<i32>} : memref<128x128xf32, #tpu.memory_space<vmem>>, vector<16xf32>,
        tpu.vector_store %arg12[%swap3A_204, %swap3A_205], %mul3A_203 {strides = array<i32>} : memref<128x128xf32, #tpu.memory_space<vmem>>, vector<16xf32>,
        %get3A_207 = arith.index_cast %add3A_198 : i32 to index
        %get3A_208 = arith.constant 16 : index
        %get3A_209 = tpu.vector_load %arg12[%get3A_207, %get3A_208] {strides = array<i32>} : memref<128x128xf32, #tpu.memory_space<vmem>>, vector<16xf32>,
        %mul3A_210 = vector.broadcast %squeeze3A : f32 to vector<16xf32>
        %mul3A_211 = arith.mulf %get3A_209, %mul3A_210 : vector<16xf32>
        %swap3A_212 = arith.index_cast %add3A_198 : i32 to index
        %swap3A_213 = arith.constant 16 : index
        %swap3A_214 = tpu.vector_load %arg12[%swap3A_212, %swap3A_213] {strides = array<i32>} : memref<128x128xf32, #tpu.memory_space<vmem>>, vector<16xf32>,
        tpu.vector_store %arg12[%swap3A_212, %swap3A_213], %mul3A_211 {strides = array<i32>} : memref<128x128xf32, #tpu.memory_space<vmem>>, vector<16xf32>,
        %get3A_215 = arith.index_cast %add3A_198 : i32 to index
        %get3A_216 = arith.constant 32 : index
        %get3A_217 = tpu.vector_load %arg12[%get3A_215, %get3A_216] {strides = array<i32>} : memref<128x128xf32, #tpu.memory_space<vmem>>, vector<16xf32>,
        %mul3A_218 = vector.broadcast %squeeze3A : f32 to vector<16xf32>
        %mul3A_219 = arith.mulf %get3A_217, %mul3A_218 : vector<16xf32>
        %swap3A_220 = arith.index_cast %add3A_198 : i32 to index
        %swap3A_221 = arith.constant 32 : index
        %swap3A_222 = tpu.vector_load %arg12[%swap3A_220, %swap3A_221] {strides = array<i32>} : memref<128x128xf32, #tpu.memory_space<vmem>>, vector<16xf32>,
        tpu.vector_store %arg12[%swap3A_220, %swap3A_221], %mul3A_219 {strides = array<i32>} : memref<128x128xf32, #tpu.memory_space<vmem>>, vector<16xf32>,
        %get3A_223 = arith.index_cast %add3A_198 : i32 to index
        %get3A_224 = arith.constant 48 : index
        %get3A_225 = tpu.vector_load %arg12[%get3A_223, %get3A_224] {strides = array<i32>} : memref<128x128xf32, #tpu.memory_space<vmem>>, vector<16xf32>,
        %mul3A_226 = vector.broadcast %squeeze3A : f32 to vector<16xf32>
        %mul3A_227 = arith.mulf %get3A_225, %mul3A_226 : vector<16xf32>
        %swap3A_228 = arith.index_cast %add3A_198 : i32 to index
        %swap3A_229 = arith.constant 48 : index
        %swap3A_230 = tpu.vector_load %arg12[%swap3A_228, %swap3A_229] {strides = array<i32>} : memref<128x128xf32, #tpu.memory_space<vmem>>, vector<16xf32>,
        tpu.vector_store %arg12[%swap3A_228, %swap3A_229], %mul3A_227 {strides = array<i32>} : memref<128x128xf32, #tpu.memory_space<vmem>>, vector<16xf32>,
        %mul3A_231 = arith.constant 16 : i32
        %mul3A_232 = arith.muli %scan3A_190, %mul3A_231 : i32
        %add3A_233 = arith.constant 1 : i32
        %add3A_234 = arith.addi %mul3A_232, %add3A_233 : i32
        %slice3A_235 = vector.extract_strided_slice %get3A_194 {offsets = [1], sizes = [1], strides = [1]} : vector<16xf32> to vector<1xf32>
        %squeeze3A_236 = vector.extract %slice3A_235[0] : f32 from vector<1xf32>
        %get3A_237 = arith.index_cast %add3A_234 : i32 to index
        %get3A_238 = arith.constant 0 : index
        %get3A_239 = tpu.vector_load %arg12[%get3A_237, %get3A_238] {strides = array<i32>} : memref<128x128xf32, #tpu.memory_space<vmem>>, vector<16xf32>,
        %mul3A_240 = vector.broadcast %squeeze3A_236 : f32 to vector<16xf32>
        %mul3A_241 = arith.mulf %get3A_239, %mul3A_240 : vector<16xf32>
        %swap3A_242 = arith.index_cast %add3A_234 : i32 to index
        %swap3A_243 = arith.constant 0 : index
        %swap3A_244 = tpu.vector_load %arg12[%swap3A_242, %swap3A_243] {strides = array<i32>} : memref<128x128xf32, #tpu.memory_space<vmem>>, vector<16xf32>,
        tpu.vector_store %arg12[%swap3A_242, %swap3A_243], %mul3A_241 {strides = array<i32>} : memref<128x128xf32, #tpu.memory_space<vmem>>, vector<16xf32>,
        %get3A_245 = arith.index_cast %add3A_234 : i32 to index
        %get3A_246 = arith.constant 16 : index
        %get3A_247 = tpu.vector_load %arg12[%get3A_245, %get3A_246] {strides = array<i32>} : memref<128x128xf32, #tpu.memory_space<vmem>>, vector<16xf32>,
        %mul3A_248 = vector.broadcast %squeeze3A_236 : f32 to vector<16xf32>
        %mul3A_249 = arith.mulf %get3A_247, %mul3A_248 : vector<16xf32>
        %swap3A_250 = arith.index_cast %add3A_234 : i32 to index
        %swap3A_251 = arith.constant 16 : index
        %swap3A_252 = tpu.vector_load %arg12[%swap3A_250, %swap3A_251] {strides = array<i32>} : memref<128x128xf32, #tpu.memory_space<vmem>>, vector<16xf32>,
        tpu.vector_store %arg12[%swap3A_250, %swap3A_251], %mul3A_249 {strides = array<i32>} : memref<128x128xf32, #tpu.memory_space<vmem>>, vector<16xf32>,
        %get3A_253 = arith.index_cast %add3A_234 : i32 to index
        %get3A_254 = arith.constant 32 : index
        %get3A_255 = tpu.vector_load %arg12[%get3A_253, %get3A_254] {strides = array<i32>} : memref<128x128xf32, #tpu.memory_space<vmem>>, vector<16xf32>,
        %mul3A_256 = vector.broadcast %squeeze3A_236 : f32 to vector<16xf32>
        %mul3A_257 = arith.mulf %get3A_255, %mul3A_256 : vector<16xf32>
        %swap3A_258 = arith.index_cast %add3A_234 : i32 to index
        %swap3A_259 = arith.constant 32 : index
        %swap3A_260 = tpu.vector_load %arg12[%swap3A_258, %swap3A_259] {strides = array<i32>} : memref<128x128xf32, #tpu.memory_space<vmem>>, vector<16xf32>,
        tpu.vector_store %arg12[%swap3A_258, %swap3A_259], %mul3A_257 {strides = array<i32>} : memref<128x128xf32, #tpu.memory_space<vmem>>, vector<16xf32>,
        %get3A_261 = arith.index_cast %add3A_234 : i32 to index
        %get3A_262 = arith.constant 48 : index
        %get3A_263 = tpu.vector_load %arg12[%get3A_261, %get3A_262] {strides = array<i32>} : memref<128x128xf32, #tpu.memory_space<vmem>>, vector<16xf32>,
        %mul3A_264 = vector.broadcast %squeeze3A_236 : f32 to vector<16xf32>
        %mul3A_265 = arith.mulf %get3A_263, %mul3A_264 : vector<16xf32>
        %swap3A_266 = arith.index_cast %add3A_234 : i32 to index
        %swap3A_267 = arith.constant 48 : index
        %swap3A_268 = tpu.vector_load %arg12[%swap3A_266, %swap3A_267] {strides = array<i32>} : memref<128x128xf32, #tpu.memory_space<vmem>>, vector<16xf32>,
        tpu.vector_store %arg12[%swap3A_266, %swap3A_267], %mul3A_265 {strides = array<i32>} : memref<128x128xf32, #tpu.memory_space<vmem>>, vector<16xf32>,
        %mul3A_269 = arith.constant 16 : i32
        %mul3A_270 = arith.muli %scan3A_190, %mul3A_269 : i32
        %add3A_271 = arith.constant 2 : i32
        %add3A_272 = arith.addi %mul3A_270, %add3A_271 : i32
        %slice3A_273 = vector.extract_strided_slice %get3A_194 {offsets = [2], sizes = [1], strides = [1]} : vector<16xf32> to vector<1xf32>
        %squeeze3A_274 = vector.extract %slice3A_273[0] : f32 from vector<1xf32>
        %get3A_275 = arith.index_cast %add3A_272 : i32 to index
        %get3A_276 = arith.constant 0 : index
        %get3A_277 = tpu.vector_load %arg12[%get3A_275, %get3A_276] {strides = array<i32>} : memref<128x128xf32, #tpu.memory_space<vmem>>, vector<16xf32>,
        %mul3A_278 = vector.broadcast %squeeze3A_274 : f32 to vector<16xf32>
        %mul3A_279 = arith.mulf %get3A_277, %mul3A_278 : vector<16xf32>
        %swap3A_280 = arith.index_cast %add3A_272 : i32 to index
        %swap3A_281 = arith.constant 0 : index
        %swap3A_282 = tpu.vector_load %arg12[%swap3A_280, %swap3A_281] {strides = array<i32>} : memref<128x128xf32, #tpu.memory_space<vmem>>, vector<16xf32>,
        tpu.vector_store %arg12[%swap3A_280, %swap3A_281], %mul3A_279 {strides = array<i32>} : memref<128x128xf32, #tpu.memory_space<vmem>>, vector<16xf32>,
        %get3A_283 = arith.index_cast %add3A_272 : i32 to index
        %get3A_284 = arith.constant 16 : index
        %get3A_285 = tpu.vector_load %arg12[%get3A_283, %get3A_284] {strides = array<i32>} : memref<128x128xf32, #tpu.memory_space<vmem>>, vector<16xf32>,
        %mul3A_286 = vector.broadcast %squeeze3A_274 : f32 to vector<16xf32>
        %mul3A_287 = arith.mulf %get3A_285, %mul3A_286 : vector<16xf32>
        %swap3A_288 = arith.index_cast %add3A_272 : i32 to index
        %swap3A_289 = arith.constant 16 : index
        %swap3A_290 = tpu.vector_load %arg12[%swap3A_288, %swap3A_289] {strides = array<i32>} : memref<128x128xf32, #tpu.memory_space<vmem>>, vector<16xf32>,
        tpu.vector_store %arg12[%swap3A_288, %swap3A_289], %mul3A_287 {strides = array<i32>} : memref<128x128xf32, #tpu.memory_space<vmem>>, vector<16xf32>,
        %get3A_291 = arith.index_cast %add3A_272 : i32 to index
        %get3A_292 = arith.constant 32 : index
        %get3A_293 = tpu.vector_load %arg12[%get3A_291, %get3A_292] {strides = array<i32>} : memref<128x128xf32, #tpu.memory_space<vmem>>, vector<16xf32>,
        %mul3A_294 = vector.broadcast %squeeze3A_274 : f32 to vector<16xf32>
        %mul3A_295 = arith.mulf %get3A_293, %mul3A_294 : vector<16xf32>
        %swap3A_296 = arith.index_cast %add3A_272 : i32 to index
        %swap3A_297 = arith.constant 32 : index
        %swap3A_298 = tpu.vector_load %arg12[%swap3A_296, %swap3A_297] {strides = array<i32>} : memref<128x128xf32, #tpu.memory_space<vmem>>, vector<16xf32>,
        tpu.vector_store %arg12[%swap3A_296, %swap3A_297], %mul3A_295 {strides = array<i32>} : memref<128x128xf32, #tpu.memory_space<vmem>>, vector<16xf32>,
        %get3A_299 = arith.index_cast %add3A_272 : i32 to index
        %get3A_300 = arith.constant 48 : index
        %get3A_301 = tpu.vector_load %arg12[%get3A_299, %get3A_300] {strides = array<i32>} : memref<128x128xf32, #tpu.memory_space<vmem>>, vector<16xf32>,
        %mul3A_302 = vector.broadcast %squeeze3A_274 : f32 to vector<16xf32>
        %mul3A_303 = arith.mulf %get3A_301, %mul3A_302 : vector<16xf32>
        %swap3A_304 = arith.index_cast %add3A_272 : i32 to index
        %swap3A_305 = arith.constant 48 : index
        %swap3A_306 = tpu.vector_load %arg12[%swap3A_304, %swap3A_305] {strides = array<i32>} : memref<128x128xf32, #tpu.memory_space<vmem>>, vector<16xf32>,
        tpu.vector_store %arg12[%swap3A_304, %swap3A_305], %mul3A_303 {strides = array<i32>} : memref<128x128xf32, #tpu.memory_space<vmem>>, vector<16xf32>,
        %mul3A_307 = arith.constant 16 : i32
        %mul3A_308 = arith.muli %scan3A_190, %mul3A_307 : i32
        %add3A_309 = arith.constant 3 : i32
        %add3A_310 = arith.addi %mul3A_308, %add3A_309 : i32
        %slice3A_311 = vector.extract_strided_slice %get3A_194 {offsets = [3], sizes = [1], strides = [1]} : vector<16xf32> to vector<1xf32>
        %squeeze3A_312 = vector.extract %slice3A_311[0] : f32 from vector<1xf32>
        %get3A_313 = arith.index_cast %add3A_310 : i32 to index
        %get3A_314 = arith.constant 0 : index
        %get3A_315 = tpu.vector_load %arg12[%get3A_313, %get3A_314] {strides = array<i32>} : memref<128x128xf32, #tpu.memory_space<vmem>>, vector<16xf32>,
        %mul3A_316 = vector.broadcast %squeeze3A_312 : f32 to vector<16xf32>
        %mul3A_317 = arith.mulf %get3A_315, %mul3A_316 : vector<16xf32>
        %swap3A_318 = arith.index_cast %add3A_310 : i32 to index
        %swap3A_319 = arith.constant 0 : index
        %swap3A_320 = tpu.vector_load %arg12[%swap3A_318, %swap3A_319] {strides = array<i32>} : memref<128x128xf32, #tpu.memory_space<vmem>>, vector<16xf32>,
        tpu.vector_store %arg12[%swap3A_318, %swap3A_319], %mul3A_317 {strides = array<i32>} : memref<128x128xf32, #tpu.memory_space<vmem>>, vector<16xf32>,
        %get3A_321 = arith.index_cast %add3A_310 : i32 to index
        %get3A_322 = arith.constant 16 : index
        %get3A_323 = tpu.vector_load %arg12[%get3A_321, %get3A_322] {strides = array<i32>} : memref<128x128xf32, #tpu.memory_space<vmem>>, vector<16xf32>,
        %mul3A_324 = vector.broadcast %squeeze3A_312 : f32 to vector<16xf32>
        %mul3A_325 = arith.mulf %get3A_323, %mul3A_324 : vector<16xf32>
        %swap3A_326 = arith.index_cast %add3A_310 : i32 to index
        %swap3A_327 = arith.constant 16 : index
        %swap3A_328 = tpu.vector_load %arg12[%swap3A_326, %swap3A_327] {strides = array<i32>} : memref<128x128xf32, #tpu.memory_space<vmem>>, vector<16xf32>,
        tpu.vector_store %arg12[%swap3A_326, %swap3A_327], %mul3A_325 {strides = array<i32>} : memref<128x128xf32, #tpu.memory_space<vmem>>, vector<16xf32>,
        %get3A_329 = arith.index_cast %add3A_310 : i32 to index
        %get3A_330 = arith.constant 32 : index
        %get3A_331 = tpu.vector_load %arg12[%get3A_329, %get3A_330] {strides = array<i32>} : memref<128x128xf32, #tpu.memory_space<vmem>>, vector<16xf32>,
        %mul3A_332 = vector.broadcast %squeeze3A_312 : f32 to vector<16xf32>
        %mul3A_333 = arith.mulf %get3A_331, %mul3A_332 : vector<16xf32>
        %swap3A_334 = arith.index_cast %add3A_310 : i32 to index
        %swap3A_335 = arith.constant 32 : index
        %swap3A_336 = tpu.vector_load %arg12[%swap3A_334, %swap3A_335] {strides = array<i32>} : memref<128x128xf32, #tpu.memory_space<vmem>>, vector<16xf32>,
        tpu.vector_store %arg12[%swap3A_334, %swap3A_335], %mul3A_333 {strides = array<i32>} : memref<128x128xf32, #tpu.memory_space<vmem>>, vector<16xf32>,
        %get3A_337 = arith.index_cast %add3A_310 : i32 to index
        %get3A_338 = arith.constant 48 : index
        %get3A_339 = tpu.vector_load %arg12[%get3A_337, %get3A_338] {strides = array<i32>} : memref<128x128xf32, #tpu.memory_space<vmem>>, vector<16xf32>,
        %mul3A_340 = vector.broadcast %squeeze3A_312 : f32 to vector<16xf32>
        %mul3A_341 = arith.mulf %get3A_339, %mul3A_340 : vector<16xf32>
        %swap3A_342 = arith.index_cast %add3A_310 : i32 to index
        %swap3A_343 = arith.constant 48 : index
        %swap3A_344 = tpu.vector_load %arg12[%swap3A_342, %swap3A_343] {strides = array<i32>} : memref<128x128xf32, #tpu.memory_space<vmem>>, vector<16xf32>,
        tpu.vector_store %arg12[%swap3A_342, %swap3A_343], %mul3A_341 {strides = array<i32>} : memref<128x128xf32, #tpu.memory_space<vmem>>, vector<16xf32>,
        %mul3A_345 = arith.constant 16 : i32
        %mul3A_346 = arith.muli %scan3A_190, %mul3A_345 : i32
        %add3A_347 = arith.constant 4 : i32
        %add3A_348 = arith.addi %mul3A_346, %add3A_347 : i32
        %slice3A_349 = vector.extract_strided_slice %get3A_194 {offsets = [4], sizes = [1], strides = [1]} : vector<16xf32> to vector<1xf32>
        %squeeze3A_350 = vector.extract %slice3A_349[0] : f32 from vector<1xf32>
        %get3A_351 = arith.index_cast %add3A_348 : i32 to index
        %get3A_352 = arith.constant 0 : index
        %get3A_353 = tpu.vector_load %arg12[%get3A_351, %get3A_352] {strides = array<i32>} : memref<128x128xf32, #tpu.memory_space<vmem>>, vector<16xf32>,
        %mul3A_354 = vector.broadcast %squeeze3A_350 : f32 to vector<16xf32>
        %mul3A_355 = arith.mulf %get3A_353, %mul3A_354 : vector<16xf32>
        %swap3A_356 = arith.index_cast %add3A_348 : i32 to index
        %swap3A_357 = arith.constant 0 : index
        %swap3A_358 = tpu.vector_load %arg12[%swap3A_356, %swap3A_357] {strides = array<i32>} : memref<128x128xf32, #tpu.memory_space<vmem>>, vector<16xf32>,
        tpu.vector_store %arg12[%swap3A_356, %swap3A_357], %mul3A_355 {strides = array<i32>} : memref<128x128xf32, #tpu.memory_space<vmem>>, vector<16xf32>,
        %get3A_359 = arith.index_cast %add3A_348 : i32 to index
        %get3A_360 = arith.constant 16 : index
        %get3A_361 = tpu.vector_load %arg12[%get3A_359, %get3A_360] {strides = array<i32>} : memref<128x128xf32, #tpu.memory_space<vmem>>, vector<16xf32>,
        %mul3A_362 = vector.broadcast %squeeze3A_350 : f32 to vector<16xf32>
        %mul3A_363 = arith.mulf %get3A_361, %mul3A_362 : vector<16xf32>
        %swap3A_364 = arith.index_cast %add3A_348 : i32 to index
        %swap3A_365 = arith.constant 16 : index
        %swap3A_366 = tpu.vector_load %arg12[%swap3A_364, %swap3A_365] {strides = array<i32>} : memref<128x128xf32, #tpu.memory_space<vmem>>, vector<16xf32>,
        tpu.vector_store %arg12[%swap3A_364, %swap3A_365], %mul3A_363 {strides = array<i32>} : memref<128x128xf32, #tpu.memory_space<vmem>>, vector<16xf32>,
        %get3A_367 = arith.index_cast %add3A_348 : i32 to index
        %get3A_368 = arith.constant 32 : index
        %get3A_369 = tpu.vector_load %arg12[%get3A_367, %get3A_368] {strides = array<i32>} : memref<128x128xf32, #tpu.memory_space<vmem>>, vector<16xf32>,
        %mul3A_370 = vector.broadcast %squeeze3A_350 : f32 to vector<16xf32>
        %mul3A_371 = arith.mulf %get3A_369, %mul3A_370 : vector<16xf32>
        %swap3A_372 = arith.index_cast %add3A_348 : i32 to index
        %swap3A_373 = arith.constant 32 : index
        %swap3A_374 = tpu.vector_load %arg12[%swap3A_372, %swap3A_373] {strides = array<i32>} : memref<128x128xf32, #tpu.memory_space<vmem>>, vector<16xf32>,
        tpu.vector_store %arg12[%swap3A_372, %swap3A_373], %mul3A_371 {strides = array<i32>} : memref<128x128xf32, #tpu.memory_space<vmem>>, vector<16xf32>,
        %get3A_375 = arith.index_cast %add3A_348 : i32 to index
        %get3A_376 = arith.constant 48 : index
        %get3A_377 = tpu.vector_load %arg12[%get3A_375, %get3A_376] {strides = array<i32>} : memref<128x128xf32, #tpu.memory_space<vmem>>, vector<16xf32>,
        %mul3A_378 = vector.broadcast %squeeze3A_350 : f32 to vector<16xf32>
        %mul3A_379 = arith.mulf %get3A_377, %mul3A_378 : vector<16xf32>
        %swap3A_380 = arith.index_cast %add3A_348 : i32 to index
        %swap3A_381 = arith.constant 48 : index
        %swap3A_382 = tpu.vector_load %arg12[%swap3A_380, %swap3A_381] {strides = array<i32>} : memref<128x128xf32, #tpu.memory_space<vmem>>, vector<16xf32>,
        tpu.vector_store %arg12[%swap3A_380, %swap3A_381], %mul3A_379 {strides = array<i32>} : memref<128x128xf32, #tpu.memory_space<vmem>>, vector<16xf32>,
        %mul3A_383 = arith.constant 16 : i32
        %mul3A_384 = arith.muli %scan3A_190, %mul3A_383 : i32
        %add3A_385 = arith.constant 5 : i32
        %add3A_386 = arith.addi %mul3A_384, %add3A_385 : i32
        %slice3A_387 = vector.extract_strided_slice %get3A_194 {offsets = [5], sizes = [1], strides = [1]} : vector<16xf32> to vector<1xf32>
        %squeeze3A_388 = vector.extract %slice3A_387[0] : f32 from vector<1xf32>
        %get3A_389 = arith.index_cast %add3A_386 : i32 to index
        %get3A_390 = arith.constant 0 : index
        %get3A_391 = tpu.vector_load %arg12[%get3A_389, %get3A_390] {strides = array<i32>} : memref<128x128xf32, #tpu.memory_space<vmem>>, vector<16xf32>,
        %mul3A_392 = vector.broadcast %squeeze3A_388 : f32 to vector<16xf32>
        %mul3A_393 = arith.mulf %get3A_391, %mul3A_392 : vector<16xf32>
        %swap3A_394 = arith.index_cast %add3A_386 : i32 to index
        %swap3A_395 = arith.constant 0 : index
        %swap3A_396 = tpu.vector_load %arg12[%swap3A_394, %swap3A_395] {strides = array<i32>} : memref<128x128xf32, #tpu.memory_space<vmem>>, vector<16xf32>,
        tpu.vector_store %arg12[%swap3A_394, %swap3A_395], %mul3A_393 {strides = array<i32>} : memref<128x128xf32, #tpu.memory_space<vmem>>, vector<16xf32>,
        %get3A_397 = arith.index_cast %add3A_386 : i32 to index
        %get3A_398 = arith.constant 16 : index
        %get3A_399 = tpu.vector_load %arg12[%get3A_397, %get3A_398] {strides = array<i32>} : memref<128x128xf32, #tpu.memory_space<vmem>>, vector<16xf32>,
        %mul3A_400 = vector.broadcast %squeeze3A_388 : f32 to vector<16xf32>
        %mul3A_401 = arith.mulf %get3A_399, %mul3A_400 : vector<16xf32>
        %swap3A_402 = arith.index_cast %add3A_386 : i32 to index
        %swap3A_403 = arith.constant 16 : index
        %swap3A_404 = tpu.vector_load %arg12[%swap3A_402, %swap3A_403] {strides = array<i32>} : memref<128x128xf32, #tpu.memory_space<vmem>>, vector<16xf32>,
        tpu.vector_store %arg12[%swap3A_402, %swap3A_403], %mul3A_401 {strides = array<i32>} : memref<128x128xf32, #tpu.memory_space<vmem>>, vector<16xf32>,
        %get3A_405 = arith.index_cast %add3A_386 : i32 to index
        %get3A_406 = arith.constant 32 : index
        %get3A_407 = tpu.vector_load %arg12[%get3A_405, %get3A_406] {strides = array<i32>} : memref<128x128xf32, #tpu.memory_space<vmem>>, vector<16xf32>,
        %mul3A_408 = vector.broadcast %squeeze3A_388 : f32 to vector<16xf32>
        %mul3A_409 = arith.mulf %get3A_407, %mul3A_408 : vector<16xf32>
        %swap3A_410 = arith.index_cast %add3A_386 : i32 to index
        %swap3A_411 = arith.constant 32 : index
        %swap3A_412 = tpu.vector_load %arg12[%swap3A_410, %swap3A_411] {strides = array<i32>} : memref<128x128xf32, #tpu.memory_space<vmem>>, vector<16xf32>,
        tpu.vector_store %arg12[%swap3A_410, %swap3A_411], %mul3A_409 {strides = array<i32>} : memref<128x128xf32, #tpu.memory_space<vmem>>, vector<16xf32>,
        %get3A_413 = arith.index_cast %add3A_386 : i32 to index
        %get3A_414 = arith.constant 48 : index
        %get3A_415 = tpu.vector_load %arg12[%get3A_413, %get3A_414] {strides = array<i32>} : memref<128x128xf32, #tpu.memory_space<vmem>>, vector<16xf32>,
        %mul3A_416 = vector.broadcast %squeeze3A_388 : f32 to vector<16xf32>
        %mul3A_417 = arith.mulf %get3A_415, %mul3A_416 : vector<16xf32>
        %swap3A_418 = arith.index_cast %add3A_386 : i32 to index
        %swap3A_419 = arith.constant 48 : index
        %swap3A_420 = tpu.vector_load %arg12[%swap3A_418, %swap3A_419] {strides = array<i32>} : memref<128x128xf32, #tpu.memory_space<vmem>>, vector<16xf32>,
        tpu.vector_store %arg12[%swap3A_418, %swap3A_419], %mul3A_417 {strides = array<i32>} : memref<128x128xf32, #tpu.memory_space<vmem>>, vector<16xf32>,
        %mul3A_421 = arith.constant 16 : i32
        %mul3A_422 = arith.muli %scan3A_190, %mul3A_421 : i32
        %add3A_423 = arith.constant 6 : i32
        %add3A_424 = arith.addi %mul3A_422, %add3A_423 : i32
        %slice3A_425 = vector.extract_strided_slice %get3A_194 {offsets = [6], sizes = [1], strides = [1]} : vector<16xf32> to vector<1xf32>
        %squeeze3A_426 = vector.extract %slice3A_425[0] : f32 from vector<1xf32>
        %get3A_427 = arith.index_cast %add3A_424 : i32 to index
        %get3A_428 = arith.constant 0 : index
        %get3A_429 = tpu.vector_load %arg12[%get3A_427, %get3A_428] {strides = array<i32>} : memref<128x128xf32, #tpu.memory_space<vmem>>, vector<16xf32>,
        %mul3A_430 = vector.broadcast %squeeze3A_426 : f32 to vector<16xf32>
        %mul3A_431 = arith.mulf %get3A_429, %mul3A_430 : vector<16xf32>
        %swap3A_432 = arith.index_cast %add3A_424 : i32 to index
        %swap3A_433 = arith.constant 0 : index
        %swap3A_434 = tpu.vector_load %arg12[%swap3A_432, %swap3A_433] {strides = array<i32>} : memref<128x128xf32, #tpu.memory_space<vmem>>, vector<16xf32>,
        tpu.vector_store %arg12[%swap3A_432, %swap3A_433], %mul3A_431 {strides = array<i32>} : memref<128x128xf32, #tpu.memory_space<vmem>>, vector<16xf32>,
        %get3A_435 = arith.index_cast %add3A_424 : i32 to index
        %get3A_436 = arith.constant 16 : index
        %get3A_437 = tpu.vector_load %arg12[%get3A_435, %get3A_436] {strides = array<i32>} : memref<128x128xf32, #tpu.memory_space<vmem>>, vector<16xf32>,
        %mul3A_438 = vector.broadcast %squeeze3A_426 : f32 to vector<16xf32>
        %mul3A_439 = arith.mulf %get3A_437, %mul3A_438 : vector<16xf32>
        %swap3A_440 = arith.index_cast %add3A_424 : i32 to index
        %swap3A_441 = arith.constant 16 : index
        %swap3A_442 = tpu.vector_load %arg12[%swap3A_440, %swap3A_441] {strides = array<i32>} : memref<128x128xf32, #tpu.memory_space<vmem>>, vector<16xf32>,
        tpu.vector_store %arg12[%swap3A_440, %swap3A_441], %mul3A_439 {strides = array<i32>} : memref<128x128xf32, #tpu.memory_space<vmem>>, vector<16xf32>,
        %get3A_443 = arith.index_cast %add3A_424 : i32 to index
        %get3A_444 = arith.constant 32 : index
        %get3A_445 = tpu.vector_load %arg12[%get3A_443, %get3A_444] {strides = array<i32>} : memref<128x128xf32, #tpu.memory_space<vmem>>, vector<16xf32>,
        %mul3A_446 = vector.broadcast %squeeze3A_426 : f32 to vector<16xf32>
        %mul3A_447 = arith.mulf %get3A_445, %mul3A_446 : vector<16xf32>
        %swap3A_448 = arith.index_cast %add3A_424 : i32 to index
        %swap3A_449 = arith.constant 32 : index
        %swap3A_450 = tpu.vector_load %arg12[%swap3A_448, %swap3A_449] {strides = array<i32>} : memref<128x128xf32, #tpu.memory_space<vmem>>, vector<16xf32>,
        tpu.vector_store %arg12[%swap3A_448, %swap3A_449], %mul3A_447 {strides = array<i32>} : memref<128x128xf32, #tpu.memory_space<vmem>>, vector<16xf32>,
        %get3A_451 = arith.index_cast %add3A_424 : i32 to index
        %get3A_452 = arith.constant 48 : index
        %get3A_453 = tpu.vector_load %arg12[%get3A_451, %get3A_452] {strides = array<i32>} : memref<128x128xf32, #tpu.memory_space<vmem>>, vector<16xf32>,
        %mul3A_454 = vector.broadcast %squeeze3A_426 : f32 to vector<16xf32>
        %mul3A_455 = arith.mulf %get3A_453, %mul3A_454 : vector<16xf32>
        %swap3A_456 = arith.index_cast %add3A_424 : i32 to index
        %swap3A_457 = arith.constant 48 : index
        %swap3A_458 = tpu.vector_load %arg12[%swap3A_456, %swap3A_457] {strides = array<i32>} : memref<128x128xf32, #tpu.memory_space<vmem>>, vector<16xf32>,
        tpu.vector_store %arg12[%swap3A_456, %swap3A_457], %mul3A_455 {strides = array<i32>} : memref<128x128xf32, #tpu.memory_space<vmem>>, vector<16xf32>,
        %mul3A_459 = arith.constant 16 : i32
        %mul3A_460 = arith.muli %scan3A_190, %mul3A_459 : i32
        %add3A_461 = arith.constant 7 : i32
        %add3A_462 = arith.addi %mul3A_460, %add3A_461 : i32
        %slice3A_463 = vector.extract_strided_slice %get3A_194 {offsets = [7], sizes = [1], strides = [1]} : vector<16xf32> to vector<1xf32>
        %squeeze3A_464 = vector.extract %slice3A_463[0] : f32 from vector<1xf32>
        %get3A_465 = arith.index_cast %add3A_462 : i32 to index
        %get3A_466 = arith.constant 0 : index
        %get3A_467 = tpu.vector_load %arg12[%get3A_465, %get3A_466] {strides = array<i32>} : memref<128x128xf32, #tpu.memory_space<vmem>>, vector<16xf32>,
        %mul3A_468 = vector.broadcast %squeeze3A_464 : f32 to vector<16xf32>
        %mul3A_469 = arith.mulf %get3A_467, %mul3A_468 : vector<16xf32>
        %swap3A_470 = arith.index_cast %add3A_462 : i32 to index
        %swap3A_471 = arith.constant 0 : index
        %swap3A_472 = tpu.vector_load %arg12[%swap3A_470, %swap3A_471] {strides = array<i32>} : memref<128x128xf32, #tpu.memory_space<vmem>>, vector<16xf32>,
        tpu.vector_store %arg12[%swap3A_470, %swap3A_471], %mul3A_469 {strides = array<i32>} : memref<128x128xf32, #tpu.memory_space<vmem>>, vector<16xf32>,
        %get3A_473 = arith.index_cast %add3A_462 : i32 to index
        %get3A_474 = arith.constant 16 : index
        %get3A_475 = tpu.vector_load %arg12[%get3A_473, %get3A_474] {strides = array<i32>} : memref<128x128xf32, #tpu.memory_space<vmem>>, vector<16xf32>,
        %mul3A_476 = vector.broadcast %squeeze3A_464 : f32 to vector<16xf32>
        %mul3A_477 = arith.mulf %get3A_475, %mul3A_476 : vector<16xf32>
        %swap3A_478 = arith.index_cast %add3A_462 : i32 to index
        %swap3A_479 = arith.constant 16 : index
        %swap3A_480 = tpu.vector_load %arg12[%swap3A_478, %swap3A_479] {strides = array<i32>} : memref<128x128xf32, #tpu.memory_space<vmem>>, vector<16xf32>,
        tpu.vector_store %arg12[%swap3A_478, %swap3A_479], %mul3A_477 {strides = array<i32>} : memref<128x128xf32, #tpu.memory_space<vmem>>, vector<16xf32>,
        %get3A_481 = arith.index_cast %add3A_462 : i32 to index
        %get3A_482 = arith.constant 32 : index
        %get3A_483 = tpu.vector_load %arg12[%get3A_481, %get3A_482] {strides = array<i32>} : memref<128x128xf32, #tpu.memory_space<vmem>>, vector<16xf32>,
        %mul3A_484 = vector.broadcast %squeeze3A_464 : f32 to vector<16xf32>
        %mul3A_485 = arith.mulf %get3A_483, %mul3A_484 : vector<16xf32>
        %swap3A_486 = arith.index_cast %add3A_462 : i32 to index
        %swap3A_487 = arith.constant 32 : index
        %swap3A_488 = tpu.vector_load %arg12[%swap3A_486, %swap3A_487] {strides = array<i32>} : memref<128x128xf32, #tpu.memory_space<vmem>>, vector<16xf32>,
        tpu.vector_store %arg12[%swap3A_486, %swap3A_487], %mul3A_485 {strides = array<i32>} : memref<128x128xf32, #tpu.memory_space<vmem>>, vector<16xf32>,
        %get3A_489 = arith.index_cast %add3A_462 : i32 to index
        %get3A_490 = arith.constant 48 : index
        %get3A_491 = tpu.vector_load %arg12[%get3A_489, %get3A_490] {strides = array<i32>} : memref<128x128xf32, #tpu.memory_space<vmem>>, vector<16xf32>,
        %mul3A_492 = vector.broadcast %squeeze3A_464 : f32 to vector<16xf32>
        %mul3A_493 = arith.mulf %get3A_491, %mul3A_492 : vector<16xf32>
        %swap3A_494 = arith.index_cast %add3A_462 : i32 to index
        %swap3A_495 = arith.constant 48 : index
        %swap3A_496 = tpu.vector_load %arg12[%swap3A_494, %swap3A_495] {strides = array<i32>} : memref<128x128xf32, #tpu.memory_space<vmem>>, vector<16xf32>,
        tpu.vector_store %arg12[%swap3A_494, %swap3A_495], %mul3A_493 {strides = array<i32>} : memref<128x128xf32, #tpu.memory_space<vmem>>, vector<16xf32>,
        %mul3A_497 = arith.constant 16 : i32
        %mul3A_498 = arith.muli %scan3A_190, %mul3A_497 : i32
        %add3A_499 = arith.constant 8 : i32
        %add3A_500 = arith.addi %mul3A_498, %add3A_499 : i32
        %slice3A_501 = vector.extract_strided_slice %get3A_194 {offsets = [8], sizes = [1], strides = [1]} : vector<16xf32> to vector<1xf32>
        %squeeze3A_502 = vector.extract %slice3A_501[0] : f32 from vector<1xf32>
        %get3A_503 = arith.index_cast %add3A_500 : i32 to index
        %get3A_504 = arith.constant 0 : index
        %get3A_505 = tpu.vector_load %arg12[%get3A_503, %get3A_504] {strides = array<i32>} : memref<128x128xf32, #tpu.memory_space<vmem>>, vector<16xf32>,
        %mul3A_506 = vector.broadcast %squeeze3A_502 : f32 to vector<16xf32>
        %mul3A_507 = arith.mulf %get3A_505, %mul3A_506 : vector<16xf32>
        %swap3A_508 = arith.index_cast %add3A_500 : i32 to index
        %swap3A_509 = arith.constant 0 : index
        %swap3A_510 = tpu.vector_load %arg12[%swap3A_508, %swap3A_509] {strides = array<i32>} : memref<128x128xf32, #tpu.memory_space<vmem>>, vector<16xf32>,
        tpu.vector_store %arg12[%swap3A_508, %swap3A_509], %mul3A_507 {strides = array<i32>} : memref<128x128xf32, #tpu.memory_space<vmem>>, vector<16xf32>,
        %get3A_511 = arith.index_cast %add3A_500 : i32 to index
        %get3A_512 = arith.constant 16 : index
        %get3A_513 = tpu.vector_load %arg12[%get3A_511, %get3A_512] {strides = array<i32>} : memref<128x128xf32, #tpu.memory_space<vmem>>, vector<16xf32>,
        %mul3A_514 = vector.broadcast %squeeze3A_502 : f32 to vector<16xf32>
        %mul3A_515 = arith.mulf %get3A_513, %mul3A_514 : vector<16xf32>
        %swap3A_516 = arith.index_cast %add3A_500 : i32 to index
        %swap3A_517 = arith.constant 16 : index
        %swap3A_518 = tpu.vector_load %arg12[%swap3A_516, %swap3A_517] {strides = array<i32>} : memref<128x128xf32, #tpu.memory_space<vmem>>, vector<16xf32>,
        tpu.vector_store %arg12[%swap3A_516, %swap3A_517], %mul3A_515 {strides = array<i32>} : memref<128x128xf32, #tpu.memory_space<vmem>>, vector<16xf32>,
        %get3A_519 = arith.index_cast %add3A_500 : i32 to index
        %get3A_520 = arith.constant 32 : index
        %get3A_521 = tpu.vector_load %arg12[%get3A_519, %get3A_520] {strides = array<i32>} : memref<128x128xf32, #tpu.memory_space<vmem>>, vector<16xf32>,
        %mul3A_522 = vector.broadcast %squeeze3A_502 : f32 to vector<16xf32>
        %mul3A_523 = arith.mulf %get3A_521, %mul3A_522 : vector<16xf32>
        %swap3A_524 = arith.index_cast %add3A_500 : i32 to index
        %swap3A_525 = arith.constant 32 : index
        %swap3A_526 = tpu.vector_load %arg12[%swap3A_524, %swap3A_525] {strides = array<i32>} : memref<128x128xf32, #tpu.memory_space<vmem>>, vector<16xf32>,
        tpu.vector_store %arg12[%swap3A_524, %swap3A_525], %mul3A_523 {strides = array<i32>} : memref<128x128xf32, #tpu.memory_space<vmem>>, vector<16xf32>,
        %get3A_527 = arith.index_cast %add3A_500 : i32 to index
        %get3A_528 = arith.constant 48 : index
        %get3A_529 = tpu.vector_load %arg12[%get3A_527, %get3A_528] {strides = array<i32>} : memref<128x128xf32, #tpu.memory_space<vmem>>, vector<16xf32>,
        %mul3A_530 = vector.broadcast %squeeze3A_502 : f32 to vector<16xf32>
        %mul3A_531 = arith.mulf %get3A_529, %mul3A_530 : vector<16xf32>
        %swap3A_532 = arith.index_cast %add3A_500 : i32 to index
        %swap3A_533 = arith.constant 48 : index
        %swap3A_534 = tpu.vector_load %arg12[%swap3A_532, %swap3A_533] {strides = array<i32>} : memref<128x128xf32, #tpu.memory_space<vmem>>, vector<16xf32>,
        tpu.vector_store %arg12[%swap3A_532, %swap3A_533], %mul3A_531 {strides = array<i32>} : memref<128x128xf32, #tpu.memory_space<vmem>>, vector<16xf32>,
        %mul3A_535 = arith.constant 16 : i32
        %mul3A_536 = arith.muli %scan3A_190, %mul3A_535 : i32
        %add3A_537 = arith.constant 9 : i32
        %add3A_538 = arith.addi %mul3A_536, %add3A_537 : i32
        %slice3A_539 = vector.extract_strided_slice %get3A_194 {offsets = [9], sizes = [1], strides = [1]} : vector<16xf32> to vector<1xf32>
        %squeeze3A_540 = vector.extract %slice3A_539[0] : f32 from vector<1xf32>
        %get3A_541 = arith.index_cast %add3A_538 : i32 to index
        %get3A_542 = arith.constant 0 : index
        %get3A_543 = tpu.vector_load %arg12[%get3A_541, %get3A_542] {strides = array<i32>} : memref<128x128xf32, #tpu.memory_space<vmem>>, vector<16xf32>,
        %mul3A_544 = vector.broadcast %squeeze3A_540 : f32 to vector<16xf32>
        %mul3A_545 = arith.mulf %get3A_543, %mul3A_544 : vector<16xf32>
        %swap3A_546 = arith.index_cast %add3A_538 : i32 to index
        %swap3A_547 = arith.constant 0 : index
        %swap3A_548 = tpu.vector_load %arg12[%swap3A_546, %swap3A_547] {strides = array<i32>} : memref<128x128xf32, #tpu.memory_space<vmem>>, vector<16xf32>,
        tpu.vector_store %arg12[%swap3A_546, %swap3A_547], %mul3A_545 {strides = array<i32>} : memref<128x128xf32, #tpu.memory_space<vmem>>, vector<16xf32>,
        %get3A_549 = arith.index_cast %add3A_538 : i32 to index
        %get3A_550 = arith.constant 16 : index
        %get3A_551 = tpu.vector_load %arg12[%get3A_549, %get3A_550] {strides = array<i32>} : memref<128x128xf32, #tpu.memory_space<vmem>>, vector<16xf32>,
        %mul3A_552 = vector.broadcast %squeeze3A_540 : f32 to vector<16xf32>
        %mul3A_553 = arith.mulf %get3A_551, %mul3A_552 : vector<16xf32>
        %swap3A_554 = arith.index_cast %add3A_538 : i32 to index
        %swap3A_555 = arith.constant 16 : index
        %swap3A_556 = tpu.vector_load %arg12[%swap3A_554, %swap3A_555] {strides = array<i32>} : memref<128x128xf32, #tpu.memory_space<vmem>>, vector<16xf32>,
        tpu.vector_store %arg12[%swap3A_554, %swap3A_555], %mul3A_553 {strides = array<i32>} : memref<128x128xf32, #tpu.memory_space<vmem>>, vector<16xf32>,
        %get3A_557 = arith.index_cast %add3A_538 : i32 to index
        %get3A_558 = arith.constant 32 : index
        %get3A_559 = tpu.vector_load %arg12[%get3A_557, %get3A_558] {strides = array<i32>} : memref<128x128xf32, #tpu.memory_space<vmem>>, vector<16xf32>,
        %mul3A_560 = vector.broadcast %squeeze3A_540 : f32 to vector<16xf32>
        %mul3A_561 = arith.mulf %get3A_559, %mul3A_560 : vector<16xf32>
        %swap3A_562 = arith.index_cast %add3A_538 : i32 to index
        %swap3A_563 = arith.constant 32 : index
        %swap3A_564 = tpu.vector_load %arg12[%swap3A_562, %swap3A_563] {strides = array<i32>} : memref<128x128xf32, #tpu.memory_space<vmem>>, vector<16xf32>,
        tpu.vector_store %arg12[%swap3A_562, %swap3A_563], %mul3A_561 {strides = array<i32>} : memref<128x128xf32, #tpu.memory_space<vmem>>, vector<16xf32>,
        %get3A_565 = arith.index_cast %add3A_538 : i32 to index
        %get3A_566 = arith.constant 48 : index
        %get3A_567 = tpu.vector_load %arg12[%get3A_565, %get3A_566] {strides = array<i32>} : memref<128x128xf32, #tpu.memory_space<vmem>>, vector<16xf32>,
        %mul3A_568 = vector.broadcast %squeeze3A_540 : f32 to vector<16xf32>
        %mul3A_569 = arith.mulf %get3A_567, %mul3A_568 : vector<16xf32>
        %swap3A_570 = arith.index_cast %add3A_538 : i32 to index
        %swap3A_571 = arith.constant 48 : index
        %swap3A_572 = tpu.vector_load %arg12[%swap3A_570, %swap3A_571] {strides = array<i32>} : memref<128x128xf32, #tpu.memory_space<vmem>>, vector<16xf32>,
        tpu.vector_store %arg12[%swap3A_570, %swap3A_571], %mul3A_569 {strides = array<i32>} : memref<128x128xf32, #tpu.memory_space<vmem>>, vector<16xf32>,
        %mul3A_573 = arith.constant 16 : i32
        %mul3A_574 = arith.muli %scan3A_190, %mul3A_573 : i32
        %add3A_575 = arith.constant 10 : i32
        %add3A_576 = arith.addi %mul3A_574, %add3A_575 : i32
        %slice3A_577 = vector.extract_strided_slice %get3A_194 {offsets = [10], sizes = [1], strides = [1]} : vector<16xf32> to vector<1xf32>
        %squeeze3A_578 = vector.extract %slice3A_577[0] : f32 from vector<1xf32>
        %get3A_579 = arith.index_cast %add3A_576 : i32 to index
        %get3A_580 = arith.constant 0 : index
        %get3A_581 = tpu.vector_load %arg12[%get3A_579, %get3A_580] {strides = array<i32>} : memref<128x128xf32, #tpu.memory_space<vmem>>, vector<16xf32>,
        %mul3A_582 = vector.broadcast %squeeze3A_578 : f32 to vector<16xf32>
        %mul3A_583 = arith.mulf %get3A_581, %mul3A_582 : vector<16xf32>
        %swap3A_584 = arith.index_cast %add3A_576 : i32 to index
        %swap3A_585 = arith.constant 0 : index
        %swap3A_586 = tpu.vector_load %arg12[%swap3A_584, %swap3A_585] {strides = array<i32>} : memref<128x128xf32, #tpu.memory_space<vmem>>, vector<16xf32>,
        tpu.vector_store %arg12[%swap3A_584, %swap3A_585], %mul3A_583 {strides = array<i32>} : memref<128x128xf32, #tpu.memory_space<vmem>>, vector<16xf32>,
        %get3A_587 = arith.index_cast %add3A_576 : i32 to index
        %get3A_588 = arith.constant 16 : index
        %get3A_589 = tpu.vector_load %arg12[%get3A_587, %get3A_588] {strides = array<i32>} : memref<128x128xf32, #tpu.memory_space<vmem>>, vector<16xf32>,
        %mul3A_590 = vector.broadcast %squeeze3A_578 : f32 to vector<16xf32>
        %mul3A_591 = arith.mulf %get3A_589, %mul3A_590 : vector<16xf32>
        %swap3A_592 = arith.index_cast %add3A_576 : i32 to index
        %swap3A_593 = arith.constant 16 : index
        %swap3A_594 = tpu.vector_load %arg12[%swap3A_592, %swap3A_593] {strides = array<i32>} : memref<128x128xf32, #tpu.memory_space<vmem>>, vector<16xf32>,
        tpu.vector_store %arg12[%swap3A_592, %swap3A_593], %mul3A_591 {strides = array<i32>} : memref<128x128xf32, #tpu.memory_space<vmem>>, vector<16xf32>,
        %get3A_595 = arith.index_cast %add3A_576 : i32 to index
        %get3A_596 = arith.constant 32 : index
        %get3A_597 = tpu.vector_load %arg12[%get3A_595, %get3A_596] {strides = array<i32>} : memref<128x128xf32, #tpu.memory_space<vmem>>, vector<16xf32>,
        %mul3A_598 = vector.broadcast %squeeze3A_578 : f32 to vector<16xf32>
        %mul3A_599 = arith.mulf %get3A_597, %mul3A_598 : vector<16xf32>
        %swap3A_600 = arith.index_cast %add3A_576 : i32 to index
        %swap3A_601 = arith.constant 32 : index
        %swap3A_602 = tpu.vector_load %arg12[%swap3A_600, %swap3A_601] {strides = array<i32>} : memref<128x128xf32, #tpu.memory_space<vmem>>, vector<16xf32>,
        tpu.vector_store %arg12[%swap3A_600, %swap3A_601], %mul3A_599 {strides = array<i32>} : memref<128x128xf32, #tpu.memory_space<vmem>>, vector<16xf32>,
        %get3A_603 = arith.index_cast %add3A_576 : i32 to index
        %get3A_604 = arith.constant 48 : index
        %get3A_605 = tpu.vector_load %arg12[%get3A_603, %get3A_604] {strides = array<i32>} : memref<128x128xf32, #tpu.memory_space<vmem>>, vector<16xf32>,
        %mul3A_606 = vector.broadcast %squeeze3A_578 : f32 to vector<16xf32>
        %mul3A_607 = arith.mulf %get3A_605, %mul3A_606 : vector<16xf32>
        %swap3A_608 = arith.index_cast %add3A_576 : i32 to index
        %swap3A_609 = arith.constant 48 : index
        %swap3A_610 = tpu.vector_load %arg12[%swap3A_608, %swap3A_609] {strides = array<i32>} : memref<128x128xf32, #tpu.memory_space<vmem>>, vector<16xf32>,
        tpu.vector_store %arg12[%swap3A_608, %swap3A_609], %mul3A_607 {strides = array<i32>} : memref<128x128xf32, #tpu.memory_space<vmem>>, vector<16xf32>,
        %mul3A_611 = arith.constant 16 : i32
        %mul3A_612 = arith.muli %scan3A_190, %mul3A_611 : i32
        %add3A_613 = arith.constant 11 : i32
        %add3A_614 = arith.addi %mul3A_612, %add3A_613 : i32
        %slice3A_615 = vector.extract_strided_slice %get3A_194 {offsets = [11], sizes = [1], strides = [1]} : vector<16xf32> to vector<1xf32>
        %squeeze3A_616 = vector.extract %slice3A_615[0] : f32 from vector<1xf32>
        %get3A_617 = arith.index_cast %add3A_614 : i32 to index
        %get3A_618 = arith.constant 0 : index
        %get3A_619 = tpu.vector_load %arg12[%get3A_617, %get3A_618] {strides = array<i32>} : memref<128x128xf32, #tpu.memory_space<vmem>>, vector<16xf32>,
        %mul3A_620 = vector.broadcast %squeeze3A_616 : f32 to vector<16xf32>
        %mul3A_621 = arith.mulf %get3A_619, %mul3A_620 : vector<16xf32>
        %swap3A_622 = arith.index_cast %add3A_614 : i32 to index
        %swap3A_623 = arith.constant 0 : index
        %swap3A_624 = tpu.vector_load %arg12[%swap3A_622, %swap3A_623] {strides = array<i32>} : memref<128x128xf32, #tpu.memory_space<vmem>>, vector<16xf32>,
        tpu.vector_store %arg12[%swap3A_622, %swap3A_623], %mul3A_621 {strides = array<i32>} : memref<128x128xf32, #tpu.memory_space<vmem>>, vector<16xf32>,
        %get3A_625 = arith.index_cast %add3A_614 : i32 to index
        %get3A_626 = arith.constant 16 : index
        %get3A_627 = tpu.vector_load %arg12[%get3A_625, %get3A_626] {strides = array<i32>} : memref<128x128xf32, #tpu.memory_space<vmem>>, vector<16xf32>,
        %mul3A_628 = vector.broadcast %squeeze3A_616 : f32 to vector<16xf32>
        %mul3A_629 = arith.mulf %get3A_627, %mul3A_628 : vector<16xf32>
        %swap3A_630 = arith.index_cast %add3A_614 : i32 to index
        %swap3A_631 = arith.constant 16 : index
        %swap3A_632 = tpu.vector_load %arg12[%swap3A_630, %swap3A_631] {strides = array<i32>} : memref<128x128xf32, #tpu.memory_space<vmem>>, vector<16xf32>,
        tpu.vector_store %arg12[%swap3A_630, %swap3A_631], %mul3A_629 {strides = array<i32>} : memref<128x128xf32, #tpu.memory_space<vmem>>, vector<16xf32>,
        %get3A_633 = arith.index_cast %add3A_614 : i32 to index
        %get3A_634 = arith.constant 32 : index
        %get3A_635 = tpu.vector_load %arg12[%get3A_633, %get3A_634] {strides = array<i32>} : memref<128x128xf32, #tpu.memory_space<vmem>>, vector<16xf32>,
        %mul3A_636 = vector.broadcast %squeeze3A_616 : f32 to vector<16xf32>
        %mul3A_637 = arith.mulf %get3A_635, %mul3A_636 : vector<16xf32>
        %swap3A_638 = arith.index_cast %add3A_614 : i32 to index
        %swap3A_639 = arith.constant 32 : index
        %swap3A_640 = tpu.vector_load %arg12[%swap3A_638, %swap3A_639] {strides = array<i32>} : memref<128x128xf32, #tpu.memory_space<vmem>>, vector<16xf32>,
        tpu.vector_store %arg12[%swap3A_638, %swap3A_639], %mul3A_637 {strides = array<i32>} : memref<128x128xf32, #tpu.memory_space<vmem>>, vector<16xf32>,
        %get3A_641 = arith.index_cast %add3A_614 : i32 to index
        %get3A_642 = arith.constant 48 : index
        %get3A_643 = tpu.vector_load %arg12[%get3A_641, %get3A_642] {strides = array<i32>} : memref<128x128xf32, #tpu.memory_space<vmem>>, vector<16xf32>,
        %mul3A_644 = vector.broadcast %squeeze3A_616 : f32 to vector<16xf32>
        %mul3A_645 = arith.mulf %get3A_643, %mul3A_644 : vector<16xf32>
        %swap3A_646 = arith.index_cast %add3A_614 : i32 to index
        %swap3A_647 = arith.constant 48 : index
        %swap3A_648 = tpu.vector_load %arg12[%swap3A_646, %swap3A_647] {strides = array<i32>} : memref<128x128xf32, #tpu.memory_space<vmem>>, vector<16xf32>,
        tpu.vector_store %arg12[%swap3A_646, %swap3A_647], %mul3A_645 {strides = array<i32>} : memref<128x128xf32, #tpu.memory_space<vmem>>, vector<16xf32>,
        %mul3A_649 = arith.constant 16 : i32
        %mul3A_650 = arith.muli %scan3A_190, %mul3A_649 : i32
        %add3A_651 = arith.constant 12 : i32
        %add3A_652 = arith.addi %mul3A_650, %add3A_651 : i32
        %slice3A_653 = vector.extract_strided_slice %get3A_194 {offsets = [12], sizes = [1], strides = [1]} : vector<16xf32> to vector<1xf32>
        %squeeze3A_654 = vector.extract %slice3A_653[0] : f32 from vector<1xf32>
        %get3A_655 = arith.index_cast %add3A_652 : i32 to index
        %get3A_656 = arith.constant 0 : index
        %get3A_657 = tpu.vector_load %arg12[%get3A_655, %get3A_656] {strides = array<i32>} : memref<128x128xf32, #tpu.memory_space<vmem>>, vector<16xf32>,
        %mul3A_658 = vector.broadcast %squeeze3A_654 : f32 to vector<16xf32>
        %mul3A_659 = arith.mulf %get3A_657, %mul3A_658 : vector<16xf32>
        %swap3A_660 = arith.index_cast %add3A_652 : i32 to index
        %swap3A_661 = arith.constant 0 : index
        %swap3A_662 = tpu.vector_load %arg12[%swap3A_660, %swap3A_661] {strides = array<i32>} : memref<128x128xf32, #tpu.memory_space<vmem>>, vector<16xf32>,
        tpu.vector_store %arg12[%swap3A_660, %swap3A_661], %mul3A_659 {strides = array<i32>} : memref<128x128xf32, #tpu.memory_space<vmem>>, vector<16xf32>,
        %get3A_663 = arith.index_cast %add3A_652 : i32 to index
        %get3A_664 = arith.constant 16 : index
        %get3A_665 = tpu.vector_load %arg12[%get3A_663, %get3A_664] {strides = array<i32>} : memref<128x128xf32, #tpu.memory_space<vmem>>, vector<16xf32>,
        %mul3A_666 = vector.broadcast %squeeze3A_654 : f32 to vector<16xf32>
        %mul3A_667 = arith.mulf %get3A_665, %mul3A_666 : vector<16xf32>
        %swap3A_668 = arith.index_cast %add3A_652 : i32 to index
        %swap3A_669 = arith.constant 16 : index
        %swap3A_670 = tpu.vector_load %arg12[%swap3A_668, %swap3A_669] {strides = array<i32>} : memref<128x128xf32, #tpu.memory_space<vmem>>, vector<16xf32>,
        tpu.vector_store %arg12[%swap3A_668, %swap3A_669], %mul3A_667 {strides = array<i32>} : memref<128x128xf32, #tpu.memory_space<vmem>>, vector<16xf32>,
        %get3A_671 = arith.index_cast %add3A_652 : i32 to index
        %get3A_672 = arith.constant 32 : index
        %get3A_673 = tpu.vector_load %arg12[%get3A_671, %get3A_672] {strides = array<i32>} : memref<128x128xf32, #tpu.memory_space<vmem>>, vector<16xf32>,
        %mul3A_674 = vector.broadcast %squeeze3A_654 : f32 to vector<16xf32>
        %mul3A_675 = arith.mulf %get3A_673, %mul3A_674 : vector<16xf32>
        %swap3A_676 = arith.index_cast %add3A_652 : i32 to index
        %swap3A_677 = arith.constant 32 : index
        %swap3A_678 = tpu.vector_load %arg12[%swap3A_676, %swap3A_677] {strides = array<i32>} : memref<128x128xf32, #tpu.memory_space<vmem>>, vector<16xf32>,
        tpu.vector_store %arg12[%swap3A_676, %swap3A_677], %mul3A_675 {strides = array<i32>} : memref<128x128xf32, #tpu.memory_space<vmem>>, vector<16xf32>,
        %get3A_679 = arith.index_cast %add3A_652 : i32 to index
        %get3A_680 = arith.constant 48 : index
        %get3A_681 = tpu.vector_load %arg12[%get3A_679, %get3A_680] {strides = array<i32>} : memref<128x128xf32, #tpu.memory_space<vmem>>, vector<16xf32>,
        %mul3A_682 = vector.broadcast %squeeze3A_654 : f32 to vector<16xf32>
        %mul3A_683 = arith.mulf %get3A_681, %mul3A_682 : vector<16xf32>
        %swap3A_684 = arith.index_cast %add3A_652 : i32 to index
        %swap3A_685 = arith.constant 48 : index
        %swap3A_686 = tpu.vector_load %arg12[%swap3A_684, %swap3A_685] {strides = array<i32>} : memref<128x128xf32, #tpu.memory_space<vmem>>, vector<16xf32>,
        tpu.vector_store %arg12[%swap3A_684, %swap3A_685], %mul3A_683 {strides = array<i32>} : memref<128x128xf32, #tpu.memory_space<vmem>>, vector<16xf32>,
        %mul3A_687 = arith.constant 16 : i32
        %mul3A_688 = arith.muli %scan3A_190, %mul3A_687 : i32
        %add3A_689 = arith.constant 13 : i32
        %add3A_690 = arith.addi %mul3A_688, %add3A_689 : i32
        %slice3A_691 = vector.extract_strided_slice %get3A_194 {offsets = [13], sizes = [1], strides = [1]} : vector<16xf32> to vector<1xf32>
        %squeeze3A_692 = vector.extract %slice3A_691[0] : f32 from vector<1xf32>
        %get3A_693 = arith.index_cast %add3A_690 : i32 to index
        %get3A_694 = arith.constant 0 : index
        %get3A_695 = tpu.vector_load %arg12[%get3A_693, %get3A_694] {strides = array<i32>} : memref<128x128xf32, #tpu.memory_space<vmem>>, vector<16xf32>,
        %mul3A_696 = vector.broadcast %squeeze3A_692 : f32 to vector<16xf32>
        %mul3A_697 = arith.mulf %get3A_695, %mul3A_696 : vector<16xf32>
        %swap3A_698 = arith.index_cast %add3A_690 : i32 to index
        %swap3A_699 = arith.constant 0 : index
        %swap3A_700 = tpu.vector_load %arg12[%swap3A_698, %swap3A_699] {strides = array<i32>} : memref<128x128xf32, #tpu.memory_space<vmem>>, vector<16xf32>,
        tpu.vector_store %arg12[%swap3A_698, %swap3A_699], %mul3A_697 {strides = array<i32>} : memref<128x128xf32, #tpu.memory_space<vmem>>, vector<16xf32>,
        %get3A_701 = arith.index_cast %add3A_690 : i32 to index
        %get3A_702 = arith.constant 16 : index
        %get3A_703 = tpu.vector_load %arg12[%get3A_701, %get3A_702] {strides = array<i32>} : memref<128x128xf32, #tpu.memory_space<vmem>>, vector<16xf32>,
        %mul3A_704 = vector.broadcast %squeeze3A_692 : f32 to vector<16xf32>
        %mul3A_705 = arith.mulf %get3A_703, %mul3A_704 : vector<16xf32>
        %swap3A_706 = arith.index_cast %add3A_690 : i32 to index
        %swap3A_707 = arith.constant 16 : index
        %swap3A_708 = tpu.vector_load %arg12[%swap3A_706, %swap3A_707] {strides = array<i32>} : memref<128x128xf32, #tpu.memory_space<vmem>>, vector<16xf32>,
        tpu.vector_store %arg12[%swap3A_706, %swap3A_707], %mul3A_705 {strides = array<i32>} : memref<128x128xf32, #tpu.memory_space<vmem>>, vector<16xf32>,
        %get3A_709 = arith.index_cast %add3A_690 : i32 to index
        %get3A_710 = arith.constant 32 : index
        %get3A_711 = tpu.vector_load %arg12[%get3A_709, %get3A_710] {strides = array<i32>} : memref<128x128xf32, #tpu.memory_space<vmem>>, vector<16xf32>,
        %mul3A_712 = vector.broadcast %squeeze3A_692 : f32 to vector<16xf32>
        %mul3A_713 = arith.mulf %get3A_711, %mul3A_712 : vector<16xf32>
        %swap3A_714 = arith.index_cast %add3A_690 : i32 to index
        %swap3A_715 = arith.constant 32 : index
        %swap3A_716 = tpu.vector_load %arg12[%swap3A_714, %swap3A_715] {strides = array<i32>} : memref<128x128xf32, #tpu.memory_space<vmem>>, vector<16xf32>,
        tpu.vector_store %arg12[%swap3A_714, %swap3A_715], %mul3A_713 {strides = array<i32>} : memref<128x128xf32, #tpu.memory_space<vmem>>, vector<16xf32>,
        %get3A_717 = arith.index_cast %add3A_690 : i32 to index
        %get3A_718 = arith.constant 48 : index
        %get3A_719 = tpu.vector_load %arg12[%get3A_717, %get3A_718] {strides = array<i32>} : memref<128x128xf32, #tpu.memory_space<vmem>>, vector<16xf32>,
        %mul3A_720 = vector.broadcast %squeeze3A_692 : f32 to vector<16xf32>
        %mul3A_721 = arith.mulf %get3A_719, %mul3A_720 : vector<16xf32>
        %swap3A_722 = arith.index_cast %add3A_690 : i32 to index
        %swap3A_723 = arith.constant 48 : index
        %swap3A_724 = tpu.vector_load %arg12[%swap3A_722, %swap3A_723] {strides = array<i32>} : memref<128x128xf32, #tpu.memory_space<vmem>>, vector<16xf32>,
        tpu.vector_store %arg12[%swap3A_722, %swap3A_723], %mul3A_721 {strides = array<i32>} : memref<128x128xf32, #tpu.memory_space<vmem>>, vector<16xf32>,
        %mul3A_725 = arith.constant 16 : i32
        %mul3A_726 = arith.muli %scan3A_190, %mul3A_725 : i32
        %add3A_727 = arith.constant 14 : i32
        %add3A_728 = arith.addi %mul3A_726, %add3A_727 : i32
        %slice3A_729 = vector.extract_strided_slice %get3A_194 {offsets = [14], sizes = [1], strides = [1]} : vector<16xf32> to vector<1xf32>
        %squeeze3A_730 = vector.extract %slice3A_729[0] : f32 from vector<1xf32>
        %get3A_731 = arith.index_cast %add3A_728 : i32 to index
        %get3A_732 = arith.constant 0 : index
        %get3A_733 = tpu.vector_load %arg12[%get3A_731, %get3A_732] {strides = array<i32>} : memref<128x128xf32, #tpu.memory_space<vmem>>, vector<16xf32>,
        %mul3A_734 = vector.broadcast %squeeze3A_730 : f32 to vector<16xf32>
        %mul3A_735 = arith.mulf %get3A_733, %mul3A_734 : vector<16xf32>
        %swap3A_736 = arith.index_cast %add3A_728 : i32 to index
        %swap3A_737 = arith.constant 0 : index
        %swap3A_738 = tpu.vector_load %arg12[%swap3A_736, %swap3A_737] {strides = array<i32>} : memref<128x128xf32, #tpu.memory_space<vmem>>, vector<16xf32>,
        tpu.vector_store %arg12[%swap3A_736, %swap3A_737], %mul3A_735 {strides = array<i32>} : memref<128x128xf32, #tpu.memory_space<vmem>>, vector<16xf32>,
        %get3A_739 = arith.index_cast %add3A_728 : i32 to index
        %get3A_740 = arith.constant 16 : index
        %get3A_741 = tpu.vector_load %arg12[%get3A_739, %get3A_740] {strides = array<i32>} : memref<128x128xf32, #tpu.memory_space<vmem>>, vector<16xf32>,
        %mul3A_742 = vector.broadcast %squeeze3A_730 : f32 to vector<16xf32>
        %mul3A_743 = arith.mulf %get3A_741, %mul3A_742 : vector<16xf32>
        %swap3A_744 = arith.index_cast %add3A_728 : i32 to index
        %swap3A_745 = arith.constant 16 : index
        %swap3A_746 = tpu.vector_load %arg12[%swap3A_744, %swap3A_745] {strides = array<i32>} : memref<128x128xf32, #tpu.memory_space<vmem>>, vector<16xf32>,
        tpu.vector_store %arg12[%swap3A_744, %swap3A_745], %mul3A_743 {strides = array<i32>} : memref<128x128xf32, #tpu.memory_space<vmem>>, vector<16xf32>,
        %get3A_747 = arith.index_cast %add3A_728 : i32 to index
        %get3A_748 = arith.constant 32 : index
        %get3A_749 = tpu.vector_load %arg12[%get3A_747, %get3A_748] {strides = array<i32>} : memref<128x128xf32, #tpu.memory_space<vmem>>, vector<16xf32>,
        %mul3A_750 = vector.broadcast %squeeze3A_730 : f32 to vector<16xf32>
        %mul3A_751 = arith.mulf %get3A_749, %mul3A_750 : vector<16xf32>
        %swap3A_752 = arith.index_cast %add3A_728 : i32 to index
        %swap3A_753 = arith.constant 32 : index
        %swap3A_754 = tpu.vector_load %arg12[%swap3A_752, %swap3A_753] {strides = array<i32>} : memref<128x128xf32, #tpu.memory_space<vmem>>, vector<16xf32>,
        tpu.vector_store %arg12[%swap3A_752, %swap3A_753], %mul3A_751 {strides = array<i32>} : memref<128x128xf32, #tpu.memory_space<vmem>>, vector<16xf32>,
        %get3A_755 = arith.index_cast %add3A_728 : i32 to index
        %get3A_756 = arith.constant 48 : index
        %get3A_757 = tpu.vector_load %arg12[%get3A_755, %get3A_756] {strides = array<i32>} : memref<128x128xf32, #tpu.memory_space<vmem>>, vector<16xf32>,
        %mul3A_758 = vector.broadcast %squeeze3A_730 : f32 to vector<16xf32>
        %mul3A_759 = arith.mulf %get3A_757, %mul3A_758 : vector<16xf32>
        %swap3A_760 = arith.index_cast %add3A_728 : i32 to index
        %swap3A_761 = arith.constant 48 : index
        %swap3A_762 = tpu.vector_load %arg12[%swap3A_760, %swap3A_761] {strides = array<i32>} : memref<128x128xf32, #tpu.memory_space<vmem>>, vector<16xf32>,
        tpu.vector_store %arg12[%swap3A_760, %swap3A_761], %mul3A_759 {strides = array<i32>} : memref<128x128xf32, #tpu.memory_space<vmem>>, vector<16xf32>,
        %mul3A_763 = arith.constant 16 : i32
        %mul3A_764 = arith.muli %scan3A_190, %mul3A_763 : i32
        %add3A_765 = arith.constant 15 : i32
        %add3A_766 = arith.addi %mul3A_764, %add3A_765 : i32
        %slice3A_767 = vector.extract_strided_slice %get3A_194 {offsets = [15], sizes = [1], strides = [1]} : vector<16xf32> to vector<1xf32>
        %squeeze3A_768 = vector.extract %slice3A_767[0] : f32 from vector<1xf32>
        %get3A_769 = arith.index_cast %add3A_766 : i32 to index
        %get3A_770 = arith.constant 0 : index
        %get3A_771 = tpu.vector_load %arg12[%get3A_769, %get3A_770] {strides = array<i32>} : memref<128x128xf32, #tpu.memory_space<vmem>>, vector<16xf32>,
        %mul3A_772 = vector.broadcast %squeeze3A_768 : f32 to vector<16xf32>
        %mul3A_773 = arith.mulf %get3A_771, %mul3A_772 : vector<16xf32>
        %swap3A_774 = arith.index_cast %add3A_766 : i32 to index
        %swap3A_775 = arith.constant 0 : index
        %swap3A_776 = tpu.vector_load %arg12[%swap3A_774, %swap3A_775] {strides = array<i32>} : memref<128x128xf32, #tpu.memory_space<vmem>>, vector<16xf32>,
        tpu.vector_store %arg12[%swap3A_774, %swap3A_775], %mul3A_773 {strides = array<i32>} : memref<128x128xf32, #tpu.memory_space<vmem>>, vector<16xf32>,
        %get3A_777 = arith.index_cast %add3A_766 : i32 to index
        %get3A_778 = arith.constant 16 : index
        %get3A_779 = tpu.vector_load %arg12[%get3A_777, %get3A_778] {strides = array<i32>} : memref<128x128xf32, #tpu.memory_space<vmem>>, vector<16xf32>,
        %mul3A_780 = vector.broadcast %squeeze3A_768 : f32 to vector<16xf32>
        %mul3A_781 = arith.mulf %get3A_779, %mul3A_780 : vector<16xf32>
        %swap3A_782 = arith.index_cast %add3A_766 : i32 to index
        %swap3A_783 = arith.constant 16 : index
        %swap3A_784 = tpu.vector_load %arg12[%swap3A_782, %swap3A_783] {strides = array<i32>} : memref<128x128xf32, #tpu.memory_space<vmem>>, vector<16xf32>,
        tpu.vector_store %arg12[%swap3A_782, %swap3A_783], %mul3A_781 {strides = array<i32>} : memref<128x128xf32, #tpu.memory_space<vmem>>, vector<16xf32>,
        %get3A_785 = arith.index_cast %add3A_766 : i32 to index
        %get3A_786 = arith.constant 32 : index
        %get3A_787 = tpu.vector_load %arg12[%get3A_785, %get3A_786] {strides = array<i32>} : memref<128x128xf32, #tpu.memory_space<vmem>>, vector<16xf32>,
        %mul3A_788 = vector.broadcast %squeeze3A_768 : f32 to vector<16xf32>
        %mul3A_789 = arith.mulf %get3A_787, %mul3A_788 : vector<16xf32>
        %swap3A_790 = arith.index_cast %add3A_766 : i32 to index
        %swap3A_791 = arith.constant 32 : index
        %swap3A_792 = tpu.vector_load %arg12[%swap3A_790, %swap3A_791] {strides = array<i32>} : memref<128x128xf32, #tpu.memory_space<vmem>>, vector<16xf32>,
        tpu.vector_store %arg12[%swap3A_790, %swap3A_791], %mul3A_789 {strides = array<i32>} : memref<128x128xf32, #tpu.memory_space<vmem>>, vector<16xf32>,
        %get3A_793 = arith.index_cast %add3A_766 : i32 to index
        %get3A_794 = arith.constant 48 : index
        %get3A_795 = tpu.vector_load %arg12[%get3A_793, %get3A_794] {strides = array<i32>} : memref<128x128xf32, #tpu.memory_space<vmem>>, vector<16xf32>,
        %mul3A_796 = vector.broadcast %squeeze3A_768 : f32 to vector<16xf32>
        %mul3A_797 = arith.mulf %get3A_795, %mul3A_796 : vector<16xf32>
        %swap3A_798 = arith.index_cast %add3A_766 : i32 to index
        %swap3A_799 = arith.constant 48 : index
        %swap3A_800 = tpu.vector_load %arg12[%swap3A_798, %swap3A_799] {strides = array<i32>} : memref<128x128xf32, #tpu.memory_space<vmem>>, vector<16xf32>,
        tpu.vector_store %arg12[%swap3A_798, %swap3A_799], %mul3A_797 {strides = array<i32>} : memref<128x128xf32, #tpu.memory_space<vmem>>, vector<16xf32>,
      }
      %scan3A_189 = arith.constant 8 : i32
      "tpu.region"() ({
        %run_scoped3A = tpu.sem_alloc : memref<!tpu.dma_semaphore, #tpu.memory_space<semaphore_mem>>
        %dma_start3A_190 = arith.constant 0 : i32
        %dma_start3A_191 = arith.constant 0 : i32
        %dma_start3A_192 = tpu.memref_slice %arg13[%dma_start3A_190, %dma_start3A_191] : memref<10240x128xf32, #tpu.memory_space<vmem_shared>> -> memref<10240x128xf32, #tpu.memory_space<vmem_shared>>
        tpu.enqueue_indirect_dma source(%arg12 : memref<128x128xf32, #tpu.memory_space<vmem>>) target(%dma_start3A_192 : memref<10240x128xf32, #tpu.memory_space<vmem_shared>>) offsets(%arg10 : memref<128xi32, #tpu.memory_space<vmem>>) semaphore(%run_scoped3A : memref<!tpu.dma_semaphore, #tpu.memory_space<semaphore_mem>>) {add = true}
        %dma_wait3A_193 = arith.constant 0 : i32
        %dma_wait3A_194 = arith.constant 0 : i32
        %dma_wait3A_195 = tpu.memref_slice %arg13[%dma_wait3A_193, %dma_wait3A_194] : memref<10240x128xf32, #tpu.memory_space<vmem_shared>> -> memref<10240x128xf32, #tpu.memory_space<vmem_shared>>
        tpu.wait_indirect_dma semaphore(%run_scoped3A : memref<!tpu.dma_semaphore, #tpu.memory_space<semaphore_mem>>) src(%arg12 : memref<128x128xf32, #tpu.memory_space<vmem>>) dst(%dma_wait3A_195 : memref<10240x128xf32, #tpu.memory_space<vmem_shared>>)
        tpu.yield
      }) : () -> ()
    }
    %scan3A_17 = arith.constant 81 : i32
    %barrier3A_18 = arith.constant 0 : index
    tpu.barrier barrier_id(%barrier3A_18)
    %mul3A_19 = arith.constant 10240 : i32
    %mul3A_20 = arith.muli %arg0, %mul3A_19 : i32
    %add3A_21 = arith.addi %mul3A_20, %mul3A_2 : i32
    "tpu.region"() ({
      %run_scoped3A = tpu.sem_alloc : memref<!tpu.dma_semaphore, #tpu.memory_space<semaphore_mem>>
      %dma_start3A = arith.constant 0 : i32
      %dma_start3A_22 = tpu.memref_slice %arg7[%add3A_21, %dma_start3A] : memref<20480x128xf32, #tpu.memory_space<hbm>> -> memref<640x128xf32, #tpu.memory_space<hbm>>
      %dma_start3A_23 = arith.constant 0 : i32
      %dma_start3A_24 = tpu.memref_slice %arg13[%mul3A_2, %dma_start3A_23] : memref<10240x128xf32, #tpu.memory_space<vmem_shared>> -> memref<640x128xf32, #tpu.memory_space<vmem_shared>>
      tpu.enqueue_dma source(%dma_start3A_24 : memref<640x128xf32, #tpu.memory_space<vmem_shared>>) target(%dma_start3A_22 : memref<640x128xf32, #tpu.memory_space<hbm>>) target_semaphore(%run_scoped3A : memref<!tpu.dma_semaphore, #tpu.memory_space<semaphore_mem>>)
      %dma_wait3A = arith.constant 0 : i32
      %dma_wait3A_25 = tpu.memref_slice %arg7[%add3A_21, %dma_wait3A] : memref<20480x128xf32, #tpu.memory_space<hbm>> -> memref<640x128xf32, #tpu.memory_space<hbm>>
      %dma_wait3A_26 = arith.constant 0 : i32
      %dma_wait3A_27 = tpu.memref_slice %arg13[%mul3A_2, %dma_wait3A_26] : memref<10240x128xf32, #tpu.memory_space<vmem_shared>> -> memref<640x128xf32, #tpu.memory_space<vmem_shared>>
      tpu.wait_dma2 semaphore(%run_scoped3A : memref<!tpu.dma_semaphore, #tpu.memory_space<semaphore_mem>>) src(%dma_wait3A_27 : memref<640x128xf32, #tpu.memory_space<vmem_shared>>) dst(%dma_wait3A_25 : memref<640x128xf32, #tpu.memory_space<hbm>>)
      tpu.yield
    }) : () -> ()
    return
  }
}

#map = affine_map<(d0, d1) -> (0, 0)>
#map1 = affine_map<(d0, d1) -> (0)>
module attributes {stable_mosaic.version = 14 : i64} {
  func.func @gat_kernel(%arg0: i32, %arg1: i32, %arg2: memref<20480x128xf32, #tpu.memory_space<hbm>>, %arg3: memref<20480xf32, #tpu.memory_space<hbm>>, %arg4: memref<20480xf32, #tpu.memory_space<hbm>>, %arg5: memref<331776xi32, #tpu.memory_space<hbm>>, %arg6: memref<331776xi32, #tpu.memory_space<hbm>>, %arg7: memref<128x128xf32, #tpu.memory_space<hbm>>, %arg8: memref<640xf32, #tpu.memory_space<hbm>>, %arg9: memref<20480x128xf32, #tpu.memory_space<hbm>>, %arg10: memref<20480xf32, #tpu.memory_space<hbm>>, %arg11: memref<10240xf32, #tpu.memory_space<hbm>>, %arg12: memref<10240xf32, #tpu.memory_space<vmem>>, %arg13: memref<10240xf32, #tpu.memory_space<vmem>>, %arg14: memref<128xi32, #tpu.memory_space<vmem>>, %arg15: memref<128xi32, #tpu.memory_space<vmem>>, %arg16: memref<128xi32, #tpu.memory_space<vmem>>, %arg17: memref<128xf32, #tpu.memory_space<vmem>>, %arg18: memref<128xf32, #tpu.memory_space<vmem>>, %arg19: memref<128x128xf32, #tpu.memory_space<vmem>>, %arg20: memref<10240x128xf32, #tpu.memory_space<vmem_shared>>, %arg21: memref<10240xf32, #tpu.memory_space<vmem_shared>>, %arg22: memref<10240xf32, #tpu.memory_space<vmem_shared>>, %arg23: memref<!tpu.dma_semaphore, #tpu.memory_space<semaphore_mem>>) attributes {dimension_semantics = [#tpu.dimension_semantics<core_parallel>, #tpu.dimension_semantics<subcore_parallel>], iteration_bounds = array<i64: 2, 16>, scalar_prefetch = 0 : i64, scratch_operands = 12 : i64, tpu.core_type = #tpu.core_type<sc_vector_subcore>, window_params = [{transform_indices = #map}, {transform_indices = #map1}, {transform_indices = #map1}, {transform_indices = #map1}, {transform_indices = #map1}, {transform_indices = #map}, {transform_indices = #map1}, {transform_indices = #map}, {transform_indices = #map1}, {transform_indices = #map1}]} {
    %mul3A = arith.constant 640 : i32
    %mul3A_0 = arith.muli %arg1, %mul3A : i32
    %add3A = arith.constant 0 : i32
    %add3A_1 = arith.addi %mul3A_0, %add3A : i32
    "tpu.region"() ({
      %run_scoped3A = tpu.sem_alloc : memref<!tpu.dma_semaphore, #tpu.memory_space<semaphore_mem>>
      %dma_start3A = arith.constant 0 : i32
      %dma_start3A_28 = tpu.memref_slice %arg20[%add3A_1, %dma_start3A] : memref<10240x128xf32, #tpu.memory_space<vmem_shared>> -> memref<128x128xf32, #tpu.memory_space<vmem_shared>>
      tpu.enqueue_dma source(%arg7 : memref<128x128xf32, #tpu.memory_space<hbm>>) target(%dma_start3A_28 : memref<128x128xf32, #tpu.memory_space<vmem_shared>>) target_semaphore(%run_scoped3A : memref<!tpu.dma_semaphore, #tpu.memory_space<semaphore_mem>>)
      %dma_wait3A = arith.constant 0 : i32
      %dma_wait3A_29 = tpu.memref_slice %arg20[%add3A_1, %dma_wait3A] : memref<10240x128xf32, #tpu.memory_space<vmem_shared>> -> memref<128x128xf32, #tpu.memory_space<vmem_shared>>
      tpu.wait_dma2 semaphore(%run_scoped3A : memref<!tpu.dma_semaphore, #tpu.memory_space<semaphore_mem>>) src(%arg7 : memref<128x128xf32, #tpu.memory_space<hbm>>) dst(%dma_wait3A_29 : memref<128x128xf32, #tpu.memory_space<vmem_shared>>)
      tpu.yield
    }) : () -> ()
    %add3A_2 = arith.constant 128 : i32
    %add3A_3 = arith.addi %mul3A_0, %add3A_2 : i32
    "tpu.region"() ({
      %run_scoped3A = tpu.sem_alloc : memref<!tpu.dma_semaphore, #tpu.memory_space<semaphore_mem>>
      %dma_start3A = arith.constant 0 : i32
      %dma_start3A_28 = tpu.memref_slice %arg20[%add3A_3, %dma_start3A] : memref<10240x128xf32, #tpu.memory_space<vmem_shared>> -> memref<128x128xf32, #tpu.memory_space<vmem_shared>>
      tpu.enqueue_dma source(%arg7 : memref<128x128xf32, #tpu.memory_space<hbm>>) target(%dma_start3A_28 : memref<128x128xf32, #tpu.memory_space<vmem_shared>>) target_semaphore(%run_scoped3A : memref<!tpu.dma_semaphore, #tpu.memory_space<semaphore_mem>>)
      %dma_wait3A = arith.constant 0 : i32
      %dma_wait3A_29 = tpu.memref_slice %arg20[%add3A_3, %dma_wait3A] : memref<10240x128xf32, #tpu.memory_space<vmem_shared>> -> memref<128x128xf32, #tpu.memory_space<vmem_shared>>
      tpu.wait_dma2 semaphore(%run_scoped3A : memref<!tpu.dma_semaphore, #tpu.memory_space<semaphore_mem>>) src(%arg7 : memref<128x128xf32, #tpu.memory_space<hbm>>) dst(%dma_wait3A_29 : memref<128x128xf32, #tpu.memory_space<vmem_shared>>)
      tpu.yield
    }) : () -> ()
    %add3A_4 = arith.constant 256 : i32
    %add3A_5 = arith.addi %mul3A_0, %add3A_4 : i32
    "tpu.region"() ({
      %run_scoped3A = tpu.sem_alloc : memref<!tpu.dma_semaphore, #tpu.memory_space<semaphore_mem>>
      %dma_start3A = arith.constant 0 : i32
      %dma_start3A_28 = tpu.memref_slice %arg20[%add3A_5, %dma_start3A] : memref<10240x128xf32, #tpu.memory_space<vmem_shared>> -> memref<128x128xf32, #tpu.memory_space<vmem_shared>>
      tpu.enqueue_dma source(%arg7 : memref<128x128xf32, #tpu.memory_space<hbm>>) target(%dma_start3A_28 : memref<128x128xf32, #tpu.memory_space<vmem_shared>>) target_semaphore(%run_scoped3A : memref<!tpu.dma_semaphore, #tpu.memory_space<semaphore_mem>>)
      %dma_wait3A = arith.constant 0 : i32
      %dma_wait3A_29 = tpu.memref_slice %arg20[%add3A_5, %dma_wait3A] : memref<10240x128xf32, #tpu.memory_space<vmem_shared>> -> memref<128x128xf32, #tpu.memory_space<vmem_shared>>
      tpu.wait_dma2 semaphore(%run_scoped3A : memref<!tpu.dma_semaphore, #tpu.memory_space<semaphore_mem>>) src(%arg7 : memref<128x128xf32, #tpu.memory_space<hbm>>) dst(%dma_wait3A_29 : memref<128x128xf32, #tpu.memory_space<vmem_shared>>)
      tpu.yield
    }) : () -> ()
    %add3A_6 = arith.constant 384 : i32
    %add3A_7 = arith.addi %mul3A_0, %add3A_6 : i32
    "tpu.region"() ({
      %run_scoped3A = tpu.sem_alloc : memref<!tpu.dma_semaphore, #tpu.memory_space<semaphore_mem>>
      %dma_start3A = arith.constant 0 : i32
      %dma_start3A_28 = tpu.memref_slice %arg20[%add3A_7, %dma_start3A] : memref<10240x128xf32, #tpu.memory_space<vmem_shared>> -> memref<128x128xf32, #tpu.memory_space<vmem_shared>>
      tpu.enqueue_dma source(%arg7 : memref<128x128xf32, #tpu.memory_space<hbm>>) target(%dma_start3A_28 : memref<128x128xf32, #tpu.memory_space<vmem_shared>>) target_semaphore(%run_scoped3A : memref<!tpu.dma_semaphore, #tpu.memory_space<semaphore_mem>>)
      %dma_wait3A = arith.constant 0 : i32
      %dma_wait3A_29 = tpu.memref_slice %arg20[%add3A_7, %dma_wait3A] : memref<10240x128xf32, #tpu.memory_space<vmem_shared>> -> memref<128x128xf32, #tpu.memory_space<vmem_shared>>
      tpu.wait_dma2 semaphore(%run_scoped3A : memref<!tpu.dma_semaphore, #tpu.memory_space<semaphore_mem>>) src(%arg7 : memref<128x128xf32, #tpu.memory_space<hbm>>) dst(%dma_wait3A_29 : memref<128x128xf32, #tpu.memory_space<vmem_shared>>)
      tpu.yield
    }) : () -> ()
    %add3A_8 = arith.constant 512 : i32
    %add3A_9 = arith.addi %mul3A_0, %add3A_8 : i32
    "tpu.region"() ({
      %run_scoped3A = tpu.sem_alloc : memref<!tpu.dma_semaphore, #tpu.memory_space<semaphore_mem>>
      %dma_start3A = arith.constant 0 : i32
      %dma_start3A_28 = tpu.memref_slice %arg20[%add3A_9, %dma_start3A] : memref<10240x128xf32, #tpu.memory_space<vmem_shared>> -> memref<128x128xf32, #tpu.memory_space<vmem_shared>>
      tpu.enqueue_dma source(%arg7 : memref<128x128xf32, #tpu.memory_space<hbm>>) target(%dma_start3A_28 : memref<128x128xf32, #tpu.memory_space<vmem_shared>>) target_semaphore(%run_scoped3A : memref<!tpu.dma_semaphore, #tpu.memory_space<semaphore_mem>>)
      %dma_wait3A = arith.constant 0 : i32
      %dma_wait3A_29 = tpu.memref_slice %arg20[%add3A_9, %dma_wait3A] : memref<10240x128xf32, #tpu.memory_space<vmem_shared>> -> memref<128x128xf32, #tpu.memory_space<vmem_shared>>
      tpu.wait_dma2 semaphore(%run_scoped3A : memref<!tpu.dma_semaphore, #tpu.memory_space<semaphore_mem>>) src(%arg7 : memref<128x128xf32, #tpu.memory_space<hbm>>) dst(%dma_wait3A_29 : memref<128x128xf32, #tpu.memory_space<vmem_shared>>)
      tpu.yield
    }) : () -> ()
    "tpu.region"() ({
      %run_scoped3A = tpu.sem_alloc : memref<!tpu.dma_semaphore, #tpu.memory_space<semaphore_mem>>
      %dma_start3A = tpu.memref_slice %arg21[%mul3A_0] : memref<10240xf32, #tpu.memory_space<vmem_shared>> -> memref<640xf32, #tpu.memory_space<vmem_shared>>
      tpu.enqueue_dma source(%arg8 : memref<640xf32, #tpu.memory_space<hbm>>) target(%dma_start3A : memref<640xf32, #tpu.memory_space<vmem_shared>>) target_semaphore(%run_scoped3A : memref<!tpu.dma_semaphore, #tpu.memory_space<semaphore_mem>>)
      %dma_wait3A = tpu.memref_slice %arg21[%mul3A_0] : memref<10240xf32, #tpu.memory_space<vmem_shared>> -> memref<640xf32, #tpu.memory_space<vmem_shared>>
      tpu.wait_dma2 semaphore(%run_scoped3A : memref<!tpu.dma_semaphore, #tpu.memory_space<semaphore_mem>>) src(%arg8 : memref<640xf32, #tpu.memory_space<hbm>>) dst(%dma_wait3A : memref<640xf32, #tpu.memory_space<vmem_shared>>)
      tpu.yield
    }) : () -> ()
    "tpu.region"() ({
      %run_scoped3A = tpu.sem_alloc : memref<!tpu.dma_semaphore, #tpu.memory_space<semaphore_mem>>
      %dma_start3A = tpu.memref_slice %arg22[%mul3A_0] : memref<10240xf32, #tpu.memory_space<vmem_shared>> -> memref<640xf32, #tpu.memory_space<vmem_shared>>
      tpu.enqueue_dma source(%arg8 : memref<640xf32, #tpu.memory_space<hbm>>) target(%dma_start3A : memref<640xf32, #tpu.memory_space<vmem_shared>>) target_semaphore(%run_scoped3A : memref<!tpu.dma_semaphore, #tpu.memory_space<semaphore_mem>>)
      %dma_wait3A = tpu.memref_slice %arg22[%mul3A_0] : memref<10240xf32, #tpu.memory_space<vmem_shared>> -> memref<640xf32, #tpu.memory_space<vmem_shared>>
      tpu.wait_dma2 semaphore(%run_scoped3A : memref<!tpu.dma_semaphore, #tpu.memory_space<semaphore_mem>>) src(%arg8 : memref<640xf32, #tpu.memory_space<hbm>>) dst(%dma_wait3A : memref<640xf32, #tpu.memory_space<vmem_shared>>)
      tpu.yield
    }) : () -> ()
    %mul3A_10 = arith.constant 10240 : i32
    %mul3A_11 = arith.muli %arg0, %mul3A_10 : i32
    "tpu.region"() ({
      %run_scoped3A = tpu.sem_alloc : memref<!tpu.dma_semaphore, #tpu.memory_space<semaphore_mem>>
      %dma_start3A = tpu.memref_slice %arg3[%mul3A_11] : memref<20480xf32, #tpu.memory_space<hbm>> -> memref<10240xf32, #tpu.memory_space<hbm>>
      %dma_start3A_28 = tpu.memref_slice %arg3[%mul3A_11] : memref<20480xf32, #tpu.memory_space<hbm>> -> memref<10240xf32, #tpu.memory_space<hbm>>
      tpu.enqueue_dma source(%dma_start3A_28 : memref<10240xf32, #tpu.memory_space<hbm>>) target(%arg12 : memref<10240xf32, #tpu.memory_space<vmem>>) target_semaphore(%run_scoped3A : memref<!tpu.dma_semaphore, #tpu.memory_space<semaphore_mem>>)
      %dma_wait3A = tpu.memref_slice %arg3[%mul3A_11] : memref<20480xf32, #tpu.memory_space<hbm>> -> memref<10240xf32, #tpu.memory_space<hbm>>
      %dma_wait3A_29 = tpu.memref_slice %arg3[%mul3A_11] : memref<20480xf32, #tpu.memory_space<hbm>> -> memref<10240xf32, #tpu.memory_space<hbm>>
      tpu.wait_dma2 semaphore(%run_scoped3A : memref<!tpu.dma_semaphore, #tpu.memory_space<semaphore_mem>>) src(%dma_wait3A_29 : memref<10240xf32, #tpu.memory_space<hbm>>) dst(%arg12 : memref<10240xf32, #tpu.memory_space<vmem>>)
      tpu.yield
    }) : () -> ()
    %mul3A_12 = arith.constant 10240 : i32
    %mul3A_13 = arith.muli %arg0, %mul3A_12 : i32
    "tpu.region"() ({
      %run_scoped3A = tpu.sem_alloc : memref<!tpu.dma_semaphore, #tpu.memory_space<semaphore_mem>>
      %dma_start3A = tpu.memref_slice %arg4[%mul3A_13] : memref<20480xf32, #tpu.memory_space<hbm>> -> memref<10240xf32, #tpu.memory_space<hbm>>
      %dma_start3A_28 = tpu.memref_slice %arg4[%mul3A_13] : memref<20480xf32, #tpu.memory_space<hbm>> -> memref<10240xf32, #tpu.memory_space<hbm>>
      tpu.enqueue_dma source(%dma_start3A_28 : memref<10240xf32, #tpu.memory_space<hbm>>) target(%arg13 : memref<10240xf32, #tpu.memory_space<vmem>>) target_semaphore(%run_scoped3A : memref<!tpu.dma_semaphore, #tpu.memory_space<semaphore_mem>>)
      %dma_wait3A = tpu.memref_slice %arg4[%mul3A_13] : memref<20480xf32, #tpu.memory_space<hbm>> -> memref<10240xf32, #tpu.memory_space<hbm>>
      %dma_wait3A_29 = tpu.memref_slice %arg4[%mul3A_13] : memref<20480xf32, #tpu.memory_space<hbm>> -> memref<10240xf32, #tpu.memory_space<hbm>>
      tpu.wait_dma2 semaphore(%run_scoped3A : memref<!tpu.dma_semaphore, #tpu.memory_space<semaphore_mem>>) src(%dma_wait3A_29 : memref<10240xf32, #tpu.memory_space<hbm>>) dst(%arg13 : memref<10240xf32, #tpu.memory_space<vmem>>)
      tpu.yield
    }) : () -> ()
    %barrier3A = arith.constant 0 : index
    tpu.barrier barrier_id(%barrier3A)
    %scan3A = arith.constant 0 : i32
    %scan3A_14 = arith.constant 0 : i32
    %scan3A_15 = arith.constant 162 : i32
    %scan3A_16 = arith.addi %scan3A_14, %scan3A_15 : i32
    %scan3A_17 = arith.constant 1 : i32
    scf.for %scan3A_28 = %scan3A_14 to %scan3A_16 step %scan3A_17  : i32 {
      %mul3A_29 = arith.constant 20736 : i32
      %mul3A_30 = arith.muli %arg1, %mul3A_29 : i32
      %mul3A_31 = arith.constant 128 : i32
      %mul3A_32 = arith.muli %scan3A_28, %mul3A_31 : i32
      %add3A_33 = arith.addi %mul3A_30, %mul3A_32 : i32
      "tpu.region"() ({
        %run_scoped3A = tpu.sem_alloc : memref<!tpu.dma_semaphore, #tpu.memory_space<semaphore_mem>>
        %dma_start3A_390 = tpu.memref_slice %arg5[%add3A_33] : memref<331776xi32, #tpu.memory_space<hbm>> -> memref<128xi32, #tpu.memory_space<hbm>>
        %dma_start3A_391 = tpu.memref_slice %arg5[%add3A_33] : memref<331776xi32, #tpu.memory_space<hbm>> -> memref<128xi32, #tpu.memory_space<hbm>>
        tpu.enqueue_dma source(%dma_start3A_391 : memref<128xi32, #tpu.memory_space<hbm>>) target(%arg14 : memref<128xi32, #tpu.memory_space<vmem>>) target_semaphore(%run_scoped3A : memref<!tpu.dma_semaphore, #tpu.memory_space<semaphore_mem>>)
        %dma_wait3A_392 = tpu.memref_slice %arg5[%add3A_33] : memref<331776xi32, #tpu.memory_space<hbm>> -> memref<128xi32, #tpu.memory_space<hbm>>
        %dma_wait3A_393 = tpu.memref_slice %arg5[%add3A_33] : memref<331776xi32, #tpu.memory_space<hbm>> -> memref<128xi32, #tpu.memory_space<hbm>>
        tpu.wait_dma2 semaphore(%run_scoped3A : memref<!tpu.dma_semaphore, #tpu.memory_space<semaphore_mem>>) src(%dma_wait3A_393 : memref<128xi32, #tpu.memory_space<hbm>>) dst(%arg14 : memref<128xi32, #tpu.memory_space<vmem>>)
        tpu.yield
      }) : () -> ()
      "tpu.region"() ({
        %run_scoped3A = tpu.sem_alloc : memref<!tpu.dma_semaphore, #tpu.memory_space<semaphore_mem>>
        %dma_start3A_390 = tpu.memref_slice %arg6[%add3A_33] : memref<331776xi32, #tpu.memory_space<hbm>> -> memref<128xi32, #tpu.memory_space<hbm>>
        %dma_start3A_391 = tpu.memref_slice %arg6[%add3A_33] : memref<331776xi32, #tpu.memory_space<hbm>> -> memref<128xi32, #tpu.memory_space<hbm>>
        tpu.enqueue_dma source(%dma_start3A_391 : memref<128xi32, #tpu.memory_space<hbm>>) target(%arg15 : memref<128xi32, #tpu.memory_space<vmem>>) target_semaphore(%run_scoped3A : memref<!tpu.dma_semaphore, #tpu.memory_space<semaphore_mem>>)
        %dma_wait3A_392 = tpu.memref_slice %arg6[%add3A_33] : memref<331776xi32, #tpu.memory_space<hbm>> -> memref<128xi32, #tpu.memory_space<hbm>>
        %dma_wait3A_393 = tpu.memref_slice %arg6[%add3A_33] : memref<331776xi32, #tpu.memory_space<hbm>> -> memref<128xi32, #tpu.memory_space<hbm>>
        tpu.wait_dma2 semaphore(%run_scoped3A : memref<!tpu.dma_semaphore, #tpu.memory_space<semaphore_mem>>) src(%dma_wait3A_393 : memref<128xi32, #tpu.memory_space<hbm>>) dst(%arg15 : memref<128xi32, #tpu.memory_space<vmem>>)
        tpu.yield
      }) : () -> ()
      %get3A = arith.constant 0 : index
      %get3A_34 = tpu.vector_load %arg14[%get3A] {strides = array<i32>} : memref<128xi32, #tpu.memory_space<vmem>>, vector<16xi32>,
      %get3A_35 = arith.constant 0 : index
      %get3A_36 = tpu.vector_load %arg15[%get3A_35] {strides = array<i32>} : memref<128xi32, #tpu.memory_space<vmem>>, vector<16xi32>,
      %mul3A_37 = arith.constant 10240 : i32
      %mul3A_38 = arith.muli %arg0, %mul3A_37 : i32
      %add3A_39 = vector.broadcast %mul3A_38 : i32 to vector<16xi32>
      %add3A_40 = arith.addi %get3A_34, %add3A_39 : vector<16xi32>
      %swap3A = arith.constant 0 : index
      %swap3A_41 = tpu.vector_load %arg16[%swap3A] {strides = array<i32>} : memref<128xi32, #tpu.memory_space<vmem>>, vector<16xi32>,
      tpu.vector_store %arg16[%swap3A], %add3A_40 {strides = array<i32>} : memref<128xi32, #tpu.memory_space<vmem>>, vector<16xi32>,
      %gather3A = tpu.vector_load_idx %arg12[%get3A_34] : memref<10240xf32, #tpu.memory_space<vmem>>[vector<16xi32>], vector<16xf32>,
      %gather3A_42 = tpu.vector_load_idx %arg13[%get3A_36] : memref<10240xf32, #tpu.memory_space<vmem>>[vector<16xi32>], vector<16xf32>,
      %add3A_43 = arith.addf %gather3A, %gather3A_42 : vector<16xf32>
      %max3A = arith.constant 0.000000e+00 : f32
      %max3A_44 = vector.broadcast %max3A : f32 to vector<16xf32>
      %max3A_45 = arith.maximumf %add3A_43, %max3A_44 : vector<16xf32>
      %min3A = arith.constant 0.000000e+00 : f32
      %min3A_46 = vector.broadcast %min3A : f32 to vector<16xf32>
      %min3A_47 = arith.minimumf %add3A_43, %min3A_46 : vector<16xf32>
      %mul3A_48 = arith.constant 2.000000e-01 : f32
      %mul3A_49 = vector.broadcast %mul3A_48 : f32 to vector<16xf32>
      %mul3A_50 = arith.mulf %mul3A_49, %min3A_47 : vector<16xf32>
      %add3A_51 = arith.addf %max3A_45, %mul3A_50 : vector<16xf32>
      %iota3A = tpu.iota {dimensions = array<i32: 0>} : vector<16xi32>
      %add3A_52 = arith.constant 0 : i32
      %add3A_53 = arith.addi %add3A_33, %add3A_52 : i32
      %add3A_54 = vector.broadcast %add3A_53 : i32 to vector<16xi32>
      %add3A_55 = arith.addi %iota3A, %add3A_54 : vector<16xi32>
      %lt3A = arith.constant 330000 : i32
      %lt3A_56 = vector.broadcast %lt3A : i32 to vector<16xi32>
      %lt3A_57 = arith.cmpi slt, %add3A_55, %lt3A_56 : vector<16xi32>
      %exp3A = math.exp %add3A_51 : vector<16xf32>
      %jit3A = arith.constant 0.000000e+00 : f32
      %broadcast_in_dim3A = vector.broadcast %jit3A : f32 to vector<16xf32>
      %select_n3A = arith.select %lt3A_57, %exp3A, %broadcast_in_dim3A : vector<16xi1>, vector<16xf32>
      %swap3A_58 = arith.constant 0 : index
      %swap3A_59 = tpu.vector_load %arg17[%swap3A_58] {strides = array<i32>} : memref<128xf32, #tpu.memory_space<vmem>>, vector<16xf32>,
      tpu.vector_store %arg17[%swap3A_58], %select_n3A {strides = array<i32>} : memref<128xf32, #tpu.memory_space<vmem>>, vector<16xf32>,
      %jit3A_60 = arith.constant 1.000000e+00 : f32
      %jit3A_61 = arith.constant 0.000000e+00 : f32
      %broadcast_in_dim3A_62 = vector.broadcast %jit3A_60 : f32 to vector<16xf32>
      %broadcast_in_dim3A_63 = vector.broadcast %jit3A_61 : f32 to vector<16xf32>
      %select_n3A_64 = arith.select %lt3A_57, %broadcast_in_dim3A_62, %broadcast_in_dim3A_63 : vector<16xi1>, vector<16xf32>
      %swap3A_65 = arith.constant 0 : index
      %swap3A_66 = tpu.vector_load %arg18[%swap3A_65] {strides = array<i32>} : memref<128xf32, #tpu.memory_space<vmem>>, vector<16xf32>,
      tpu.vector_store %arg18[%swap3A_65], %select_n3A_64 {strides = array<i32>} : memref<128xf32, #tpu.memory_space<vmem>>, vector<16xf32>,
      %get3A_67 = arith.constant 16 : index
      %get3A_68 = tpu.vector_load %arg14[%get3A_67] {strides = array<i32>} : memref<128xi32, #tpu.memory_space<vmem>>, vector<16xi32>,
      %get3A_69 = arith.constant 16 : index
      %get3A_70 = tpu.vector_load %arg15[%get3A_69] {strides = array<i32>} : memref<128xi32, #tpu.memory_space<vmem>>, vector<16xi32>,
      %mul3A_71 = arith.constant 10240 : i32
      %mul3A_72 = arith.muli %arg0, %mul3A_71 : i32
      %add3A_73 = vector.broadcast %mul3A_72 : i32 to vector<16xi32>
      %add3A_74 = arith.addi %get3A_68, %add3A_73 : vector<16xi32>
      %swap3A_75 = arith.constant 16 : index
      %swap3A_76 = tpu.vector_load %arg16[%swap3A_75] {strides = array<i32>} : memref<128xi32, #tpu.memory_space<vmem>>, vector<16xi32>,
      tpu.vector_store %arg16[%swap3A_75], %add3A_74 {strides = array<i32>} : memref<128xi32, #tpu.memory_space<vmem>>, vector<16xi32>,
      %gather3A_77 = tpu.vector_load_idx %arg12[%get3A_68] : memref<10240xf32, #tpu.memory_space<vmem>>[vector<16xi32>], vector<16xf32>,
      %gather3A_78 = tpu.vector_load_idx %arg13[%get3A_70] : memref<10240xf32, #tpu.memory_space<vmem>>[vector<16xi32>], vector<16xf32>,
      %add3A_79 = arith.addf %gather3A_77, %gather3A_78 : vector<16xf32>
      %max3A_80 = arith.constant 0.000000e+00 : f32
      %max3A_81 = vector.broadcast %max3A_80 : f32 to vector<16xf32>
      %max3A_82 = arith.maximumf %add3A_79, %max3A_81 : vector<16xf32>
      %min3A_83 = arith.constant 0.000000e+00 : f32
      %min3A_84 = vector.broadcast %min3A_83 : f32 to vector<16xf32>
      %min3A_85 = arith.minimumf %add3A_79, %min3A_84 : vector<16xf32>
      %mul3A_86 = arith.constant 2.000000e-01 : f32
      %mul3A_87 = vector.broadcast %mul3A_86 : f32 to vector<16xf32>
      %mul3A_88 = arith.mulf %mul3A_87, %min3A_85 : vector<16xf32>
      %add3A_89 = arith.addf %max3A_82, %mul3A_88 : vector<16xf32>
      %iota3A_90 = tpu.iota {dimensions = array<i32: 0>} : vector<16xi32>
      %add3A_91 = arith.constant 16 : i32
      %add3A_92 = arith.addi %add3A_33, %add3A_91 : i32
      %add3A_93 = vector.broadcast %add3A_92 : i32 to vector<16xi32>
      %add3A_94 = arith.addi %iota3A_90, %add3A_93 : vector<16xi32>
      %lt3A_95 = arith.constant 330000 : i32
      %lt3A_96 = vector.broadcast %lt3A_95 : i32 to vector<16xi32>
      %lt3A_97 = arith.cmpi slt, %add3A_94, %lt3A_96 : vector<16xi32>
      %exp3A_98 = math.exp %add3A_89 : vector<16xf32>
      %jit3A_99 = arith.constant 0.000000e+00 : f32
      %broadcast_in_dim3A_100 = vector.broadcast %jit3A_99 : f32 to vector<16xf32>
      %select_n3A_101 = arith.select %lt3A_97, %exp3A_98, %broadcast_in_dim3A_100 : vector<16xi1>, vector<16xf32>
      %swap3A_102 = arith.constant 16 : index
      %swap3A_103 = tpu.vector_load %arg17[%swap3A_102] {strides = array<i32>} : memref<128xf32, #tpu.memory_space<vmem>>, vector<16xf32>,
      tpu.vector_store %arg17[%swap3A_102], %select_n3A_101 {strides = array<i32>} : memref<128xf32, #tpu.memory_space<vmem>>, vector<16xf32>,
      %jit3A_104 = arith.constant 1.000000e+00 : f32
      %jit3A_105 = arith.constant 0.000000e+00 : f32
      %broadcast_in_dim3A_106 = vector.broadcast %jit3A_104 : f32 to vector<16xf32>
      %broadcast_in_dim3A_107 = vector.broadcast %jit3A_105 : f32 to vector<16xf32>
      %select_n3A_108 = arith.select %lt3A_97, %broadcast_in_dim3A_106, %broadcast_in_dim3A_107 : vector<16xi1>, vector<16xf32>
      %swap3A_109 = arith.constant 16 : index
      %swap3A_110 = tpu.vector_load %arg18[%swap3A_109] {strides = array<i32>} : memref<128xf32, #tpu.memory_space<vmem>>, vector<16xf32>,
      tpu.vector_store %arg18[%swap3A_109], %select_n3A_108 {strides = array<i32>} : memref<128xf32, #tpu.memory_space<vmem>>, vector<16xf32>,
      %get3A_111 = arith.constant 32 : index
      %get3A_112 = tpu.vector_load %arg14[%get3A_111] {strides = array<i32>} : memref<128xi32, #tpu.memory_space<vmem>>, vector<16xi32>,
      %get3A_113 = arith.constant 32 : index
      %get3A_114 = tpu.vector_load %arg15[%get3A_113] {strides = array<i32>} : memref<128xi32, #tpu.memory_space<vmem>>, vector<16xi32>,
      %mul3A_115 = arith.constant 10240 : i32
      %mul3A_116 = arith.muli %arg0, %mul3A_115 : i32
      %add3A_117 = vector.broadcast %mul3A_116 : i32 to vector<16xi32>
      %add3A_118 = arith.addi %get3A_112, %add3A_117 : vector<16xi32>
      %swap3A_119 = arith.constant 32 : index
      %swap3A_120 = tpu.vector_load %arg16[%swap3A_119] {strides = array<i32>} : memref<128xi32, #tpu.memory_space<vmem>>, vector<16xi32>,
      tpu.vector_store %arg16[%swap3A_119], %add3A_118 {strides = array<i32>} : memref<128xi32, #tpu.memory_space<vmem>>, vector<16xi32>,
      %gather3A_121 = tpu.vector_load_idx %arg12[%get3A_112] : memref<10240xf32, #tpu.memory_space<vmem>>[vector<16xi32>], vector<16xf32>,
      %gather3A_122 = tpu.vector_load_idx %arg13[%get3A_114] : memref<10240xf32, #tpu.memory_space<vmem>>[vector<16xi32>], vector<16xf32>,
      %add3A_123 = arith.addf %gather3A_121, %gather3A_122 : vector<16xf32>
      %max3A_124 = arith.constant 0.000000e+00 : f32
      %max3A_125 = vector.broadcast %max3A_124 : f32 to vector<16xf32>
      %max3A_126 = arith.maximumf %add3A_123, %max3A_125 : vector<16xf32>
      %min3A_127 = arith.constant 0.000000e+00 : f32
      %min3A_128 = vector.broadcast %min3A_127 : f32 to vector<16xf32>
      %min3A_129 = arith.minimumf %add3A_123, %min3A_128 : vector<16xf32>
      %mul3A_130 = arith.constant 2.000000e-01 : f32
      %mul3A_131 = vector.broadcast %mul3A_130 : f32 to vector<16xf32>
      %mul3A_132 = arith.mulf %mul3A_131, %min3A_129 : vector<16xf32>
      %add3A_133 = arith.addf %max3A_126, %mul3A_132 : vector<16xf32>
      %iota3A_134 = tpu.iota {dimensions = array<i32: 0>} : vector<16xi32>
      %add3A_135 = arith.constant 32 : i32
      %add3A_136 = arith.addi %add3A_33, %add3A_135 : i32
      %add3A_137 = vector.broadcast %add3A_136 : i32 to vector<16xi32>
      %add3A_138 = arith.addi %iota3A_134, %add3A_137 : vector<16xi32>
      %lt3A_139 = arith.constant 330000 : i32
      %lt3A_140 = vector.broadcast %lt3A_139 : i32 to vector<16xi32>
      %lt3A_141 = arith.cmpi slt, %add3A_138, %lt3A_140 : vector<16xi32>
      %exp3A_142 = math.exp %add3A_133 : vector<16xf32>
      %jit3A_143 = arith.constant 0.000000e+00 : f32
      %broadcast_in_dim3A_144 = vector.broadcast %jit3A_143 : f32 to vector<16xf32>
      %select_n3A_145 = arith.select %lt3A_141, %exp3A_142, %broadcast_in_dim3A_144 : vector<16xi1>, vector<16xf32>
      %swap3A_146 = arith.constant 32 : index
      %swap3A_147 = tpu.vector_load %arg17[%swap3A_146] {strides = array<i32>} : memref<128xf32, #tpu.memory_space<vmem>>, vector<16xf32>,
      tpu.vector_store %arg17[%swap3A_146], %select_n3A_145 {strides = array<i32>} : memref<128xf32, #tpu.memory_space<vmem>>, vector<16xf32>,
      %jit3A_148 = arith.constant 1.000000e+00 : f32
      %jit3A_149 = arith.constant 0.000000e+00 : f32
      %broadcast_in_dim3A_150 = vector.broadcast %jit3A_148 : f32 to vector<16xf32>
      %broadcast_in_dim3A_151 = vector.broadcast %jit3A_149 : f32 to vector<16xf32>
      %select_n3A_152 = arith.select %lt3A_141, %broadcast_in_dim3A_150, %broadcast_in_dim3A_151 : vector<16xi1>, vector<16xf32>
      %swap3A_153 = arith.constant 32 : index
      %swap3A_154 = tpu.vector_load %arg18[%swap3A_153] {strides = array<i32>} : memref<128xf32, #tpu.memory_space<vmem>>, vector<16xf32>,
      tpu.vector_store %arg18[%swap3A_153], %select_n3A_152 {strides = array<i32>} : memref<128xf32, #tpu.memory_space<vmem>>, vector<16xf32>,
      %get3A_155 = arith.constant 48 : index
      %get3A_156 = tpu.vector_load %arg14[%get3A_155] {strides = array<i32>} : memref<128xi32, #tpu.memory_space<vmem>>, vector<16xi32>,
      %get3A_157 = arith.constant 48 : index
      %get3A_158 = tpu.vector_load %arg15[%get3A_157] {strides = array<i32>} : memref<128xi32, #tpu.memory_space<vmem>>, vector<16xi32>,
      %mul3A_159 = arith.constant 10240 : i32
      %mul3A_160 = arith.muli %arg0, %mul3A_159 : i32
      %add3A_161 = vector.broadcast %mul3A_160 : i32 to vector<16xi32>
      %add3A_162 = arith.addi %get3A_156, %add3A_161 : vector<16xi32>
      %swap3A_163 = arith.constant 48 : index
      %swap3A_164 = tpu.vector_load %arg16[%swap3A_163] {strides = array<i32>} : memref<128xi32, #tpu.memory_space<vmem>>, vector<16xi32>,
      tpu.vector_store %arg16[%swap3A_163], %add3A_162 {strides = array<i32>} : memref<128xi32, #tpu.memory_space<vmem>>, vector<16xi32>,
      %gather3A_165 = tpu.vector_load_idx %arg12[%get3A_156] : memref<10240xf32, #tpu.memory_space<vmem>>[vector<16xi32>], vector<16xf32>,
      %gather3A_166 = tpu.vector_load_idx %arg13[%get3A_158] : memref<10240xf32, #tpu.memory_space<vmem>>[vector<16xi32>], vector<16xf32>,
      %add3A_167 = arith.addf %gather3A_165, %gather3A_166 : vector<16xf32>
      %max3A_168 = arith.constant 0.000000e+00 : f32
      %max3A_169 = vector.broadcast %max3A_168 : f32 to vector<16xf32>
      %max3A_170 = arith.maximumf %add3A_167, %max3A_169 : vector<16xf32>
      %min3A_171 = arith.constant 0.000000e+00 : f32
      %min3A_172 = vector.broadcast %min3A_171 : f32 to vector<16xf32>
      %min3A_173 = arith.minimumf %add3A_167, %min3A_172 : vector<16xf32>
      %mul3A_174 = arith.constant 2.000000e-01 : f32
      %mul3A_175 = vector.broadcast %mul3A_174 : f32 to vector<16xf32>
      %mul3A_176 = arith.mulf %mul3A_175, %min3A_173 : vector<16xf32>
      %add3A_177 = arith.addf %max3A_170, %mul3A_176 : vector<16xf32>
      %iota3A_178 = tpu.iota {dimensions = array<i32: 0>} : vector<16xi32>
      %add3A_179 = arith.constant 48 : i32
      %add3A_180 = arith.addi %add3A_33, %add3A_179 : i32
      %add3A_181 = vector.broadcast %add3A_180 : i32 to vector<16xi32>
      %add3A_182 = arith.addi %iota3A_178, %add3A_181 : vector<16xi32>
      %lt3A_183 = arith.constant 330000 : i32
      %lt3A_184 = vector.broadcast %lt3A_183 : i32 to vector<16xi32>
      %lt3A_185 = arith.cmpi slt, %add3A_182, %lt3A_184 : vector<16xi32>
      %exp3A_186 = math.exp %add3A_177 : vector<16xf32>
      %jit3A_187 = arith.constant 0.000000e+00 : f32
      %broadcast_in_dim3A_188 = vector.broadcast %jit3A_187 : f32 to vector<16xf32>
      %select_n3A_189 = arith.select %lt3A_185, %exp3A_186, %broadcast_in_dim3A_188 : vector<16xi1>, vector<16xf32>
      %swap3A_190 = arith.constant 48 : index
      %swap3A_191 = tpu.vector_load %arg17[%swap3A_190] {strides = array<i32>} : memref<128xf32, #tpu.memory_space<vmem>>, vector<16xf32>,
      tpu.vector_store %arg17[%swap3A_190], %select_n3A_189 {strides = array<i32>} : memref<128xf32, #tpu.memory_space<vmem>>, vector<16xf32>,
      %jit3A_192 = arith.constant 1.000000e+00 : f32
      %jit3A_193 = arith.constant 0.000000e+00 : f32
      %broadcast_in_dim3A_194 = vector.broadcast %jit3A_192 : f32 to vector<16xf32>
      %broadcast_in_dim3A_195 = vector.broadcast %jit3A_193 : f32 to vector<16xf32>
      %select_n3A_196 = arith.select %lt3A_185, %broadcast_in_dim3A_194, %broadcast_in_dim3A_195 : vector<16xi1>, vector<16xf32>
      %swap3A_197 = arith.constant 48 : index
      %swap3A_198 = tpu.vector_load %arg18[%swap3A_197] {strides = array<i32>} : memref<128xf32, #tpu.memory_space<vmem>>, vector<16xf32>,
      tpu.vector_store %arg18[%swap3A_197], %select_n3A_196 {strides = array<i32>} : memref<128xf32, #tpu.memory_space<vmem>>, vector<16xf32>,
      %get3A_199 = arith.constant 64 : index
      %get3A_200 = tpu.vector_load %arg14[%get3A_199] {strides = array<i32>} : memref<128xi32, #tpu.memory_space<vmem>>, vector<16xi32>,
      %get3A_201 = arith.constant 64 : index
      %get3A_202 = tpu.vector_load %arg15[%get3A_201] {strides = array<i32>} : memref<128xi32, #tpu.memory_space<vmem>>, vector<16xi32>,
      %mul3A_203 = arith.constant 10240 : i32
      %mul3A_204 = arith.muli %arg0, %mul3A_203 : i32
      %add3A_205 = vector.broadcast %mul3A_204 : i32 to vector<16xi32>
      %add3A_206 = arith.addi %get3A_200, %add3A_205 : vector<16xi32>
      %swap3A_207 = arith.constant 64 : index
      %swap3A_208 = tpu.vector_load %arg16[%swap3A_207] {strides = array<i32>} : memref<128xi32, #tpu.memory_space<vmem>>, vector<16xi32>,
      tpu.vector_store %arg16[%swap3A_207], %add3A_206 {strides = array<i32>} : memref<128xi32, #tpu.memory_space<vmem>>, vector<16xi32>,
      %gather3A_209 = tpu.vector_load_idx %arg12[%get3A_200] : memref<10240xf32, #tpu.memory_space<vmem>>[vector<16xi32>], vector<16xf32>,
      %gather3A_210 = tpu.vector_load_idx %arg13[%get3A_202] : memref<10240xf32, #tpu.memory_space<vmem>>[vector<16xi32>], vector<16xf32>,
      %add3A_211 = arith.addf %gather3A_209, %gather3A_210 : vector<16xf32>
      %max3A_212 = arith.constant 0.000000e+00 : f32
      %max3A_213 = vector.broadcast %max3A_212 : f32 to vector<16xf32>
      %max3A_214 = arith.maximumf %add3A_211, %max3A_213 : vector<16xf32>
      %min3A_215 = arith.constant 0.000000e+00 : f32
      %min3A_216 = vector.broadcast %min3A_215 : f32 to vector<16xf32>
      %min3A_217 = arith.minimumf %add3A_211, %min3A_216 : vector<16xf32>
      %mul3A_218 = arith.constant 2.000000e-01 : f32
      %mul3A_219 = vector.broadcast %mul3A_218 : f32 to vector<16xf32>
      %mul3A_220 = arith.mulf %mul3A_219, %min3A_217 : vector<16xf32>
      %add3A_221 = arith.addf %max3A_214, %mul3A_220 : vector<16xf32>
      %iota3A_222 = tpu.iota {dimensions = array<i32: 0>} : vector<16xi32>
      %add3A_223 = arith.constant 64 : i32
      %add3A_224 = arith.addi %add3A_33, %add3A_223 : i32
      %add3A_225 = vector.broadcast %add3A_224 : i32 to vector<16xi32>
      %add3A_226 = arith.addi %iota3A_222, %add3A_225 : vector<16xi32>
      %lt3A_227 = arith.constant 330000 : i32
      %lt3A_228 = vector.broadcast %lt3A_227 : i32 to vector<16xi32>
      %lt3A_229 = arith.cmpi slt, %add3A_226, %lt3A_228 : vector<16xi32>
      %exp3A_230 = math.exp %add3A_221 : vector<16xf32>
      %jit3A_231 = arith.constant 0.000000e+00 : f32
      %broadcast_in_dim3A_232 = vector.broadcast %jit3A_231 : f32 to vector<16xf32>
      %select_n3A_233 = arith.select %lt3A_229, %exp3A_230, %broadcast_in_dim3A_232 : vector<16xi1>, vector<16xf32>
      %swap3A_234 = arith.constant 64 : index
      %swap3A_235 = tpu.vector_load %arg17[%swap3A_234] {strides = array<i32>} : memref<128xf32, #tpu.memory_space<vmem>>, vector<16xf32>,
      tpu.vector_store %arg17[%swap3A_234], %select_n3A_233 {strides = array<i32>} : memref<128xf32, #tpu.memory_space<vmem>>, vector<16xf32>,
      %jit3A_236 = arith.constant 1.000000e+00 : f32
      %jit3A_237 = arith.constant 0.000000e+00 : f32
      %broadcast_in_dim3A_238 = vector.broadcast %jit3A_236 : f32 to vector<16xf32>
      %broadcast_in_dim3A_239 = vector.broadcast %jit3A_237 : f32 to vector<16xf32>
      %select_n3A_240 = arith.select %lt3A_229, %broadcast_in_dim3A_238, %broadcast_in_dim3A_239 : vector<16xi1>, vector<16xf32>
      %swap3A_241 = arith.constant 64 : index
      %swap3A_242 = tpu.vector_load %arg18[%swap3A_241] {strides = array<i32>} : memref<128xf32, #tpu.memory_space<vmem>>, vector<16xf32>,
      tpu.vector_store %arg18[%swap3A_241], %select_n3A_240 {strides = array<i32>} : memref<128xf32, #tpu.memory_space<vmem>>, vector<16xf32>,
      %get3A_243 = arith.constant 80 : index
      %get3A_244 = tpu.vector_load %arg14[%get3A_243] {strides = array<i32>} : memref<128xi32, #tpu.memory_space<vmem>>, vector<16xi32>,
      %get3A_245 = arith.constant 80 : index
      %get3A_246 = tpu.vector_load %arg15[%get3A_245] {strides = array<i32>} : memref<128xi32, #tpu.memory_space<vmem>>, vector<16xi32>,
      %mul3A_247 = arith.constant 10240 : i32
      %mul3A_248 = arith.muli %arg0, %mul3A_247 : i32
      %add3A_249 = vector.broadcast %mul3A_248 : i32 to vector<16xi32>
      %add3A_250 = arith.addi %get3A_244, %add3A_249 : vector<16xi32>
      %swap3A_251 = arith.constant 80 : index
      %swap3A_252 = tpu.vector_load %arg16[%swap3A_251] {strides = array<i32>} : memref<128xi32, #tpu.memory_space<vmem>>, vector<16xi32>,
      tpu.vector_store %arg16[%swap3A_251], %add3A_250 {strides = array<i32>} : memref<128xi32, #tpu.memory_space<vmem>>, vector<16xi32>,
      %gather3A_253 = tpu.vector_load_idx %arg12[%get3A_244] : memref<10240xf32, #tpu.memory_space<vmem>>[vector<16xi32>], vector<16xf32>,
      %gather3A_254 = tpu.vector_load_idx %arg13[%get3A_246] : memref<10240xf32, #tpu.memory_space<vmem>>[vector<16xi32>], vector<16xf32>,
      %add3A_255 = arith.addf %gather3A_253, %gather3A_254 : vector<16xf32>
      %max3A_256 = arith.constant 0.000000e+00 : f32
      %max3A_257 = vector.broadcast %max3A_256 : f32 to vector<16xf32>
      %max3A_258 = arith.maximumf %add3A_255, %max3A_257 : vector<16xf32>
      %min3A_259 = arith.constant 0.000000e+00 : f32
      %min3A_260 = vector.broadcast %min3A_259 : f32 to vector<16xf32>
      %min3A_261 = arith.minimumf %add3A_255, %min3A_260 : vector<16xf32>
      %mul3A_262 = arith.constant 2.000000e-01 : f32
      %mul3A_263 = vector.broadcast %mul3A_262 : f32 to vector<16xf32>
      %mul3A_264 = arith.mulf %mul3A_263, %min3A_261 : vector<16xf32>
      %add3A_265 = arith.addf %max3A_258, %mul3A_264 : vector<16xf32>
      %iota3A_266 = tpu.iota {dimensions = array<i32: 0>} : vector<16xi32>
      %add3A_267 = arith.constant 80 : i32
      %add3A_268 = arith.addi %add3A_33, %add3A_267 : i32
      %add3A_269 = vector.broadcast %add3A_268 : i32 to vector<16xi32>
      %add3A_270 = arith.addi %iota3A_266, %add3A_269 : vector<16xi32>
      %lt3A_271 = arith.constant 330000 : i32
      %lt3A_272 = vector.broadcast %lt3A_271 : i32 to vector<16xi32>
      %lt3A_273 = arith.cmpi slt, %add3A_270, %lt3A_272 : vector<16xi32>
      %exp3A_274 = math.exp %add3A_265 : vector<16xf32>
      %jit3A_275 = arith.constant 0.000000e+00 : f32
      %broadcast_in_dim3A_276 = vector.broadcast %jit3A_275 : f32 to vector<16xf32>
      %select_n3A_277 = arith.select %lt3A_273, %exp3A_274, %broadcast_in_dim3A_276 : vector<16xi1>, vector<16xf32>
      %swap3A_278 = arith.constant 80 : index
      %swap3A_279 = tpu.vector_load %arg17[%swap3A_278] {strides = array<i32>} : memref<128xf32, #tpu.memory_space<vmem>>, vector<16xf32>,
      tpu.vector_store %arg17[%swap3A_278], %select_n3A_277 {strides = array<i32>} : memref<128xf32, #tpu.memory_space<vmem>>, vector<16xf32>,
      %jit3A_280 = arith.constant 1.000000e+00 : f32
      %jit3A_281 = arith.constant 0.000000e+00 : f32
      %broadcast_in_dim3A_282 = vector.broadcast %jit3A_280 : f32 to vector<16xf32>
      %broadcast_in_dim3A_283 = vector.broadcast %jit3A_281 : f32 to vector<16xf32>
      %select_n3A_284 = arith.select %lt3A_273, %broadcast_in_dim3A_282, %broadcast_in_dim3A_283 : vector<16xi1>, vector<16xf32>
      %swap3A_285 = arith.constant 80 : index
      %swap3A_286 = tpu.vector_load %arg18[%swap3A_285] {strides = array<i32>} : memref<128xf32, #tpu.memory_space<vmem>>, vector<16xf32>,
      tpu.vector_store %arg18[%swap3A_285], %select_n3A_284 {strides = array<i32>} : memref<128xf32, #tpu.memory_space<vmem>>, vector<16xf32>,
      %get3A_287 = arith.constant 96 : index
      %get3A_288 = tpu.vector_load %arg14[%get3A_287] {strides = array<i32>} : memref<128xi32, #tpu.memory_space<vmem>>, vector<16xi32>,
      %get3A_289 = arith.constant 96 : index
      %get3A_290 = tpu.vector_load %arg15[%get3A_289] {strides = array<i32>} : memref<128xi32, #tpu.memory_space<vmem>>, vector<16xi32>,
      %mul3A_291 = arith.constant 10240 : i32
      %mul3A_292 = arith.muli %arg0, %mul3A_291 : i32
      %add3A_293 = vector.broadcast %mul3A_292 : i32 to vector<16xi32>
      %add3A_294 = arith.addi %get3A_288, %add3A_293 : vector<16xi32>
      %swap3A_295 = arith.constant 96 : index
      %swap3A_296 = tpu.vector_load %arg16[%swap3A_295] {strides = array<i32>} : memref<128xi32, #tpu.memory_space<vmem>>, vector<16xi32>,
      tpu.vector_store %arg16[%swap3A_295], %add3A_294 {strides = array<i32>} : memref<128xi32, #tpu.memory_space<vmem>>, vector<16xi32>,
      %gather3A_297 = tpu.vector_load_idx %arg12[%get3A_288] : memref<10240xf32, #tpu.memory_space<vmem>>[vector<16xi32>], vector<16xf32>,
      %gather3A_298 = tpu.vector_load_idx %arg13[%get3A_290] : memref<10240xf32, #tpu.memory_space<vmem>>[vector<16xi32>], vector<16xf32>,
      %add3A_299 = arith.addf %gather3A_297, %gather3A_298 : vector<16xf32>
      %max3A_300 = arith.constant 0.000000e+00 : f32
      %max3A_301 = vector.broadcast %max3A_300 : f32 to vector<16xf32>
      %max3A_302 = arith.maximumf %add3A_299, %max3A_301 : vector<16xf32>
      %min3A_303 = arith.constant 0.000000e+00 : f32
      %min3A_304 = vector.broadcast %min3A_303 : f32 to vector<16xf32>
      %min3A_305 = arith.minimumf %add3A_299, %min3A_304 : vector<16xf32>
      %mul3A_306 = arith.constant 2.000000e-01 : f32
      %mul3A_307 = vector.broadcast %mul3A_306 : f32 to vector<16xf32>
      %mul3A_308 = arith.mulf %mul3A_307, %min3A_305 : vector<16xf32>
      %add3A_309 = arith.addf %max3A_302, %mul3A_308 : vector<16xf32>
      %iota3A_310 = tpu.iota {dimensions = array<i32: 0>} : vector<16xi32>
      %add3A_311 = arith.constant 96 : i32
      %add3A_312 = arith.addi %add3A_33, %add3A_311 : i32
      %add3A_313 = vector.broadcast %add3A_312 : i32 to vector<16xi32>
      %add3A_314 = arith.addi %iota3A_310, %add3A_313 : vector<16xi32>
      %lt3A_315 = arith.constant 330000 : i32
      %lt3A_316 = vector.broadcast %lt3A_315 : i32 to vector<16xi32>
      %lt3A_317 = arith.cmpi slt, %add3A_314, %lt3A_316 : vector<16xi32>
      %exp3A_318 = math.exp %add3A_309 : vector<16xf32>
      %jit3A_319 = arith.constant 0.000000e+00 : f32
      %broadcast_in_dim3A_320 = vector.broadcast %jit3A_319 : f32 to vector<16xf32>
      %select_n3A_321 = arith.select %lt3A_317, %exp3A_318, %broadcast_in_dim3A_320 : vector<16xi1>, vector<16xf32>
      %swap3A_322 = arith.constant 96 : index
      %swap3A_323 = tpu.vector_load %arg17[%swap3A_322] {strides = array<i32>} : memref<128xf32, #tpu.memory_space<vmem>>, vector<16xf32>,
      tpu.vector_store %arg17[%swap3A_322], %select_n3A_321 {strides = array<i32>} : memref<128xf32, #tpu.memory_space<vmem>>, vector<16xf32>,
      %jit3A_324 = arith.constant 1.000000e+00 : f32
      %jit3A_325 = arith.constant 0.000000e+00 : f32
      %broadcast_in_dim3A_326 = vector.broadcast %jit3A_324 : f32 to vector<16xf32>
      %broadcast_in_dim3A_327 = vector.broadcast %jit3A_325 : f32 to vector<16xf32>
      %select_n3A_328 = arith.select %lt3A_317, %broadcast_in_dim3A_326, %broadcast_in_dim3A_327 : vector<16xi1>, vector<16xf32>
      %swap3A_329 = arith.constant 96 : index
      %swap3A_330 = tpu.vector_load %arg18[%swap3A_329] {strides = array<i32>} : memref<128xf32, #tpu.memory_space<vmem>>, vector<16xf32>,
      tpu.vector_store %arg18[%swap3A_329], %select_n3A_328 {strides = array<i32>} : memref<128xf32, #tpu.memory_space<vmem>>, vector<16xf32>,
      %get3A_331 = arith.constant 112 : index
      %get3A_332 = tpu.vector_load %arg14[%get3A_331] {strides = array<i32>} : memref<128xi32, #tpu.memory_space<vmem>>, vector<16xi32>,
      %get3A_333 = arith.constant 112 : index
      %get3A_334 = tpu.vector_load %arg15[%get3A_333] {strides = array<i32>} : memref<128xi32, #tpu.memory_space<vmem>>, vector<16xi32>,
      %mul3A_335 = arith.constant 10240 : i32
      %mul3A_336 = arith.muli %arg0, %mul3A_335 : i32
      %add3A_337 = vector.broadcast %mul3A_336 : i32 to vector<16xi32>
      %add3A_338 = arith.addi %get3A_332, %add3A_337 : vector<16xi32>
      %swap3A_339 = arith.constant 112 : index
      %swap3A_340 = tpu.vector_load %arg16[%swap3A_339] {strides = array<i32>} : memref<128xi32, #tpu.memory_space<vmem>>, vector<16xi32>,
      tpu.vector_store %arg16[%swap3A_339], %add3A_338 {strides = array<i32>} : memref<128xi32, #tpu.memory_space<vmem>>, vector<16xi32>,
      %gather3A_341 = tpu.vector_load_idx %arg12[%get3A_332] : memref<10240xf32, #tpu.memory_space<vmem>>[vector<16xi32>], vector<16xf32>,
      %gather3A_342 = tpu.vector_load_idx %arg13[%get3A_334] : memref<10240xf32, #tpu.memory_space<vmem>>[vector<16xi32>], vector<16xf32>,
      %add3A_343 = arith.addf %gather3A_341, %gather3A_342 : vector<16xf32>
      %max3A_344 = arith.constant 0.000000e+00 : f32
      %max3A_345 = vector.broadcast %max3A_344 : f32 to vector<16xf32>
      %max3A_346 = arith.maximumf %add3A_343, %max3A_345 : vector<16xf32>
      %min3A_347 = arith.constant 0.000000e+00 : f32
      %min3A_348 = vector.broadcast %min3A_347 : f32 to vector<16xf32>
      %min3A_349 = arith.minimumf %add3A_343, %min3A_348 : vector<16xf32>
      %mul3A_350 = arith.constant 2.000000e-01 : f32
      %mul3A_351 = vector.broadcast %mul3A_350 : f32 to vector<16xf32>
      %mul3A_352 = arith.mulf %mul3A_351, %min3A_349 : vector<16xf32>
      %add3A_353 = arith.addf %max3A_346, %mul3A_352 : vector<16xf32>
      %iota3A_354 = tpu.iota {dimensions = array<i32: 0>} : vector<16xi32>
      %add3A_355 = arith.constant 112 : i32
      %add3A_356 = arith.addi %add3A_33, %add3A_355 : i32
      %add3A_357 = vector.broadcast %add3A_356 : i32 to vector<16xi32>
      %add3A_358 = arith.addi %iota3A_354, %add3A_357 : vector<16xi32>
      %lt3A_359 = arith.constant 330000 : i32
      %lt3A_360 = vector.broadcast %lt3A_359 : i32 to vector<16xi32>
      %lt3A_361 = arith.cmpi slt, %add3A_358, %lt3A_360 : vector<16xi32>
      %exp3A_362 = math.exp %add3A_353 : vector<16xf32>
      %jit3A_363 = arith.constant 0.000000e+00 : f32
      %broadcast_in_dim3A_364 = vector.broadcast %jit3A_363 : f32 to vector<16xf32>
      %select_n3A_365 = arith.select %lt3A_361, %exp3A_362, %broadcast_in_dim3A_364 : vector<16xi1>, vector<16xf32>
      %swap3A_366 = arith.constant 112 : index
      %swap3A_367 = tpu.vector_load %arg17[%swap3A_366] {strides = array<i32>} : memref<128xf32, #tpu.memory_space<vmem>>, vector<16xf32>,
      tpu.vector_store %arg17[%swap3A_366], %select_n3A_365 {strides = array<i32>} : memref<128xf32, #tpu.memory_space<vmem>>, vector<16xf32>,
      %jit3A_368 = arith.constant 1.000000e+00 : f32
      %jit3A_369 = arith.constant 0.000000e+00 : f32
      %broadcast_in_dim3A_370 = vector.broadcast %jit3A_368 : f32 to vector<16xf32>
      %broadcast_in_dim3A_371 = vector.broadcast %jit3A_369 : f32 to vector<16xf32>
      %select_n3A_372 = arith.select %lt3A_361, %broadcast_in_dim3A_370, %broadcast_in_dim3A_371 : vector<16xi1>, vector<16xf32>
      %swap3A_373 = arith.constant 112 : index
      %swap3A_374 = tpu.vector_load %arg18[%swap3A_373] {strides = array<i32>} : memref<128xf32, #tpu.memory_space<vmem>>, vector<16xf32>,
      tpu.vector_store %arg18[%swap3A_373], %select_n3A_372 {strides = array<i32>} : memref<128xf32, #tpu.memory_space<vmem>>, vector<16xf32>,
      %dma_start3A = arith.constant 0 : i32
      %dma_start3A_375 = arith.constant 0 : i32
      %dma_start3A_376 = tpu.memref_slice %arg2[%dma_start3A, %dma_start3A_375] : memref<20480x128xf32, #tpu.memory_space<hbm>> -> memref<20480x128xf32, #tpu.memory_space<hbm>>
      tpu.enqueue_indirect_dma source(%dma_start3A_376 : memref<20480x128xf32, #tpu.memory_space<hbm>>) target(%arg19 : memref<128x128xf32, #tpu.memory_space<vmem>>) offsets(%arg16 : memref<128xi32, #tpu.memory_space<vmem>>) semaphore(%arg23 : memref<!tpu.dma_semaphore, #tpu.memory_space<semaphore_mem>>)
      %dma_wait3A = arith.constant 0 : i32
      %dma_wait3A_377 = arith.constant 0 : i32
      %dma_wait3A_378 = tpu.memref_slice %arg2[%dma_wait3A, %dma_wait3A_377] : memref<20480x128xf32, #tpu.memory_space<hbm>> -> memref<20480x128xf32, #tpu.memory_space<hbm>>
      tpu.wait_indirect_dma semaphore(%arg23 : memref<!tpu.dma_semaphore, #tpu.memory_space<semaphore_mem>>) src(%dma_wait3A_378 : memref<20480x128xf32, #tpu.memory_space<hbm>>) dst(%arg19 : memref<128x128xf32, #tpu.memory_space<vmem>>)
      %scan3A_379 = arith.constant 0 : i32
      %scan3A_380 = arith.constant 0 : i32
      %scan3A_381 = arith.constant 8 : i32
      %scan3A_382 = arith.addi %scan3A_380, %scan3A_381 : i32
      %scan3A_383 = arith.constant 1 : i32
      scf.for %scan3A_390 = %scan3A_380 to %scan3A_382 step %scan3A_383  : i32 {
        %mul3A_391 = arith.constant 16 : i32
        %mul3A_392 = arith.muli %scan3A_390, %mul3A_391 : i32
        %get3A_393 = arith.index_cast %mul3A_392 : i32 to index
        %get3A_394 = tpu.vector_load %arg17[%get3A_393] {strides = array<i32>} : memref<128xf32, #tpu.memory_space<vmem>>, vector<16xf32>,
        %mul3A_395 = arith.constant 16 : i32
        %mul3A_396 = arith.muli %scan3A_390, %mul3A_395 : i32
        %add3A_397 = arith.constant 0 : i32
        %add3A_398 = arith.addi %mul3A_396, %add3A_397 : i32
        %slice3A = vector.extract_strided_slice %get3A_394 {offsets = [0], sizes = [1], strides = [1]} : vector<16xf32> to vector<1xf32>
        %squeeze3A = vector.extract %slice3A[0] : f32 from vector<1xf32>
        %get3A_399 = arith.index_cast %add3A_398 : i32 to index
        %get3A_400 = arith.constant 0 : index
        %get3A_401 = tpu.vector_load %arg19[%get3A_399, %get3A_400] {strides = array<i32>} : memref<128x128xf32, #tpu.memory_space<vmem>>, vector<16xf32>,
        %mul3A_402 = vector.broadcast %squeeze3A : f32 to vector<16xf32>
        %mul3A_403 = arith.mulf %get3A_401, %mul3A_402 : vector<16xf32>
        %swap3A_404 = arith.index_cast %add3A_398 : i32 to index
        %swap3A_405 = arith.constant 0 : index
        %swap3A_406 = tpu.vector_load %arg19[%swap3A_404, %swap3A_405] {strides = array<i32>} : memref<128x128xf32, #tpu.memory_space<vmem>>, vector<16xf32>,
        tpu.vector_store %arg19[%swap3A_404, %swap3A_405], %mul3A_403 {strides = array<i32>} : memref<128x128xf32, #tpu.memory_space<vmem>>, vector<16xf32>,
        %get3A_407 = arith.index_cast %add3A_398 : i32 to index
        %get3A_408 = arith.constant 16 : index
        %get3A_409 = tpu.vector_load %arg19[%get3A_407, %get3A_408] {strides = array<i32>} : memref<128x128xf32, #tpu.memory_space<vmem>>, vector<16xf32>,
        %mul3A_410 = vector.broadcast %squeeze3A : f32 to vector<16xf32>
        %mul3A_411 = arith.mulf %get3A_409, %mul3A_410 : vector<16xf32>
        %swap3A_412 = arith.index_cast %add3A_398 : i32 to index
        %swap3A_413 = arith.constant 16 : index
        %swap3A_414 = tpu.vector_load %arg19[%swap3A_412, %swap3A_413] {strides = array<i32>} : memref<128x128xf32, #tpu.memory_space<vmem>>, vector<16xf32>,
        tpu.vector_store %arg19[%swap3A_412, %swap3A_413], %mul3A_411 {strides = array<i32>} : memref<128x128xf32, #tpu.memory_space<vmem>>, vector<16xf32>,
        %get3A_415 = arith.index_cast %add3A_398 : i32 to index
        %get3A_416 = arith.constant 32 : index
        %get3A_417 = tpu.vector_load %arg19[%get3A_415, %get3A_416] {strides = array<i32>} : memref<128x128xf32, #tpu.memory_space<vmem>>, vector<16xf32>,
        %mul3A_418 = vector.broadcast %squeeze3A : f32 to vector<16xf32>
        %mul3A_419 = arith.mulf %get3A_417, %mul3A_418 : vector<16xf32>
        %swap3A_420 = arith.index_cast %add3A_398 : i32 to index
        %swap3A_421 = arith.constant 32 : index
        %swap3A_422 = tpu.vector_load %arg19[%swap3A_420, %swap3A_421] {strides = array<i32>} : memref<128x128xf32, #tpu.memory_space<vmem>>, vector<16xf32>,
        tpu.vector_store %arg19[%swap3A_420, %swap3A_421], %mul3A_419 {strides = array<i32>} : memref<128x128xf32, #tpu.memory_space<vmem>>, vector<16xf32>,
        %get3A_423 = arith.index_cast %add3A_398 : i32 to index
        %get3A_424 = arith.constant 48 : index
        %get3A_425 = tpu.vector_load %arg19[%get3A_423, %get3A_424] {strides = array<i32>} : memref<128x128xf32, #tpu.memory_space<vmem>>, vector<16xf32>,
        %mul3A_426 = vector.broadcast %squeeze3A : f32 to vector<16xf32>
        %mul3A_427 = arith.mulf %get3A_425, %mul3A_426 : vector<16xf32>
        %swap3A_428 = arith.index_cast %add3A_398 : i32 to index
        %swap3A_429 = arith.constant 48 : index
        %swap3A_430 = tpu.vector_load %arg19[%swap3A_428, %swap3A_429] {strides = array<i32>} : memref<128x128xf32, #tpu.memory_space<vmem>>, vector<16xf32>,
        tpu.vector_store %arg19[%swap3A_428, %swap3A_429], %mul3A_427 {strides = array<i32>} : memref<128x128xf32, #tpu.memory_space<vmem>>, vector<16xf32>,
        %get3A_431 = arith.index_cast %add3A_398 : i32 to index
        %get3A_432 = arith.constant 64 : index
        %get3A_433 = tpu.vector_load %arg19[%get3A_431, %get3A_432] {strides = array<i32>} : memref<128x128xf32, #tpu.memory_space<vmem>>, vector<16xf32>,
        %mul3A_434 = vector.broadcast %squeeze3A : f32 to vector<16xf32>
        %mul3A_435 = arith.mulf %get3A_433, %mul3A_434 : vector<16xf32>
        %swap3A_436 = arith.index_cast %add3A_398 : i32 to index
        %swap3A_437 = arith.constant 64 : index
        %swap3A_438 = tpu.vector_load %arg19[%swap3A_436, %swap3A_437] {strides = array<i32>} : memref<128x128xf32, #tpu.memory_space<vmem>>, vector<16xf32>,
        tpu.vector_store %arg19[%swap3A_436, %swap3A_437], %mul3A_435 {strides = array<i32>} : memref<128x128xf32, #tpu.memory_space<vmem>>, vector<16xf32>,
        %get3A_439 = arith.index_cast %add3A_398 : i32 to index
        %get3A_440 = arith.constant 80 : index
        %get3A_441 = tpu.vector_load %arg19[%get3A_439, %get3A_440] {strides = array<i32>} : memref<128x128xf32, #tpu.memory_space<vmem>>, vector<16xf32>,
        %mul3A_442 = vector.broadcast %squeeze3A : f32 to vector<16xf32>
        %mul3A_443 = arith.mulf %get3A_441, %mul3A_442 : vector<16xf32>
        %swap3A_444 = arith.index_cast %add3A_398 : i32 to index
        %swap3A_445 = arith.constant 80 : index
        %swap3A_446 = tpu.vector_load %arg19[%swap3A_444, %swap3A_445] {strides = array<i32>} : memref<128x128xf32, #tpu.memory_space<vmem>>, vector<16xf32>,
        tpu.vector_store %arg19[%swap3A_444, %swap3A_445], %mul3A_443 {strides = array<i32>} : memref<128x128xf32, #tpu.memory_space<vmem>>, vector<16xf32>,
        %get3A_447 = arith.index_cast %add3A_398 : i32 to index
        %get3A_448 = arith.constant 96 : index
        %get3A_449 = tpu.vector_load %arg19[%get3A_447, %get3A_448] {strides = array<i32>} : memref<128x128xf32, #tpu.memory_space<vmem>>, vector<16xf32>,
        %mul3A_450 = vector.broadcast %squeeze3A : f32 to vector<16xf32>
        %mul3A_451 = arith.mulf %get3A_449, %mul3A_450 : vector<16xf32>
        %swap3A_452 = arith.index_cast %add3A_398 : i32 to index
        %swap3A_453 = arith.constant 96 : index
        %swap3A_454 = tpu.vector_load %arg19[%swap3A_452, %swap3A_453] {strides = array<i32>} : memref<128x128xf32, #tpu.memory_space<vmem>>, vector<16xf32>,
        tpu.vector_store %arg19[%swap3A_452, %swap3A_453], %mul3A_451 {strides = array<i32>} : memref<128x128xf32, #tpu.memory_space<vmem>>, vector<16xf32>,
        %get3A_455 = arith.index_cast %add3A_398 : i32 to index
        %get3A_456 = arith.constant 112 : index
        %get3A_457 = tpu.vector_load %arg19[%get3A_455, %get3A_456] {strides = array<i32>} : memref<128x128xf32, #tpu.memory_space<vmem>>, vector<16xf32>,
        %mul3A_458 = vector.broadcast %squeeze3A : f32 to vector<16xf32>
        %mul3A_459 = arith.mulf %get3A_457, %mul3A_458 : vector<16xf32>
        %swap3A_460 = arith.index_cast %add3A_398 : i32 to index
        %swap3A_461 = arith.constant 112 : index
        %swap3A_462 = tpu.vector_load %arg19[%swap3A_460, %swap3A_461] {strides = array<i32>} : memref<128x128xf32, #tpu.memory_space<vmem>>, vector<16xf32>,
        tpu.vector_store %arg19[%swap3A_460, %swap3A_461], %mul3A_459 {strides = array<i32>} : memref<128x128xf32, #tpu.memory_space<vmem>>, vector<16xf32>,
        %mul3A_463 = arith.constant 16 : i32
        %mul3A_464 = arith.muli %scan3A_390, %mul3A_463 : i32
        %add3A_465 = arith.constant 1 : i32
        %add3A_466 = arith.addi %mul3A_464, %add3A_465 : i32
        %slice3A_467 = vector.extract_strided_slice %get3A_394 {offsets = [1], sizes = [1], strides = [1]} : vector<16xf32> to vector<1xf32>
        %squeeze3A_468 = vector.extract %slice3A_467[0] : f32 from vector<1xf32>
        %get3A_469 = arith.index_cast %add3A_466 : i32 to index
        %get3A_470 = arith.constant 0 : index
        %get3A_471 = tpu.vector_load %arg19[%get3A_469, %get3A_470] {strides = array<i32>} : memref<128x128xf32, #tpu.memory_space<vmem>>, vector<16xf32>,
        %mul3A_472 = vector.broadcast %squeeze3A_468 : f32 to vector<16xf32>
        %mul3A_473 = arith.mulf %get3A_471, %mul3A_472 : vector<16xf32>
        %swap3A_474 = arith.index_cast %add3A_466 : i32 to index
        %swap3A_475 = arith.constant 0 : index
        %swap3A_476 = tpu.vector_load %arg19[%swap3A_474, %swap3A_475] {strides = array<i32>} : memref<128x128xf32, #tpu.memory_space<vmem>>, vector<16xf32>,
        tpu.vector_store %arg19[%swap3A_474, %swap3A_475], %mul3A_473 {strides = array<i32>} : memref<128x128xf32, #tpu.memory_space<vmem>>, vector<16xf32>,
        %get3A_477 = arith.index_cast %add3A_466 : i32 to index
        %get3A_478 = arith.constant 16 : index
        %get3A_479 = tpu.vector_load %arg19[%get3A_477, %get3A_478] {strides = array<i32>} : memref<128x128xf32, #tpu.memory_space<vmem>>, vector<16xf32>,
        %mul3A_480 = vector.broadcast %squeeze3A_468 : f32 to vector<16xf32>
        %mul3A_481 = arith.mulf %get3A_479, %mul3A_480 : vector<16xf32>
        %swap3A_482 = arith.index_cast %add3A_466 : i32 to index
        %swap3A_483 = arith.constant 16 : index
        %swap3A_484 = tpu.vector_load %arg19[%swap3A_482, %swap3A_483] {strides = array<i32>} : memref<128x128xf32, #tpu.memory_space<vmem>>, vector<16xf32>,
        tpu.vector_store %arg19[%swap3A_482, %swap3A_483], %mul3A_481 {strides = array<i32>} : memref<128x128xf32, #tpu.memory_space<vmem>>, vector<16xf32>,
        %get3A_485 = arith.index_cast %add3A_466 : i32 to index
        %get3A_486 = arith.constant 32 : index
        %get3A_487 = tpu.vector_load %arg19[%get3A_485, %get3A_486] {strides = array<i32>} : memref<128x128xf32, #tpu.memory_space<vmem>>, vector<16xf32>,
        %mul3A_488 = vector.broadcast %squeeze3A_468 : f32 to vector<16xf32>
        %mul3A_489 = arith.mulf %get3A_487, %mul3A_488 : vector<16xf32>
        %swap3A_490 = arith.index_cast %add3A_466 : i32 to index
        %swap3A_491 = arith.constant 32 : index
        %swap3A_492 = tpu.vector_load %arg19[%swap3A_490, %swap3A_491] {strides = array<i32>} : memref<128x128xf32, #tpu.memory_space<vmem>>, vector<16xf32>,
        tpu.vector_store %arg19[%swap3A_490, %swap3A_491], %mul3A_489 {strides = array<i32>} : memref<128x128xf32, #tpu.memory_space<vmem>>, vector<16xf32>,
        %get3A_493 = arith.index_cast %add3A_466 : i32 to index
        %get3A_494 = arith.constant 48 : index
        %get3A_495 = tpu.vector_load %arg19[%get3A_493, %get3A_494] {strides = array<i32>} : memref<128x128xf32, #tpu.memory_space<vmem>>, vector<16xf32>,
        %mul3A_496 = vector.broadcast %squeeze3A_468 : f32 to vector<16xf32>
        %mul3A_497 = arith.mulf %get3A_495, %mul3A_496 : vector<16xf32>
        %swap3A_498 = arith.index_cast %add3A_466 : i32 to index
        %swap3A_499 = arith.constant 48 : index
        %swap3A_500 = tpu.vector_load %arg19[%swap3A_498, %swap3A_499] {strides = array<i32>} : memref<128x128xf32, #tpu.memory_space<vmem>>, vector<16xf32>,
        tpu.vector_store %arg19[%swap3A_498, %swap3A_499], %mul3A_497 {strides = array<i32>} : memref<128x128xf32, #tpu.memory_space<vmem>>, vector<16xf32>,
        %get3A_501 = arith.index_cast %add3A_466 : i32 to index
        %get3A_502 = arith.constant 64 : index
        %get3A_503 = tpu.vector_load %arg19[%get3A_501, %get3A_502] {strides = array<i32>} : memref<128x128xf32, #tpu.memory_space<vmem>>, vector<16xf32>,
        %mul3A_504 = vector.broadcast %squeeze3A_468 : f32 to vector<16xf32>
        %mul3A_505 = arith.mulf %get3A_503, %mul3A_504 : vector<16xf32>
        %swap3A_506 = arith.index_cast %add3A_466 : i32 to index
        %swap3A_507 = arith.constant 64 : index
        %swap3A_508 = tpu.vector_load %arg19[%swap3A_506, %swap3A_507] {strides = array<i32>} : memref<128x128xf32, #tpu.memory_space<vmem>>, vector<16xf32>,
        tpu.vector_store %arg19[%swap3A_506, %swap3A_507], %mul3A_505 {strides = array<i32>} : memref<128x128xf32, #tpu.memory_space<vmem>>, vector<16xf32>,
        %get3A_509 = arith.index_cast %add3A_466 : i32 to index
        %get3A_510 = arith.constant 80 : index
        %get3A_511 = tpu.vector_load %arg19[%get3A_509, %get3A_510] {strides = array<i32>} : memref<128x128xf32, #tpu.memory_space<vmem>>, vector<16xf32>,
        %mul3A_512 = vector.broadcast %squeeze3A_468 : f32 to vector<16xf32>
        %mul3A_513 = arith.mulf %get3A_511, %mul3A_512 : vector<16xf32>
        %swap3A_514 = arith.index_cast %add3A_466 : i32 to index
        %swap3A_515 = arith.constant 80 : index
        %swap3A_516 = tpu.vector_load %arg19[%swap3A_514, %swap3A_515] {strides = array<i32>} : memref<128x128xf32, #tpu.memory_space<vmem>>, vector<16xf32>,
        tpu.vector_store %arg19[%swap3A_514, %swap3A_515], %mul3A_513 {strides = array<i32>} : memref<128x128xf32, #tpu.memory_space<vmem>>, vector<16xf32>,
        %get3A_517 = arith.index_cast %add3A_466 : i32 to index
        %get3A_518 = arith.constant 96 : index
        %get3A_519 = tpu.vector_load %arg19[%get3A_517, %get3A_518] {strides = array<i32>} : memref<128x128xf32, #tpu.memory_space<vmem>>, vector<16xf32>,
        %mul3A_520 = vector.broadcast %squeeze3A_468 : f32 to vector<16xf32>
        %mul3A_521 = arith.mulf %get3A_519, %mul3A_520 : vector<16xf32>
        %swap3A_522 = arith.index_cast %add3A_466 : i32 to index
        %swap3A_523 = arith.constant 96 : index
        %swap3A_524 = tpu.vector_load %arg19[%swap3A_522, %swap3A_523] {strides = array<i32>} : memref<128x128xf32, #tpu.memory_space<vmem>>, vector<16xf32>,
        tpu.vector_store %arg19[%swap3A_522, %swap3A_523], %mul3A_521 {strides = array<i32>} : memref<128x128xf32, #tpu.memory_space<vmem>>, vector<16xf32>,
        %get3A_525 = arith.index_cast %add3A_466 : i32 to index
        %get3A_526 = arith.constant 112 : index
        %get3A_527 = tpu.vector_load %arg19[%get3A_525, %get3A_526] {strides = array<i32>} : memref<128x128xf32, #tpu.memory_space<vmem>>, vector<16xf32>,
        %mul3A_528 = vector.broadcast %squeeze3A_468 : f32 to vector<16xf32>
        %mul3A_529 = arith.mulf %get3A_527, %mul3A_528 : vector<16xf32>
        %swap3A_530 = arith.index_cast %add3A_466 : i32 to index
        %swap3A_531 = arith.constant 112 : index
        %swap3A_532 = tpu.vector_load %arg19[%swap3A_530, %swap3A_531] {strides = array<i32>} : memref<128x128xf32, #tpu.memory_space<vmem>>, vector<16xf32>,
        tpu.vector_store %arg19[%swap3A_530, %swap3A_531], %mul3A_529 {strides = array<i32>} : memref<128x128xf32, #tpu.memory_space<vmem>>, vector<16xf32>,
        %mul3A_533 = arith.constant 16 : i32
        %mul3A_534 = arith.muli %scan3A_390, %mul3A_533 : i32
        %add3A_535 = arith.constant 2 : i32
        %add3A_536 = arith.addi %mul3A_534, %add3A_535 : i32
        %slice3A_537 = vector.extract_strided_slice %get3A_394 {offsets = [2], sizes = [1], strides = [1]} : vector<16xf32> to vector<1xf32>
        %squeeze3A_538 = vector.extract %slice3A_537[0] : f32 from vector<1xf32>
        %get3A_539 = arith.index_cast %add3A_536 : i32 to index
        %get3A_540 = arith.constant 0 : index
        %get3A_541 = tpu.vector_load %arg19[%get3A_539, %get3A_540] {strides = array<i32>} : memref<128x128xf32, #tpu.memory_space<vmem>>, vector<16xf32>,
        %mul3A_542 = vector.broadcast %squeeze3A_538 : f32 to vector<16xf32>
        %mul3A_543 = arith.mulf %get3A_541, %mul3A_542 : vector<16xf32>
        %swap3A_544 = arith.index_cast %add3A_536 : i32 to index
        %swap3A_545 = arith.constant 0 : index
        %swap3A_546 = tpu.vector_load %arg19[%swap3A_544, %swap3A_545] {strides = array<i32>} : memref<128x128xf32, #tpu.memory_space<vmem>>, vector<16xf32>,
        tpu.vector_store %arg19[%swap3A_544, %swap3A_545], %mul3A_543 {strides = array<i32>} : memref<128x128xf32, #tpu.memory_space<vmem>>, vector<16xf32>,
        %get3A_547 = arith.index_cast %add3A_536 : i32 to index
        %get3A_548 = arith.constant 16 : index
        %get3A_549 = tpu.vector_load %arg19[%get3A_547, %get3A_548] {strides = array<i32>} : memref<128x128xf32, #tpu.memory_space<vmem>>, vector<16xf32>,
        %mul3A_550 = vector.broadcast %squeeze3A_538 : f32 to vector<16xf32>
        %mul3A_551 = arith.mulf %get3A_549, %mul3A_550 : vector<16xf32>
        %swap3A_552 = arith.index_cast %add3A_536 : i32 to index
        %swap3A_553 = arith.constant 16 : index
        %swap3A_554 = tpu.vector_load %arg19[%swap3A_552, %swap3A_553] {strides = array<i32>} : memref<128x128xf32, #tpu.memory_space<vmem>>, vector<16xf32>,
        tpu.vector_store %arg19[%swap3A_552, %swap3A_553], %mul3A_551 {strides = array<i32>} : memref<128x128xf32, #tpu.memory_space<vmem>>, vector<16xf32>,
        %get3A_555 = arith.index_cast %add3A_536 : i32 to index
        %get3A_556 = arith.constant 32 : index
        %get3A_557 = tpu.vector_load %arg19[%get3A_555, %get3A_556] {strides = array<i32>} : memref<128x128xf32, #tpu.memory_space<vmem>>, vector<16xf32>,
        %mul3A_558 = vector.broadcast %squeeze3A_538 : f32 to vector<16xf32>
        %mul3A_559 = arith.mulf %get3A_557, %mul3A_558 : vector<16xf32>
        %swap3A_560 = arith.index_cast %add3A_536 : i32 to index
        %swap3A_561 = arith.constant 32 : index
        %swap3A_562 = tpu.vector_load %arg19[%swap3A_560, %swap3A_561] {strides = array<i32>} : memref<128x128xf32, #tpu.memory_space<vmem>>, vector<16xf32>,
        tpu.vector_store %arg19[%swap3A_560, %swap3A_561], %mul3A_559 {strides = array<i32>} : memref<128x128xf32, #tpu.memory_space<vmem>>, vector<16xf32>,
        %get3A_563 = arith.index_cast %add3A_536 : i32 to index
        %get3A_564 = arith.constant 48 : index
        %get3A_565 = tpu.vector_load %arg19[%get3A_563, %get3A_564] {strides = array<i32>} : memref<128x128xf32, #tpu.memory_space<vmem>>, vector<16xf32>,
        %mul3A_566 = vector.broadcast %squeeze3A_538 : f32 to vector<16xf32>
        %mul3A_567 = arith.mulf %get3A_565, %mul3A_566 : vector<16xf32>
        %swap3A_568 = arith.index_cast %add3A_536 : i32 to index
        %swap3A_569 = arith.constant 48 : index
        %swap3A_570 = tpu.vector_load %arg19[%swap3A_568, %swap3A_569] {strides = array<i32>} : memref<128x128xf32, #tpu.memory_space<vmem>>, vector<16xf32>,
        tpu.vector_store %arg19[%swap3A_568, %swap3A_569], %mul3A_567 {strides = array<i32>} : memref<128x128xf32, #tpu.memory_space<vmem>>, vector<16xf32>,
        %get3A_571 = arith.index_cast %add3A_536 : i32 to index
        %get3A_572 = arith.constant 64 : index
        %get3A_573 = tpu.vector_load %arg19[%get3A_571, %get3A_572] {strides = array<i32>} : memref<128x128xf32, #tpu.memory_space<vmem>>, vector<16xf32>,
        %mul3A_574 = vector.broadcast %squeeze3A_538 : f32 to vector<16xf32>
        %mul3A_575 = arith.mulf %get3A_573, %mul3A_574 : vector<16xf32>
        %swap3A_576 = arith.index_cast %add3A_536 : i32 to index
        %swap3A_577 = arith.constant 64 : index
        %swap3A_578 = tpu.vector_load %arg19[%swap3A_576, %swap3A_577] {strides = array<i32>} : memref<128x128xf32, #tpu.memory_space<vmem>>, vector<16xf32>,
        tpu.vector_store %arg19[%swap3A_576, %swap3A_577], %mul3A_575 {strides = array<i32>} : memref<128x128xf32, #tpu.memory_space<vmem>>, vector<16xf32>,
        %get3A_579 = arith.index_cast %add3A_536 : i32 to index
        %get3A_580 = arith.constant 80 : index
        %get3A_581 = tpu.vector_load %arg19[%get3A_579, %get3A_580] {strides = array<i32>} : memref<128x128xf32, #tpu.memory_space<vmem>>, vector<16xf32>,
        %mul3A_582 = vector.broadcast %squeeze3A_538 : f32 to vector<16xf32>
        %mul3A_583 = arith.mulf %get3A_581, %mul3A_582 : vector<16xf32>
        %swap3A_584 = arith.index_cast %add3A_536 : i32 to index
        %swap3A_585 = arith.constant 80 : index
        %swap3A_586 = tpu.vector_load %arg19[%swap3A_584, %swap3A_585] {strides = array<i32>} : memref<128x128xf32, #tpu.memory_space<vmem>>, vector<16xf32>,
        tpu.vector_store %arg19[%swap3A_584, %swap3A_585], %mul3A_583 {strides = array<i32>} : memref<128x128xf32, #tpu.memory_space<vmem>>, vector<16xf32>,
        %get3A_587 = arith.index_cast %add3A_536 : i32 to index
        %get3A_588 = arith.constant 96 : index
        %get3A_589 = tpu.vector_load %arg19[%get3A_587, %get3A_588] {strides = array<i32>} : memref<128x128xf32, #tpu.memory_space<vmem>>, vector<16xf32>,
        %mul3A_590 = vector.broadcast %squeeze3A_538 : f32 to vector<16xf32>
        %mul3A_591 = arith.mulf %get3A_589, %mul3A_590 : vector<16xf32>
        %swap3A_592 = arith.index_cast %add3A_536 : i32 to index
        %swap3A_593 = arith.constant 96 : index
        %swap3A_594 = tpu.vector_load %arg19[%swap3A_592, %swap3A_593] {strides = array<i32>} : memref<128x128xf32, #tpu.memory_space<vmem>>, vector<16xf32>,
        tpu.vector_store %arg19[%swap3A_592, %swap3A_593], %mul3A_591 {strides = array<i32>} : memref<128x128xf32, #tpu.memory_space<vmem>>, vector<16xf32>,
        %get3A_595 = arith.index_cast %add3A_536 : i32 to index
        %get3A_596 = arith.constant 112 : index
        %get3A_597 = tpu.vector_load %arg19[%get3A_595, %get3A_596] {strides = array<i32>} : memref<128x128xf32, #tpu.memory_space<vmem>>, vector<16xf32>,
        %mul3A_598 = vector.broadcast %squeeze3A_538 : f32 to vector<16xf32>
        %mul3A_599 = arith.mulf %get3A_597, %mul3A_598 : vector<16xf32>
        %swap3A_600 = arith.index_cast %add3A_536 : i32 to index
        %swap3A_601 = arith.constant 112 : index
        %swap3A_602 = tpu.vector_load %arg19[%swap3A_600, %swap3A_601] {strides = array<i32>} : memref<128x128xf32, #tpu.memory_space<vmem>>, vector<16xf32>,
        tpu.vector_store %arg19[%swap3A_600, %swap3A_601], %mul3A_599 {strides = array<i32>} : memref<128x128xf32, #tpu.memory_space<vmem>>, vector<16xf32>,
        %mul3A_603 = arith.constant 16 : i32
        %mul3A_604 = arith.muli %scan3A_390, %mul3A_603 : i32
        %add3A_605 = arith.constant 3 : i32
        %add3A_606 = arith.addi %mul3A_604, %add3A_605 : i32
        %slice3A_607 = vector.extract_strided_slice %get3A_394 {offsets = [3], sizes = [1], strides = [1]} : vector<16xf32> to vector<1xf32>
        %squeeze3A_608 = vector.extract %slice3A_607[0] : f32 from vector<1xf32>
        %get3A_609 = arith.index_cast %add3A_606 : i32 to index
        %get3A_610 = arith.constant 0 : index
        %get3A_611 = tpu.vector_load %arg19[%get3A_609, %get3A_610] {strides = array<i32>} : memref<128x128xf32, #tpu.memory_space<vmem>>, vector<16xf32>,
        %mul3A_612 = vector.broadcast %squeeze3A_608 : f32 to vector<16xf32>
        %mul3A_613 = arith.mulf %get3A_611, %mul3A_612 : vector<16xf32>
        %swap3A_614 = arith.index_cast %add3A_606 : i32 to index
        %swap3A_615 = arith.constant 0 : index
        %swap3A_616 = tpu.vector_load %arg19[%swap3A_614, %swap3A_615] {strides = array<i32>} : memref<128x128xf32, #tpu.memory_space<vmem>>, vector<16xf32>,
        tpu.vector_store %arg19[%swap3A_614, %swap3A_615], %mul3A_613 {strides = array<i32>} : memref<128x128xf32, #tpu.memory_space<vmem>>, vector<16xf32>,
        %get3A_617 = arith.index_cast %add3A_606 : i32 to index
        %get3A_618 = arith.constant 16 : index
        %get3A_619 = tpu.vector_load %arg19[%get3A_617, %get3A_618] {strides = array<i32>} : memref<128x128xf32, #tpu.memory_space<vmem>>, vector<16xf32>,
        %mul3A_620 = vector.broadcast %squeeze3A_608 : f32 to vector<16xf32>
        %mul3A_621 = arith.mulf %get3A_619, %mul3A_620 : vector<16xf32>
        %swap3A_622 = arith.index_cast %add3A_606 : i32 to index
        %swap3A_623 = arith.constant 16 : index
        %swap3A_624 = tpu.vector_load %arg19[%swap3A_622, %swap3A_623] {strides = array<i32>} : memref<128x128xf32, #tpu.memory_space<vmem>>, vector<16xf32>,
        tpu.vector_store %arg19[%swap3A_622, %swap3A_623], %mul3A_621 {strides = array<i32>} : memref<128x128xf32, #tpu.memory_space<vmem>>, vector<16xf32>,
        %get3A_625 = arith.index_cast %add3A_606 : i32 to index
        %get3A_626 = arith.constant 32 : index
        %get3A_627 = tpu.vector_load %arg19[%get3A_625, %get3A_626] {strides = array<i32>} : memref<128x128xf32, #tpu.memory_space<vmem>>, vector<16xf32>,
        %mul3A_628 = vector.broadcast %squeeze3A_608 : f32 to vector<16xf32>
        %mul3A_629 = arith.mulf %get3A_627, %mul3A_628 : vector<16xf32>
        %swap3A_630 = arith.index_cast %add3A_606 : i32 to index
        %swap3A_631 = arith.constant 32 : index
        %swap3A_632 = tpu.vector_load %arg19[%swap3A_630, %swap3A_631] {strides = array<i32>} : memref<128x128xf32, #tpu.memory_space<vmem>>, vector<16xf32>,
        tpu.vector_store %arg19[%swap3A_630, %swap3A_631], %mul3A_629 {strides = array<i32>} : memref<128x128xf32, #tpu.memory_space<vmem>>, vector<16xf32>,
        %get3A_633 = arith.index_cast %add3A_606 : i32 to index
        %get3A_634 = arith.constant 48 : index
        %get3A_635 = tpu.vector_load %arg19[%get3A_633, %get3A_634] {strides = array<i32>} : memref<128x128xf32, #tpu.memory_space<vmem>>, vector<16xf32>,
        %mul3A_636 = vector.broadcast %squeeze3A_608 : f32 to vector<16xf32>
        %mul3A_637 = arith.mulf %get3A_635, %mul3A_636 : vector<16xf32>
        %swap3A_638 = arith.index_cast %add3A_606 : i32 to index
        %swap3A_639 = arith.constant 48 : index
        %swap3A_640 = tpu.vector_load %arg19[%swap3A_638, %swap3A_639] {strides = array<i32>} : memref<128x128xf32, #tpu.memory_space<vmem>>, vector<16xf32>,
        tpu.vector_store %arg19[%swap3A_638, %swap3A_639], %mul3A_637 {strides = array<i32>} : memref<128x128xf32, #tpu.memory_space<vmem>>, vector<16xf32>,
        %get3A_641 = arith.index_cast %add3A_606 : i32 to index
        %get3A_642 = arith.constant 64 : index
        %get3A_643 = tpu.vector_load %arg19[%get3A_641, %get3A_642] {strides = array<i32>} : memref<128x128xf32, #tpu.memory_space<vmem>>, vector<16xf32>,
        %mul3A_644 = vector.broadcast %squeeze3A_608 : f32 to vector<16xf32>
        %mul3A_645 = arith.mulf %get3A_643, %mul3A_644 : vector<16xf32>
        %swap3A_646 = arith.index_cast %add3A_606 : i32 to index
        %swap3A_647 = arith.constant 64 : index
        %swap3A_648 = tpu.vector_load %arg19[%swap3A_646, %swap3A_647] {strides = array<i32>} : memref<128x128xf32, #tpu.memory_space<vmem>>, vector<16xf32>,
        tpu.vector_store %arg19[%swap3A_646, %swap3A_647], %mul3A_645 {strides = array<i32>} : memref<128x128xf32, #tpu.memory_space<vmem>>, vector<16xf32>,
        %get3A_649 = arith.index_cast %add3A_606 : i32 to index
        %get3A_650 = arith.constant 80 : index
        %get3A_651 = tpu.vector_load %arg19[%get3A_649, %get3A_650] {strides = array<i32>} : memref<128x128xf32, #tpu.memory_space<vmem>>, vector<16xf32>,
        %mul3A_652 = vector.broadcast %squeeze3A_608 : f32 to vector<16xf32>
        %mul3A_653 = arith.mulf %get3A_651, %mul3A_652 : vector<16xf32>
        %swap3A_654 = arith.index_cast %add3A_606 : i32 to index
        %swap3A_655 = arith.constant 80 : index
        %swap3A_656 = tpu.vector_load %arg19[%swap3A_654, %swap3A_655] {strides = array<i32>} : memref<128x128xf32, #tpu.memory_space<vmem>>, vector<16xf32>,
        tpu.vector_store %arg19[%swap3A_654, %swap3A_655], %mul3A_653 {strides = array<i32>} : memref<128x128xf32, #tpu.memory_space<vmem>>, vector<16xf32>,
        %get3A_657 = arith.index_cast %add3A_606 : i32 to index
        %get3A_658 = arith.constant 96 : index
        %get3A_659 = tpu.vector_load %arg19[%get3A_657, %get3A_658] {strides = array<i32>} : memref<128x128xf32, #tpu.memory_space<vmem>>, vector<16xf32>,
        %mul3A_660 = vector.broadcast %squeeze3A_608 : f32 to vector<16xf32>
        %mul3A_661 = arith.mulf %get3A_659, %mul3A_660 : vector<16xf32>
        %swap3A_662 = arith.index_cast %add3A_606 : i32 to index
        %swap3A_663 = arith.constant 96 : index
        %swap3A_664 = tpu.vector_load %arg19[%swap3A_662, %swap3A_663] {strides = array<i32>} : memref<128x128xf32, #tpu.memory_space<vmem>>, vector<16xf32>,
        tpu.vector_store %arg19[%swap3A_662, %swap3A_663], %mul3A_661 {strides = array<i32>} : memref<128x128xf32, #tpu.memory_space<vmem>>, vector<16xf32>,
        %get3A_665 = arith.index_cast %add3A_606 : i32 to index
        %get3A_666 = arith.constant 112 : index
        %get3A_667 = tpu.vector_load %arg19[%get3A_665, %get3A_666] {strides = array<i32>} : memref<128x128xf32, #tpu.memory_space<vmem>>, vector<16xf32>,
        %mul3A_668 = vector.broadcast %squeeze3A_608 : f32 to vector<16xf32>
        %mul3A_669 = arith.mulf %get3A_667, %mul3A_668 : vector<16xf32>
        %swap3A_670 = arith.index_cast %add3A_606 : i32 to index
        %swap3A_671 = arith.constant 112 : index
        %swap3A_672 = tpu.vector_load %arg19[%swap3A_670, %swap3A_671] {strides = array<i32>} : memref<128x128xf32, #tpu.memory_space<vmem>>, vector<16xf32>,
        tpu.vector_store %arg19[%swap3A_670, %swap3A_671], %mul3A_669 {strides = array<i32>} : memref<128x128xf32, #tpu.memory_space<vmem>>, vector<16xf32>,
        %mul3A_673 = arith.constant 16 : i32
        %mul3A_674 = arith.muli %scan3A_390, %mul3A_673 : i32
        %add3A_675 = arith.constant 4 : i32
        %add3A_676 = arith.addi %mul3A_674, %add3A_675 : i32
        %slice3A_677 = vector.extract_strided_slice %get3A_394 {offsets = [4], sizes = [1], strides = [1]} : vector<16xf32> to vector<1xf32>
        %squeeze3A_678 = vector.extract %slice3A_677[0] : f32 from vector<1xf32>
        %get3A_679 = arith.index_cast %add3A_676 : i32 to index
        %get3A_680 = arith.constant 0 : index
        %get3A_681 = tpu.vector_load %arg19[%get3A_679, %get3A_680] {strides = array<i32>} : memref<128x128xf32, #tpu.memory_space<vmem>>, vector<16xf32>,
        %mul3A_682 = vector.broadcast %squeeze3A_678 : f32 to vector<16xf32>
        %mul3A_683 = arith.mulf %get3A_681, %mul3A_682 : vector<16xf32>
        %swap3A_684 = arith.index_cast %add3A_676 : i32 to index
        %swap3A_685 = arith.constant 0 : index
        %swap3A_686 = tpu.vector_load %arg19[%swap3A_684, %swap3A_685] {strides = array<i32>} : memref<128x128xf32, #tpu.memory_space<vmem>>, vector<16xf32>,
        tpu.vector_store %arg19[%swap3A_684, %swap3A_685], %mul3A_683 {strides = array<i32>} : memref<128x128xf32, #tpu.memory_space<vmem>>, vector<16xf32>,
        %get3A_687 = arith.index_cast %add3A_676 : i32 to index
        %get3A_688 = arith.constant 16 : index
        %get3A_689 = tpu.vector_load %arg19[%get3A_687, %get3A_688] {strides = array<i32>} : memref<128x128xf32, #tpu.memory_space<vmem>>, vector<16xf32>,
        %mul3A_690 = vector.broadcast %squeeze3A_678 : f32 to vector<16xf32>
        %mul3A_691 = arith.mulf %get3A_689, %mul3A_690 : vector<16xf32>
        %swap3A_692 = arith.index_cast %add3A_676 : i32 to index
        %swap3A_693 = arith.constant 16 : index
        %swap3A_694 = tpu.vector_load %arg19[%swap3A_692, %swap3A_693] {strides = array<i32>} : memref<128x128xf32, #tpu.memory_space<vmem>>, vector<16xf32>,
        tpu.vector_store %arg19[%swap3A_692, %swap3A_693], %mul3A_691 {strides = array<i32>} : memref<128x128xf32, #tpu.memory_space<vmem>>, vector<16xf32>,
        %get3A_695 = arith.index_cast %add3A_676 : i32 to index
        %get3A_696 = arith.constant 32 : index
        %get3A_697 = tpu.vector_load %arg19[%get3A_695, %get3A_696] {strides = array<i32>} : memref<128x128xf32, #tpu.memory_space<vmem>>, vector<16xf32>,
        %mul3A_698 = vector.broadcast %squeeze3A_678 : f32 to vector<16xf32>
        %mul3A_699 = arith.mulf %get3A_697, %mul3A_698 : vector<16xf32>
        %swap3A_700 = arith.index_cast %add3A_676 : i32 to index
        %swap3A_701 = arith.constant 32 : index
        %swap3A_702 = tpu.vector_load %arg19[%swap3A_700, %swap3A_701] {strides = array<i32>} : memref<128x128xf32, #tpu.memory_space<vmem>>, vector<16xf32>,
        tpu.vector_store %arg19[%swap3A_700, %swap3A_701], %mul3A_699 {strides = array<i32>} : memref<128x128xf32, #tpu.memory_space<vmem>>, vector<16xf32>,
        %get3A_703 = arith.index_cast %add3A_676 : i32 to index
        %get3A_704 = arith.constant 48 : index
        %get3A_705 = tpu.vector_load %arg19[%get3A_703, %get3A_704] {strides = array<i32>} : memref<128x128xf32, #tpu.memory_space<vmem>>, vector<16xf32>,
        %mul3A_706 = vector.broadcast %squeeze3A_678 : f32 to vector<16xf32>
        %mul3A_707 = arith.mulf %get3A_705, %mul3A_706 : vector<16xf32>
        %swap3A_708 = arith.index_cast %add3A_676 : i32 to index
        %swap3A_709 = arith.constant 48 : index
        %swap3A_710 = tpu.vector_load %arg19[%swap3A_708, %swap3A_709] {strides = array<i32>} : memref<128x128xf32, #tpu.memory_space<vmem>>, vector<16xf32>,
        tpu.vector_store %arg19[%swap3A_708, %swap3A_709], %mul3A_707 {strides = array<i32>} : memref<128x128xf32, #tpu.memory_space<vmem>>, vector<16xf32>,
        %get3A_711 = arith.index_cast %add3A_676 : i32 to index
        %get3A_712 = arith.constant 64 : index
        %get3A_713 = tpu.vector_load %arg19[%get3A_711, %get3A_712] {strides = array<i32>} : memref<128x128xf32, #tpu.memory_space<vmem>>, vector<16xf32>,
        %mul3A_714 = vector.broadcast %squeeze3A_678 : f32 to vector<16xf32>
        %mul3A_715 = arith.mulf %get3A_713, %mul3A_714 : vector<16xf32>
        %swap3A_716 = arith.index_cast %add3A_676 : i32 to index
        %swap3A_717 = arith.constant 64 : index
        %swap3A_718 = tpu.vector_load %arg19[%swap3A_716, %swap3A_717] {strides = array<i32>} : memref<128x128xf32, #tpu.memory_space<vmem>>, vector<16xf32>,
        tpu.vector_store %arg19[%swap3A_716, %swap3A_717], %mul3A_715 {strides = array<i32>} : memref<128x128xf32, #tpu.memory_space<vmem>>, vector<16xf32>,
        %get3A_719 = arith.index_cast %add3A_676 : i32 to index
        %get3A_720 = arith.constant 80 : index
        %get3A_721 = tpu.vector_load %arg19[%get3A_719, %get3A_720] {strides = array<i32>} : memref<128x128xf32, #tpu.memory_space<vmem>>, vector<16xf32>,
        %mul3A_722 = vector.broadcast %squeeze3A_678 : f32 to vector<16xf32>
        %mul3A_723 = arith.mulf %get3A_721, %mul3A_722 : vector<16xf32>
        %swap3A_724 = arith.index_cast %add3A_676 : i32 to index
        %swap3A_725 = arith.constant 80 : index
        %swap3A_726 = tpu.vector_load %arg19[%swap3A_724, %swap3A_725] {strides = array<i32>} : memref<128x128xf32, #tpu.memory_space<vmem>>, vector<16xf32>,
        tpu.vector_store %arg19[%swap3A_724, %swap3A_725], %mul3A_723 {strides = array<i32>} : memref<128x128xf32, #tpu.memory_space<vmem>>, vector<16xf32>,
        %get3A_727 = arith.index_cast %add3A_676 : i32 to index
        %get3A_728 = arith.constant 96 : index
        %get3A_729 = tpu.vector_load %arg19[%get3A_727, %get3A_728] {strides = array<i32>} : memref<128x128xf32, #tpu.memory_space<vmem>>, vector<16xf32>,
        %mul3A_730 = vector.broadcast %squeeze3A_678 : f32 to vector<16xf32>
        %mul3A_731 = arith.mulf %get3A_729, %mul3A_730 : vector<16xf32>
        %swap3A_732 = arith.index_cast %add3A_676 : i32 to index
        %swap3A_733 = arith.constant 96 : index
        %swap3A_734 = tpu.vector_load %arg19[%swap3A_732, %swap3A_733] {strides = array<i32>} : memref<128x128xf32, #tpu.memory_space<vmem>>, vector<16xf32>,
        tpu.vector_store %arg19[%swap3A_732, %swap3A_733], %mul3A_731 {strides = array<i32>} : memref<128x128xf32, #tpu.memory_space<vmem>>, vector<16xf32>,
        %get3A_735 = arith.index_cast %add3A_676 : i32 to index
        %get3A_736 = arith.constant 112 : index
        %get3A_737 = tpu.vector_load %arg19[%get3A_735, %get3A_736] {strides = array<i32>} : memref<128x128xf32, #tpu.memory_space<vmem>>, vector<16xf32>,
        %mul3A_738 = vector.broadcast %squeeze3A_678 : f32 to vector<16xf32>
        %mul3A_739 = arith.mulf %get3A_737, %mul3A_738 : vector<16xf32>
        %swap3A_740 = arith.index_cast %add3A_676 : i32 to index
        %swap3A_741 = arith.constant 112 : index
        %swap3A_742 = tpu.vector_load %arg19[%swap3A_740, %swap3A_741] {strides = array<i32>} : memref<128x128xf32, #tpu.memory_space<vmem>>, vector<16xf32>,
        tpu.vector_store %arg19[%swap3A_740, %swap3A_741], %mul3A_739 {strides = array<i32>} : memref<128x128xf32, #tpu.memory_space<vmem>>, vector<16xf32>,
        %mul3A_743 = arith.constant 16 : i32
        %mul3A_744 = arith.muli %scan3A_390, %mul3A_743 : i32
        %add3A_745 = arith.constant 5 : i32
        %add3A_746 = arith.addi %mul3A_744, %add3A_745 : i32
        %slice3A_747 = vector.extract_strided_slice %get3A_394 {offsets = [5], sizes = [1], strides = [1]} : vector<16xf32> to vector<1xf32>
        %squeeze3A_748 = vector.extract %slice3A_747[0] : f32 from vector<1xf32>
        %get3A_749 = arith.index_cast %add3A_746 : i32 to index
        %get3A_750 = arith.constant 0 : index
        %get3A_751 = tpu.vector_load %arg19[%get3A_749, %get3A_750] {strides = array<i32>} : memref<128x128xf32, #tpu.memory_space<vmem>>, vector<16xf32>,
        %mul3A_752 = vector.broadcast %squeeze3A_748 : f32 to vector<16xf32>
        %mul3A_753 = arith.mulf %get3A_751, %mul3A_752 : vector<16xf32>
        %swap3A_754 = arith.index_cast %add3A_746 : i32 to index
        %swap3A_755 = arith.constant 0 : index
        %swap3A_756 = tpu.vector_load %arg19[%swap3A_754, %swap3A_755] {strides = array<i32>} : memref<128x128xf32, #tpu.memory_space<vmem>>, vector<16xf32>,
        tpu.vector_store %arg19[%swap3A_754, %swap3A_755], %mul3A_753 {strides = array<i32>} : memref<128x128xf32, #tpu.memory_space<vmem>>, vector<16xf32>,
        %get3A_757 = arith.index_cast %add3A_746 : i32 to index
        %get3A_758 = arith.constant 16 : index
        %get3A_759 = tpu.vector_load %arg19[%get3A_757, %get3A_758] {strides = array<i32>} : memref<128x128xf32, #tpu.memory_space<vmem>>, vector<16xf32>,
        %mul3A_760 = vector.broadcast %squeeze3A_748 : f32 to vector<16xf32>
        %mul3A_761 = arith.mulf %get3A_759, %mul3A_760 : vector<16xf32>
        %swap3A_762 = arith.index_cast %add3A_746 : i32 to index
        %swap3A_763 = arith.constant 16 : index
        %swap3A_764 = tpu.vector_load %arg19[%swap3A_762, %swap3A_763] {strides = array<i32>} : memref<128x128xf32, #tpu.memory_space<vmem>>, vector<16xf32>,
        tpu.vector_store %arg19[%swap3A_762, %swap3A_763], %mul3A_761 {strides = array<i32>} : memref<128x128xf32, #tpu.memory_space<vmem>>, vector<16xf32>,
        %get3A_765 = arith.index_cast %add3A_746 : i32 to index
        %get3A_766 = arith.constant 32 : index
        %get3A_767 = tpu.vector_load %arg19[%get3A_765, %get3A_766] {strides = array<i32>} : memref<128x128xf32, #tpu.memory_space<vmem>>, vector<16xf32>,
        %mul3A_768 = vector.broadcast %squeeze3A_748 : f32 to vector<16xf32>
        %mul3A_769 = arith.mulf %get3A_767, %mul3A_768 : vector<16xf32>
        %swap3A_770 = arith.index_cast %add3A_746 : i32 to index
        %swap3A_771 = arith.constant 32 : index
        %swap3A_772 = tpu.vector_load %arg19[%swap3A_770, %swap3A_771] {strides = array<i32>} : memref<128x128xf32, #tpu.memory_space<vmem>>, vector<16xf32>,
        tpu.vector_store %arg19[%swap3A_770, %swap3A_771], %mul3A_769 {strides = array<i32>} : memref<128x128xf32, #tpu.memory_space<vmem>>, vector<16xf32>,
        %get3A_773 = arith.index_cast %add3A_746 : i32 to index
        %get3A_774 = arith.constant 48 : index
        %get3A_775 = tpu.vector_load %arg19[%get3A_773, %get3A_774] {strides = array<i32>} : memref<128x128xf32, #tpu.memory_space<vmem>>, vector<16xf32>,
        %mul3A_776 = vector.broadcast %squeeze3A_748 : f32 to vector<16xf32>
        %mul3A_777 = arith.mulf %get3A_775, %mul3A_776 : vector<16xf32>
        %swap3A_778 = arith.index_cast %add3A_746 : i32 to index
        %swap3A_779 = arith.constant 48 : index
        %swap3A_780 = tpu.vector_load %arg19[%swap3A_778, %swap3A_779] {strides = array<i32>} : memref<128x128xf32, #tpu.memory_space<vmem>>, vector<16xf32>,
        tpu.vector_store %arg19[%swap3A_778, %swap3A_779], %mul3A_777 {strides = array<i32>} : memref<128x128xf32, #tpu.memory_space<vmem>>, vector<16xf32>,
        %get3A_781 = arith.index_cast %add3A_746 : i32 to index
        %get3A_782 = arith.constant 64 : index
        %get3A_783 = tpu.vector_load %arg19[%get3A_781, %get3A_782] {strides = array<i32>} : memref<128x128xf32, #tpu.memory_space<vmem>>, vector<16xf32>,
        %mul3A_784 = vector.broadcast %squeeze3A_748 : f32 to vector<16xf32>
        %mul3A_785 = arith.mulf %get3A_783, %mul3A_784 : vector<16xf32>
        %swap3A_786 = arith.index_cast %add3A_746 : i32 to index
        %swap3A_787 = arith.constant 64 : index
        %swap3A_788 = tpu.vector_load %arg19[%swap3A_786, %swap3A_787] {strides = array<i32>} : memref<128x128xf32, #tpu.memory_space<vmem>>, vector<16xf32>,
        tpu.vector_store %arg19[%swap3A_786, %swap3A_787], %mul3A_785 {strides = array<i32>} : memref<128x128xf32, #tpu.memory_space<vmem>>, vector<16xf32>,
        %get3A_789 = arith.index_cast %add3A_746 : i32 to index
        %get3A_790 = arith.constant 80 : index
        %get3A_791 = tpu.vector_load %arg19[%get3A_789, %get3A_790] {strides = array<i32>} : memref<128x128xf32, #tpu.memory_space<vmem>>, vector<16xf32>,
        %mul3A_792 = vector.broadcast %squeeze3A_748 : f32 to vector<16xf32>
        %mul3A_793 = arith.mulf %get3A_791, %mul3A_792 : vector<16xf32>
        %swap3A_794 = arith.index_cast %add3A_746 : i32 to index
        %swap3A_795 = arith.constant 80 : index
        %swap3A_796 = tpu.vector_load %arg19[%swap3A_794, %swap3A_795] {strides = array<i32>} : memref<128x128xf32, #tpu.memory_space<vmem>>, vector<16xf32>,
        tpu.vector_store %arg19[%swap3A_794, %swap3A_795], %mul3A_793 {strides = array<i32>} : memref<128x128xf32, #tpu.memory_space<vmem>>, vector<16xf32>,
        %get3A_797 = arith.index_cast %add3A_746 : i32 to index
        %get3A_798 = arith.constant 96 : index
        %get3A_799 = tpu.vector_load %arg19[%get3A_797, %get3A_798] {strides = array<i32>} : memref<128x128xf32, #tpu.memory_space<vmem>>, vector<16xf32>,
        %mul3A_800 = vector.broadcast %squeeze3A_748 : f32 to vector<16xf32>
        %mul3A_801 = arith.mulf %get3A_799, %mul3A_800 : vector<16xf32>
        %swap3A_802 = arith.index_cast %add3A_746 : i32 to index
        %swap3A_803 = arith.constant 96 : index
        %swap3A_804 = tpu.vector_load %arg19[%swap3A_802, %swap3A_803] {strides = array<i32>} : memref<128x128xf32, #tpu.memory_space<vmem>>, vector<16xf32>,
        tpu.vector_store %arg19[%swap3A_802, %swap3A_803], %mul3A_801 {strides = array<i32>} : memref<128x128xf32, #tpu.memory_space<vmem>>, vector<16xf32>,
        %get3A_805 = arith.index_cast %add3A_746 : i32 to index
        %get3A_806 = arith.constant 112 : index
        %get3A_807 = tpu.vector_load %arg19[%get3A_805, %get3A_806] {strides = array<i32>} : memref<128x128xf32, #tpu.memory_space<vmem>>, vector<16xf32>,
        %mul3A_808 = vector.broadcast %squeeze3A_748 : f32 to vector<16xf32>
        %mul3A_809 = arith.mulf %get3A_807, %mul3A_808 : vector<16xf32>
        %swap3A_810 = arith.index_cast %add3A_746 : i32 to index
        %swap3A_811 = arith.constant 112 : index
        %swap3A_812 = tpu.vector_load %arg19[%swap3A_810, %swap3A_811] {strides = array<i32>} : memref<128x128xf32, #tpu.memory_space<vmem>>, vector<16xf32>,
        tpu.vector_store %arg19[%swap3A_810, %swap3A_811], %mul3A_809 {strides = array<i32>} : memref<128x128xf32, #tpu.memory_space<vmem>>, vector<16xf32>,
        %mul3A_813 = arith.constant 16 : i32
        %mul3A_814 = arith.muli %scan3A_390, %mul3A_813 : i32
        %add3A_815 = arith.constant 6 : i32
        %add3A_816 = arith.addi %mul3A_814, %add3A_815 : i32
        %slice3A_817 = vector.extract_strided_slice %get3A_394 {offsets = [6], sizes = [1], strides = [1]} : vector<16xf32> to vector<1xf32>
        %squeeze3A_818 = vector.extract %slice3A_817[0] : f32 from vector<1xf32>
        %get3A_819 = arith.index_cast %add3A_816 : i32 to index
        %get3A_820 = arith.constant 0 : index
        %get3A_821 = tpu.vector_load %arg19[%get3A_819, %get3A_820] {strides = array<i32>} : memref<128x128xf32, #tpu.memory_space<vmem>>, vector<16xf32>,
        %mul3A_822 = vector.broadcast %squeeze3A_818 : f32 to vector<16xf32>
        %mul3A_823 = arith.mulf %get3A_821, %mul3A_822 : vector<16xf32>
        %swap3A_824 = arith.index_cast %add3A_816 : i32 to index
        %swap3A_825 = arith.constant 0 : index
        %swap3A_826 = tpu.vector_load %arg19[%swap3A_824, %swap3A_825] {strides = array<i32>} : memref<128x128xf32, #tpu.memory_space<vmem>>, vector<16xf32>,
        tpu.vector_store %arg19[%swap3A_824, %swap3A_825], %mul3A_823 {strides = array<i32>} : memref<128x128xf32, #tpu.memory_space<vmem>>, vector<16xf32>,
        %get3A_827 = arith.index_cast %add3A_816 : i32 to index
        %get3A_828 = arith.constant 16 : index
        %get3A_829 = tpu.vector_load %arg19[%get3A_827, %get3A_828] {strides = array<i32>} : memref<128x128xf32, #tpu.memory_space<vmem>>, vector<16xf32>,
        %mul3A_830 = vector.broadcast %squeeze3A_818 : f32 to vector<16xf32>
        %mul3A_831 = arith.mulf %get3A_829, %mul3A_830 : vector<16xf32>
        %swap3A_832 = arith.index_cast %add3A_816 : i32 to index
        %swap3A_833 = arith.constant 16 : index
        %swap3A_834 = tpu.vector_load %arg19[%swap3A_832, %swap3A_833] {strides = array<i32>} : memref<128x128xf32, #tpu.memory_space<vmem>>, vector<16xf32>,
        tpu.vector_store %arg19[%swap3A_832, %swap3A_833], %mul3A_831 {strides = array<i32>} : memref<128x128xf32, #tpu.memory_space<vmem>>, vector<16xf32>,
        %get3A_835 = arith.index_cast %add3A_816 : i32 to index
        %get3A_836 = arith.constant 32 : index
        %get3A_837 = tpu.vector_load %arg19[%get3A_835, %get3A_836] {strides = array<i32>} : memref<128x128xf32, #tpu.memory_space<vmem>>, vector<16xf32>,
        %mul3A_838 = vector.broadcast %squeeze3A_818 : f32 to vector<16xf32>
        %mul3A_839 = arith.mulf %get3A_837, %mul3A_838 : vector<16xf32>
        %swap3A_840 = arith.index_cast %add3A_816 : i32 to index
        %swap3A_841 = arith.constant 32 : index
        %swap3A_842 = tpu.vector_load %arg19[%swap3A_840, %swap3A_841] {strides = array<i32>} : memref<128x128xf32, #tpu.memory_space<vmem>>, vector<16xf32>,
        tpu.vector_store %arg19[%swap3A_840, %swap3A_841], %mul3A_839 {strides = array<i32>} : memref<128x128xf32, #tpu.memory_space<vmem>>, vector<16xf32>,
        %get3A_843 = arith.index_cast %add3A_816 : i32 to index
        %get3A_844 = arith.constant 48 : index
        %get3A_845 = tpu.vector_load %arg19[%get3A_843, %get3A_844] {strides = array<i32>} : memref<128x128xf32, #tpu.memory_space<vmem>>, vector<16xf32>,
        %mul3A_846 = vector.broadcast %squeeze3A_818 : f32 to vector<16xf32>
        %mul3A_847 = arith.mulf %get3A_845, %mul3A_846 : vector<16xf32>
        %swap3A_848 = arith.index_cast %add3A_816 : i32 to index
        %swap3A_849 = arith.constant 48 : index
        %swap3A_850 = tpu.vector_load %arg19[%swap3A_848, %swap3A_849] {strides = array<i32>} : memref<128x128xf32, #tpu.memory_space<vmem>>, vector<16xf32>,
        tpu.vector_store %arg19[%swap3A_848, %swap3A_849], %mul3A_847 {strides = array<i32>} : memref<128x128xf32, #tpu.memory_space<vmem>>, vector<16xf32>,
        %get3A_851 = arith.index_cast %add3A_816 : i32 to index
        %get3A_852 = arith.constant 64 : index
        %get3A_853 = tpu.vector_load %arg19[%get3A_851, %get3A_852] {strides = array<i32>} : memref<128x128xf32, #tpu.memory_space<vmem>>, vector<16xf32>,
        %mul3A_854 = vector.broadcast %squeeze3A_818 : f32 to vector<16xf32>
        %mul3A_855 = arith.mulf %get3A_853, %mul3A_854 : vector<16xf32>
        %swap3A_856 = arith.index_cast %add3A_816 : i32 to index
        %swap3A_857 = arith.constant 64 : index
        %swap3A_858 = tpu.vector_load %arg19[%swap3A_856, %swap3A_857] {strides = array<i32>} : memref<128x128xf32, #tpu.memory_space<vmem>>, vector<16xf32>,
        tpu.vector_store %arg19[%swap3A_856, %swap3A_857], %mul3A_855 {strides = array<i32>} : memref<128x128xf32, #tpu.memory_space<vmem>>, vector<16xf32>,
        %get3A_859 = arith.index_cast %add3A_816 : i32 to index
        %get3A_860 = arith.constant 80 : index
        %get3A_861 = tpu.vector_load %arg19[%get3A_859, %get3A_860] {strides = array<i32>} : memref<128x128xf32, #tpu.memory_space<vmem>>, vector<16xf32>,
        %mul3A_862 = vector.broadcast %squeeze3A_818 : f32 to vector<16xf32>
        %mul3A_863 = arith.mulf %get3A_861, %mul3A_862 : vector<16xf32>
        %swap3A_864 = arith.index_cast %add3A_816 : i32 to index
        %swap3A_865 = arith.constant 80 : index
        %swap3A_866 = tpu.vector_load %arg19[%swap3A_864, %swap3A_865] {strides = array<i32>} : memref<128x128xf32, #tpu.memory_space<vmem>>, vector<16xf32>,
        tpu.vector_store %arg19[%swap3A_864, %swap3A_865], %mul3A_863 {strides = array<i32>} : memref<128x128xf32, #tpu.memory_space<vmem>>, vector<16xf32>,
        %get3A_867 = arith.index_cast %add3A_816 : i32 to index
        %get3A_868 = arith.constant 96 : index
        %get3A_869 = tpu.vector_load %arg19[%get3A_867, %get3A_868] {strides = array<i32>} : memref<128x128xf32, #tpu.memory_space<vmem>>, vector<16xf32>,
        %mul3A_870 = vector.broadcast %squeeze3A_818 : f32 to vector<16xf32>
        %mul3A_871 = arith.mulf %get3A_869, %mul3A_870 : vector<16xf32>
        %swap3A_872 = arith.index_cast %add3A_816 : i32 to index
        %swap3A_873 = arith.constant 96 : index
        %swap3A_874 = tpu.vector_load %arg19[%swap3A_872, %swap3A_873] {strides = array<i32>} : memref<128x128xf32, #tpu.memory_space<vmem>>, vector<16xf32>,
        tpu.vector_store %arg19[%swap3A_872, %swap3A_873], %mul3A_871 {strides = array<i32>} : memref<128x128xf32, #tpu.memory_space<vmem>>, vector<16xf32>,
        %get3A_875 = arith.index_cast %add3A_816 : i32 to index
        %get3A_876 = arith.constant 112 : index
        %get3A_877 = tpu.vector_load %arg19[%get3A_875, %get3A_876] {strides = array<i32>} : memref<128x128xf32, #tpu.memory_space<vmem>>, vector<16xf32>,
        %mul3A_878 = vector.broadcast %squeeze3A_818 : f32 to vector<16xf32>
        %mul3A_879 = arith.mulf %get3A_877, %mul3A_878 : vector<16xf32>
        %swap3A_880 = arith.index_cast %add3A_816 : i32 to index
        %swap3A_881 = arith.constant 112 : index
        %swap3A_882 = tpu.vector_load %arg19[%swap3A_880, %swap3A_881] {strides = array<i32>} : memref<128x128xf32, #tpu.memory_space<vmem>>, vector<16xf32>,
        tpu.vector_store %arg19[%swap3A_880, %swap3A_881], %mul3A_879 {strides = array<i32>} : memref<128x128xf32, #tpu.memory_space<vmem>>, vector<16xf32>,
        %mul3A_883 = arith.constant 16 : i32
        %mul3A_884 = arith.muli %scan3A_390, %mul3A_883 : i32
        %add3A_885 = arith.constant 7 : i32
        %add3A_886 = arith.addi %mul3A_884, %add3A_885 : i32
        %slice3A_887 = vector.extract_strided_slice %get3A_394 {offsets = [7], sizes = [1], strides = [1]} : vector<16xf32> to vector<1xf32>
        %squeeze3A_888 = vector.extract %slice3A_887[0] : f32 from vector<1xf32>
        %get3A_889 = arith.index_cast %add3A_886 : i32 to index
        %get3A_890 = arith.constant 0 : index
        %get3A_891 = tpu.vector_load %arg19[%get3A_889, %get3A_890] {strides = array<i32>} : memref<128x128xf32, #tpu.memory_space<vmem>>, vector<16xf32>,
        %mul3A_892 = vector.broadcast %squeeze3A_888 : f32 to vector<16xf32>
        %mul3A_893 = arith.mulf %get3A_891, %mul3A_892 : vector<16xf32>
        %swap3A_894 = arith.index_cast %add3A_886 : i32 to index
        %swap3A_895 = arith.constant 0 : index
        %swap3A_896 = tpu.vector_load %arg19[%swap3A_894, %swap3A_895] {strides = array<i32>} : memref<128x128xf32, #tpu.memory_space<vmem>>, vector<16xf32>,
        tpu.vector_store %arg19[%swap3A_894, %swap3A_895], %mul3A_893 {strides = array<i32>} : memref<128x128xf32, #tpu.memory_space<vmem>>, vector<16xf32>,
        %get3A_897 = arith.index_cast %add3A_886 : i32 to index
        %get3A_898 = arith.constant 16 : index
        %get3A_899 = tpu.vector_load %arg19[%get3A_897, %get3A_898] {strides = array<i32>} : memref<128x128xf32, #tpu.memory_space<vmem>>, vector<16xf32>,
        %mul3A_900 = vector.broadcast %squeeze3A_888 : f32 to vector<16xf32>
        %mul3A_901 = arith.mulf %get3A_899, %mul3A_900 : vector<16xf32>
        %swap3A_902 = arith.index_cast %add3A_886 : i32 to index
        %swap3A_903 = arith.constant 16 : index
        %swap3A_904 = tpu.vector_load %arg19[%swap3A_902, %swap3A_903] {strides = array<i32>} : memref<128x128xf32, #tpu.memory_space<vmem>>, vector<16xf32>,
        tpu.vector_store %arg19[%swap3A_902, %swap3A_903], %mul3A_901 {strides = array<i32>} : memref<128x128xf32, #tpu.memory_space<vmem>>, vector<16xf32>,
        %get3A_905 = arith.index_cast %add3A_886 : i32 to index
        %get3A_906 = arith.constant 32 : index
        %get3A_907 = tpu.vector_load %arg19[%get3A_905, %get3A_906] {strides = array<i32>} : memref<128x128xf32, #tpu.memory_space<vmem>>, vector<16xf32>,
        %mul3A_908 = vector.broadcast %squeeze3A_888 : f32 to vector<16xf32>
        %mul3A_909 = arith.mulf %get3A_907, %mul3A_908 : vector<16xf32>
        %swap3A_910 = arith.index_cast %add3A_886 : i32 to index
        %swap3A_911 = arith.constant 32 : index
        %swap3A_912 = tpu.vector_load %arg19[%swap3A_910, %swap3A_911] {strides = array<i32>} : memref<128x128xf32, #tpu.memory_space<vmem>>, vector<16xf32>,
        tpu.vector_store %arg19[%swap3A_910, %swap3A_911], %mul3A_909 {strides = array<i32>} : memref<128x128xf32, #tpu.memory_space<vmem>>, vector<16xf32>,
        %get3A_913 = arith.index_cast %add3A_886 : i32 to index
        %get3A_914 = arith.constant 48 : index
        %get3A_915 = tpu.vector_load %arg19[%get3A_913, %get3A_914] {strides = array<i32>} : memref<128x128xf32, #tpu.memory_space<vmem>>, vector<16xf32>,
        %mul3A_916 = vector.broadcast %squeeze3A_888 : f32 to vector<16xf32>
        %mul3A_917 = arith.mulf %get3A_915, %mul3A_916 : vector<16xf32>
        %swap3A_918 = arith.index_cast %add3A_886 : i32 to index
        %swap3A_919 = arith.constant 48 : index
        %swap3A_920 = tpu.vector_load %arg19[%swap3A_918, %swap3A_919] {strides = array<i32>} : memref<128x128xf32, #tpu.memory_space<vmem>>, vector<16xf32>,
        tpu.vector_store %arg19[%swap3A_918, %swap3A_919], %mul3A_917 {strides = array<i32>} : memref<128x128xf32, #tpu.memory_space<vmem>>, vector<16xf32>,
        %get3A_921 = arith.index_cast %add3A_886 : i32 to index
        %get3A_922 = arith.constant 64 : index
        %get3A_923 = tpu.vector_load %arg19[%get3A_921, %get3A_922] {strides = array<i32>} : memref<128x128xf32, #tpu.memory_space<vmem>>, vector<16xf32>,
        %mul3A_924 = vector.broadcast %squeeze3A_888 : f32 to vector<16xf32>
        %mul3A_925 = arith.mulf %get3A_923, %mul3A_924 : vector<16xf32>
        %swap3A_926 = arith.index_cast %add3A_886 : i32 to index
        %swap3A_927 = arith.constant 64 : index
        %swap3A_928 = tpu.vector_load %arg19[%swap3A_926, %swap3A_927] {strides = array<i32>} : memref<128x128xf32, #tpu.memory_space<vmem>>, vector<16xf32>,
        tpu.vector_store %arg19[%swap3A_926, %swap3A_927], %mul3A_925 {strides = array<i32>} : memref<128x128xf32, #tpu.memory_space<vmem>>, vector<16xf32>,
        %get3A_929 = arith.index_cast %add3A_886 : i32 to index
        %get3A_930 = arith.constant 80 : index
        %get3A_931 = tpu.vector_load %arg19[%get3A_929, %get3A_930] {strides = array<i32>} : memref<128x128xf32, #tpu.memory_space<vmem>>, vector<16xf32>,
        %mul3A_932 = vector.broadcast %squeeze3A_888 : f32 to vector<16xf32>
        %mul3A_933 = arith.mulf %get3A_931, %mul3A_932 : vector<16xf32>
        %swap3A_934 = arith.index_cast %add3A_886 : i32 to index
        %swap3A_935 = arith.constant 80 : index
        %swap3A_936 = tpu.vector_load %arg19[%swap3A_934, %swap3A_935] {strides = array<i32>} : memref<128x128xf32, #tpu.memory_space<vmem>>, vector<16xf32>,
        tpu.vector_store %arg19[%swap3A_934, %swap3A_935], %mul3A_933 {strides = array<i32>} : memref<128x128xf32, #tpu.memory_space<vmem>>, vector<16xf32>,
        %get3A_937 = arith.index_cast %add3A_886 : i32 to index
        %get3A_938 = arith.constant 96 : index
        %get3A_939 = tpu.vector_load %arg19[%get3A_937, %get3A_938] {strides = array<i32>} : memref<128x128xf32, #tpu.memory_space<vmem>>, vector<16xf32>,
        %mul3A_940 = vector.broadcast %squeeze3A_888 : f32 to vector<16xf32>
        %mul3A_941 = arith.mulf %get3A_939, %mul3A_940 : vector<16xf32>
        %swap3A_942 = arith.index_cast %add3A_886 : i32 to index
        %swap3A_943 = arith.constant 96 : index
        %swap3A_944 = tpu.vector_load %arg19[%swap3A_942, %swap3A_943] {strides = array<i32>} : memref<128x128xf32, #tpu.memory_space<vmem>>, vector<16xf32>,
        tpu.vector_store %arg19[%swap3A_942, %swap3A_943], %mul3A_941 {strides = array<i32>} : memref<128x128xf32, #tpu.memory_space<vmem>>, vector<16xf32>,
        %get3A_945 = arith.index_cast %add3A_886 : i32 to index
        %get3A_946 = arith.constant 112 : index
        %get3A_947 = tpu.vector_load %arg19[%get3A_945, %get3A_946] {strides = array<i32>} : memref<128x128xf32, #tpu.memory_space<vmem>>, vector<16xf32>,
        %mul3A_948 = vector.broadcast %squeeze3A_888 : f32 to vector<16xf32>
        %mul3A_949 = arith.mulf %get3A_947, %mul3A_948 : vector<16xf32>
        %swap3A_950 = arith.index_cast %add3A_886 : i32 to index
        %swap3A_951 = arith.constant 112 : index
        %swap3A_952 = tpu.vector_load %arg19[%swap3A_950, %swap3A_951] {strides = array<i32>} : memref<128x128xf32, #tpu.memory_space<vmem>>, vector<16xf32>,
        tpu.vector_store %arg19[%swap3A_950, %swap3A_951], %mul3A_949 {strides = array<i32>} : memref<128x128xf32, #tpu.memory_space<vmem>>, vector<16xf32>,
        %mul3A_953 = arith.constant 16 : i32
        %mul3A_954 = arith.muli %scan3A_390, %mul3A_953 : i32
        %add3A_955 = arith.constant 8 : i32
        %add3A_956 = arith.addi %mul3A_954, %add3A_955 : i32
        %slice3A_957 = vector.extract_strided_slice %get3A_394 {offsets = [8], sizes = [1], strides = [1]} : vector<16xf32> to vector<1xf32>
        %squeeze3A_958 = vector.extract %slice3A_957[0] : f32 from vector<1xf32>
        %get3A_959 = arith.index_cast %add3A_956 : i32 to index
        %get3A_960 = arith.constant 0 : index
        %get3A_961 = tpu.vector_load %arg19[%get3A_959, %get3A_960] {strides = array<i32>} : memref<128x128xf32, #tpu.memory_space<vmem>>, vector<16xf32>,
        %mul3A_962 = vector.broadcast %squeeze3A_958 : f32 to vector<16xf32>
        %mul3A_963 = arith.mulf %get3A_961, %mul3A_962 : vector<16xf32>
        %swap3A_964 = arith.index_cast %add3A_956 : i32 to index
        %swap3A_965 = arith.constant 0 : index
        %swap3A_966 = tpu.vector_load %arg19[%swap3A_964, %swap3A_965] {strides = array<i32>} : memref<128x128xf32, #tpu.memory_space<vmem>>, vector<16xf32>,
        tpu.vector_store %arg19[%swap3A_964, %swap3A_965], %mul3A_963 {strides = array<i32>} : memref<128x128xf32, #tpu.memory_space<vmem>>, vector<16xf32>,
        %get3A_967 = arith.index_cast %add3A_956 : i32 to index
        %get3A_968 = arith.constant 16 : index
        %get3A_969 = tpu.vector_load %arg19[%get3A_967, %get3A_968] {strides = array<i32>} : memref<128x128xf32, #tpu.memory_space<vmem>>, vector<16xf32>,
        %mul3A_970 = vector.broadcast %squeeze3A_958 : f32 to vector<16xf32>
        %mul3A_971 = arith.mulf %get3A_969, %mul3A_970 : vector<16xf32>
        %swap3A_972 = arith.index_cast %add3A_956 : i32 to index
        %swap3A_973 = arith.constant 16 : index
        %swap3A_974 = tpu.vector_load %arg19[%swap3A_972, %swap3A_973] {strides = array<i32>} : memref<128x128xf32, #tpu.memory_space<vmem>>, vector<16xf32>,
        tpu.vector_store %arg19[%swap3A_972, %swap3A_973], %mul3A_971 {strides = array<i32>} : memref<128x128xf32, #tpu.memory_space<vmem>>, vector<16xf32>,
        %get3A_975 = arith.index_cast %add3A_956 : i32 to index
        %get3A_976 = arith.constant 32 : index
        %get3A_977 = tpu.vector_load %arg19[%get3A_975, %get3A_976] {strides = array<i32>} : memref<128x128xf32, #tpu.memory_space<vmem>>, vector<16xf32>,
        %mul3A_978 = vector.broadcast %squeeze3A_958 : f32 to vector<16xf32>
        %mul3A_979 = arith.mulf %get3A_977, %mul3A_978 : vector<16xf32>
        %swap3A_980 = arith.index_cast %add3A_956 : i32 to index
        %swap3A_981 = arith.constant 32 : index
        %swap3A_982 = tpu.vector_load %arg19[%swap3A_980, %swap3A_981] {strides = array<i32>} : memref<128x128xf32, #tpu.memory_space<vmem>>, vector<16xf32>,
        tpu.vector_store %arg19[%swap3A_980, %swap3A_981], %mul3A_979 {strides = array<i32>} : memref<128x128xf32, #tpu.memory_space<vmem>>, vector<16xf32>,
        %get3A_983 = arith.index_cast %add3A_956 : i32 to index
        %get3A_984 = arith.constant 48 : index
        %get3A_985 = tpu.vector_load %arg19[%get3A_983, %get3A_984] {strides = array<i32>} : memref<128x128xf32, #tpu.memory_space<vmem>>, vector<16xf32>,
        %mul3A_986 = vector.broadcast %squeeze3A_958 : f32 to vector<16xf32>
        %mul3A_987 = arith.mulf %get3A_985, %mul3A_986 : vector<16xf32>
        %swap3A_988 = arith.index_cast %add3A_956 : i32 to index
        %swap3A_989 = arith.constant 48 : index
        %swap3A_990 = tpu.vector_load %arg19[%swap3A_988, %swap3A_989] {strides = array<i32>} : memref<128x128xf32, #tpu.memory_space<vmem>>, vector<16xf32>,
        tpu.vector_store %arg19[%swap3A_988, %swap3A_989], %mul3A_987 {strides = array<i32>} : memref<128x128xf32, #tpu.memory_space<vmem>>, vector<16xf32>,
        %get3A_991 = arith.index_cast %add3A_956 : i32 to index
        %get3A_992 = arith.constant 64 : index
        %get3A_993 = tpu.vector_load %arg19[%get3A_991, %get3A_992] {strides = array<i32>} : memref<128x128xf32, #tpu.memory_space<vmem>>, vector<16xf32>,
        %mul3A_994 = vector.broadcast %squeeze3A_958 : f32 to vector<16xf32>
        %mul3A_995 = arith.mulf %get3A_993, %mul3A_994 : vector<16xf32>
        %swap3A_996 = arith.index_cast %add3A_956 : i32 to index
        %swap3A_997 = arith.constant 64 : index
        %swap3A_998 = tpu.vector_load %arg19[%swap3A_996, %swap3A_997] {strides = array<i32>} : memref<128x128xf32, #tpu.memory_space<vmem>>, vector<16xf32>,
        tpu.vector_store %arg19[%swap3A_996, %swap3A_997], %mul3A_995 {strides = array<i32>} : memref<128x128xf32, #tpu.memory_space<vmem>>, vector<16xf32>,
        %get3A_999 = arith.index_cast %add3A_956 : i32 to index
        %get3A_1000 = arith.constant 80 : index
        %get3A_1001 = tpu.vector_load %arg19[%get3A_999, %get3A_1000] {strides = array<i32>} : memref<128x128xf32, #tpu.memory_space<vmem>>, vector<16xf32>,
        %mul3A_1002 = vector.broadcast %squeeze3A_958 : f32 to vector<16xf32>
        %mul3A_1003 = arith.mulf %get3A_1001, %mul3A_1002 : vector<16xf32>
        %swap3A_1004 = arith.index_cast %add3A_956 : i32 to index
        %swap3A_1005 = arith.constant 80 : index
        %swap3A_1006 = tpu.vector_load %arg19[%swap3A_1004, %swap3A_1005] {strides = array<i32>} : memref<128x128xf32, #tpu.memory_space<vmem>>, vector<16xf32>,
        tpu.vector_store %arg19[%swap3A_1004, %swap3A_1005], %mul3A_1003 {strides = array<i32>} : memref<128x128xf32, #tpu.memory_space<vmem>>, vector<16xf32>,
        %get3A_1007 = arith.index_cast %add3A_956 : i32 to index
        %get3A_1008 = arith.constant 96 : index
        %get3A_1009 = tpu.vector_load %arg19[%get3A_1007, %get3A_1008] {strides = array<i32>} : memref<128x128xf32, #tpu.memory_space<vmem>>, vector<16xf32>,
        %mul3A_1010 = vector.broadcast %squeeze3A_958 : f32 to vector<16xf32>
        %mul3A_1011 = arith.mulf %get3A_1009, %mul3A_1010 : vector<16xf32>
        %swap3A_1012 = arith.index_cast %add3A_956 : i32 to index
        %swap3A_1013 = arith.constant 96 : index
        %swap3A_1014 = tpu.vector_load %arg19[%swap3A_1012, %swap3A_1013] {strides = array<i32>} : memref<128x128xf32, #tpu.memory_space<vmem>>, vector<16xf32>,
        tpu.vector_store %arg19[%swap3A_1012, %swap3A_1013], %mul3A_1011 {strides = array<i32>} : memref<128x128xf32, #tpu.memory_space<vmem>>, vector<16xf32>,
        %get3A_1015 = arith.index_cast %add3A_956 : i32 to index
        %get3A_1016 = arith.constant 112 : index
        %get3A_1017 = tpu.vector_load %arg19[%get3A_1015, %get3A_1016] {strides = array<i32>} : memref<128x128xf32, #tpu.memory_space<vmem>>, vector<16xf32>,
        %mul3A_1018 = vector.broadcast %squeeze3A_958 : f32 to vector<16xf32>
        %mul3A_1019 = arith.mulf %get3A_1017, %mul3A_1018 : vector<16xf32>
        %swap3A_1020 = arith.index_cast %add3A_956 : i32 to index
        %swap3A_1021 = arith.constant 112 : index
        %swap3A_1022 = tpu.vector_load %arg19[%swap3A_1020, %swap3A_1021] {strides = array<i32>} : memref<128x128xf32, #tpu.memory_space<vmem>>, vector<16xf32>,
        tpu.vector_store %arg19[%swap3A_1020, %swap3A_1021], %mul3A_1019 {strides = array<i32>} : memref<128x128xf32, #tpu.memory_space<vmem>>, vector<16xf32>,
        %mul3A_1023 = arith.constant 16 : i32
        %mul3A_1024 = arith.muli %scan3A_390, %mul3A_1023 : i32
        %add3A_1025 = arith.constant 9 : i32
        %add3A_1026 = arith.addi %mul3A_1024, %add3A_1025 : i32
        %slice3A_1027 = vector.extract_strided_slice %get3A_394 {offsets = [9], sizes = [1], strides = [1]} : vector<16xf32> to vector<1xf32>
        %squeeze3A_1028 = vector.extract %slice3A_1027[0] : f32 from vector<1xf32>
        %get3A_1029 = arith.index_cast %add3A_1026 : i32 to index
        %get3A_1030 = arith.constant 0 : index
        %get3A_1031 = tpu.vector_load %arg19[%get3A_1029, %get3A_1030] {strides = array<i32>} : memref<128x128xf32, #tpu.memory_space<vmem>>, vector<16xf32>,
        %mul3A_1032 = vector.broadcast %squeeze3A_1028 : f32 to vector<16xf32>
        %mul3A_1033 = arith.mulf %get3A_1031, %mul3A_1032 : vector<16xf32>
        %swap3A_1034 = arith.index_cast %add3A_1026 : i32 to index
        %swap3A_1035 = arith.constant 0 : index
        %swap3A_1036 = tpu.vector_load %arg19[%swap3A_1034, %swap3A_1035] {strides = array<i32>} : memref<128x128xf32, #tpu.memory_space<vmem>>, vector<16xf32>,
        tpu.vector_store %arg19[%swap3A_1034, %swap3A_1035], %mul3A_1033 {strides = array<i32>} : memref<128x128xf32, #tpu.memory_space<vmem>>, vector<16xf32>,
        %get3A_1037 = arith.index_cast %add3A_1026 : i32 to index
        %get3A_1038 = arith.constant 16 : index
        %get3A_1039 = tpu.vector_load %arg19[%get3A_1037, %get3A_1038] {strides = array<i32>} : memref<128x128xf32, #tpu.memory_space<vmem>>, vector<16xf32>,
        %mul3A_1040 = vector.broadcast %squeeze3A_1028 : f32 to vector<16xf32>
        %mul3A_1041 = arith.mulf %get3A_1039, %mul3A_1040 : vector<16xf32>
        %swap3A_1042 = arith.index_cast %add3A_1026 : i32 to index
        %swap3A_1043 = arith.constant 16 : index
        %swap3A_1044 = tpu.vector_load %arg19[%swap3A_1042, %swap3A_1043] {strides = array<i32>} : memref<128x128xf32, #tpu.memory_space<vmem>>, vector<16xf32>,
        tpu.vector_store %arg19[%swap3A_1042, %swap3A_1043], %mul3A_1041 {strides = array<i32>} : memref<128x128xf32, #tpu.memory_space<vmem>>, vector<16xf32>,
        %get3A_1045 = arith.index_cast %add3A_1026 : i32 to index
        %get3A_1046 = arith.constant 32 : index
        %get3A_1047 = tpu.vector_load %arg19[%get3A_1045, %get3A_1046] {strides = array<i32>} : memref<128x128xf32, #tpu.memory_space<vmem>>, vector<16xf32>,
        %mul3A_1048 = vector.broadcast %squeeze3A_1028 : f32 to vector<16xf32>
        %mul3A_1049 = arith.mulf %get3A_1047, %mul3A_1048 : vector<16xf32>
        %swap3A_1050 = arith.index_cast %add3A_1026 : i32 to index
        %swap3A_1051 = arith.constant 32 : index
        %swap3A_1052 = tpu.vector_load %arg19[%swap3A_1050, %swap3A_1051] {strides = array<i32>} : memref<128x128xf32, #tpu.memory_space<vmem>>, vector<16xf32>,
        tpu.vector_store %arg19[%swap3A_1050, %swap3A_1051], %mul3A_1049 {strides = array<i32>} : memref<128x128xf32, #tpu.memory_space<vmem>>, vector<16xf32>,
        %get3A_1053 = arith.index_cast %add3A_1026 : i32 to index
        %get3A_1054 = arith.constant 48 : index
        %get3A_1055 = tpu.vector_load %arg19[%get3A_1053, %get3A_1054] {strides = array<i32>} : memref<128x128xf32, #tpu.memory_space<vmem>>, vector<16xf32>,
        %mul3A_1056 = vector.broadcast %squeeze3A_1028 : f32 to vector<16xf32>
        %mul3A_1057 = arith.mulf %get3A_1055, %mul3A_1056 : vector<16xf32>
        %swap3A_1058 = arith.index_cast %add3A_1026 : i32 to index
        %swap3A_1059 = arith.constant 48 : index
        %swap3A_1060 = tpu.vector_load %arg19[%swap3A_1058, %swap3A_1059] {strides = array<i32>} : memref<128x128xf32, #tpu.memory_space<vmem>>, vector<16xf32>,
        tpu.vector_store %arg19[%swap3A_1058, %swap3A_1059], %mul3A_1057 {strides = array<i32>} : memref<128x128xf32, #tpu.memory_space<vmem>>, vector<16xf32>,
        %get3A_1061 = arith.index_cast %add3A_1026 : i32 to index
        %get3A_1062 = arith.constant 64 : index
        %get3A_1063 = tpu.vector_load %arg19[%get3A_1061, %get3A_1062] {strides = array<i32>} : memref<128x128xf32, #tpu.memory_space<vmem>>, vector<16xf32>,
        %mul3A_1064 = vector.broadcast %squeeze3A_1028 : f32 to vector<16xf32>
        %mul3A_1065 = arith.mulf %get3A_1063, %mul3A_1064 : vector<16xf32>
        %swap3A_1066 = arith.index_cast %add3A_1026 : i32 to index
        %swap3A_1067 = arith.constant 64 : index
        %swap3A_1068 = tpu.vector_load %arg19[%swap3A_1066, %swap3A_1067] {strides = array<i32>} : memref<128x128xf32, #tpu.memory_space<vmem>>, vector<16xf32>,
        tpu.vector_store %arg19[%swap3A_1066, %swap3A_1067], %mul3A_1065 {strides = array<i32>} : memref<128x128xf32, #tpu.memory_space<vmem>>, vector<16xf32>,
        %get3A_1069 = arith.index_cast %add3A_1026 : i32 to index
        %get3A_1070 = arith.constant 80 : index
        %get3A_1071 = tpu.vector_load %arg19[%get3A_1069, %get3A_1070] {strides = array<i32>} : memref<128x128xf32, #tpu.memory_space<vmem>>, vector<16xf32>,
        %mul3A_1072 = vector.broadcast %squeeze3A_1028 : f32 to vector<16xf32>
        %mul3A_1073 = arith.mulf %get3A_1071, %mul3A_1072 : vector<16xf32>
        %swap3A_1074 = arith.index_cast %add3A_1026 : i32 to index
        %swap3A_1075 = arith.constant 80 : index
        %swap3A_1076 = tpu.vector_load %arg19[%swap3A_1074, %swap3A_1075] {strides = array<i32>} : memref<128x128xf32, #tpu.memory_space<vmem>>, vector<16xf32>,
        tpu.vector_store %arg19[%swap3A_1074, %swap3A_1075], %mul3A_1073 {strides = array<i32>} : memref<128x128xf32, #tpu.memory_space<vmem>>, vector<16xf32>,
        %get3A_1077 = arith.index_cast %add3A_1026 : i32 to index
        %get3A_1078 = arith.constant 96 : index
        %get3A_1079 = tpu.vector_load %arg19[%get3A_1077, %get3A_1078] {strides = array<i32>} : memref<128x128xf32, #tpu.memory_space<vmem>>, vector<16xf32>,
        %mul3A_1080 = vector.broadcast %squeeze3A_1028 : f32 to vector<16xf32>
        %mul3A_1081 = arith.mulf %get3A_1079, %mul3A_1080 : vector<16xf32>
        %swap3A_1082 = arith.index_cast %add3A_1026 : i32 to index
        %swap3A_1083 = arith.constant 96 : index
        %swap3A_1084 = tpu.vector_load %arg19[%swap3A_1082, %swap3A_1083] {strides = array<i32>} : memref<128x128xf32, #tpu.memory_space<vmem>>, vector<16xf32>,
        tpu.vector_store %arg19[%swap3A_1082, %swap3A_1083], %mul3A_1081 {strides = array<i32>} : memref<128x128xf32, #tpu.memory_space<vmem>>, vector<16xf32>,
        %get3A_1085 = arith.index_cast %add3A_1026 : i32 to index
        %get3A_1086 = arith.constant 112 : index
        %get3A_1087 = tpu.vector_load %arg19[%get3A_1085, %get3A_1086] {strides = array<i32>} : memref<128x128xf32, #tpu.memory_space<vmem>>, vector<16xf32>,
        %mul3A_1088 = vector.broadcast %squeeze3A_1028 : f32 to vector<16xf32>
        %mul3A_1089 = arith.mulf %get3A_1087, %mul3A_1088 : vector<16xf32>
        %swap3A_1090 = arith.index_cast %add3A_1026 : i32 to index
        %swap3A_1091 = arith.constant 112 : index
        %swap3A_1092 = tpu.vector_load %arg19[%swap3A_1090, %swap3A_1091] {strides = array<i32>} : memref<128x128xf32, #tpu.memory_space<vmem>>, vector<16xf32>,
        tpu.vector_store %arg19[%swap3A_1090, %swap3A_1091], %mul3A_1089 {strides = array<i32>} : memref<128x128xf32, #tpu.memory_space<vmem>>, vector<16xf32>,
        %mul3A_1093 = arith.constant 16 : i32
        %mul3A_1094 = arith.muli %scan3A_390, %mul3A_1093 : i32
        %add3A_1095 = arith.constant 10 : i32
        %add3A_1096 = arith.addi %mul3A_1094, %add3A_1095 : i32
        %slice3A_1097 = vector.extract_strided_slice %get3A_394 {offsets = [10], sizes = [1], strides = [1]} : vector<16xf32> to vector<1xf32>
        %squeeze3A_1098 = vector.extract %slice3A_1097[0] : f32 from vector<1xf32>
        %get3A_1099 = arith.index_cast %add3A_1096 : i32 to index
        %get3A_1100 = arith.constant 0 : index
        %get3A_1101 = tpu.vector_load %arg19[%get3A_1099, %get3A_1100] {strides = array<i32>} : memref<128x128xf32, #tpu.memory_space<vmem>>, vector<16xf32>,
        %mul3A_1102 = vector.broadcast %squeeze3A_1098 : f32 to vector<16xf32>
        %mul3A_1103 = arith.mulf %get3A_1101, %mul3A_1102 : vector<16xf32>
        %swap3A_1104 = arith.index_cast %add3A_1096 : i32 to index
        %swap3A_1105 = arith.constant 0 : index
        %swap3A_1106 = tpu.vector_load %arg19[%swap3A_1104, %swap3A_1105] {strides = array<i32>} : memref<128x128xf32, #tpu.memory_space<vmem>>, vector<16xf32>,
        tpu.vector_store %arg19[%swap3A_1104, %swap3A_1105], %mul3A_1103 {strides = array<i32>} : memref<128x128xf32, #tpu.memory_space<vmem>>, vector<16xf32>,
        %get3A_1107 = arith.index_cast %add3A_1096 : i32 to index
        %get3A_1108 = arith.constant 16 : index
        %get3A_1109 = tpu.vector_load %arg19[%get3A_1107, %get3A_1108] {strides = array<i32>} : memref<128x128xf32, #tpu.memory_space<vmem>>, vector<16xf32>,
        %mul3A_1110 = vector.broadcast %squeeze3A_1098 : f32 to vector<16xf32>
        %mul3A_1111 = arith.mulf %get3A_1109, %mul3A_1110 : vector<16xf32>
        %swap3A_1112 = arith.index_cast %add3A_1096 : i32 to index
        %swap3A_1113 = arith.constant 16 : index
        %swap3A_1114 = tpu.vector_load %arg19[%swap3A_1112, %swap3A_1113] {strides = array<i32>} : memref<128x128xf32, #tpu.memory_space<vmem>>, vector<16xf32>,
        tpu.vector_store %arg19[%swap3A_1112, %swap3A_1113], %mul3A_1111 {strides = array<i32>} : memref<128x128xf32, #tpu.memory_space<vmem>>, vector<16xf32>,
        %get3A_1115 = arith.index_cast %add3A_1096 : i32 to index
        %get3A_1116 = arith.constant 32 : index
        %get3A_1117 = tpu.vector_load %arg19[%get3A_1115, %get3A_1116] {strides = array<i32>} : memref<128x128xf32, #tpu.memory_space<vmem>>, vector<16xf32>,
        %mul3A_1118 = vector.broadcast %squeeze3A_1098 : f32 to vector<16xf32>
        %mul3A_1119 = arith.mulf %get3A_1117, %mul3A_1118 : vector<16xf32>
        %swap3A_1120 = arith.index_cast %add3A_1096 : i32 to index
        %swap3A_1121 = arith.constant 32 : index
        %swap3A_1122 = tpu.vector_load %arg19[%swap3A_1120, %swap3A_1121] {strides = array<i32>} : memref<128x128xf32, #tpu.memory_space<vmem>>, vector<16xf32>,
        tpu.vector_store %arg19[%swap3A_1120, %swap3A_1121], %mul3A_1119 {strides = array<i32>} : memref<128x128xf32, #tpu.memory_space<vmem>>, vector<16xf32>,
        %get3A_1123 = arith.index_cast %add3A_1096 : i32 to index
        %get3A_1124 = arith.constant 48 : index
        %get3A_1125 = tpu.vector_load %arg19[%get3A_1123, %get3A_1124] {strides = array<i32>} : memref<128x128xf32, #tpu.memory_space<vmem>>, vector<16xf32>,
        %mul3A_1126 = vector.broadcast %squeeze3A_1098 : f32 to vector<16xf32>
        %mul3A_1127 = arith.mulf %get3A_1125, %mul3A_1126 : vector<16xf32>
        %swap3A_1128 = arith.index_cast %add3A_1096 : i32 to index
        %swap3A_1129 = arith.constant 48 : index
        %swap3A_1130 = tpu.vector_load %arg19[%swap3A_1128, %swap3A_1129] {strides = array<i32>} : memref<128x128xf32, #tpu.memory_space<vmem>>, vector<16xf32>,
        tpu.vector_store %arg19[%swap3A_1128, %swap3A_1129], %mul3A_1127 {strides = array<i32>} : memref<128x128xf32, #tpu.memory_space<vmem>>, vector<16xf32>,
        %get3A_1131 = arith.index_cast %add3A_1096 : i32 to index
        %get3A_1132 = arith.constant 64 : index
        %get3A_1133 = tpu.vector_load %arg19[%get3A_1131, %get3A_1132] {strides = array<i32>} : memref<128x128xf32, #tpu.memory_space<vmem>>, vector<16xf32>,
        %mul3A_1134 = vector.broadcast %squeeze3A_1098 : f32 to vector<16xf32>
        %mul3A_1135 = arith.mulf %get3A_1133, %mul3A_1134 : vector<16xf32>
        %swap3A_1136 = arith.index_cast %add3A_1096 : i32 to index
        %swap3A_1137 = arith.constant 64 : index
        %swap3A_1138 = tpu.vector_load %arg19[%swap3A_1136, %swap3A_1137] {strides = array<i32>} : memref<128x128xf32, #tpu.memory_space<vmem>>, vector<16xf32>,
        tpu.vector_store %arg19[%swap3A_1136, %swap3A_1137], %mul3A_1135 {strides = array<i32>} : memref<128x128xf32, #tpu.memory_space<vmem>>, vector<16xf32>,
        %get3A_1139 = arith.index_cast %add3A_1096 : i32 to index
        %get3A_1140 = arith.constant 80 : index
        %get3A_1141 = tpu.vector_load %arg19[%get3A_1139, %get3A_1140] {strides = array<i32>} : memref<128x128xf32, #tpu.memory_space<vmem>>, vector<16xf32>,
        %mul3A_1142 = vector.broadcast %squeeze3A_1098 : f32 to vector<16xf32>
        %mul3A_1143 = arith.mulf %get3A_1141, %mul3A_1142 : vector<16xf32>
        %swap3A_1144 = arith.index_cast %add3A_1096 : i32 to index
        %swap3A_1145 = arith.constant 80 : index
        %swap3A_1146 = tpu.vector_load %arg19[%swap3A_1144, %swap3A_1145] {strides = array<i32>} : memref<128x128xf32, #tpu.memory_space<vmem>>, vector<16xf32>,
        tpu.vector_store %arg19[%swap3A_1144, %swap3A_1145], %mul3A_1143 {strides = array<i32>} : memref<128x128xf32, #tpu.memory_space<vmem>>, vector<16xf32>,
        %get3A_1147 = arith.index_cast %add3A_1096 : i32 to index
        %get3A_1148 = arith.constant 96 : index
        %get3A_1149 = tpu.vector_load %arg19[%get3A_1147, %get3A_1148] {strides = array<i32>} : memref<128x128xf32, #tpu.memory_space<vmem>>, vector<16xf32>,
        %mul3A_1150 = vector.broadcast %squeeze3A_1098 : f32 to vector<16xf32>
        %mul3A_1151 = arith.mulf %get3A_1149, %mul3A_1150 : vector<16xf32>
        %swap3A_1152 = arith.index_cast %add3A_1096 : i32 to index
        %swap3A_1153 = arith.constant 96 : index
        %swap3A_1154 = tpu.vector_load %arg19[%swap3A_1152, %swap3A_1153] {strides = array<i32>} : memref<128x128xf32, #tpu.memory_space<vmem>>, vector<16xf32>,
        tpu.vector_store %arg19[%swap3A_1152, %swap3A_1153], %mul3A_1151 {strides = array<i32>} : memref<128x128xf32, #tpu.memory_space<vmem>>, vector<16xf32>,
        %get3A_1155 = arith.index_cast %add3A_1096 : i32 to index
        %get3A_1156 = arith.constant 112 : index
        %get3A_1157 = tpu.vector_load %arg19[%get3A_1155, %get3A_1156] {strides = array<i32>} : memref<128x128xf32, #tpu.memory_space<vmem>>, vector<16xf32>,
        %mul3A_1158 = vector.broadcast %squeeze3A_1098 : f32 to vector<16xf32>
        %mul3A_1159 = arith.mulf %get3A_1157, %mul3A_1158 : vector<16xf32>
        %swap3A_1160 = arith.index_cast %add3A_1096 : i32 to index
        %swap3A_1161 = arith.constant 112 : index
        %swap3A_1162 = tpu.vector_load %arg19[%swap3A_1160, %swap3A_1161] {strides = array<i32>} : memref<128x128xf32, #tpu.memory_space<vmem>>, vector<16xf32>,
        tpu.vector_store %arg19[%swap3A_1160, %swap3A_1161], %mul3A_1159 {strides = array<i32>} : memref<128x128xf32, #tpu.memory_space<vmem>>, vector<16xf32>,
        %mul3A_1163 = arith.constant 16 : i32
        %mul3A_1164 = arith.muli %scan3A_390, %mul3A_1163 : i32
        %add3A_1165 = arith.constant 11 : i32
        %add3A_1166 = arith.addi %mul3A_1164, %add3A_1165 : i32
        %slice3A_1167 = vector.extract_strided_slice %get3A_394 {offsets = [11], sizes = [1], strides = [1]} : vector<16xf32> to vector<1xf32>
        %squeeze3A_1168 = vector.extract %slice3A_1167[0] : f32 from vector<1xf32>
        %get3A_1169 = arith.index_cast %add3A_1166 : i32 to index
        %get3A_1170 = arith.constant 0 : index
        %get3A_1171 = tpu.vector_load %arg19[%get3A_1169, %get3A_1170] {strides = array<i32>} : memref<128x128xf32, #tpu.memory_space<vmem>>, vector<16xf32>,
        %mul3A_1172 = vector.broadcast %squeeze3A_1168 : f32 to vector<16xf32>
        %mul3A_1173 = arith.mulf %get3A_1171, %mul3A_1172 : vector<16xf32>
        %swap3A_1174 = arith.index_cast %add3A_1166 : i32 to index
        %swap3A_1175 = arith.constant 0 : index
        %swap3A_1176 = tpu.vector_load %arg19[%swap3A_1174, %swap3A_1175] {strides = array<i32>} : memref<128x128xf32, #tpu.memory_space<vmem>>, vector<16xf32>,
        tpu.vector_store %arg19[%swap3A_1174, %swap3A_1175], %mul3A_1173 {strides = array<i32>} : memref<128x128xf32, #tpu.memory_space<vmem>>, vector<16xf32>,
        %get3A_1177 = arith.index_cast %add3A_1166 : i32 to index
        %get3A_1178 = arith.constant 16 : index
        %get3A_1179 = tpu.vector_load %arg19[%get3A_1177, %get3A_1178] {strides = array<i32>} : memref<128x128xf32, #tpu.memory_space<vmem>>, vector<16xf32>,
        %mul3A_1180 = vector.broadcast %squeeze3A_1168 : f32 to vector<16xf32>
        %mul3A_1181 = arith.mulf %get3A_1179, %mul3A_1180 : vector<16xf32>
        %swap3A_1182 = arith.index_cast %add3A_1166 : i32 to index
        %swap3A_1183 = arith.constant 16 : index
        %swap3A_1184 = tpu.vector_load %arg19[%swap3A_1182, %swap3A_1183] {strides = array<i32>} : memref<128x128xf32, #tpu.memory_space<vmem>>, vector<16xf32>,
        tpu.vector_store %arg19[%swap3A_1182, %swap3A_1183], %mul3A_1181 {strides = array<i32>} : memref<128x128xf32, #tpu.memory_space<vmem>>, vector<16xf32>,
        %get3A_1185 = arith.index_cast %add3A_1166 : i32 to index
        %get3A_1186 = arith.constant 32 : index
        %get3A_1187 = tpu.vector_load %arg19[%get3A_1185, %get3A_1186] {strides = array<i32>} : memref<128x128xf32, #tpu.memory_space<vmem>>, vector<16xf32>,
        %mul3A_1188 = vector.broadcast %squeeze3A_1168 : f32 to vector<16xf32>
        %mul3A_1189 = arith.mulf %get3A_1187, %mul3A_1188 : vector<16xf32>
        %swap3A_1190 = arith.index_cast %add3A_1166 : i32 to index
        %swap3A_1191 = arith.constant 32 : index
        %swap3A_1192 = tpu.vector_load %arg19[%swap3A_1190, %swap3A_1191] {strides = array<i32>} : memref<128x128xf32, #tpu.memory_space<vmem>>, vector<16xf32>,
        tpu.vector_store %arg19[%swap3A_1190, %swap3A_1191], %mul3A_1189 {strides = array<i32>} : memref<128x128xf32, #tpu.memory_space<vmem>>, vector<16xf32>,
        %get3A_1193 = arith.index_cast %add3A_1166 : i32 to index
        %get3A_1194 = arith.constant 48 : index
        %get3A_1195 = tpu.vector_load %arg19[%get3A_1193, %get3A_1194] {strides = array<i32>} : memref<128x128xf32, #tpu.memory_space<vmem>>, vector<16xf32>,
        %mul3A_1196 = vector.broadcast %squeeze3A_1168 : f32 to vector<16xf32>
        %mul3A_1197 = arith.mulf %get3A_1195, %mul3A_1196 : vector<16xf32>
        %swap3A_1198 = arith.index_cast %add3A_1166 : i32 to index
        %swap3A_1199 = arith.constant 48 : index
        %swap3A_1200 = tpu.vector_load %arg19[%swap3A_1198, %swap3A_1199] {strides = array<i32>} : memref<128x128xf32, #tpu.memory_space<vmem>>, vector<16xf32>,
        tpu.vector_store %arg19[%swap3A_1198, %swap3A_1199], %mul3A_1197 {strides = array<i32>} : memref<128x128xf32, #tpu.memory_space<vmem>>, vector<16xf32>,
        %get3A_1201 = arith.index_cast %add3A_1166 : i32 to index
        %get3A_1202 = arith.constant 64 : index
        %get3A_1203 = tpu.vector_load %arg19[%get3A_1201, %get3A_1202] {strides = array<i32>} : memref<128x128xf32, #tpu.memory_space<vmem>>, vector<16xf32>,
        %mul3A_1204 = vector.broadcast %squeeze3A_1168 : f32 to vector<16xf32>
        %mul3A_1205 = arith.mulf %get3A_1203, %mul3A_1204 : vector<16xf32>
        %swap3A_1206 = arith.index_cast %add3A_1166 : i32 to index
        %swap3A_1207 = arith.constant 64 : index
        %swap3A_1208 = tpu.vector_load %arg19[%swap3A_1206, %swap3A_1207] {strides = array<i32>} : memref<128x128xf32, #tpu.memory_space<vmem>>, vector<16xf32>,
        tpu.vector_store %arg19[%swap3A_1206, %swap3A_1207], %mul3A_1205 {strides = array<i32>} : memref<128x128xf32, #tpu.memory_space<vmem>>, vector<16xf32>,
        %get3A_1209 = arith.index_cast %add3A_1166 : i32 to index
        %get3A_1210 = arith.constant 80 : index
        %get3A_1211 = tpu.vector_load %arg19[%get3A_1209, %get3A_1210] {strides = array<i32>} : memref<128x128xf32, #tpu.memory_space<vmem>>, vector<16xf32>,
        %mul3A_1212 = vector.broadcast %squeeze3A_1168 : f32 to vector<16xf32>
        %mul3A_1213 = arith.mulf %get3A_1211, %mul3A_1212 : vector<16xf32>
        %swap3A_1214 = arith.index_cast %add3A_1166 : i32 to index
        %swap3A_1215 = arith.constant 80 : index
        %swap3A_1216 = tpu.vector_load %arg19[%swap3A_1214, %swap3A_1215] {strides = array<i32>} : memref<128x128xf32, #tpu.memory_space<vmem>>, vector<16xf32>,
        tpu.vector_store %arg19[%swap3A_1214, %swap3A_1215], %mul3A_1213 {strides = array<i32>} : memref<128x128xf32, #tpu.memory_space<vmem>>, vector<16xf32>,
        %get3A_1217 = arith.index_cast %add3A_1166 : i32 to index
        %get3A_1218 = arith.constant 96 : index
        %get3A_1219 = tpu.vector_load %arg19[%get3A_1217, %get3A_1218] {strides = array<i32>} : memref<128x128xf32, #tpu.memory_space<vmem>>, vector<16xf32>,
        %mul3A_1220 = vector.broadcast %squeeze3A_1168 : f32 to vector<16xf32>
        %mul3A_1221 = arith.mulf %get3A_1219, %mul3A_1220 : vector<16xf32>
        %swap3A_1222 = arith.index_cast %add3A_1166 : i32 to index
        %swap3A_1223 = arith.constant 96 : index
        %swap3A_1224 = tpu.vector_load %arg19[%swap3A_1222, %swap3A_1223] {strides = array<i32>} : memref<128x128xf32, #tpu.memory_space<vmem>>, vector<16xf32>,
        tpu.vector_store %arg19[%swap3A_1222, %swap3A_1223], %mul3A_1221 {strides = array<i32>} : memref<128x128xf32, #tpu.memory_space<vmem>>, vector<16xf32>,
        %get3A_1225 = arith.index_cast %add3A_1166 : i32 to index
        %get3A_1226 = arith.constant 112 : index
        %get3A_1227 = tpu.vector_load %arg19[%get3A_1225, %get3A_1226] {strides = array<i32>} : memref<128x128xf32, #tpu.memory_space<vmem>>, vector<16xf32>,
        %mul3A_1228 = vector.broadcast %squeeze3A_1168 : f32 to vector<16xf32>
        %mul3A_1229 = arith.mulf %get3A_1227, %mul3A_1228 : vector<16xf32>
        %swap3A_1230 = arith.index_cast %add3A_1166 : i32 to index
        %swap3A_1231 = arith.constant 112 : index
        %swap3A_1232 = tpu.vector_load %arg19[%swap3A_1230, %swap3A_1231] {strides = array<i32>} : memref<128x128xf32, #tpu.memory_space<vmem>>, vector<16xf32>,
        tpu.vector_store %arg19[%swap3A_1230, %swap3A_1231], %mul3A_1229 {strides = array<i32>} : memref<128x128xf32, #tpu.memory_space<vmem>>, vector<16xf32>,
        %mul3A_1233 = arith.constant 16 : i32
        %mul3A_1234 = arith.muli %scan3A_390, %mul3A_1233 : i32
        %add3A_1235 = arith.constant 12 : i32
        %add3A_1236 = arith.addi %mul3A_1234, %add3A_1235 : i32
        %slice3A_1237 = vector.extract_strided_slice %get3A_394 {offsets = [12], sizes = [1], strides = [1]} : vector<16xf32> to vector<1xf32>
        %squeeze3A_1238 = vector.extract %slice3A_1237[0] : f32 from vector<1xf32>
        %get3A_1239 = arith.index_cast %add3A_1236 : i32 to index
        %get3A_1240 = arith.constant 0 : index
        %get3A_1241 = tpu.vector_load %arg19[%get3A_1239, %get3A_1240] {strides = array<i32>} : memref<128x128xf32, #tpu.memory_space<vmem>>, vector<16xf32>,
        %mul3A_1242 = vector.broadcast %squeeze3A_1238 : f32 to vector<16xf32>
        %mul3A_1243 = arith.mulf %get3A_1241, %mul3A_1242 : vector<16xf32>
        %swap3A_1244 = arith.index_cast %add3A_1236 : i32 to index
        %swap3A_1245 = arith.constant 0 : index
        %swap3A_1246 = tpu.vector_load %arg19[%swap3A_1244, %swap3A_1245] {strides = array<i32>} : memref<128x128xf32, #tpu.memory_space<vmem>>, vector<16xf32>,
        tpu.vector_store %arg19[%swap3A_1244, %swap3A_1245], %mul3A_1243 {strides = array<i32>} : memref<128x128xf32, #tpu.memory_space<vmem>>, vector<16xf32>,
        %get3A_1247 = arith.index_cast %add3A_1236 : i32 to index
        %get3A_1248 = arith.constant 16 : index
        %get3A_1249 = tpu.vector_load %arg19[%get3A_1247, %get3A_1248] {strides = array<i32>} : memref<128x128xf32, #tpu.memory_space<vmem>>, vector<16xf32>,
        %mul3A_1250 = vector.broadcast %squeeze3A_1238 : f32 to vector<16xf32>
        %mul3A_1251 = arith.mulf %get3A_1249, %mul3A_1250 : vector<16xf32>
        %swap3A_1252 = arith.index_cast %add3A_1236 : i32 to index
        %swap3A_1253 = arith.constant 16 : index
        %swap3A_1254 = tpu.vector_load %arg19[%swap3A_1252, %swap3A_1253] {strides = array<i32>} : memref<128x128xf32, #tpu.memory_space<vmem>>, vector<16xf32>,
        tpu.vector_store %arg19[%swap3A_1252, %swap3A_1253], %mul3A_1251 {strides = array<i32>} : memref<128x128xf32, #tpu.memory_space<vmem>>, vector<16xf32>,
        %get3A_1255 = arith.index_cast %add3A_1236 : i32 to index
        %get3A_1256 = arith.constant 32 : index
        %get3A_1257 = tpu.vector_load %arg19[%get3A_1255, %get3A_1256] {strides = array<i32>} : memref<128x128xf32, #tpu.memory_space<vmem>>, vector<16xf32>,
        %mul3A_1258 = vector.broadcast %squeeze3A_1238 : f32 to vector<16xf32>
        %mul3A_1259 = arith.mulf %get3A_1257, %mul3A_1258 : vector<16xf32>
        %swap3A_1260 = arith.index_cast %add3A_1236 : i32 to index
        %swap3A_1261 = arith.constant 32 : index
        %swap3A_1262 = tpu.vector_load %arg19[%swap3A_1260, %swap3A_1261] {strides = array<i32>} : memref<128x128xf32, #tpu.memory_space<vmem>>, vector<16xf32>,
        tpu.vector_store %arg19[%swap3A_1260, %swap3A_1261], %mul3A_1259 {strides = array<i32>} : memref<128x128xf32, #tpu.memory_space<vmem>>, vector<16xf32>,
        %get3A_1263 = arith.index_cast %add3A_1236 : i32 to index
        %get3A_1264 = arith.constant 48 : index
        %get3A_1265 = tpu.vector_load %arg19[%get3A_1263, %get3A_1264] {strides = array<i32>} : memref<128x128xf32, #tpu.memory_space<vmem>>, vector<16xf32>,
        %mul3A_1266 = vector.broadcast %squeeze3A_1238 : f32 to vector<16xf32>
        %mul3A_1267 = arith.mulf %get3A_1265, %mul3A_1266 : vector<16xf32>
        %swap3A_1268 = arith.index_cast %add3A_1236 : i32 to index
        %swap3A_1269 = arith.constant 48 : index
        %swap3A_1270 = tpu.vector_load %arg19[%swap3A_1268, %swap3A_1269] {strides = array<i32>} : memref<128x128xf32, #tpu.memory_space<vmem>>, vector<16xf32>,
        tpu.vector_store %arg19[%swap3A_1268, %swap3A_1269], %mul3A_1267 {strides = array<i32>} : memref<128x128xf32, #tpu.memory_space<vmem>>, vector<16xf32>,
        %get3A_1271 = arith.index_cast %add3A_1236 : i32 to index
        %get3A_1272 = arith.constant 64 : index
        %get3A_1273 = tpu.vector_load %arg19[%get3A_1271, %get3A_1272] {strides = array<i32>} : memref<128x128xf32, #tpu.memory_space<vmem>>, vector<16xf32>,
        %mul3A_1274 = vector.broadcast %squeeze3A_1238 : f32 to vector<16xf32>
        %mul3A_1275 = arith.mulf %get3A_1273, %mul3A_1274 : vector<16xf32>
        %swap3A_1276 = arith.index_cast %add3A_1236 : i32 to index
        %swap3A_1277 = arith.constant 64 : index
        %swap3A_1278 = tpu.vector_load %arg19[%swap3A_1276, %swap3A_1277] {strides = array<i32>} : memref<128x128xf32, #tpu.memory_space<vmem>>, vector<16xf32>,
        tpu.vector_store %arg19[%swap3A_1276, %swap3A_1277], %mul3A_1275 {strides = array<i32>} : memref<128x128xf32, #tpu.memory_space<vmem>>, vector<16xf32>,
        %get3A_1279 = arith.index_cast %add3A_1236 : i32 to index
        %get3A_1280 = arith.constant 80 : index
        %get3A_1281 = tpu.vector_load %arg19[%get3A_1279, %get3A_1280] {strides = array<i32>} : memref<128x128xf32, #tpu.memory_space<vmem>>, vector<16xf32>,
        %mul3A_1282 = vector.broadcast %squeeze3A_1238 : f32 to vector<16xf32>
        %mul3A_1283 = arith.mulf %get3A_1281, %mul3A_1282 : vector<16xf32>
        %swap3A_1284 = arith.index_cast %add3A_1236 : i32 to index
        %swap3A_1285 = arith.constant 80 : index
        %swap3A_1286 = tpu.vector_load %arg19[%swap3A_1284, %swap3A_1285] {strides = array<i32>} : memref<128x128xf32, #tpu.memory_space<vmem>>, vector<16xf32>,
        tpu.vector_store %arg19[%swap3A_1284, %swap3A_1285], %mul3A_1283 {strides = array<i32>} : memref<128x128xf32, #tpu.memory_space<vmem>>, vector<16xf32>,
        %get3A_1287 = arith.index_cast %add3A_1236 : i32 to index
        %get3A_1288 = arith.constant 96 : index
        %get3A_1289 = tpu.vector_load %arg19[%get3A_1287, %get3A_1288] {strides = array<i32>} : memref<128x128xf32, #tpu.memory_space<vmem>>, vector<16xf32>,
        %mul3A_1290 = vector.broadcast %squeeze3A_1238 : f32 to vector<16xf32>
        %mul3A_1291 = arith.mulf %get3A_1289, %mul3A_1290 : vector<16xf32>
        %swap3A_1292 = arith.index_cast %add3A_1236 : i32 to index
        %swap3A_1293 = arith.constant 96 : index
        %swap3A_1294 = tpu.vector_load %arg19[%swap3A_1292, %swap3A_1293] {strides = array<i32>} : memref<128x128xf32, #tpu.memory_space<vmem>>, vector<16xf32>,
        tpu.vector_store %arg19[%swap3A_1292, %swap3A_1293], %mul3A_1291 {strides = array<i32>} : memref<128x128xf32, #tpu.memory_space<vmem>>, vector<16xf32>,
        %get3A_1295 = arith.index_cast %add3A_1236 : i32 to index
        %get3A_1296 = arith.constant 112 : index
        %get3A_1297 = tpu.vector_load %arg19[%get3A_1295, %get3A_1296] {strides = array<i32>} : memref<128x128xf32, #tpu.memory_space<vmem>>, vector<16xf32>,
        %mul3A_1298 = vector.broadcast %squeeze3A_1238 : f32 to vector<16xf32>
        %mul3A_1299 = arith.mulf %get3A_1297, %mul3A_1298 : vector<16xf32>
        %swap3A_1300 = arith.index_cast %add3A_1236 : i32 to index
        %swap3A_1301 = arith.constant 112 : index
        %swap3A_1302 = tpu.vector_load %arg19[%swap3A_1300, %swap3A_1301] {strides = array<i32>} : memref<128x128xf32, #tpu.memory_space<vmem>>, vector<16xf32>,
        tpu.vector_store %arg19[%swap3A_1300, %swap3A_1301], %mul3A_1299 {strides = array<i32>} : memref<128x128xf32, #tpu.memory_space<vmem>>, vector<16xf32>,
        %mul3A_1303 = arith.constant 16 : i32
        %mul3A_1304 = arith.muli %scan3A_390, %mul3A_1303 : i32
        %add3A_1305 = arith.constant 13 : i32
        %add3A_1306 = arith.addi %mul3A_1304, %add3A_1305 : i32
        %slice3A_1307 = vector.extract_strided_slice %get3A_394 {offsets = [13], sizes = [1], strides = [1]} : vector<16xf32> to vector<1xf32>
        %squeeze3A_1308 = vector.extract %slice3A_1307[0] : f32 from vector<1xf32>
        %get3A_1309 = arith.index_cast %add3A_1306 : i32 to index
        %get3A_1310 = arith.constant 0 : index
        %get3A_1311 = tpu.vector_load %arg19[%get3A_1309, %get3A_1310] {strides = array<i32>} : memref<128x128xf32, #tpu.memory_space<vmem>>, vector<16xf32>,
        %mul3A_1312 = vector.broadcast %squeeze3A_1308 : f32 to vector<16xf32>
        %mul3A_1313 = arith.mulf %get3A_1311, %mul3A_1312 : vector<16xf32>
        %swap3A_1314 = arith.index_cast %add3A_1306 : i32 to index
        %swap3A_1315 = arith.constant 0 : index
        %swap3A_1316 = tpu.vector_load %arg19[%swap3A_1314, %swap3A_1315] {strides = array<i32>} : memref<128x128xf32, #tpu.memory_space<vmem>>, vector<16xf32>,
        tpu.vector_store %arg19[%swap3A_1314, %swap3A_1315], %mul3A_1313 {strides = array<i32>} : memref<128x128xf32, #tpu.memory_space<vmem>>, vector<16xf32>,
        %get3A_1317 = arith.index_cast %add3A_1306 : i32 to index
        %get3A_1318 = arith.constant 16 : index
        %get3A_1319 = tpu.vector_load %arg19[%get3A_1317, %get3A_1318] {strides = array<i32>} : memref<128x128xf32, #tpu.memory_space<vmem>>, vector<16xf32>,
        %mul3A_1320 = vector.broadcast %squeeze3A_1308 : f32 to vector<16xf32>
        %mul3A_1321 = arith.mulf %get3A_1319, %mul3A_1320 : vector<16xf32>
        %swap3A_1322 = arith.index_cast %add3A_1306 : i32 to index
        %swap3A_1323 = arith.constant 16 : index
        %swap3A_1324 = tpu.vector_load %arg19[%swap3A_1322, %swap3A_1323] {strides = array<i32>} : memref<128x128xf32, #tpu.memory_space<vmem>>, vector<16xf32>,
        tpu.vector_store %arg19[%swap3A_1322, %swap3A_1323], %mul3A_1321 {strides = array<i32>} : memref<128x128xf32, #tpu.memory_space<vmem>>, vector<16xf32>,
        %get3A_1325 = arith.index_cast %add3A_1306 : i32 to index
        %get3A_1326 = arith.constant 32 : index
        %get3A_1327 = tpu.vector_load %arg19[%get3A_1325, %get3A_1326] {strides = array<i32>} : memref<128x128xf32, #tpu.memory_space<vmem>>, vector<16xf32>,
        %mul3A_1328 = vector.broadcast %squeeze3A_1308 : f32 to vector<16xf32>
        %mul3A_1329 = arith.mulf %get3A_1327, %mul3A_1328 : vector<16xf32>
        %swap3A_1330 = arith.index_cast %add3A_1306 : i32 to index
        %swap3A_1331 = arith.constant 32 : index
        %swap3A_1332 = tpu.vector_load %arg19[%swap3A_1330, %swap3A_1331] {strides = array<i32>} : memref<128x128xf32, #tpu.memory_space<vmem>>, vector<16xf32>,
        tpu.vector_store %arg19[%swap3A_1330, %swap3A_1331], %mul3A_1329 {strides = array<i32>} : memref<128x128xf32, #tpu.memory_space<vmem>>, vector<16xf32>,
        %get3A_1333 = arith.index_cast %add3A_1306 : i32 to index
        %get3A_1334 = arith.constant 48 : index
        %get3A_1335 = tpu.vector_load %arg19[%get3A_1333, %get3A_1334] {strides = array<i32>} : memref<128x128xf32, #tpu.memory_space<vmem>>, vector<16xf32>,
        %mul3A_1336 = vector.broadcast %squeeze3A_1308 : f32 to vector<16xf32>
        %mul3A_1337 = arith.mulf %get3A_1335, %mul3A_1336 : vector<16xf32>
        %swap3A_1338 = arith.index_cast %add3A_1306 : i32 to index
        %swap3A_1339 = arith.constant 48 : index
        %swap3A_1340 = tpu.vector_load %arg19[%swap3A_1338, %swap3A_1339] {strides = array<i32>} : memref<128x128xf32, #tpu.memory_space<vmem>>, vector<16xf32>,
        tpu.vector_store %arg19[%swap3A_1338, %swap3A_1339], %mul3A_1337 {strides = array<i32>} : memref<128x128xf32, #tpu.memory_space<vmem>>, vector<16xf32>,
        %get3A_1341 = arith.index_cast %add3A_1306 : i32 to index
        %get3A_1342 = arith.constant 64 : index
        %get3A_1343 = tpu.vector_load %arg19[%get3A_1341, %get3A_1342] {strides = array<i32>} : memref<128x128xf32, #tpu.memory_space<vmem>>, vector<16xf32>,
        %mul3A_1344 = vector.broadcast %squeeze3A_1308 : f32 to vector<16xf32>
        %mul3A_1345 = arith.mulf %get3A_1343, %mul3A_1344 : vector<16xf32>
        %swap3A_1346 = arith.index_cast %add3A_1306 : i32 to index
        %swap3A_1347 = arith.constant 64 : index
        %swap3A_1348 = tpu.vector_load %arg19[%swap3A_1346, %swap3A_1347] {strides = array<i32>} : memref<128x128xf32, #tpu.memory_space<vmem>>, vector<16xf32>,
        tpu.vector_store %arg19[%swap3A_1346, %swap3A_1347], %mul3A_1345 {strides = array<i32>} : memref<128x128xf32, #tpu.memory_space<vmem>>, vector<16xf32>,
        %get3A_1349 = arith.index_cast %add3A_1306 : i32 to index
        %get3A_1350 = arith.constant 80 : index
        %get3A_1351 = tpu.vector_load %arg19[%get3A_1349, %get3A_1350] {strides = array<i32>} : memref<128x128xf32, #tpu.memory_space<vmem>>, vector<16xf32>,
        %mul3A_1352 = vector.broadcast %squeeze3A_1308 : f32 to vector<16xf32>
        %mul3A_1353 = arith.mulf %get3A_1351, %mul3A_1352 : vector<16xf32>
        %swap3A_1354 = arith.index_cast %add3A_1306 : i32 to index
        %swap3A_1355 = arith.constant 80 : index
        %swap3A_1356 = tpu.vector_load %arg19[%swap3A_1354, %swap3A_1355] {strides = array<i32>} : memref<128x128xf32, #tpu.memory_space<vmem>>, vector<16xf32>,
        tpu.vector_store %arg19[%swap3A_1354, %swap3A_1355], %mul3A_1353 {strides = array<i32>} : memref<128x128xf32, #tpu.memory_space<vmem>>, vector<16xf32>,
        %get3A_1357 = arith.index_cast %add3A_1306 : i32 to index
        %get3A_1358 = arith.constant 96 : index
        %get3A_1359 = tpu.vector_load %arg19[%get3A_1357, %get3A_1358] {strides = array<i32>} : memref<128x128xf32, #tpu.memory_space<vmem>>, vector<16xf32>,
        %mul3A_1360 = vector.broadcast %squeeze3A_1308 : f32 to vector<16xf32>
        %mul3A_1361 = arith.mulf %get3A_1359, %mul3A_1360 : vector<16xf32>
        %swap3A_1362 = arith.index_cast %add3A_1306 : i32 to index
        %swap3A_1363 = arith.constant 96 : index
        %swap3A_1364 = tpu.vector_load %arg19[%swap3A_1362, %swap3A_1363] {strides = array<i32>} : memref<128x128xf32, #tpu.memory_space<vmem>>, vector<16xf32>,
        tpu.vector_store %arg19[%swap3A_1362, %swap3A_1363], %mul3A_1361 {strides = array<i32>} : memref<128x128xf32, #tpu.memory_space<vmem>>, vector<16xf32>,
        %get3A_1365 = arith.index_cast %add3A_1306 : i32 to index
        %get3A_1366 = arith.constant 112 : index
        %get3A_1367 = tpu.vector_load %arg19[%get3A_1365, %get3A_1366] {strides = array<i32>} : memref<128x128xf32, #tpu.memory_space<vmem>>, vector<16xf32>,
        %mul3A_1368 = vector.broadcast %squeeze3A_1308 : f32 to vector<16xf32>
        %mul3A_1369 = arith.mulf %get3A_1367, %mul3A_1368 : vector<16xf32>
        %swap3A_1370 = arith.index_cast %add3A_1306 : i32 to index
        %swap3A_1371 = arith.constant 112 : index
        %swap3A_1372 = tpu.vector_load %arg19[%swap3A_1370, %swap3A_1371] {strides = array<i32>} : memref<128x128xf32, #tpu.memory_space<vmem>>, vector<16xf32>,
        tpu.vector_store %arg19[%swap3A_1370, %swap3A_1371], %mul3A_1369 {strides = array<i32>} : memref<128x128xf32, #tpu.memory_space<vmem>>, vector<16xf32>,
        %mul3A_1373 = arith.constant 16 : i32
        %mul3A_1374 = arith.muli %scan3A_390, %mul3A_1373 : i32
        %add3A_1375 = arith.constant 14 : i32
        %add3A_1376 = arith.addi %mul3A_1374, %add3A_1375 : i32
        %slice3A_1377 = vector.extract_strided_slice %get3A_394 {offsets = [14], sizes = [1], strides = [1]} : vector<16xf32> to vector<1xf32>
        %squeeze3A_1378 = vector.extract %slice3A_1377[0] : f32 from vector<1xf32>
        %get3A_1379 = arith.index_cast %add3A_1376 : i32 to index
        %get3A_1380 = arith.constant 0 : index
        %get3A_1381 = tpu.vector_load %arg19[%get3A_1379, %get3A_1380] {strides = array<i32>} : memref<128x128xf32, #tpu.memory_space<vmem>>, vector<16xf32>,
        %mul3A_1382 = vector.broadcast %squeeze3A_1378 : f32 to vector<16xf32>
        %mul3A_1383 = arith.mulf %get3A_1381, %mul3A_1382 : vector<16xf32>
        %swap3A_1384 = arith.index_cast %add3A_1376 : i32 to index
        %swap3A_1385 = arith.constant 0 : index
        %swap3A_1386 = tpu.vector_load %arg19[%swap3A_1384, %swap3A_1385] {strides = array<i32>} : memref<128x128xf32, #tpu.memory_space<vmem>>, vector<16xf32>,
        tpu.vector_store %arg19[%swap3A_1384, %swap3A_1385], %mul3A_1383 {strides = array<i32>} : memref<128x128xf32, #tpu.memory_space<vmem>>, vector<16xf32>,
        %get3A_1387 = arith.index_cast %add3A_1376 : i32 to index
        %get3A_1388 = arith.constant 16 : index
        %get3A_1389 = tpu.vector_load %arg19[%get3A_1387, %get3A_1388] {strides = array<i32>} : memref<128x128xf32, #tpu.memory_space<vmem>>, vector<16xf32>,
        %mul3A_1390 = vector.broadcast %squeeze3A_1378 : f32 to vector<16xf32>
        %mul3A_1391 = arith.mulf %get3A_1389, %mul3A_1390 : vector<16xf32>
        %swap3A_1392 = arith.index_cast %add3A_1376 : i32 to index
        %swap3A_1393 = arith.constant 16 : index
        %swap3A_1394 = tpu.vector_load %arg19[%swap3A_1392, %swap3A_1393] {strides = array<i32>} : memref<128x128xf32, #tpu.memory_space<vmem>>, vector<16xf32>,
        tpu.vector_store %arg19[%swap3A_1392, %swap3A_1393], %mul3A_1391 {strides = array<i32>} : memref<128x128xf32, #tpu.memory_space<vmem>>, vector<16xf32>,
        %get3A_1395 = arith.index_cast %add3A_1376 : i32 to index
        %get3A_1396 = arith.constant 32 : index
        %get3A_1397 = tpu.vector_load %arg19[%get3A_1395, %get3A_1396] {strides = array<i32>} : memref<128x128xf32, #tpu.memory_space<vmem>>, vector<16xf32>,
        %mul3A_1398 = vector.broadcast %squeeze3A_1378 : f32 to vector<16xf32>
        %mul3A_1399 = arith.mulf %get3A_1397, %mul3A_1398 : vector<16xf32>
        %swap3A_1400 = arith.index_cast %add3A_1376 : i32 to index
        %swap3A_1401 = arith.constant 32 : index
        %swap3A_1402 = tpu.vector_load %arg19[%swap3A_1400, %swap3A_1401] {strides = array<i32>} : memref<128x128xf32, #tpu.memory_space<vmem>>, vector<16xf32>,
        tpu.vector_store %arg19[%swap3A_1400, %swap3A_1401], %mul3A_1399 {strides = array<i32>} : memref<128x128xf32, #tpu.memory_space<vmem>>, vector<16xf32>,
        %get3A_1403 = arith.index_cast %add3A_1376 : i32 to index
        %get3A_1404 = arith.constant 48 : index
        %get3A_1405 = tpu.vector_load %arg19[%get3A_1403, %get3A_1404] {strides = array<i32>} : memref<128x128xf32, #tpu.memory_space<vmem>>, vector<16xf32>,
        %mul3A_1406 = vector.broadcast %squeeze3A_1378 : f32 to vector<16xf32>
        %mul3A_1407 = arith.mulf %get3A_1405, %mul3A_1406 : vector<16xf32>
        %swap3A_1408 = arith.index_cast %add3A_1376 : i32 to index
        %swap3A_1409 = arith.constant 48 : index
        %swap3A_1410 = tpu.vector_load %arg19[%swap3A_1408, %swap3A_1409] {strides = array<i32>} : memref<128x128xf32, #tpu.memory_space<vmem>>, vector<16xf32>,
        tpu.vector_store %arg19[%swap3A_1408, %swap3A_1409], %mul3A_1407 {strides = array<i32>} : memref<128x128xf32, #tpu.memory_space<vmem>>, vector<16xf32>,
        %get3A_1411 = arith.index_cast %add3A_1376 : i32 to index
        %get3A_1412 = arith.constant 64 : index
        %get3A_1413 = tpu.vector_load %arg19[%get3A_1411, %get3A_1412] {strides = array<i32>} : memref<128x128xf32, #tpu.memory_space<vmem>>, vector<16xf32>,
        %mul3A_1414 = vector.broadcast %squeeze3A_1378 : f32 to vector<16xf32>
        %mul3A_1415 = arith.mulf %get3A_1413, %mul3A_1414 : vector<16xf32>
        %swap3A_1416 = arith.index_cast %add3A_1376 : i32 to index
        %swap3A_1417 = arith.constant 64 : index
        %swap3A_1418 = tpu.vector_load %arg19[%swap3A_1416, %swap3A_1417] {strides = array<i32>} : memref<128x128xf32, #tpu.memory_space<vmem>>, vector<16xf32>,
        tpu.vector_store %arg19[%swap3A_1416, %swap3A_1417], %mul3A_1415 {strides = array<i32>} : memref<128x128xf32, #tpu.memory_space<vmem>>, vector<16xf32>,
        %get3A_1419 = arith.index_cast %add3A_1376 : i32 to index
        %get3A_1420 = arith.constant 80 : index
        %get3A_1421 = tpu.vector_load %arg19[%get3A_1419, %get3A_1420] {strides = array<i32>} : memref<128x128xf32, #tpu.memory_space<vmem>>, vector<16xf32>,
        %mul3A_1422 = vector.broadcast %squeeze3A_1378 : f32 to vector<16xf32>
        %mul3A_1423 = arith.mulf %get3A_1421, %mul3A_1422 : vector<16xf32>
        %swap3A_1424 = arith.index_cast %add3A_1376 : i32 to index
        %swap3A_1425 = arith.constant 80 : index
        %swap3A_1426 = tpu.vector_load %arg19[%swap3A_1424, %swap3A_1425] {strides = array<i32>} : memref<128x128xf32, #tpu.memory_space<vmem>>, vector<16xf32>,
        tpu.vector_store %arg19[%swap3A_1424, %swap3A_1425], %mul3A_1423 {strides = array<i32>} : memref<128x128xf32, #tpu.memory_space<vmem>>, vector<16xf32>,
        %get3A_1427 = arith.index_cast %add3A_1376 : i32 to index
        %get3A_1428 = arith.constant 96 : index
        %get3A_1429 = tpu.vector_load %arg19[%get3A_1427, %get3A_1428] {strides = array<i32>} : memref<128x128xf32, #tpu.memory_space<vmem>>, vector<16xf32>,
        %mul3A_1430 = vector.broadcast %squeeze3A_1378 : f32 to vector<16xf32>
        %mul3A_1431 = arith.mulf %get3A_1429, %mul3A_1430 : vector<16xf32>
        %swap3A_1432 = arith.index_cast %add3A_1376 : i32 to index
        %swap3A_1433 = arith.constant 96 : index
        %swap3A_1434 = tpu.vector_load %arg19[%swap3A_1432, %swap3A_1433] {strides = array<i32>} : memref<128x128xf32, #tpu.memory_space<vmem>>, vector<16xf32>,
        tpu.vector_store %arg19[%swap3A_1432, %swap3A_1433], %mul3A_1431 {strides = array<i32>} : memref<128x128xf32, #tpu.memory_space<vmem>>, vector<16xf32>,
        %get3A_1435 = arith.index_cast %add3A_1376 : i32 to index
        %get3A_1436 = arith.constant 112 : index
        %get3A_1437 = tpu.vector_load %arg19[%get3A_1435, %get3A_1436] {strides = array<i32>} : memref<128x128xf32, #tpu.memory_space<vmem>>, vector<16xf32>,
        %mul3A_1438 = vector.broadcast %squeeze3A_1378 : f32 to vector<16xf32>
        %mul3A_1439 = arith.mulf %get3A_1437, %mul3A_1438 : vector<16xf32>
        %swap3A_1440 = arith.index_cast %add3A_1376 : i32 to index
        %swap3A_1441 = arith.constant 112 : index
        %swap3A_1442 = tpu.vector_load %arg19[%swap3A_1440, %swap3A_1441] {strides = array<i32>} : memref<128x128xf32, #tpu.memory_space<vmem>>, vector<16xf32>,
        tpu.vector_store %arg19[%swap3A_1440, %swap3A_1441], %mul3A_1439 {strides = array<i32>} : memref<128x128xf32, #tpu.memory_space<vmem>>, vector<16xf32>,
        %mul3A_1443 = arith.constant 16 : i32
        %mul3A_1444 = arith.muli %scan3A_390, %mul3A_1443 : i32
        %add3A_1445 = arith.constant 15 : i32
        %add3A_1446 = arith.addi %mul3A_1444, %add3A_1445 : i32
        %slice3A_1447 = vector.extract_strided_slice %get3A_394 {offsets = [15], sizes = [1], strides = [1]} : vector<16xf32> to vector<1xf32>
        %squeeze3A_1448 = vector.extract %slice3A_1447[0] : f32 from vector<1xf32>
        %get3A_1449 = arith.index_cast %add3A_1446 : i32 to index
        %get3A_1450 = arith.constant 0 : index
        %get3A_1451 = tpu.vector_load %arg19[%get3A_1449, %get3A_1450] {strides = array<i32>} : memref<128x128xf32, #tpu.memory_space<vmem>>, vector<16xf32>,
        %mul3A_1452 = vector.broadcast %squeeze3A_1448 : f32 to vector<16xf32>
        %mul3A_1453 = arith.mulf %get3A_1451, %mul3A_1452 : vector<16xf32>
        %swap3A_1454 = arith.index_cast %add3A_1446 : i32 to index
        %swap3A_1455 = arith.constant 0 : index
        %swap3A_1456 = tpu.vector_load %arg19[%swap3A_1454, %swap3A_1455] {strides = array<i32>} : memref<128x128xf32, #tpu.memory_space<vmem>>, vector<16xf32>,
        tpu.vector_store %arg19[%swap3A_1454, %swap3A_1455], %mul3A_1453 {strides = array<i32>} : memref<128x128xf32, #tpu.memory_space<vmem>>, vector<16xf32>,
        %get3A_1457 = arith.index_cast %add3A_1446 : i32 to index
        %get3A_1458 = arith.constant 16 : index
        %get3A_1459 = tpu.vector_load %arg19[%get3A_1457, %get3A_1458] {strides = array<i32>} : memref<128x128xf32, #tpu.memory_space<vmem>>, vector<16xf32>,
        %mul3A_1460 = vector.broadcast %squeeze3A_1448 : f32 to vector<16xf32>
        %mul3A_1461 = arith.mulf %get3A_1459, %mul3A_1460 : vector<16xf32>
        %swap3A_1462 = arith.index_cast %add3A_1446 : i32 to index
        %swap3A_1463 = arith.constant 16 : index
        %swap3A_1464 = tpu.vector_load %arg19[%swap3A_1462, %swap3A_1463] {strides = array<i32>} : memref<128x128xf32, #tpu.memory_space<vmem>>, vector<16xf32>,
        tpu.vector_store %arg19[%swap3A_1462, %swap3A_1463], %mul3A_1461 {strides = array<i32>} : memref<128x128xf32, #tpu.memory_space<vmem>>, vector<16xf32>,
        %get3A_1465 = arith.index_cast %add3A_1446 : i32 to index
        %get3A_1466 = arith.constant 32 : index
        %get3A_1467 = tpu.vector_load %arg19[%get3A_1465, %get3A_1466] {strides = array<i32>} : memref<128x128xf32, #tpu.memory_space<vmem>>, vector<16xf32>,
        %mul3A_1468 = vector.broadcast %squeeze3A_1448 : f32 to vector<16xf32>
        %mul3A_1469 = arith.mulf %get3A_1467, %mul3A_1468 : vector<16xf32>
        %swap3A_1470 = arith.index_cast %add3A_1446 : i32 to index
        %swap3A_1471 = arith.constant 32 : index
        %swap3A_1472 = tpu.vector_load %arg19[%swap3A_1470, %swap3A_1471] {strides = array<i32>} : memref<128x128xf32, #tpu.memory_space<vmem>>, vector<16xf32>,
        tpu.vector_store %arg19[%swap3A_1470, %swap3A_1471], %mul3A_1469 {strides = array<i32>} : memref<128x128xf32, #tpu.memory_space<vmem>>, vector<16xf32>,
        %get3A_1473 = arith.index_cast %add3A_1446 : i32 to index
        %get3A_1474 = arith.constant 48 : index
        %get3A_1475 = tpu.vector_load %arg19[%get3A_1473, %get3A_1474] {strides = array<i32>} : memref<128x128xf32, #tpu.memory_space<vmem>>, vector<16xf32>,
        %mul3A_1476 = vector.broadcast %squeeze3A_1448 : f32 to vector<16xf32>
        %mul3A_1477 = arith.mulf %get3A_1475, %mul3A_1476 : vector<16xf32>
        %swap3A_1478 = arith.index_cast %add3A_1446 : i32 to index
        %swap3A_1479 = arith.constant 48 : index
        %swap3A_1480 = tpu.vector_load %arg19[%swap3A_1478, %swap3A_1479] {strides = array<i32>} : memref<128x128xf32, #tpu.memory_space<vmem>>, vector<16xf32>,
        tpu.vector_store %arg19[%swap3A_1478, %swap3A_1479], %mul3A_1477 {strides = array<i32>} : memref<128x128xf32, #tpu.memory_space<vmem>>, vector<16xf32>,
        %get3A_1481 = arith.index_cast %add3A_1446 : i32 to index
        %get3A_1482 = arith.constant 64 : index
        %get3A_1483 = tpu.vector_load %arg19[%get3A_1481, %get3A_1482] {strides = array<i32>} : memref<128x128xf32, #tpu.memory_space<vmem>>, vector<16xf32>,
        %mul3A_1484 = vector.broadcast %squeeze3A_1448 : f32 to vector<16xf32>
        %mul3A_1485 = arith.mulf %get3A_1483, %mul3A_1484 : vector<16xf32>
        %swap3A_1486 = arith.index_cast %add3A_1446 : i32 to index
        %swap3A_1487 = arith.constant 64 : index
        %swap3A_1488 = tpu.vector_load %arg19[%swap3A_1486, %swap3A_1487] {strides = array<i32>} : memref<128x128xf32, #tpu.memory_space<vmem>>, vector<16xf32>,
        tpu.vector_store %arg19[%swap3A_1486, %swap3A_1487], %mul3A_1485 {strides = array<i32>} : memref<128x128xf32, #tpu.memory_space<vmem>>, vector<16xf32>,
        %get3A_1489 = arith.index_cast %add3A_1446 : i32 to index
        %get3A_1490 = arith.constant 80 : index
        %get3A_1491 = tpu.vector_load %arg19[%get3A_1489, %get3A_1490] {strides = array<i32>} : memref<128x128xf32, #tpu.memory_space<vmem>>, vector<16xf32>,
        %mul3A_1492 = vector.broadcast %squeeze3A_1448 : f32 to vector<16xf32>
        %mul3A_1493 = arith.mulf %get3A_1491, %mul3A_1492 : vector<16xf32>
        %swap3A_1494 = arith.index_cast %add3A_1446 : i32 to index
        %swap3A_1495 = arith.constant 80 : index
        %swap3A_1496 = tpu.vector_load %arg19[%swap3A_1494, %swap3A_1495] {strides = array<i32>} : memref<128x128xf32, #tpu.memory_space<vmem>>, vector<16xf32>,
        tpu.vector_store %arg19[%swap3A_1494, %swap3A_1495], %mul3A_1493 {strides = array<i32>} : memref<128x128xf32, #tpu.memory_space<vmem>>, vector<16xf32>,
        %get3A_1497 = arith.index_cast %add3A_1446 : i32 to index
        %get3A_1498 = arith.constant 96 : index
        %get3A_1499 = tpu.vector_load %arg19[%get3A_1497, %get3A_1498] {strides = array<i32>} : memref<128x128xf32, #tpu.memory_space<vmem>>, vector<16xf32>,
        %mul3A_1500 = vector.broadcast %squeeze3A_1448 : f32 to vector<16xf32>
        %mul3A_1501 = arith.mulf %get3A_1499, %mul3A_1500 : vector<16xf32>
        %swap3A_1502 = arith.index_cast %add3A_1446 : i32 to index
        %swap3A_1503 = arith.constant 96 : index
        %swap3A_1504 = tpu.vector_load %arg19[%swap3A_1502, %swap3A_1503] {strides = array<i32>} : memref<128x128xf32, #tpu.memory_space<vmem>>, vector<16xf32>,
        tpu.vector_store %arg19[%swap3A_1502, %swap3A_1503], %mul3A_1501 {strides = array<i32>} : memref<128x128xf32, #tpu.memory_space<vmem>>, vector<16xf32>,
        %get3A_1505 = arith.index_cast %add3A_1446 : i32 to index
        %get3A_1506 = arith.constant 112 : index
        %get3A_1507 = tpu.vector_load %arg19[%get3A_1505, %get3A_1506] {strides = array<i32>} : memref<128x128xf32, #tpu.memory_space<vmem>>, vector<16xf32>,
        %mul3A_1508 = vector.broadcast %squeeze3A_1448 : f32 to vector<16xf32>
        %mul3A_1509 = arith.mulf %get3A_1507, %mul3A_1508 : vector<16xf32>
        %swap3A_1510 = arith.index_cast %add3A_1446 : i32 to index
        %swap3A_1511 = arith.constant 112 : index
        %swap3A_1512 = tpu.vector_load %arg19[%swap3A_1510, %swap3A_1511] {strides = array<i32>} : memref<128x128xf32, #tpu.memory_space<vmem>>, vector<16xf32>,
        tpu.vector_store %arg19[%swap3A_1510, %swap3A_1511], %mul3A_1509 {strides = array<i32>} : memref<128x128xf32, #tpu.memory_space<vmem>>, vector<16xf32>,
      }
      %scan3A_384 = arith.constant 8 : i32
      "tpu.region"() ({
        %run_scoped3A = tpu.sem_alloc : memref<!tpu.dma_semaphore, #tpu.memory_space<semaphore_mem>>
        %dma_start3A_390 = arith.constant 0 : i32
        %dma_start3A_391 = arith.constant 0 : i32
        %dma_start3A_392 = tpu.memref_slice %arg20[%dma_start3A_390, %dma_start3A_391] : memref<10240x128xf32, #tpu.memory_space<vmem_shared>> -> memref<10240x128xf32, #tpu.memory_space<vmem_shared>>
        tpu.enqueue_indirect_dma source(%arg19 : memref<128x128xf32, #tpu.memory_space<vmem>>) target(%dma_start3A_392 : memref<10240x128xf32, #tpu.memory_space<vmem_shared>>) offsets(%arg15 : memref<128xi32, #tpu.memory_space<vmem>>) semaphore(%run_scoped3A : memref<!tpu.dma_semaphore, #tpu.memory_space<semaphore_mem>>) {add = true}
        %dma_wait3A_393 = arith.constant 0 : i32
        %dma_wait3A_394 = arith.constant 0 : i32
        %dma_wait3A_395 = tpu.memref_slice %arg20[%dma_wait3A_393, %dma_wait3A_394] : memref<10240x128xf32, #tpu.memory_space<vmem_shared>> -> memref<10240x128xf32, #tpu.memory_space<vmem_shared>>
        tpu.wait_indirect_dma semaphore(%run_scoped3A : memref<!tpu.dma_semaphore, #tpu.memory_space<semaphore_mem>>) src(%arg19 : memref<128x128xf32, #tpu.memory_space<vmem>>) dst(%dma_wait3A_395 : memref<10240x128xf32, #tpu.memory_space<vmem_shared>>)
        tpu.yield
      }) : () -> ()
      "tpu.region"() ({
        %run_scoped3A = tpu.sem_alloc : memref<!tpu.dma_semaphore, #tpu.memory_space<semaphore_mem>>
        %dma_start3A_390 = arith.constant 0 : i32
        %dma_start3A_391 = tpu.memref_slice %arg21[%dma_start3A_390] : memref<10240xf32, #tpu.memory_space<vmem_shared>> -> memref<10240xf32, #tpu.memory_space<vmem_shared>>
        tpu.enqueue_indirect_dma source(%arg17 : memref<128xf32, #tpu.memory_space<vmem>>) target(%dma_start3A_391 : memref<10240xf32, #tpu.memory_space<vmem_shared>>) offsets(%arg15 : memref<128xi32, #tpu.memory_space<vmem>>) semaphore(%run_scoped3A : memref<!tpu.dma_semaphore, #tpu.memory_space<semaphore_mem>>) {add = true}
        %dma_wait3A_392 = arith.constant 0 : i32
        %dma_wait3A_393 = tpu.memref_slice %arg21[%dma_wait3A_392] : memref<10240xf32, #tpu.memory_space<vmem_shared>> -> memref<10240xf32, #tpu.memory_space<vmem_shared>>
        tpu.wait_indirect_dma semaphore(%run_scoped3A : memref<!tpu.dma_semaphore, #tpu.memory_space<semaphore_mem>>) src(%arg17 : memref<128xf32, #tpu.memory_space<vmem>>) dst(%dma_wait3A_393 : memref<10240xf32, #tpu.memory_space<vmem_shared>>)
        tpu.yield
      }) : () -> ()
      %eq3A_385 = arith.constant 0 : i32
      %eq3A_386 = arith.cmpi eq, %arg0, %eq3A_385 : i32
      %convert_element_type3A_387 = arith.extui %eq3A_386 : i1 to i32
      %cond3A_388 = arith.constant 0 : i32
      %cond3A_389 = arith.cmpi ne, %convert_element_type3A_387, %cond3A_388 : i32
      scf.if %cond3A_389 {
        "tpu.region"() ({
          %run_scoped3A = tpu.sem_alloc : memref<!tpu.dma_semaphore, #tpu.memory_space<semaphore_mem>>
          %dma_start3A_390 = arith.constant 0 : i32
          %dma_start3A_391 = tpu.memref_slice %arg22[%dma_start3A_390] : memref<10240xf32, #tpu.memory_space<vmem_shared>> -> memref<10240xf32, #tpu.memory_space<vmem_shared>>
          tpu.enqueue_indirect_dma source(%arg18 : memref<128xf32, #tpu.memory_space<vmem>>) target(%dma_start3A_391 : memref<10240xf32, #tpu.memory_space<vmem_shared>>) offsets(%arg15 : memref<128xi32, #tpu.memory_space<vmem>>) semaphore(%run_scoped3A : memref<!tpu.dma_semaphore, #tpu.memory_space<semaphore_mem>>) {add = true}
          %dma_wait3A_392 = arith.constant 0 : i32
          %dma_wait3A_393 = tpu.memref_slice %arg22[%dma_wait3A_392] : memref<10240xf32, #tpu.memory_space<vmem_shared>> -> memref<10240xf32, #tpu.memory_space<vmem_shared>>
          tpu.wait_indirect_dma semaphore(%run_scoped3A : memref<!tpu.dma_semaphore, #tpu.memory_space<semaphore_mem>>) src(%arg18 : memref<128xf32, #tpu.memory_space<vmem>>) dst(%dma_wait3A_393 : memref<10240xf32, #tpu.memory_space<vmem_shared>>)
          tpu.yield
        }) : () -> ()
      } else {
      }
    }
    %scan3A_18 = arith.constant 162 : i32
    %barrier3A_19 = arith.constant 0 : index
    tpu.barrier barrier_id(%barrier3A_19)
    %mul3A_20 = arith.constant 10240 : i32
    %mul3A_21 = arith.muli %arg0, %mul3A_20 : i32
    %add3A_22 = arith.addi %mul3A_21, %mul3A_0 : i32
    "tpu.region"() ({
      %run_scoped3A = tpu.sem_alloc : memref<!tpu.dma_semaphore, #tpu.memory_space<semaphore_mem>>
      %dma_start3A = arith.constant 0 : i32
      %dma_start3A_28 = tpu.memref_slice %arg9[%add3A_22, %dma_start3A] : memref<20480x128xf32, #tpu.memory_space<hbm>> -> memref<640x128xf32, #tpu.memory_space<hbm>>
      %dma_start3A_29 = arith.constant 0 : i32
      %dma_start3A_30 = tpu.memref_slice %arg20[%mul3A_0, %dma_start3A_29] : memref<10240x128xf32, #tpu.memory_space<vmem_shared>> -> memref<640x128xf32, #tpu.memory_space<vmem_shared>>
      tpu.enqueue_dma source(%dma_start3A_30 : memref<640x128xf32, #tpu.memory_space<vmem_shared>>) target(%dma_start3A_28 : memref<640x128xf32, #tpu.memory_space<hbm>>) target_semaphore(%run_scoped3A : memref<!tpu.dma_semaphore, #tpu.memory_space<semaphore_mem>>)
      %dma_wait3A = arith.constant 0 : i32
      %dma_wait3A_31 = tpu.memref_slice %arg9[%add3A_22, %dma_wait3A] : memref<20480x128xf32, #tpu.memory_space<hbm>> -> memref<640x128xf32, #tpu.memory_space<hbm>>
      %dma_wait3A_32 = arith.constant 0 : i32
      %dma_wait3A_33 = tpu.memref_slice %arg20[%mul3A_0, %dma_wait3A_32] : memref<10240x128xf32, #tpu.memory_space<vmem_shared>> -> memref<640x128xf32, #tpu.memory_space<vmem_shared>>
      tpu.wait_dma2 semaphore(%run_scoped3A : memref<!tpu.dma_semaphore, #tpu.memory_space<semaphore_mem>>) src(%dma_wait3A_33 : memref<640x128xf32, #tpu.memory_space<vmem_shared>>) dst(%dma_wait3A_31 : memref<640x128xf32, #tpu.memory_space<hbm>>)
      tpu.yield
    }) : () -> ()
    %mul3A_23 = arith.constant 10240 : i32
    %mul3A_24 = arith.muli %arg0, %mul3A_23 : i32
    %add3A_25 = arith.addi %mul3A_24, %mul3A_0 : i32
    "tpu.region"() ({
      %run_scoped3A = tpu.sem_alloc : memref<!tpu.dma_semaphore, #tpu.memory_space<semaphore_mem>>
      %dma_start3A = tpu.memref_slice %arg10[%add3A_25] : memref<20480xf32, #tpu.memory_space<hbm>> -> memref<640xf32, #tpu.memory_space<hbm>>
      %dma_start3A_28 = tpu.memref_slice %arg21[%mul3A_0] : memref<10240xf32, #tpu.memory_space<vmem_shared>> -> memref<640xf32, #tpu.memory_space<vmem_shared>>
      tpu.enqueue_dma source(%dma_start3A_28 : memref<640xf32, #tpu.memory_space<vmem_shared>>) target(%dma_start3A : memref<640xf32, #tpu.memory_space<hbm>>) target_semaphore(%run_scoped3A : memref<!tpu.dma_semaphore, #tpu.memory_space<semaphore_mem>>)
      %dma_wait3A = tpu.memref_slice %arg10[%add3A_25] : memref<20480xf32, #tpu.memory_space<hbm>> -> memref<640xf32, #tpu.memory_space<hbm>>
      %dma_wait3A_29 = tpu.memref_slice %arg21[%mul3A_0] : memref<10240xf32, #tpu.memory_space<vmem_shared>> -> memref<640xf32, #tpu.memory_space<vmem_shared>>
      tpu.wait_dma2 semaphore(%run_scoped3A : memref<!tpu.dma_semaphore, #tpu.memory_space<semaphore_mem>>) src(%dma_wait3A_29 : memref<640xf32, #tpu.memory_space<vmem_shared>>) dst(%dma_wait3A : memref<640xf32, #tpu.memory_space<hbm>>)
      tpu.yield
    }) : () -> ()
    %eq3A = arith.constant 0 : i32
    %eq3A_26 = arith.cmpi eq, %arg0, %eq3A : i32
    %convert_element_type3A = arith.extui %eq3A_26 : i1 to i32
    %cond3A = arith.constant 0 : i32
    %cond3A_27 = arith.cmpi ne, %convert_element_type3A, %cond3A : i32
    scf.if %cond3A_27 {
      "tpu.region"() ({
        %run_scoped3A = tpu.sem_alloc : memref<!tpu.dma_semaphore, #tpu.memory_space<semaphore_mem>>
        %dma_start3A = tpu.memref_slice %arg11[%mul3A_0] : memref<10240xf32, #tpu.memory_space<hbm>> -> memref<640xf32, #tpu.memory_space<hbm>>
        %dma_start3A_28 = tpu.memref_slice %arg22[%mul3A_0] : memref<10240xf32, #tpu.memory_space<vmem_shared>> -> memref<640xf32, #tpu.memory_space<vmem_shared>>
        tpu.enqueue_dma source(%dma_start3A_28 : memref<640xf32, #tpu.memory_space<vmem_shared>>) target(%dma_start3A : memref<640xf32, #tpu.memory_space<hbm>>) target_semaphore(%run_scoped3A : memref<!tpu.dma_semaphore, #tpu.memory_space<semaphore_mem>>)
        %dma_wait3A = tpu.memref_slice %arg11[%mul3A_0] : memref<10240xf32, #tpu.memory_space<hbm>> -> memref<640xf32, #tpu.memory_space<hbm>>
        %dma_wait3A_29 = tpu.memref_slice %arg22[%mul3A_0] : memref<10240xf32, #tpu.memory_space<vmem_shared>> -> memref<640xf32, #tpu.memory_space<vmem_shared>>
        tpu.wait_dma2 semaphore(%run_scoped3A : memref<!tpu.dma_semaphore, #tpu.memory_space<semaphore_mem>>) src(%dma_wait3A_29 : memref<640xf32, #tpu.memory_space<vmem_shared>>) dst(%dma_wait3A : memref<640xf32, #tpu.memory_space<hbm>>)
        tpu.yield
      }) : () -> ()
    } else {
    }
    return
  }
}

#map = affine_map<(d0, d1) -> (0, 0)>
#map1 = affine_map<(d0, d1) -> (0)>
module attributes {stable_mosaic.version = 14 : i64} {
  func.func @dec_kernel(%arg0: i32, %arg1: i32, %arg2: memref<10000x128xf32, #tpu.memory_space<hbm>>, %arg3: memref<10000x128xf32, #tpu.memory_space<hbm>>, %arg4: memref<323584xi32, #tpu.memory_space<hbm>>, %arg5: memref<323584xi32, #tpu.memory_space<hbm>>, %arg6: memref<128xf32, #tpu.memory_space<hbm>>, %arg7: memref<16xf32, #tpu.memory_space<hbm>>, %arg8: memref<323584xf32, #tpu.memory_space<hbm>>, %arg9: memref<128xi32, #tpu.memory_space<vmem>>, %arg10: memref<128xi32, #tpu.memory_space<vmem>>, %arg11: memref<128x128xf32, #tpu.memory_space<vmem>>, %arg12: memref<128x128xf32, #tpu.memory_space<vmem>>, %arg13: memref<128xf32, #tpu.memory_space<vmem>>, %arg14: memref<16xf32, #tpu.memory_space<vmem>>, %arg15: memref<128x16xf32, #tpu.memory_space<vmem>>, %arg16: memref<128xf32, #tpu.memory_space<vmem>>, %arg17: memref<!tpu.dma_semaphore, #tpu.memory_space<semaphore_mem>>, %arg18: memref<!tpu.dma_semaphore, #tpu.memory_space<semaphore_mem>>) attributes {dimension_semantics = [#tpu.dimension_semantics<core_parallel>, #tpu.dimension_semantics<subcore_parallel>], iteration_bounds = array<i64: 2, 16>, scalar_prefetch = 0 : i64, scratch_operands = 10 : i64, tpu.core_type = #tpu.core_type<sc_vector_subcore>, window_params = [{transform_indices = #map}, {transform_indices = #map}, {transform_indices = #map1}, {transform_indices = #map1}, {transform_indices = #map1}, {transform_indices = #map1}, {transform_indices = #map1}]} {
    %mul3A = arith.constant 16 : i32
    %mul3A_0 = arith.muli %arg0, %mul3A : i32
    %add3A = arith.addi %mul3A_0, %arg1 : i32
    "tpu.region"() ({
      %run_scoped3A = tpu.sem_alloc : memref<!tpu.dma_semaphore, #tpu.memory_space<semaphore_mem>>
      tpu.enqueue_dma source(%arg6 : memref<128xf32, #tpu.memory_space<hbm>>) target(%arg13 : memref<128xf32, #tpu.memory_space<vmem>>) target_semaphore(%run_scoped3A : memref<!tpu.dma_semaphore, #tpu.memory_space<semaphore_mem>>)
      tpu.wait_dma2 semaphore(%run_scoped3A : memref<!tpu.dma_semaphore, #tpu.memory_space<semaphore_mem>>) src(%arg6 : memref<128xf32, #tpu.memory_space<hbm>>) dst(%arg13 : memref<128xf32, #tpu.memory_space<vmem>>)
      tpu.yield
    }) : () -> ()
    "tpu.region"() ({
      %run_scoped3A = tpu.sem_alloc : memref<!tpu.dma_semaphore, #tpu.memory_space<semaphore_mem>>
      tpu.enqueue_dma source(%arg7 : memref<16xf32, #tpu.memory_space<hbm>>) target(%arg14 : memref<16xf32, #tpu.memory_space<vmem>>) target_semaphore(%run_scoped3A : memref<!tpu.dma_semaphore, #tpu.memory_space<semaphore_mem>>)
      tpu.wait_dma2 semaphore(%run_scoped3A : memref<!tpu.dma_semaphore, #tpu.memory_space<semaphore_mem>>) src(%arg7 : memref<16xf32, #tpu.memory_space<hbm>>) dst(%arg14 : memref<16xf32, #tpu.memory_space<vmem>>)
      tpu.yield
    }) : () -> ()
    %scan3A = arith.constant 0 : i32
    %scan3A_1 = arith.constant 0 : i32
    %scan3A_2 = arith.constant 79 : i32
    %scan3A_3 = arith.addi %scan3A_1, %scan3A_2 : i32
    %scan3A_4 = arith.constant 1 : i32
    scf.for %scan3A_6 = %scan3A_1 to %scan3A_3 step %scan3A_4  : i32 {
      %mul3A_7 = arith.constant 10112 : i32
      %mul3A_8 = arith.muli %add3A, %mul3A_7 : i32
      %mul3A_9 = arith.constant 128 : i32
      %mul3A_10 = arith.muli %scan3A_6, %mul3A_9 : i32
      %add3A_11 = arith.addi %mul3A_8, %mul3A_10 : i32
      "tpu.region"() ({
        %run_scoped3A = tpu.sem_alloc : memref<!tpu.dma_semaphore, #tpu.memory_space<semaphore_mem>>
        %dma_start3A_576 = tpu.memref_slice %arg4[%add3A_11] : memref<323584xi32, #tpu.memory_space<hbm>> -> memref<128xi32, #tpu.memory_space<hbm>>
        %dma_start3A_577 = tpu.memref_slice %arg4[%add3A_11] : memref<323584xi32, #tpu.memory_space<hbm>> -> memref<128xi32, #tpu.memory_space<hbm>>
        tpu.enqueue_dma source(%dma_start3A_577 : memref<128xi32, #tpu.memory_space<hbm>>) target(%arg9 : memref<128xi32, #tpu.memory_space<vmem>>) target_semaphore(%run_scoped3A : memref<!tpu.dma_semaphore, #tpu.memory_space<semaphore_mem>>)
        %dma_wait3A_578 = tpu.memref_slice %arg4[%add3A_11] : memref<323584xi32, #tpu.memory_space<hbm>> -> memref<128xi32, #tpu.memory_space<hbm>>
        %dma_wait3A_579 = tpu.memref_slice %arg4[%add3A_11] : memref<323584xi32, #tpu.memory_space<hbm>> -> memref<128xi32, #tpu.memory_space<hbm>>
        tpu.wait_dma2 semaphore(%run_scoped3A : memref<!tpu.dma_semaphore, #tpu.memory_space<semaphore_mem>>) src(%dma_wait3A_579 : memref<128xi32, #tpu.memory_space<hbm>>) dst(%arg9 : memref<128xi32, #tpu.memory_space<vmem>>)
        tpu.yield
      }) : () -> ()
      "tpu.region"() ({
        %run_scoped3A = tpu.sem_alloc : memref<!tpu.dma_semaphore, #tpu.memory_space<semaphore_mem>>
        %dma_start3A_576 = tpu.memref_slice %arg5[%add3A_11] : memref<323584xi32, #tpu.memory_space<hbm>> -> memref<128xi32, #tpu.memory_space<hbm>>
        %dma_start3A_577 = tpu.memref_slice %arg5[%add3A_11] : memref<323584xi32, #tpu.memory_space<hbm>> -> memref<128xi32, #tpu.memory_space<hbm>>
        tpu.enqueue_dma source(%dma_start3A_577 : memref<128xi32, #tpu.memory_space<hbm>>) target(%arg10 : memref<128xi32, #tpu.memory_space<vmem>>) target_semaphore(%run_scoped3A : memref<!tpu.dma_semaphore, #tpu.memory_space<semaphore_mem>>)
        %dma_wait3A_578 = tpu.memref_slice %arg5[%add3A_11] : memref<323584xi32, #tpu.memory_space<hbm>> -> memref<128xi32, #tpu.memory_space<hbm>>
        %dma_wait3A_579 = tpu.memref_slice %arg5[%add3A_11] : memref<323584xi32, #tpu.memory_space<hbm>> -> memref<128xi32, #tpu.memory_space<hbm>>
        tpu.wait_dma2 semaphore(%run_scoped3A : memref<!tpu.dma_semaphore, #tpu.memory_space<semaphore_mem>>) src(%dma_wait3A_579 : memref<128xi32, #tpu.memory_space<hbm>>) dst(%arg10 : memref<128xi32, #tpu.memory_space<vmem>>)
        tpu.yield
      }) : () -> ()
      %dma_start3A = arith.constant 0 : i32
      %dma_start3A_12 = arith.constant 0 : i32
      %dma_start3A_13 = tpu.memref_slice %arg2[%dma_start3A, %dma_start3A_12] : memref<10000x128xf32, #tpu.memory_space<hbm>> -> memref<10000x128xf32, #tpu.memory_space<hbm>>
      tpu.enqueue_indirect_dma source(%dma_start3A_13 : memref<10000x128xf32, #tpu.memory_space<hbm>>) target(%arg11 : memref<128x128xf32, #tpu.memory_space<vmem>>) offsets(%arg9 : memref<128xi32, #tpu.memory_space<vmem>>) semaphore(%arg17 : memref<!tpu.dma_semaphore, #tpu.memory_space<semaphore_mem>>)
      %dma_start3A_14 = arith.constant 0 : i32
      %dma_start3A_15 = arith.constant 0 : i32
      %dma_start3A_16 = tpu.memref_slice %arg3[%dma_start3A_14, %dma_start3A_15] : memref<10000x128xf32, #tpu.memory_space<hbm>> -> memref<10000x128xf32, #tpu.memory_space<hbm>>
      tpu.enqueue_indirect_dma source(%dma_start3A_16 : memref<10000x128xf32, #tpu.memory_space<hbm>>) target(%arg12 : memref<128x128xf32, #tpu.memory_space<vmem>>) offsets(%arg10 : memref<128xi32, #tpu.memory_space<vmem>>) semaphore(%arg18 : memref<!tpu.dma_semaphore, #tpu.memory_space<semaphore_mem>>)
      %dma_wait3A = arith.constant 0 : i32
      %dma_wait3A_17 = arith.constant 0 : i32
      %dma_wait3A_18 = tpu.memref_slice %arg2[%dma_wait3A, %dma_wait3A_17] : memref<10000x128xf32, #tpu.memory_space<hbm>> -> memref<10000x128xf32, #tpu.memory_space<hbm>>
      tpu.wait_indirect_dma semaphore(%arg17 : memref<!tpu.dma_semaphore, #tpu.memory_space<semaphore_mem>>) src(%dma_wait3A_18 : memref<10000x128xf32, #tpu.memory_space<hbm>>) dst(%arg11 : memref<128x128xf32, #tpu.memory_space<vmem>>)
      %dma_wait3A_19 = arith.constant 0 : i32
      %dma_wait3A_20 = arith.constant 0 : i32
      %dma_wait3A_21 = tpu.memref_slice %arg3[%dma_wait3A_19, %dma_wait3A_20] : memref<10000x128xf32, #tpu.memory_space<hbm>> -> memref<10000x128xf32, #tpu.memory_space<hbm>>
      tpu.wait_indirect_dma semaphore(%arg18 : memref<!tpu.dma_semaphore, #tpu.memory_space<semaphore_mem>>) src(%dma_wait3A_21 : memref<10000x128xf32, #tpu.memory_space<hbm>>) dst(%arg12 : memref<128x128xf32, #tpu.memory_space<vmem>>)
      %scan3A_22 = arith.constant 0 : i32
      %scan3A_23 = arith.constant 0 : i32
      %scan3A_24 = arith.constant 128 : i32
      %scan3A_25 = arith.addi %scan3A_23, %scan3A_24 : i32
      %scan3A_26 = arith.constant 2 : i32
      scf.for %scan3A_576 = %scan3A_23 to %scan3A_25 step %scan3A_26  : i32 {
        %get3A = arith.constant 0 : index
        %get3A_577 = tpu.vector_load %arg14[%get3A] {strides = array<i32>} : memref<16xf32, #tpu.memory_space<vmem>>, vector<16xf32>,
        %get3A_578 = arith.index_cast %scan3A_576 : i32 to index
        %get3A_579 = arith.constant 0 : index
        %get3A_580 = tpu.vector_load %arg11[%get3A_578, %get3A_579] {strides = array<i32>} : memref<128x128xf32, #tpu.memory_space<vmem>>, vector<16xf32>,
        %get3A_581 = arith.index_cast %scan3A_576 : i32 to index
        %get3A_582 = arith.constant 0 : index
        %get3A_583 = tpu.vector_load %arg12[%get3A_581, %get3A_582] {strides = array<i32>} : memref<128x128xf32, #tpu.memory_space<vmem>>, vector<16xf32>,
        %add3A_584 = arith.addf %get3A_580, %get3A_583 : vector<16xf32>
        %max3A = arith.constant 0.000000e+00 : f32
        %max3A_585 = vector.broadcast %max3A : f32 to vector<16xf32>
        %max3A_586 = arith.maximumf %add3A_584, %max3A_585 : vector<16xf32>
        %get3A_587 = arith.constant 0 : index
        %get3A_588 = tpu.vector_load %arg13[%get3A_587] {strides = array<i32>} : memref<128xf32, #tpu.memory_space<vmem>>, vector<16xf32>,
        %mul3A_589 = arith.mulf %max3A_586, %get3A_588 : vector<16xf32>
        %add3A_590 = arith.addf %get3A_577, %mul3A_589 : vector<16xf32>
        %get3A_591 = arith.index_cast %scan3A_576 : i32 to index
        %get3A_592 = arith.constant 16 : index
        %get3A_593 = tpu.vector_load %arg11[%get3A_591, %get3A_592] {strides = array<i32>} : memref<128x128xf32, #tpu.memory_space<vmem>>, vector<16xf32>,
        %get3A_594 = arith.index_cast %scan3A_576 : i32 to index
        %get3A_595 = arith.constant 16 : index
        %get3A_596 = tpu.vector_load %arg12[%get3A_594, %get3A_595] {strides = array<i32>} : memref<128x128xf32, #tpu.memory_space<vmem>>, vector<16xf32>,
        %add3A_597 = arith.addf %get3A_593, %get3A_596 : vector<16xf32>
        %max3A_598 = arith.constant 0.000000e+00 : f32
        %max3A_599 = vector.broadcast %max3A_598 : f32 to vector<16xf32>
        %max3A_600 = arith.maximumf %add3A_597, %max3A_599 : vector<16xf32>
        %get3A_601 = arith.constant 16 : index
        %get3A_602 = tpu.vector_load %arg13[%get3A_601] {strides = array<i32>} : memref<128xf32, #tpu.memory_space<vmem>>, vector<16xf32>,
        %mul3A_603 = arith.mulf %max3A_600, %get3A_602 : vector<16xf32>
        %add3A_604 = arith.addf %add3A_590, %mul3A_603 : vector<16xf32>
        %get3A_605 = arith.index_cast %scan3A_576 : i32 to index
        %get3A_606 = arith.constant 32 : index
        %get3A_607 = tpu.vector_load %arg11[%get3A_605, %get3A_606] {strides = array<i32>} : memref<128x128xf32, #tpu.memory_space<vmem>>, vector<16xf32>,
        %get3A_608 = arith.index_cast %scan3A_576 : i32 to index
        %get3A_609 = arith.constant 32 : index
        %get3A_610 = tpu.vector_load %arg12[%get3A_608, %get3A_609] {strides = array<i32>} : memref<128x128xf32, #tpu.memory_space<vmem>>, vector<16xf32>,
        %add3A_611 = arith.addf %get3A_607, %get3A_610 : vector<16xf32>
        %max3A_612 = arith.constant 0.000000e+00 : f32
        %max3A_613 = vector.broadcast %max3A_612 : f32 to vector<16xf32>
        %max3A_614 = arith.maximumf %add3A_611, %max3A_613 : vector<16xf32>
        %get3A_615 = arith.constant 32 : index
        %get3A_616 = tpu.vector_load %arg13[%get3A_615] {strides = array<i32>} : memref<128xf32, #tpu.memory_space<vmem>>, vector<16xf32>,
        %mul3A_617 = arith.mulf %max3A_614, %get3A_616 : vector<16xf32>
        %add3A_618 = arith.addf %add3A_604, %mul3A_617 : vector<16xf32>
        %get3A_619 = arith.index_cast %scan3A_576 : i32 to index
        %get3A_620 = arith.constant 48 : index
        %get3A_621 = tpu.vector_load %arg11[%get3A_619, %get3A_620] {strides = array<i32>} : memref<128x128xf32, #tpu.memory_space<vmem>>, vector<16xf32>,
        %get3A_622 = arith.index_cast %scan3A_576 : i32 to index
        %get3A_623 = arith.constant 48 : index
        %get3A_624 = tpu.vector_load %arg12[%get3A_622, %get3A_623] {strides = array<i32>} : memref<128x128xf32, #tpu.memory_space<vmem>>, vector<16xf32>,
        %add3A_625 = arith.addf %get3A_621, %get3A_624 : vector<16xf32>
        %max3A_626 = arith.constant 0.000000e+00 : f32
        %max3A_627 = vector.broadcast %max3A_626 : f32 to vector<16xf32>
        %max3A_628 = arith.maximumf %add3A_625, %max3A_627 : vector<16xf32>
        %get3A_629 = arith.constant 48 : index
        %get3A_630 = tpu.vector_load %arg13[%get3A_629] {strides = array<i32>} : memref<128xf32, #tpu.memory_space<vmem>>, vector<16xf32>,
        %mul3A_631 = arith.mulf %max3A_628, %get3A_630 : vector<16xf32>
        %add3A_632 = arith.addf %add3A_618, %mul3A_631 : vector<16xf32>
        %get3A_633 = arith.index_cast %scan3A_576 : i32 to index
        %get3A_634 = arith.constant 64 : index
        %get3A_635 = tpu.vector_load %arg11[%get3A_633, %get3A_634] {strides = array<i32>} : memref<128x128xf32, #tpu.memory_space<vmem>>, vector<16xf32>,
        %get3A_636 = arith.index_cast %scan3A_576 : i32 to index
        %get3A_637 = arith.constant 64 : index
        %get3A_638 = tpu.vector_load %arg12[%get3A_636, %get3A_637] {strides = array<i32>} : memref<128x128xf32, #tpu.memory_space<vmem>>, vector<16xf32>,
        %add3A_639 = arith.addf %get3A_635, %get3A_638 : vector<16xf32>
        %max3A_640 = arith.constant 0.000000e+00 : f32
        %max3A_641 = vector.broadcast %max3A_640 : f32 to vector<16xf32>
        %max3A_642 = arith.maximumf %add3A_639, %max3A_641 : vector<16xf32>
        %get3A_643 = arith.constant 64 : index
        %get3A_644 = tpu.vector_load %arg13[%get3A_643] {strides = array<i32>} : memref<128xf32, #tpu.memory_space<vmem>>, vector<16xf32>,
        %mul3A_645 = arith.mulf %max3A_642, %get3A_644 : vector<16xf32>
        %add3A_646 = arith.addf %add3A_632, %mul3A_645 : vector<16xf32>
        %get3A_647 = arith.index_cast %scan3A_576 : i32 to index
        %get3A_648 = arith.constant 80 : index
        %get3A_649 = tpu.vector_load %arg11[%get3A_647, %get3A_648] {strides = array<i32>} : memref<128x128xf32, #tpu.memory_space<vmem>>, vector<16xf32>,
        %get3A_650 = arith.index_cast %scan3A_576 : i32 to index
        %get3A_651 = arith.constant 80 : index
        %get3A_652 = tpu.vector_load %arg12[%get3A_650, %get3A_651] {strides = array<i32>} : memref<128x128xf32, #tpu.memory_space<vmem>>, vector<16xf32>,
        %add3A_653 = arith.addf %get3A_649, %get3A_652 : vector<16xf32>
        %max3A_654 = arith.constant 0.000000e+00 : f32
        %max3A_655 = vector.broadcast %max3A_654 : f32 to vector<16xf32>
        %max3A_656 = arith.maximumf %add3A_653, %max3A_655 : vector<16xf32>
        %get3A_657 = arith.constant 80 : index
        %get3A_658 = tpu.vector_load %arg13[%get3A_657] {strides = array<i32>} : memref<128xf32, #tpu.memory_space<vmem>>, vector<16xf32>,
        %mul3A_659 = arith.mulf %max3A_656, %get3A_658 : vector<16xf32>
        %add3A_660 = arith.addf %add3A_646, %mul3A_659 : vector<16xf32>
        %get3A_661 = arith.index_cast %scan3A_576 : i32 to index
        %get3A_662 = arith.constant 96 : index
        %get3A_663 = tpu.vector_load %arg11[%get3A_661, %get3A_662] {strides = array<i32>} : memref<128x128xf32, #tpu.memory_space<vmem>>, vector<16xf32>,
        %get3A_664 = arith.index_cast %scan3A_576 : i32 to index
        %get3A_665 = arith.constant 96 : index
        %get3A_666 = tpu.vector_load %arg12[%get3A_664, %get3A_665] {strides = array<i32>} : memref<128x128xf32, #tpu.memory_space<vmem>>, vector<16xf32>,
        %add3A_667 = arith.addf %get3A_663, %get3A_666 : vector<16xf32>
        %max3A_668 = arith.constant 0.000000e+00 : f32
        %max3A_669 = vector.broadcast %max3A_668 : f32 to vector<16xf32>
        %max3A_670 = arith.maximumf %add3A_667, %max3A_669 : vector<16xf32>
        %get3A_671 = arith.constant 96 : index
        %get3A_672 = tpu.vector_load %arg13[%get3A_671] {strides = array<i32>} : memref<128xf32, #tpu.memory_space<vmem>>, vector<16xf32>,
        %mul3A_673 = arith.mulf %max3A_670, %get3A_672 : vector<16xf32>
        %add3A_674 = arith.addf %add3A_660, %mul3A_673 : vector<16xf32>
        %get3A_675 = arith.index_cast %scan3A_576 : i32 to index
        %get3A_676 = arith.constant 112 : index
        %get3A_677 = tpu.vector_load %arg11[%get3A_675, %get3A_676] {strides = array<i32>} : memref<128x128xf32, #tpu.memory_space<vmem>>, vector<16xf32>,
        %get3A_678 = arith.index_cast %scan3A_576 : i32 to index
        %get3A_679 = arith.constant 112 : index
        %get3A_680 = tpu.vector_load %arg12[%get3A_678, %get3A_679] {strides = array<i32>} : memref<128x128xf32, #tpu.memory_space<vmem>>, vector<16xf32>,
        %add3A_681 = arith.addf %get3A_677, %get3A_680 : vector<16xf32>
        %max3A_682 = arith.constant 0.000000e+00 : f32
        %max3A_683 = vector.broadcast %max3A_682 : f32 to vector<16xf32>
        %max3A_684 = arith.maximumf %add3A_681, %max3A_683 : vector<16xf32>
        %get3A_685 = arith.constant 112 : index
        %get3A_686 = tpu.vector_load %arg13[%get3A_685] {strides = array<i32>} : memref<128xf32, #tpu.memory_space<vmem>>, vector<16xf32>,
        %mul3A_687 = arith.mulf %max3A_684, %get3A_686 : vector<16xf32>
        %add3A_688 = arith.addf %add3A_674, %mul3A_687 : vector<16xf32>
        %swap3A_689 = arith.index_cast %scan3A_576 : i32 to index
        %swap3A_690 = arith.constant 0 : index
        %swap3A_691 = tpu.vector_load %arg15[%swap3A_689, %swap3A_690] {strides = array<i32>} : memref<128x16xf32, #tpu.memory_space<vmem>>, vector<16xf32>,
        tpu.vector_store %arg15[%swap3A_689, %swap3A_690], %add3A_688 {strides = array<i32>} : memref<128x16xf32, #tpu.memory_space<vmem>>, vector<16xf32>,
        %scan3A_692 = arith.constant 1 : i32
        %scan3A_693 = arith.addi %scan3A_576, %scan3A_692 : i32
        %get3A_694 = arith.constant 0 : index
        %get3A_695 = tpu.vector_load %arg14[%get3A_694] {strides = array<i32>} : memref<16xf32, #tpu.memory_space<vmem>>, vector<16xf32>,
        %get3A_696 = arith.index_cast %scan3A_693 : i32 to index
        %get3A_697 = arith.constant 0 : index
        %get3A_698 = tpu.vector_load %arg11[%get3A_696, %get3A_697] {strides = array<i32>} : memref<128x128xf32, #tpu.memory_space<vmem>>, vector<16xf32>,
        %get3A_699 = arith.index_cast %scan3A_693 : i32 to index
        %get3A_700 = arith.constant 0 : index
        %get3A_701 = tpu.vector_load %arg12[%get3A_699, %get3A_700] {strides = array<i32>} : memref<128x128xf32, #tpu.memory_space<vmem>>, vector<16xf32>,
        %add3A_702 = arith.addf %get3A_698, %get3A_701 : vector<16xf32>
        %max3A_703 = arith.constant 0.000000e+00 : f32
        %max3A_704 = vector.broadcast %max3A_703 : f32 to vector<16xf32>
        %max3A_705 = arith.maximumf %add3A_702, %max3A_704 : vector<16xf32>
        %get3A_706 = arith.constant 0 : index
        %get3A_707 = tpu.vector_load %arg13[%get3A_706] {strides = array<i32>} : memref<128xf32, #tpu.memory_space<vmem>>, vector<16xf32>,
        %mul3A_708 = arith.mulf %max3A_705, %get3A_707 : vector<16xf32>
        %add3A_709 = arith.addf %get3A_695, %mul3A_708 : vector<16xf32>
        %get3A_710 = arith.index_cast %scan3A_693 : i32 to index
        %get3A_711 = arith.constant 16 : index
        %get3A_712 = tpu.vector_load %arg11[%get3A_710, %get3A_711] {strides = array<i32>} : memref<128x128xf32, #tpu.memory_space<vmem>>, vector<16xf32>,
        %get3A_713 = arith.index_cast %scan3A_693 : i32 to index
        %get3A_714 = arith.constant 16 : index
        %get3A_715 = tpu.vector_load %arg12[%get3A_713, %get3A_714] {strides = array<i32>} : memref<128x128xf32, #tpu.memory_space<vmem>>, vector<16xf32>,
        %add3A_716 = arith.addf %get3A_712, %get3A_715 : vector<16xf32>
        %max3A_717 = arith.constant 0.000000e+00 : f32
        %max3A_718 = vector.broadcast %max3A_717 : f32 to vector<16xf32>
        %max3A_719 = arith.maximumf %add3A_716, %max3A_718 : vector<16xf32>
        %get3A_720 = arith.constant 16 : index
        %get3A_721 = tpu.vector_load %arg13[%get3A_720] {strides = array<i32>} : memref<128xf32, #tpu.memory_space<vmem>>, vector<16xf32>,
        %mul3A_722 = arith.mulf %max3A_719, %get3A_721 : vector<16xf32>
        %add3A_723 = arith.addf %add3A_709, %mul3A_722 : vector<16xf32>
        %get3A_724 = arith.index_cast %scan3A_693 : i32 to index
        %get3A_725 = arith.constant 32 : index
        %get3A_726 = tpu.vector_load %arg11[%get3A_724, %get3A_725] {strides = array<i32>} : memref<128x128xf32, #tpu.memory_space<vmem>>, vector<16xf32>,
        %get3A_727 = arith.index_cast %scan3A_693 : i32 to index
        %get3A_728 = arith.constant 32 : index
        %get3A_729 = tpu.vector_load %arg12[%get3A_727, %get3A_728] {strides = array<i32>} : memref<128x128xf32, #tpu.memory_space<vmem>>, vector<16xf32>,
        %add3A_730 = arith.addf %get3A_726, %get3A_729 : vector<16xf32>
        %max3A_731 = arith.constant 0.000000e+00 : f32
        %max3A_732 = vector.broadcast %max3A_731 : f32 to vector<16xf32>
        %max3A_733 = arith.maximumf %add3A_730, %max3A_732 : vector<16xf32>
        %get3A_734 = arith.constant 32 : index
        %get3A_735 = tpu.vector_load %arg13[%get3A_734] {strides = array<i32>} : memref<128xf32, #tpu.memory_space<vmem>>, vector<16xf32>,
        %mul3A_736 = arith.mulf %max3A_733, %get3A_735 : vector<16xf32>
        %add3A_737 = arith.addf %add3A_723, %mul3A_736 : vector<16xf32>
        %get3A_738 = arith.index_cast %scan3A_693 : i32 to index
        %get3A_739 = arith.constant 48 : index
        %get3A_740 = tpu.vector_load %arg11[%get3A_738, %get3A_739] {strides = array<i32>} : memref<128x128xf32, #tpu.memory_space<vmem>>, vector<16xf32>,
        %get3A_741 = arith.index_cast %scan3A_693 : i32 to index
        %get3A_742 = arith.constant 48 : index
        %get3A_743 = tpu.vector_load %arg12[%get3A_741, %get3A_742] {strides = array<i32>} : memref<128x128xf32, #tpu.memory_space<vmem>>, vector<16xf32>,
        %add3A_744 = arith.addf %get3A_740, %get3A_743 : vector<16xf32>
        %max3A_745 = arith.constant 0.000000e+00 : f32
        %max3A_746 = vector.broadcast %max3A_745 : f32 to vector<16xf32>
        %max3A_747 = arith.maximumf %add3A_744, %max3A_746 : vector<16xf32>
        %get3A_748 = arith.constant 48 : index
        %get3A_749 = tpu.vector_load %arg13[%get3A_748] {strides = array<i32>} : memref<128xf32, #tpu.memory_space<vmem>>, vector<16xf32>,
        %mul3A_750 = arith.mulf %max3A_747, %get3A_749 : vector<16xf32>
        %add3A_751 = arith.addf %add3A_737, %mul3A_750 : vector<16xf32>
        %get3A_752 = arith.index_cast %scan3A_693 : i32 to index
        %get3A_753 = arith.constant 64 : index
        %get3A_754 = tpu.vector_load %arg11[%get3A_752, %get3A_753] {strides = array<i32>} : memref<128x128xf32, #tpu.memory_space<vmem>>, vector<16xf32>,
        %get3A_755 = arith.index_cast %scan3A_693 : i32 to index
        %get3A_756 = arith.constant 64 : index
        %get3A_757 = tpu.vector_load %arg12[%get3A_755, %get3A_756] {strides = array<i32>} : memref<128x128xf32, #tpu.memory_space<vmem>>, vector<16xf32>,
        %add3A_758 = arith.addf %get3A_754, %get3A_757 : vector<16xf32>
        %max3A_759 = arith.constant 0.000000e+00 : f32
        %max3A_760 = vector.broadcast %max3A_759 : f32 to vector<16xf32>
        %max3A_761 = arith.maximumf %add3A_758, %max3A_760 : vector<16xf32>
        %get3A_762 = arith.constant 64 : index
        %get3A_763 = tpu.vector_load %arg13[%get3A_762] {strides = array<i32>} : memref<128xf32, #tpu.memory_space<vmem>>, vector<16xf32>,
        %mul3A_764 = arith.mulf %max3A_761, %get3A_763 : vector<16xf32>
        %add3A_765 = arith.addf %add3A_751, %mul3A_764 : vector<16xf32>
        %get3A_766 = arith.index_cast %scan3A_693 : i32 to index
        %get3A_767 = arith.constant 80 : index
        %get3A_768 = tpu.vector_load %arg11[%get3A_766, %get3A_767] {strides = array<i32>} : memref<128x128xf32, #tpu.memory_space<vmem>>, vector<16xf32>,
        %get3A_769 = arith.index_cast %scan3A_693 : i32 to index
        %get3A_770 = arith.constant 80 : index
        %get3A_771 = tpu.vector_load %arg12[%get3A_769, %get3A_770] {strides = array<i32>} : memref<128x128xf32, #tpu.memory_space<vmem>>, vector<16xf32>,
        %add3A_772 = arith.addf %get3A_768, %get3A_771 : vector<16xf32>
        %max3A_773 = arith.constant 0.000000e+00 : f32
        %max3A_774 = vector.broadcast %max3A_773 : f32 to vector<16xf32>
        %max3A_775 = arith.maximumf %add3A_772, %max3A_774 : vector<16xf32>
        %get3A_776 = arith.constant 80 : index
        %get3A_777 = tpu.vector_load %arg13[%get3A_776] {strides = array<i32>} : memref<128xf32, #tpu.memory_space<vmem>>, vector<16xf32>,
        %mul3A_778 = arith.mulf %max3A_775, %get3A_777 : vector<16xf32>
        %add3A_779 = arith.addf %add3A_765, %mul3A_778 : vector<16xf32>
        %get3A_780 = arith.index_cast %scan3A_693 : i32 to index
        %get3A_781 = arith.constant 96 : index
        %get3A_782 = tpu.vector_load %arg11[%get3A_780, %get3A_781] {strides = array<i32>} : memref<128x128xf32, #tpu.memory_space<vmem>>, vector<16xf32>,
        %get3A_783 = arith.index_cast %scan3A_693 : i32 to index
        %get3A_784 = arith.constant 96 : index
        %get3A_785 = tpu.vector_load %arg12[%get3A_783, %get3A_784] {strides = array<i32>} : memref<128x128xf32, #tpu.memory_space<vmem>>, vector<16xf32>,
        %add3A_786 = arith.addf %get3A_782, %get3A_785 : vector<16xf32>
        %max3A_787 = arith.constant 0.000000e+00 : f32
        %max3A_788 = vector.broadcast %max3A_787 : f32 to vector<16xf32>
        %max3A_789 = arith.maximumf %add3A_786, %max3A_788 : vector<16xf32>
        %get3A_790 = arith.constant 96 : index
        %get3A_791 = tpu.vector_load %arg13[%get3A_790] {strides = array<i32>} : memref<128xf32, #tpu.memory_space<vmem>>, vector<16xf32>,
        %mul3A_792 = arith.mulf %max3A_789, %get3A_791 : vector<16xf32>
        %add3A_793 = arith.addf %add3A_779, %mul3A_792 : vector<16xf32>
        %get3A_794 = arith.index_cast %scan3A_693 : i32 to index
        %get3A_795 = arith.constant 112 : index
        %get3A_796 = tpu.vector_load %arg11[%get3A_794, %get3A_795] {strides = array<i32>} : memref<128x128xf32, #tpu.memory_space<vmem>>, vector<16xf32>,
        %get3A_797 = arith.index_cast %scan3A_693 : i32 to index
        %get3A_798 = arith.constant 112 : index
        %get3A_799 = tpu.vector_load %arg12[%get3A_797, %get3A_798] {strides = array<i32>} : memref<128x128xf32, #tpu.memory_space<vmem>>, vector<16xf32>,
        %add3A_800 = arith.addf %get3A_796, %get3A_799 : vector<16xf32>
        %max3A_801 = arith.constant 0.000000e+00 : f32
        %max3A_802 = vector.broadcast %max3A_801 : f32 to vector<16xf32>
        %max3A_803 = arith.maximumf %add3A_800, %max3A_802 : vector<16xf32>
        %get3A_804 = arith.constant 112 : index
        %get3A_805 = tpu.vector_load %arg13[%get3A_804] {strides = array<i32>} : memref<128xf32, #tpu.memory_space<vmem>>, vector<16xf32>,
        %mul3A_806 = arith.mulf %max3A_803, %get3A_805 : vector<16xf32>
        %add3A_807 = arith.addf %add3A_793, %mul3A_806 : vector<16xf32>
        %swap3A_808 = arith.index_cast %scan3A_693 : i32 to index
        %swap3A_809 = arith.constant 0 : index
        %swap3A_810 = tpu.vector_load %arg15[%swap3A_808, %swap3A_809] {strides = array<i32>} : memref<128x16xf32, #tpu.memory_space<vmem>>, vector<16xf32>,
        tpu.vector_store %arg15[%swap3A_808, %swap3A_809], %add3A_807 {strides = array<i32>} : memref<128x16xf32, #tpu.memory_space<vmem>>, vector<16xf32>,
      }
      %scan3A_27 = arith.constant 128 : i32
      %iota3A = tpu.iota {dimensions = array<i32: 0>} : vector<16xi32>
      %add3A_28 = arith.constant 0 : i32
      %add3A_29 = vector.broadcast %add3A_28 : i32 to vector<16xi32>
      %add3A_30 = arith.addi %iota3A, %add3A_29 : vector<16xi32>
      %broadcast_in_dim3A = arith.constant 0 : i32
      %broadcast_in_dim3A_31 = vector.broadcast %broadcast_in_dim3A : i32 to vector<16xi32>
      %gather3A = tpu.vector_load_idx %arg15[%add3A_30, %broadcast_in_dim3A_31] : memref<128x16xf32, #tpu.memory_space<vmem>>[vector<16xi32>, vector<16xi32>], vector<16xf32>,
      %broadcast_in_dim3A_32 = arith.constant 1 : i32
      %broadcast_in_dim3A_33 = vector.broadcast %broadcast_in_dim3A_32 : i32 to vector<16xi32>
      %gather3A_34 = tpu.vector_load_idx %arg15[%add3A_30, %broadcast_in_dim3A_33] : memref<128x16xf32, #tpu.memory_space<vmem>>[vector<16xi32>, vector<16xi32>], vector<16xf32>,
      %add3A_35 = arith.addf %gather3A, %gather3A_34 : vector<16xf32>
      %broadcast_in_dim3A_36 = arith.constant 2 : i32
      %broadcast_in_dim3A_37 = vector.broadcast %broadcast_in_dim3A_36 : i32 to vector<16xi32>
      %gather3A_38 = tpu.vector_load_idx %arg15[%add3A_30, %broadcast_in_dim3A_37] : memref<128x16xf32, #tpu.memory_space<vmem>>[vector<16xi32>, vector<16xi32>], vector<16xf32>,
      %add3A_39 = arith.addf %add3A_35, %gather3A_38 : vector<16xf32>
      %broadcast_in_dim3A_40 = arith.constant 3 : i32
      %broadcast_in_dim3A_41 = vector.broadcast %broadcast_in_dim3A_40 : i32 to vector<16xi32>
      %gather3A_42 = tpu.vector_load_idx %arg15[%add3A_30, %broadcast_in_dim3A_41] : memref<128x16xf32, #tpu.memory_space<vmem>>[vector<16xi32>, vector<16xi32>], vector<16xf32>,
      %add3A_43 = arith.addf %add3A_39, %gather3A_42 : vector<16xf32>
      %broadcast_in_dim3A_44 = arith.constant 4 : i32
      %broadcast_in_dim3A_45 = vector.broadcast %broadcast_in_dim3A_44 : i32 to vector<16xi32>
      %gather3A_46 = tpu.vector_load_idx %arg15[%add3A_30, %broadcast_in_dim3A_45] : memref<128x16xf32, #tpu.memory_space<vmem>>[vector<16xi32>, vector<16xi32>], vector<16xf32>,
      %add3A_47 = arith.addf %add3A_43, %gather3A_46 : vector<16xf32>
      %broadcast_in_dim3A_48 = arith.constant 5 : i32
      %broadcast_in_dim3A_49 = vector.broadcast %broadcast_in_dim3A_48 : i32 to vector<16xi32>
      %gather3A_50 = tpu.vector_load_idx %arg15[%add3A_30, %broadcast_in_dim3A_49] : memref<128x16xf32, #tpu.memory_space<vmem>>[vector<16xi32>, vector<16xi32>], vector<16xf32>,
      %add3A_51 = arith.addf %add3A_47, %gather3A_50 : vector<16xf32>
      %broadcast_in_dim3A_52 = arith.constant 6 : i32
      %broadcast_in_dim3A_53 = vector.broadcast %broadcast_in_dim3A_52 : i32 to vector<16xi32>
      %gather3A_54 = tpu.vector_load_idx %arg15[%add3A_30, %broadcast_in_dim3A_53] : memref<128x16xf32, #tpu.memory_space<vmem>>[vector<16xi32>, vector<16xi32>], vector<16xf32>,
      %add3A_55 = arith.addf %add3A_51, %gather3A_54 : vector<16xf32>
      %broadcast_in_dim3A_56 = arith.constant 7 : i32
      %broadcast_in_dim3A_57 = vector.broadcast %broadcast_in_dim3A_56 : i32 to vector<16xi32>
      %gather3A_58 = tpu.vector_load_idx %arg15[%add3A_30, %broadcast_in_dim3A_57] : memref<128x16xf32, #tpu.memory_space<vmem>>[vector<16xi32>, vector<16xi32>], vector<16xf32>,
      %add3A_59 = arith.addf %add3A_55, %gather3A_58 : vector<16xf32>
      %broadcast_in_dim3A_60 = arith.constant 8 : i32
      %broadcast_in_dim3A_61 = vector.broadcast %broadcast_in_dim3A_60 : i32 to vector<16xi32>
      %gather3A_62 = tpu.vector_load_idx %arg15[%add3A_30, %broadcast_in_dim3A_61] : memref<128x16xf32, #tpu.memory_space<vmem>>[vector<16xi32>, vector<16xi32>], vector<16xf32>,
      %add3A_63 = arith.addf %add3A_59, %gather3A_62 : vector<16xf32>
      %broadcast_in_dim3A_64 = arith.constant 9 : i32
      %broadcast_in_dim3A_65 = vector.broadcast %broadcast_in_dim3A_64 : i32 to vector<16xi32>
      %gather3A_66 = tpu.vector_load_idx %arg15[%add3A_30, %broadcast_in_dim3A_65] : memref<128x16xf32, #tpu.memory_space<vmem>>[vector<16xi32>, vector<16xi32>], vector<16xf32>,
      %add3A_67 = arith.addf %add3A_63, %gather3A_66 : vector<16xf32>
      %broadcast_in_dim3A_68 = arith.constant 10 : i32
      %broadcast_in_dim3A_69 = vector.broadcast %broadcast_in_dim3A_68 : i32 to vector<16xi32>
      %gather3A_70 = tpu.vector_load_idx %arg15[%add3A_30, %broadcast_in_dim3A_69] : memref<128x16xf32, #tpu.memory_space<vmem>>[vector<16xi32>, vector<16xi32>], vector<16xf32>,
      %add3A_71 = arith.addf %add3A_67, %gather3A_70 : vector<16xf32>
      %broadcast_in_dim3A_72 = arith.constant 11 : i32
      %broadcast_in_dim3A_73 = vector.broadcast %broadcast_in_dim3A_72 : i32 to vector<16xi32>
      %gather3A_74 = tpu.vector_load_idx %arg15[%add3A_30, %broadcast_in_dim3A_73] : memref<128x16xf32, #tpu.memory_space<vmem>>[vector<16xi32>, vector<16xi32>], vector<16xf32>,
      %add3A_75 = arith.addf %add3A_71, %gather3A_74 : vector<16xf32>
      %broadcast_in_dim3A_76 = arith.constant 12 : i32
      %broadcast_in_dim3A_77 = vector.broadcast %broadcast_in_dim3A_76 : i32 to vector<16xi32>
      %gather3A_78 = tpu.vector_load_idx %arg15[%add3A_30, %broadcast_in_dim3A_77] : memref<128x16xf32, #tpu.memory_space<vmem>>[vector<16xi32>, vector<16xi32>], vector<16xf32>,
      %add3A_79 = arith.addf %add3A_75, %gather3A_78 : vector<16xf32>
      %broadcast_in_dim3A_80 = arith.constant 13 : i32
      %broadcast_in_dim3A_81 = vector.broadcast %broadcast_in_dim3A_80 : i32 to vector<16xi32>
      %gather3A_82 = tpu.vector_load_idx %arg15[%add3A_30, %broadcast_in_dim3A_81] : memref<128x16xf32, #tpu.memory_space<vmem>>[vector<16xi32>, vector<16xi32>], vector<16xf32>,
      %add3A_83 = arith.addf %add3A_79, %gather3A_82 : vector<16xf32>
      %broadcast_in_dim3A_84 = arith.constant 14 : i32
      %broadcast_in_dim3A_85 = vector.broadcast %broadcast_in_dim3A_84 : i32 to vector<16xi32>
      %gather3A_86 = tpu.vector_load_idx %arg15[%add3A_30, %broadcast_in_dim3A_85] : memref<128x16xf32, #tpu.memory_space<vmem>>[vector<16xi32>, vector<16xi32>], vector<16xf32>,
      %add3A_87 = arith.addf %add3A_83, %gather3A_86 : vector<16xf32>
      %broadcast_in_dim3A_88 = arith.constant 15 : i32
      %broadcast_in_dim3A_89 = vector.broadcast %broadcast_in_dim3A_88 : i32 to vector<16xi32>
      %gather3A_90 = tpu.vector_load_idx %arg15[%add3A_30, %broadcast_in_dim3A_89] : memref<128x16xf32, #tpu.memory_space<vmem>>[vector<16xi32>, vector<16xi32>], vector<16xf32>,
      %add3A_91 = arith.addf %add3A_87, %gather3A_90 : vector<16xf32>
      %swap3A = arith.constant 0 : index
      %swap3A_92 = tpu.vector_load %arg16[%swap3A] {strides = array<i32>} : memref<128xf32, #tpu.memory_space<vmem>>, vector<16xf32>,
      tpu.vector_store %arg16[%swap3A], %add3A_91 {strides = array<i32>} : memref<128xf32, #tpu.memory_space<vmem>>, vector<16xf32>,
      %iota3A_93 = tpu.iota {dimensions = array<i32: 0>} : vector<16xi32>
      %add3A_94 = arith.constant 16 : i32
      %add3A_95 = vector.broadcast %add3A_94 : i32 to vector<16xi32>
      %add3A_96 = arith.addi %iota3A_93, %add3A_95 : vector<16xi32>
      %broadcast_in_dim3A_97 = arith.constant 0 : i32
      %broadcast_in_dim3A_98 = vector.broadcast %broadcast_in_dim3A_97 : i32 to vector<16xi32>
      %gather3A_99 = tpu.vector_load_idx %arg15[%add3A_96, %broadcast_in_dim3A_98] : memref<128x16xf32, #tpu.memory_space<vmem>>[vector<16xi32>, vector<16xi32>], vector<16xf32>,
      %broadcast_in_dim3A_100 = arith.constant 1 : i32
      %broadcast_in_dim3A_101 = vector.broadcast %broadcast_in_dim3A_100 : i32 to vector<16xi32>
      %gather3A_102 = tpu.vector_load_idx %arg15[%add3A_96, %broadcast_in_dim3A_101] : memref<128x16xf32, #tpu.memory_space<vmem>>[vector<16xi32>, vector<16xi32>], vector<16xf32>,
      %add3A_103 = arith.addf %gather3A_99, %gather3A_102 : vector<16xf32>
      %broadcast_in_dim3A_104 = arith.constant 2 : i32
      %broadcast_in_dim3A_105 = vector.broadcast %broadcast_in_dim3A_104 : i32 to vector<16xi32>
      %gather3A_106 = tpu.vector_load_idx %arg15[%add3A_96, %broadcast_in_dim3A_105] : memref<128x16xf32, #tpu.memory_space<vmem>>[vector<16xi32>, vector<16xi32>], vector<16xf32>,
      %add3A_107 = arith.addf %add3A_103, %gather3A_106 : vector<16xf32>
      %broadcast_in_dim3A_108 = arith.constant 3 : i32
      %broadcast_in_dim3A_109 = vector.broadcast %broadcast_in_dim3A_108 : i32 to vector<16xi32>
      %gather3A_110 = tpu.vector_load_idx %arg15[%add3A_96, %broadcast_in_dim3A_109] : memref<128x16xf32, #tpu.memory_space<vmem>>[vector<16xi32>, vector<16xi32>], vector<16xf32>,
      %add3A_111 = arith.addf %add3A_107, %gather3A_110 : vector<16xf32>
      %broadcast_in_dim3A_112 = arith.constant 4 : i32
      %broadcast_in_dim3A_113 = vector.broadcast %broadcast_in_dim3A_112 : i32 to vector<16xi32>
      %gather3A_114 = tpu.vector_load_idx %arg15[%add3A_96, %broadcast_in_dim3A_113] : memref<128x16xf32, #tpu.memory_space<vmem>>[vector<16xi32>, vector<16xi32>], vector<16xf32>,
      %add3A_115 = arith.addf %add3A_111, %gather3A_114 : vector<16xf32>
      %broadcast_in_dim3A_116 = arith.constant 5 : i32
      %broadcast_in_dim3A_117 = vector.broadcast %broadcast_in_dim3A_116 : i32 to vector<16xi32>
      %gather3A_118 = tpu.vector_load_idx %arg15[%add3A_96, %broadcast_in_dim3A_117] : memref<128x16xf32, #tpu.memory_space<vmem>>[vector<16xi32>, vector<16xi32>], vector<16xf32>,
      %add3A_119 = arith.addf %add3A_115, %gather3A_118 : vector<16xf32>
      %broadcast_in_dim3A_120 = arith.constant 6 : i32
      %broadcast_in_dim3A_121 = vector.broadcast %broadcast_in_dim3A_120 : i32 to vector<16xi32>
      %gather3A_122 = tpu.vector_load_idx %arg15[%add3A_96, %broadcast_in_dim3A_121] : memref<128x16xf32, #tpu.memory_space<vmem>>[vector<16xi32>, vector<16xi32>], vector<16xf32>,
      %add3A_123 = arith.addf %add3A_119, %gather3A_122 : vector<16xf32>
      %broadcast_in_dim3A_124 = arith.constant 7 : i32
      %broadcast_in_dim3A_125 = vector.broadcast %broadcast_in_dim3A_124 : i32 to vector<16xi32>
      %gather3A_126 = tpu.vector_load_idx %arg15[%add3A_96, %broadcast_in_dim3A_125] : memref<128x16xf32, #tpu.memory_space<vmem>>[vector<16xi32>, vector<16xi32>], vector<16xf32>,
      %add3A_127 = arith.addf %add3A_123, %gather3A_126 : vector<16xf32>
      %broadcast_in_dim3A_128 = arith.constant 8 : i32
      %broadcast_in_dim3A_129 = vector.broadcast %broadcast_in_dim3A_128 : i32 to vector<16xi32>
      %gather3A_130 = tpu.vector_load_idx %arg15[%add3A_96, %broadcast_in_dim3A_129] : memref<128x16xf32, #tpu.memory_space<vmem>>[vector<16xi32>, vector<16xi32>], vector<16xf32>,
      %add3A_131 = arith.addf %add3A_127, %gather3A_130 : vector<16xf32>
      %broadcast_in_dim3A_132 = arith.constant 9 : i32
      %broadcast_in_dim3A_133 = vector.broadcast %broadcast_in_dim3A_132 : i32 to vector<16xi32>
      %gather3A_134 = tpu.vector_load_idx %arg15[%add3A_96, %broadcast_in_dim3A_133] : memref<128x16xf32, #tpu.memory_space<vmem>>[vector<16xi32>, vector<16xi32>], vector<16xf32>,
      %add3A_135 = arith.addf %add3A_131, %gather3A_134 : vector<16xf32>
      %broadcast_in_dim3A_136 = arith.constant 10 : i32
      %broadcast_in_dim3A_137 = vector.broadcast %broadcast_in_dim3A_136 : i32 to vector<16xi32>
      %gather3A_138 = tpu.vector_load_idx %arg15[%add3A_96, %broadcast_in_dim3A_137] : memref<128x16xf32, #tpu.memory_space<vmem>>[vector<16xi32>, vector<16xi32>], vector<16xf32>,
      %add3A_139 = arith.addf %add3A_135, %gather3A_138 : vector<16xf32>
      %broadcast_in_dim3A_140 = arith.constant 11 : i32
      %broadcast_in_dim3A_141 = vector.broadcast %broadcast_in_dim3A_140 : i32 to vector<16xi32>
      %gather3A_142 = tpu.vector_load_idx %arg15[%add3A_96, %broadcast_in_dim3A_141] : memref<128x16xf32, #tpu.memory_space<vmem>>[vector<16xi32>, vector<16xi32>], vector<16xf32>,
      %add3A_143 = arith.addf %add3A_139, %gather3A_142 : vector<16xf32>
      %broadcast_in_dim3A_144 = arith.constant 12 : i32
      %broadcast_in_dim3A_145 = vector.broadcast %broadcast_in_dim3A_144 : i32 to vector<16xi32>
      %gather3A_146 = tpu.vector_load_idx %arg15[%add3A_96, %broadcast_in_dim3A_145] : memref<128x16xf32, #tpu.memory_space<vmem>>[vector<16xi32>, vector<16xi32>], vector<16xf32>,
      %add3A_147 = arith.addf %add3A_143, %gather3A_146 : vector<16xf32>
      %broadcast_in_dim3A_148 = arith.constant 13 : i32
      %broadcast_in_dim3A_149 = vector.broadcast %broadcast_in_dim3A_148 : i32 to vector<16xi32>
      %gather3A_150 = tpu.vector_load_idx %arg15[%add3A_96, %broadcast_in_dim3A_149] : memref<128x16xf32, #tpu.memory_space<vmem>>[vector<16xi32>, vector<16xi32>], vector<16xf32>,
      %add3A_151 = arith.addf %add3A_147, %gather3A_150 : vector<16xf32>
      %broadcast_in_dim3A_152 = arith.constant 14 : i32
      %broadcast_in_dim3A_153 = vector.broadcast %broadcast_in_dim3A_152 : i32 to vector<16xi32>
      %gather3A_154 = tpu.vector_load_idx %arg15[%add3A_96, %broadcast_in_dim3A_153] : memref<128x16xf32, #tpu.memory_space<vmem>>[vector<16xi32>, vector<16xi32>], vector<16xf32>,
      %add3A_155 = arith.addf %add3A_151, %gather3A_154 : vector<16xf32>
      %broadcast_in_dim3A_156 = arith.constant 15 : i32
      %broadcast_in_dim3A_157 = vector.broadcast %broadcast_in_dim3A_156 : i32 to vector<16xi32>
      %gather3A_158 = tpu.vector_load_idx %arg15[%add3A_96, %broadcast_in_dim3A_157] : memref<128x16xf32, #tpu.memory_space<vmem>>[vector<16xi32>, vector<16xi32>], vector<16xf32>,
      %add3A_159 = arith.addf %add3A_155, %gather3A_158 : vector<16xf32>
      %swap3A_160 = arith.constant 16 : index
      %swap3A_161 = tpu.vector_load %arg16[%swap3A_160] {strides = array<i32>} : memref<128xf32, #tpu.memory_space<vmem>>, vector<16xf32>,
      tpu.vector_store %arg16[%swap3A_160], %add3A_159 {strides = array<i32>} : memref<128xf32, #tpu.memory_space<vmem>>, vector<16xf32>,
      %iota3A_162 = tpu.iota {dimensions = array<i32: 0>} : vector<16xi32>
      %add3A_163 = arith.constant 32 : i32
      %add3A_164 = vector.broadcast %add3A_163 : i32 to vector<16xi32>
      %add3A_165 = arith.addi %iota3A_162, %add3A_164 : vector<16xi32>
      %broadcast_in_dim3A_166 = arith.constant 0 : i32
      %broadcast_in_dim3A_167 = vector.broadcast %broadcast_in_dim3A_166 : i32 to vector<16xi32>
      %gather3A_168 = tpu.vector_load_idx %arg15[%add3A_165, %broadcast_in_dim3A_167] : memref<128x16xf32, #tpu.memory_space<vmem>>[vector<16xi32>, vector<16xi32>], vector<16xf32>,
      %broadcast_in_dim3A_169 = arith.constant 1 : i32
      %broadcast_in_dim3A_170 = vector.broadcast %broadcast_in_dim3A_169 : i32 to vector<16xi32>
      %gather3A_171 = tpu.vector_load_idx %arg15[%add3A_165, %broadcast_in_dim3A_170] : memref<128x16xf32, #tpu.memory_space<vmem>>[vector<16xi32>, vector<16xi32>], vector<16xf32>,
      %add3A_172 = arith.addf %gather3A_168, %gather3A_171 : vector<16xf32>
      %broadcast_in_dim3A_173 = arith.constant 2 : i32
      %broadcast_in_dim3A_174 = vector.broadcast %broadcast_in_dim3A_173 : i32 to vector<16xi32>
      %gather3A_175 = tpu.vector_load_idx %arg15[%add3A_165, %broadcast_in_dim3A_174] : memref<128x16xf32, #tpu.memory_space<vmem>>[vector<16xi32>, vector<16xi32>], vector<16xf32>,
      %add3A_176 = arith.addf %add3A_172, %gather3A_175 : vector<16xf32>
      %broadcast_in_dim3A_177 = arith.constant 3 : i32
      %broadcast_in_dim3A_178 = vector.broadcast %broadcast_in_dim3A_177 : i32 to vector<16xi32>
      %gather3A_179 = tpu.vector_load_idx %arg15[%add3A_165, %broadcast_in_dim3A_178] : memref<128x16xf32, #tpu.memory_space<vmem>>[vector<16xi32>, vector<16xi32>], vector<16xf32>,
      %add3A_180 = arith.addf %add3A_176, %gather3A_179 : vector<16xf32>
      %broadcast_in_dim3A_181 = arith.constant 4 : i32
      %broadcast_in_dim3A_182 = vector.broadcast %broadcast_in_dim3A_181 : i32 to vector<16xi32>
      %gather3A_183 = tpu.vector_load_idx %arg15[%add3A_165, %broadcast_in_dim3A_182] : memref<128x16xf32, #tpu.memory_space<vmem>>[vector<16xi32>, vector<16xi32>], vector<16xf32>,
      %add3A_184 = arith.addf %add3A_180, %gather3A_183 : vector<16xf32>
      %broadcast_in_dim3A_185 = arith.constant 5 : i32
      %broadcast_in_dim3A_186 = vector.broadcast %broadcast_in_dim3A_185 : i32 to vector<16xi32>
      %gather3A_187 = tpu.vector_load_idx %arg15[%add3A_165, %broadcast_in_dim3A_186] : memref<128x16xf32, #tpu.memory_space<vmem>>[vector<16xi32>, vector<16xi32>], vector<16xf32>,
      %add3A_188 = arith.addf %add3A_184, %gather3A_187 : vector<16xf32>
      %broadcast_in_dim3A_189 = arith.constant 6 : i32
      %broadcast_in_dim3A_190 = vector.broadcast %broadcast_in_dim3A_189 : i32 to vector<16xi32>
      %gather3A_191 = tpu.vector_load_idx %arg15[%add3A_165, %broadcast_in_dim3A_190] : memref<128x16xf32, #tpu.memory_space<vmem>>[vector<16xi32>, vector<16xi32>], vector<16xf32>,
      %add3A_192 = arith.addf %add3A_188, %gather3A_191 : vector<16xf32>
      %broadcast_in_dim3A_193 = arith.constant 7 : i32
      %broadcast_in_dim3A_194 = vector.broadcast %broadcast_in_dim3A_193 : i32 to vector<16xi32>
      %gather3A_195 = tpu.vector_load_idx %arg15[%add3A_165, %broadcast_in_dim3A_194] : memref<128x16xf32, #tpu.memory_space<vmem>>[vector<16xi32>, vector<16xi32>], vector<16xf32>,
      %add3A_196 = arith.addf %add3A_192, %gather3A_195 : vector<16xf32>
      %broadcast_in_dim3A_197 = arith.constant 8 : i32
      %broadcast_in_dim3A_198 = vector.broadcast %broadcast_in_dim3A_197 : i32 to vector<16xi32>
      %gather3A_199 = tpu.vector_load_idx %arg15[%add3A_165, %broadcast_in_dim3A_198] : memref<128x16xf32, #tpu.memory_space<vmem>>[vector<16xi32>, vector<16xi32>], vector<16xf32>,
      %add3A_200 = arith.addf %add3A_196, %gather3A_199 : vector<16xf32>
      %broadcast_in_dim3A_201 = arith.constant 9 : i32
      %broadcast_in_dim3A_202 = vector.broadcast %broadcast_in_dim3A_201 : i32 to vector<16xi32>
      %gather3A_203 = tpu.vector_load_idx %arg15[%add3A_165, %broadcast_in_dim3A_202] : memref<128x16xf32, #tpu.memory_space<vmem>>[vector<16xi32>, vector<16xi32>], vector<16xf32>,
      %add3A_204 = arith.addf %add3A_200, %gather3A_203 : vector<16xf32>
      %broadcast_in_dim3A_205 = arith.constant 10 : i32
      %broadcast_in_dim3A_206 = vector.broadcast %broadcast_in_dim3A_205 : i32 to vector<16xi32>
      %gather3A_207 = tpu.vector_load_idx %arg15[%add3A_165, %broadcast_in_dim3A_206] : memref<128x16xf32, #tpu.memory_space<vmem>>[vector<16xi32>, vector<16xi32>], vector<16xf32>,
      %add3A_208 = arith.addf %add3A_204, %gather3A_207 : vector<16xf32>
      %broadcast_in_dim3A_209 = arith.constant 11 : i32
      %broadcast_in_dim3A_210 = vector.broadcast %broadcast_in_dim3A_209 : i32 to vector<16xi32>
      %gather3A_211 = tpu.vector_load_idx %arg15[%add3A_165, %broadcast_in_dim3A_210] : memref<128x16xf32, #tpu.memory_space<vmem>>[vector<16xi32>, vector<16xi32>], vector<16xf32>,
      %add3A_212 = arith.addf %add3A_208, %gather3A_211 : vector<16xf32>
      %broadcast_in_dim3A_213 = arith.constant 12 : i32
      %broadcast_in_dim3A_214 = vector.broadcast %broadcast_in_dim3A_213 : i32 to vector<16xi32>
      %gather3A_215 = tpu.vector_load_idx %arg15[%add3A_165, %broadcast_in_dim3A_214] : memref<128x16xf32, #tpu.memory_space<vmem>>[vector<16xi32>, vector<16xi32>], vector<16xf32>,
      %add3A_216 = arith.addf %add3A_212, %gather3A_215 : vector<16xf32>
      %broadcast_in_dim3A_217 = arith.constant 13 : i32
      %broadcast_in_dim3A_218 = vector.broadcast %broadcast_in_dim3A_217 : i32 to vector<16xi32>
      %gather3A_219 = tpu.vector_load_idx %arg15[%add3A_165, %broadcast_in_dim3A_218] : memref<128x16xf32, #tpu.memory_space<vmem>>[vector<16xi32>, vector<16xi32>], vector<16xf32>,
      %add3A_220 = arith.addf %add3A_216, %gather3A_219 : vector<16xf32>
      %broadcast_in_dim3A_221 = arith.constant 14 : i32
      %broadcast_in_dim3A_222 = vector.broadcast %broadcast_in_dim3A_221 : i32 to vector<16xi32>
      %gather3A_223 = tpu.vector_load_idx %arg15[%add3A_165, %broadcast_in_dim3A_222] : memref<128x16xf32, #tpu.memory_space<vmem>>[vector<16xi32>, vector<16xi32>], vector<16xf32>,
      %add3A_224 = arith.addf %add3A_220, %gather3A_223 : vector<16xf32>
      %broadcast_in_dim3A_225 = arith.constant 15 : i32
      %broadcast_in_dim3A_226 = vector.broadcast %broadcast_in_dim3A_225 : i32 to vector<16xi32>
      %gather3A_227 = tpu.vector_load_idx %arg15[%add3A_165, %broadcast_in_dim3A_226] : memref<128x16xf32, #tpu.memory_space<vmem>>[vector<16xi32>, vector<16xi32>], vector<16xf32>,
      %add3A_228 = arith.addf %add3A_224, %gather3A_227 : vector<16xf32>
      %swap3A_229 = arith.constant 32 : index
      %swap3A_230 = tpu.vector_load %arg16[%swap3A_229] {strides = array<i32>} : memref<128xf32, #tpu.memory_space<vmem>>, vector<16xf32>,
      tpu.vector_store %arg16[%swap3A_229], %add3A_228 {strides = array<i32>} : memref<128xf32, #tpu.memory_space<vmem>>, vector<16xf32>,
      %iota3A_231 = tpu.iota {dimensions = array<i32: 0>} : vector<16xi32>
      %add3A_232 = arith.constant 48 : i32
      %add3A_233 = vector.broadcast %add3A_232 : i32 to vector<16xi32>
      %add3A_234 = arith.addi %iota3A_231, %add3A_233 : vector<16xi32>
      %broadcast_in_dim3A_235 = arith.constant 0 : i32
      %broadcast_in_dim3A_236 = vector.broadcast %broadcast_in_dim3A_235 : i32 to vector<16xi32>
      %gather3A_237 = tpu.vector_load_idx %arg15[%add3A_234, %broadcast_in_dim3A_236] : memref<128x16xf32, #tpu.memory_space<vmem>>[vector<16xi32>, vector<16xi32>], vector<16xf32>,
      %broadcast_in_dim3A_238 = arith.constant 1 : i32
      %broadcast_in_dim3A_239 = vector.broadcast %broadcast_in_dim3A_238 : i32 to vector<16xi32>
      %gather3A_240 = tpu.vector_load_idx %arg15[%add3A_234, %broadcast_in_dim3A_239] : memref<128x16xf32, #tpu.memory_space<vmem>>[vector<16xi32>, vector<16xi32>], vector<16xf32>,
      %add3A_241 = arith.addf %gather3A_237, %gather3A_240 : vector<16xf32>
      %broadcast_in_dim3A_242 = arith.constant 2 : i32
      %broadcast_in_dim3A_243 = vector.broadcast %broadcast_in_dim3A_242 : i32 to vector<16xi32>
      %gather3A_244 = tpu.vector_load_idx %arg15[%add3A_234, %broadcast_in_dim3A_243] : memref<128x16xf32, #tpu.memory_space<vmem>>[vector<16xi32>, vector<16xi32>], vector<16xf32>,
      %add3A_245 = arith.addf %add3A_241, %gather3A_244 : vector<16xf32>
      %broadcast_in_dim3A_246 = arith.constant 3 : i32
      %broadcast_in_dim3A_247 = vector.broadcast %broadcast_in_dim3A_246 : i32 to vector<16xi32>
      %gather3A_248 = tpu.vector_load_idx %arg15[%add3A_234, %broadcast_in_dim3A_247] : memref<128x16xf32, #tpu.memory_space<vmem>>[vector<16xi32>, vector<16xi32>], vector<16xf32>,
      %add3A_249 = arith.addf %add3A_245, %gather3A_248 : vector<16xf32>
      %broadcast_in_dim3A_250 = arith.constant 4 : i32
      %broadcast_in_dim3A_251 = vector.broadcast %broadcast_in_dim3A_250 : i32 to vector<16xi32>
      %gather3A_252 = tpu.vector_load_idx %arg15[%add3A_234, %broadcast_in_dim3A_251] : memref<128x16xf32, #tpu.memory_space<vmem>>[vector<16xi32>, vector<16xi32>], vector<16xf32>,
      %add3A_253 = arith.addf %add3A_249, %gather3A_252 : vector<16xf32>
      %broadcast_in_dim3A_254 = arith.constant 5 : i32
      %broadcast_in_dim3A_255 = vector.broadcast %broadcast_in_dim3A_254 : i32 to vector<16xi32>
      %gather3A_256 = tpu.vector_load_idx %arg15[%add3A_234, %broadcast_in_dim3A_255] : memref<128x16xf32, #tpu.memory_space<vmem>>[vector<16xi32>, vector<16xi32>], vector<16xf32>,
      %add3A_257 = arith.addf %add3A_253, %gather3A_256 : vector<16xf32>
      %broadcast_in_dim3A_258 = arith.constant 6 : i32
      %broadcast_in_dim3A_259 = vector.broadcast %broadcast_in_dim3A_258 : i32 to vector<16xi32>
      %gather3A_260 = tpu.vector_load_idx %arg15[%add3A_234, %broadcast_in_dim3A_259] : memref<128x16xf32, #tpu.memory_space<vmem>>[vector<16xi32>, vector<16xi32>], vector<16xf32>,
      %add3A_261 = arith.addf %add3A_257, %gather3A_260 : vector<16xf32>
      %broadcast_in_dim3A_262 = arith.constant 7 : i32
      %broadcast_in_dim3A_263 = vector.broadcast %broadcast_in_dim3A_262 : i32 to vector<16xi32>
      %gather3A_264 = tpu.vector_load_idx %arg15[%add3A_234, %broadcast_in_dim3A_263] : memref<128x16xf32, #tpu.memory_space<vmem>>[vector<16xi32>, vector<16xi32>], vector<16xf32>,
      %add3A_265 = arith.addf %add3A_261, %gather3A_264 : vector<16xf32>
      %broadcast_in_dim3A_266 = arith.constant 8 : i32
      %broadcast_in_dim3A_267 = vector.broadcast %broadcast_in_dim3A_266 : i32 to vector<16xi32>
      %gather3A_268 = tpu.vector_load_idx %arg15[%add3A_234, %broadcast_in_dim3A_267] : memref<128x16xf32, #tpu.memory_space<vmem>>[vector<16xi32>, vector<16xi32>], vector<16xf32>,
      %add3A_269 = arith.addf %add3A_265, %gather3A_268 : vector<16xf32>
      %broadcast_in_dim3A_270 = arith.constant 9 : i32
      %broadcast_in_dim3A_271 = vector.broadcast %broadcast_in_dim3A_270 : i32 to vector<16xi32>
      %gather3A_272 = tpu.vector_load_idx %arg15[%add3A_234, %broadcast_in_dim3A_271] : memref<128x16xf32, #tpu.memory_space<vmem>>[vector<16xi32>, vector<16xi32>], vector<16xf32>,
      %add3A_273 = arith.addf %add3A_269, %gather3A_272 : vector<16xf32>
      %broadcast_in_dim3A_274 = arith.constant 10 : i32
      %broadcast_in_dim3A_275 = vector.broadcast %broadcast_in_dim3A_274 : i32 to vector<16xi32>
      %gather3A_276 = tpu.vector_load_idx %arg15[%add3A_234, %broadcast_in_dim3A_275] : memref<128x16xf32, #tpu.memory_space<vmem>>[vector<16xi32>, vector<16xi32>], vector<16xf32>,
      %add3A_277 = arith.addf %add3A_273, %gather3A_276 : vector<16xf32>
      %broadcast_in_dim3A_278 = arith.constant 11 : i32
      %broadcast_in_dim3A_279 = vector.broadcast %broadcast_in_dim3A_278 : i32 to vector<16xi32>
      %gather3A_280 = tpu.vector_load_idx %arg15[%add3A_234, %broadcast_in_dim3A_279] : memref<128x16xf32, #tpu.memory_space<vmem>>[vector<16xi32>, vector<16xi32>], vector<16xf32>,
      %add3A_281 = arith.addf %add3A_277, %gather3A_280 : vector<16xf32>
      %broadcast_in_dim3A_282 = arith.constant 12 : i32
      %broadcast_in_dim3A_283 = vector.broadcast %broadcast_in_dim3A_282 : i32 to vector<16xi32>
      %gather3A_284 = tpu.vector_load_idx %arg15[%add3A_234, %broadcast_in_dim3A_283] : memref<128x16xf32, #tpu.memory_space<vmem>>[vector<16xi32>, vector<16xi32>], vector<16xf32>,
      %add3A_285 = arith.addf %add3A_281, %gather3A_284 : vector<16xf32>
      %broadcast_in_dim3A_286 = arith.constant 13 : i32
      %broadcast_in_dim3A_287 = vector.broadcast %broadcast_in_dim3A_286 : i32 to vector<16xi32>
      %gather3A_288 = tpu.vector_load_idx %arg15[%add3A_234, %broadcast_in_dim3A_287] : memref<128x16xf32, #tpu.memory_space<vmem>>[vector<16xi32>, vector<16xi32>], vector<16xf32>,
      %add3A_289 = arith.addf %add3A_285, %gather3A_288 : vector<16xf32>
      %broadcast_in_dim3A_290 = arith.constant 14 : i32
      %broadcast_in_dim3A_291 = vector.broadcast %broadcast_in_dim3A_290 : i32 to vector<16xi32>
      %gather3A_292 = tpu.vector_load_idx %arg15[%add3A_234, %broadcast_in_dim3A_291] : memref<128x16xf32, #tpu.memory_space<vmem>>[vector<16xi32>, vector<16xi32>], vector<16xf32>,
      %add3A_293 = arith.addf %add3A_289, %gather3A_292 : vector<16xf32>
      %broadcast_in_dim3A_294 = arith.constant 15 : i32
      %broadcast_in_dim3A_295 = vector.broadcast %broadcast_in_dim3A_294 : i32 to vector<16xi32>
      %gather3A_296 = tpu.vector_load_idx %arg15[%add3A_234, %broadcast_in_dim3A_295] : memref<128x16xf32, #tpu.memory_space<vmem>>[vector<16xi32>, vector<16xi32>], vector<16xf32>,
      %add3A_297 = arith.addf %add3A_293, %gather3A_296 : vector<16xf32>
      %swap3A_298 = arith.constant 48 : index
      %swap3A_299 = tpu.vector_load %arg16[%swap3A_298] {strides = array<i32>} : memref<128xf32, #tpu.memory_space<vmem>>, vector<16xf32>,
      tpu.vector_store %arg16[%swap3A_298], %add3A_297 {strides = array<i32>} : memref<128xf32, #tpu.memory_space<vmem>>, vector<16xf32>,
      %iota3A_300 = tpu.iota {dimensions = array<i32: 0>} : vector<16xi32>
      %add3A_301 = arith.constant 64 : i32
      %add3A_302 = vector.broadcast %add3A_301 : i32 to vector<16xi32>
      %add3A_303 = arith.addi %iota3A_300, %add3A_302 : vector<16xi32>
      %broadcast_in_dim3A_304 = arith.constant 0 : i32
      %broadcast_in_dim3A_305 = vector.broadcast %broadcast_in_dim3A_304 : i32 to vector<16xi32>
      %gather3A_306 = tpu.vector_load_idx %arg15[%add3A_303, %broadcast_in_dim3A_305] : memref<128x16xf32, #tpu.memory_space<vmem>>[vector<16xi32>, vector<16xi32>], vector<16xf32>,
      %broadcast_in_dim3A_307 = arith.constant 1 : i32
      %broadcast_in_dim3A_308 = vector.broadcast %broadcast_in_dim3A_307 : i32 to vector<16xi32>
      %gather3A_309 = tpu.vector_load_idx %arg15[%add3A_303, %broadcast_in_dim3A_308] : memref<128x16xf32, #tpu.memory_space<vmem>>[vector<16xi32>, vector<16xi32>], vector<16xf32>,
      %add3A_310 = arith.addf %gather3A_306, %gather3A_309 : vector<16xf32>
      %broadcast_in_dim3A_311 = arith.constant 2 : i32
      %broadcast_in_dim3A_312 = vector.broadcast %broadcast_in_dim3A_311 : i32 to vector<16xi32>
      %gather3A_313 = tpu.vector_load_idx %arg15[%add3A_303, %broadcast_in_dim3A_312] : memref<128x16xf32, #tpu.memory_space<vmem>>[vector<16xi32>, vector<16xi32>], vector<16xf32>,
      %add3A_314 = arith.addf %add3A_310, %gather3A_313 : vector<16xf32>
      %broadcast_in_dim3A_315 = arith.constant 3 : i32
      %broadcast_in_dim3A_316 = vector.broadcast %broadcast_in_dim3A_315 : i32 to vector<16xi32>
      %gather3A_317 = tpu.vector_load_idx %arg15[%add3A_303, %broadcast_in_dim3A_316] : memref<128x16xf32, #tpu.memory_space<vmem>>[vector<16xi32>, vector<16xi32>], vector<16xf32>,
      %add3A_318 = arith.addf %add3A_314, %gather3A_317 : vector<16xf32>
      %broadcast_in_dim3A_319 = arith.constant 4 : i32
      %broadcast_in_dim3A_320 = vector.broadcast %broadcast_in_dim3A_319 : i32 to vector<16xi32>
      %gather3A_321 = tpu.vector_load_idx %arg15[%add3A_303, %broadcast_in_dim3A_320] : memref<128x16xf32, #tpu.memory_space<vmem>>[vector<16xi32>, vector<16xi32>], vector<16xf32>,
      %add3A_322 = arith.addf %add3A_318, %gather3A_321 : vector<16xf32>
      %broadcast_in_dim3A_323 = arith.constant 5 : i32
      %broadcast_in_dim3A_324 = vector.broadcast %broadcast_in_dim3A_323 : i32 to vector<16xi32>
      %gather3A_325 = tpu.vector_load_idx %arg15[%add3A_303, %broadcast_in_dim3A_324] : memref<128x16xf32, #tpu.memory_space<vmem>>[vector<16xi32>, vector<16xi32>], vector<16xf32>,
      %add3A_326 = arith.addf %add3A_322, %gather3A_325 : vector<16xf32>
      %broadcast_in_dim3A_327 = arith.constant 6 : i32
      %broadcast_in_dim3A_328 = vector.broadcast %broadcast_in_dim3A_327 : i32 to vector<16xi32>
      %gather3A_329 = tpu.vector_load_idx %arg15[%add3A_303, %broadcast_in_dim3A_328] : memref<128x16xf32, #tpu.memory_space<vmem>>[vector<16xi32>, vector<16xi32>], vector<16xf32>,
      %add3A_330 = arith.addf %add3A_326, %gather3A_329 : vector<16xf32>
      %broadcast_in_dim3A_331 = arith.constant 7 : i32
      %broadcast_in_dim3A_332 = vector.broadcast %broadcast_in_dim3A_331 : i32 to vector<16xi32>
      %gather3A_333 = tpu.vector_load_idx %arg15[%add3A_303, %broadcast_in_dim3A_332] : memref<128x16xf32, #tpu.memory_space<vmem>>[vector<16xi32>, vector<16xi32>], vector<16xf32>,
      %add3A_334 = arith.addf %add3A_330, %gather3A_333 : vector<16xf32>
      %broadcast_in_dim3A_335 = arith.constant 8 : i32
      %broadcast_in_dim3A_336 = vector.broadcast %broadcast_in_dim3A_335 : i32 to vector<16xi32>
      %gather3A_337 = tpu.vector_load_idx %arg15[%add3A_303, %broadcast_in_dim3A_336] : memref<128x16xf32, #tpu.memory_space<vmem>>[vector<16xi32>, vector<16xi32>], vector<16xf32>,
      %add3A_338 = arith.addf %add3A_334, %gather3A_337 : vector<16xf32>
      %broadcast_in_dim3A_339 = arith.constant 9 : i32
      %broadcast_in_dim3A_340 = vector.broadcast %broadcast_in_dim3A_339 : i32 to vector<16xi32>
      %gather3A_341 = tpu.vector_load_idx %arg15[%add3A_303, %broadcast_in_dim3A_340] : memref<128x16xf32, #tpu.memory_space<vmem>>[vector<16xi32>, vector<16xi32>], vector<16xf32>,
      %add3A_342 = arith.addf %add3A_338, %gather3A_341 : vector<16xf32>
      %broadcast_in_dim3A_343 = arith.constant 10 : i32
      %broadcast_in_dim3A_344 = vector.broadcast %broadcast_in_dim3A_343 : i32 to vector<16xi32>
      %gather3A_345 = tpu.vector_load_idx %arg15[%add3A_303, %broadcast_in_dim3A_344] : memref<128x16xf32, #tpu.memory_space<vmem>>[vector<16xi32>, vector<16xi32>], vector<16xf32>,
      %add3A_346 = arith.addf %add3A_342, %gather3A_345 : vector<16xf32>
      %broadcast_in_dim3A_347 = arith.constant 11 : i32
      %broadcast_in_dim3A_348 = vector.broadcast %broadcast_in_dim3A_347 : i32 to vector<16xi32>
      %gather3A_349 = tpu.vector_load_idx %arg15[%add3A_303, %broadcast_in_dim3A_348] : memref<128x16xf32, #tpu.memory_space<vmem>>[vector<16xi32>, vector<16xi32>], vector<16xf32>,
      %add3A_350 = arith.addf %add3A_346, %gather3A_349 : vector<16xf32>
      %broadcast_in_dim3A_351 = arith.constant 12 : i32
      %broadcast_in_dim3A_352 = vector.broadcast %broadcast_in_dim3A_351 : i32 to vector<16xi32>
      %gather3A_353 = tpu.vector_load_idx %arg15[%add3A_303, %broadcast_in_dim3A_352] : memref<128x16xf32, #tpu.memory_space<vmem>>[vector<16xi32>, vector<16xi32>], vector<16xf32>,
      %add3A_354 = arith.addf %add3A_350, %gather3A_353 : vector<16xf32>
      %broadcast_in_dim3A_355 = arith.constant 13 : i32
      %broadcast_in_dim3A_356 = vector.broadcast %broadcast_in_dim3A_355 : i32 to vector<16xi32>
      %gather3A_357 = tpu.vector_load_idx %arg15[%add3A_303, %broadcast_in_dim3A_356] : memref<128x16xf32, #tpu.memory_space<vmem>>[vector<16xi32>, vector<16xi32>], vector<16xf32>,
      %add3A_358 = arith.addf %add3A_354, %gather3A_357 : vector<16xf32>
      %broadcast_in_dim3A_359 = arith.constant 14 : i32
      %broadcast_in_dim3A_360 = vector.broadcast %broadcast_in_dim3A_359 : i32 to vector<16xi32>
      %gather3A_361 = tpu.vector_load_idx %arg15[%add3A_303, %broadcast_in_dim3A_360] : memref<128x16xf32, #tpu.memory_space<vmem>>[vector<16xi32>, vector<16xi32>], vector<16xf32>,
      %add3A_362 = arith.addf %add3A_358, %gather3A_361 : vector<16xf32>
      %broadcast_in_dim3A_363 = arith.constant 15 : i32
      %broadcast_in_dim3A_364 = vector.broadcast %broadcast_in_dim3A_363 : i32 to vector<16xi32>
      %gather3A_365 = tpu.vector_load_idx %arg15[%add3A_303, %broadcast_in_dim3A_364] : memref<128x16xf32, #tpu.memory_space<vmem>>[vector<16xi32>, vector<16xi32>], vector<16xf32>,
      %add3A_366 = arith.addf %add3A_362, %gather3A_365 : vector<16xf32>
      %swap3A_367 = arith.constant 64 : index
      %swap3A_368 = tpu.vector_load %arg16[%swap3A_367] {strides = array<i32>} : memref<128xf32, #tpu.memory_space<vmem>>, vector<16xf32>,
      tpu.vector_store %arg16[%swap3A_367], %add3A_366 {strides = array<i32>} : memref<128xf32, #tpu.memory_space<vmem>>, vector<16xf32>,
      %iota3A_369 = tpu.iota {dimensions = array<i32: 0>} : vector<16xi32>
      %add3A_370 = arith.constant 80 : i32
      %add3A_371 = vector.broadcast %add3A_370 : i32 to vector<16xi32>
      %add3A_372 = arith.addi %iota3A_369, %add3A_371 : vector<16xi32>
      %broadcast_in_dim3A_373 = arith.constant 0 : i32
      %broadcast_in_dim3A_374 = vector.broadcast %broadcast_in_dim3A_373 : i32 to vector<16xi32>
      %gather3A_375 = tpu.vector_load_idx %arg15[%add3A_372, %broadcast_in_dim3A_374] : memref<128x16xf32, #tpu.memory_space<vmem>>[vector<16xi32>, vector<16xi32>], vector<16xf32>,
      %broadcast_in_dim3A_376 = arith.constant 1 : i32
      %broadcast_in_dim3A_377 = vector.broadcast %broadcast_in_dim3A_376 : i32 to vector<16xi32>
      %gather3A_378 = tpu.vector_load_idx %arg15[%add3A_372, %broadcast_in_dim3A_377] : memref<128x16xf32, #tpu.memory_space<vmem>>[vector<16xi32>, vector<16xi32>], vector<16xf32>,
      %add3A_379 = arith.addf %gather3A_375, %gather3A_378 : vector<16xf32>
      %broadcast_in_dim3A_380 = arith.constant 2 : i32
      %broadcast_in_dim3A_381 = vector.broadcast %broadcast_in_dim3A_380 : i32 to vector<16xi32>
      %gather3A_382 = tpu.vector_load_idx %arg15[%add3A_372, %broadcast_in_dim3A_381] : memref<128x16xf32, #tpu.memory_space<vmem>>[vector<16xi32>, vector<16xi32>], vector<16xf32>,
      %add3A_383 = arith.addf %add3A_379, %gather3A_382 : vector<16xf32>
      %broadcast_in_dim3A_384 = arith.constant 3 : i32
      %broadcast_in_dim3A_385 = vector.broadcast %broadcast_in_dim3A_384 : i32 to vector<16xi32>
      %gather3A_386 = tpu.vector_load_idx %arg15[%add3A_372, %broadcast_in_dim3A_385] : memref<128x16xf32, #tpu.memory_space<vmem>>[vector<16xi32>, vector<16xi32>], vector<16xf32>,
      %add3A_387 = arith.addf %add3A_383, %gather3A_386 : vector<16xf32>
      %broadcast_in_dim3A_388 = arith.constant 4 : i32
      %broadcast_in_dim3A_389 = vector.broadcast %broadcast_in_dim3A_388 : i32 to vector<16xi32>
      %gather3A_390 = tpu.vector_load_idx %arg15[%add3A_372, %broadcast_in_dim3A_389] : memref<128x16xf32, #tpu.memory_space<vmem>>[vector<16xi32>, vector<16xi32>], vector<16xf32>,
      %add3A_391 = arith.addf %add3A_387, %gather3A_390 : vector<16xf32>
      %broadcast_in_dim3A_392 = arith.constant 5 : i32
      %broadcast_in_dim3A_393 = vector.broadcast %broadcast_in_dim3A_392 : i32 to vector<16xi32>
      %gather3A_394 = tpu.vector_load_idx %arg15[%add3A_372, %broadcast_in_dim3A_393] : memref<128x16xf32, #tpu.memory_space<vmem>>[vector<16xi32>, vector<16xi32>], vector<16xf32>,
      %add3A_395 = arith.addf %add3A_391, %gather3A_394 : vector<16xf32>
      %broadcast_in_dim3A_396 = arith.constant 6 : i32
      %broadcast_in_dim3A_397 = vector.broadcast %broadcast_in_dim3A_396 : i32 to vector<16xi32>
      %gather3A_398 = tpu.vector_load_idx %arg15[%add3A_372, %broadcast_in_dim3A_397] : memref<128x16xf32, #tpu.memory_space<vmem>>[vector<16xi32>, vector<16xi32>], vector<16xf32>,
      %add3A_399 = arith.addf %add3A_395, %gather3A_398 : vector<16xf32>
      %broadcast_in_dim3A_400 = arith.constant 7 : i32
      %broadcast_in_dim3A_401 = vector.broadcast %broadcast_in_dim3A_400 : i32 to vector<16xi32>
      %gather3A_402 = tpu.vector_load_idx %arg15[%add3A_372, %broadcast_in_dim3A_401] : memref<128x16xf32, #tpu.memory_space<vmem>>[vector<16xi32>, vector<16xi32>], vector<16xf32>,
      %add3A_403 = arith.addf %add3A_399, %gather3A_402 : vector<16xf32>
      %broadcast_in_dim3A_404 = arith.constant 8 : i32
      %broadcast_in_dim3A_405 = vector.broadcast %broadcast_in_dim3A_404 : i32 to vector<16xi32>
      %gather3A_406 = tpu.vector_load_idx %arg15[%add3A_372, %broadcast_in_dim3A_405] : memref<128x16xf32, #tpu.memory_space<vmem>>[vector<16xi32>, vector<16xi32>], vector<16xf32>,
      %add3A_407 = arith.addf %add3A_403, %gather3A_406 : vector<16xf32>
      %broadcast_in_dim3A_408 = arith.constant 9 : i32
      %broadcast_in_dim3A_409 = vector.broadcast %broadcast_in_dim3A_408 : i32 to vector<16xi32>
      %gather3A_410 = tpu.vector_load_idx %arg15[%add3A_372, %broadcast_in_dim3A_409] : memref<128x16xf32, #tpu.memory_space<vmem>>[vector<16xi32>, vector<16xi32>], vector<16xf32>,
      %add3A_411 = arith.addf %add3A_407, %gather3A_410 : vector<16xf32>
      %broadcast_in_dim3A_412 = arith.constant 10 : i32
      %broadcast_in_dim3A_413 = vector.broadcast %broadcast_in_dim3A_412 : i32 to vector<16xi32>
      %gather3A_414 = tpu.vector_load_idx %arg15[%add3A_372, %broadcast_in_dim3A_413] : memref<128x16xf32, #tpu.memory_space<vmem>>[vector<16xi32>, vector<16xi32>], vector<16xf32>,
      %add3A_415 = arith.addf %add3A_411, %gather3A_414 : vector<16xf32>
      %broadcast_in_dim3A_416 = arith.constant 11 : i32
      %broadcast_in_dim3A_417 = vector.broadcast %broadcast_in_dim3A_416 : i32 to vector<16xi32>
      %gather3A_418 = tpu.vector_load_idx %arg15[%add3A_372, %broadcast_in_dim3A_417] : memref<128x16xf32, #tpu.memory_space<vmem>>[vector<16xi32>, vector<16xi32>], vector<16xf32>,
      %add3A_419 = arith.addf %add3A_415, %gather3A_418 : vector<16xf32>
      %broadcast_in_dim3A_420 = arith.constant 12 : i32
      %broadcast_in_dim3A_421 = vector.broadcast %broadcast_in_dim3A_420 : i32 to vector<16xi32>
      %gather3A_422 = tpu.vector_load_idx %arg15[%add3A_372, %broadcast_in_dim3A_421] : memref<128x16xf32, #tpu.memory_space<vmem>>[vector<16xi32>, vector<16xi32>], vector<16xf32>,
      %add3A_423 = arith.addf %add3A_419, %gather3A_422 : vector<16xf32>
      %broadcast_in_dim3A_424 = arith.constant 13 : i32
      %broadcast_in_dim3A_425 = vector.broadcast %broadcast_in_dim3A_424 : i32 to vector<16xi32>
      %gather3A_426 = tpu.vector_load_idx %arg15[%add3A_372, %broadcast_in_dim3A_425] : memref<128x16xf32, #tpu.memory_space<vmem>>[vector<16xi32>, vector<16xi32>], vector<16xf32>,
      %add3A_427 = arith.addf %add3A_423, %gather3A_426 : vector<16xf32>
      %broadcast_in_dim3A_428 = arith.constant 14 : i32
      %broadcast_in_dim3A_429 = vector.broadcast %broadcast_in_dim3A_428 : i32 to vector<16xi32>
      %gather3A_430 = tpu.vector_load_idx %arg15[%add3A_372, %broadcast_in_dim3A_429] : memref<128x16xf32, #tpu.memory_space<vmem>>[vector<16xi32>, vector<16xi32>], vector<16xf32>,
      %add3A_431 = arith.addf %add3A_427, %gather3A_430 : vector<16xf32>
      %broadcast_in_dim3A_432 = arith.constant 15 : i32
      %broadcast_in_dim3A_433 = vector.broadcast %broadcast_in_dim3A_432 : i32 to vector<16xi32>
      %gather3A_434 = tpu.vector_load_idx %arg15[%add3A_372, %broadcast_in_dim3A_433] : memref<128x16xf32, #tpu.memory_space<vmem>>[vector<16xi32>, vector<16xi32>], vector<16xf32>,
      %add3A_435 = arith.addf %add3A_431, %gather3A_434 : vector<16xf32>
      %swap3A_436 = arith.constant 80 : index
      %swap3A_437 = tpu.vector_load %arg16[%swap3A_436] {strides = array<i32>} : memref<128xf32, #tpu.memory_space<vmem>>, vector<16xf32>,
      tpu.vector_store %arg16[%swap3A_436], %add3A_435 {strides = array<i32>} : memref<128xf32, #tpu.memory_space<vmem>>, vector<16xf32>,
      %iota3A_438 = tpu.iota {dimensions = array<i32: 0>} : vector<16xi32>
      %add3A_439 = arith.constant 96 : i32
      %add3A_440 = vector.broadcast %add3A_439 : i32 to vector<16xi32>
      %add3A_441 = arith.addi %iota3A_438, %add3A_440 : vector<16xi32>
      %broadcast_in_dim3A_442 = arith.constant 0 : i32
      %broadcast_in_dim3A_443 = vector.broadcast %broadcast_in_dim3A_442 : i32 to vector<16xi32>
      %gather3A_444 = tpu.vector_load_idx %arg15[%add3A_441, %broadcast_in_dim3A_443] : memref<128x16xf32, #tpu.memory_space<vmem>>[vector<16xi32>, vector<16xi32>], vector<16xf32>,
      %broadcast_in_dim3A_445 = arith.constant 1 : i32
      %broadcast_in_dim3A_446 = vector.broadcast %broadcast_in_dim3A_445 : i32 to vector<16xi32>
      %gather3A_447 = tpu.vector_load_idx %arg15[%add3A_441, %broadcast_in_dim3A_446] : memref<128x16xf32, #tpu.memory_space<vmem>>[vector<16xi32>, vector<16xi32>], vector<16xf32>,
      %add3A_448 = arith.addf %gather3A_444, %gather3A_447 : vector<16xf32>
      %broadcast_in_dim3A_449 = arith.constant 2 : i32
      %broadcast_in_dim3A_450 = vector.broadcast %broadcast_in_dim3A_449 : i32 to vector<16xi32>
      %gather3A_451 = tpu.vector_load_idx %arg15[%add3A_441, %broadcast_in_dim3A_450] : memref<128x16xf32, #tpu.memory_space<vmem>>[vector<16xi32>, vector<16xi32>], vector<16xf32>,
      %add3A_452 = arith.addf %add3A_448, %gather3A_451 : vector<16xf32>
      %broadcast_in_dim3A_453 = arith.constant 3 : i32
      %broadcast_in_dim3A_454 = vector.broadcast %broadcast_in_dim3A_453 : i32 to vector<16xi32>
      %gather3A_455 = tpu.vector_load_idx %arg15[%add3A_441, %broadcast_in_dim3A_454] : memref<128x16xf32, #tpu.memory_space<vmem>>[vector<16xi32>, vector<16xi32>], vector<16xf32>,
      %add3A_456 = arith.addf %add3A_452, %gather3A_455 : vector<16xf32>
      %broadcast_in_dim3A_457 = arith.constant 4 : i32
      %broadcast_in_dim3A_458 = vector.broadcast %broadcast_in_dim3A_457 : i32 to vector<16xi32>
      %gather3A_459 = tpu.vector_load_idx %arg15[%add3A_441, %broadcast_in_dim3A_458] : memref<128x16xf32, #tpu.memory_space<vmem>>[vector<16xi32>, vector<16xi32>], vector<16xf32>,
      %add3A_460 = arith.addf %add3A_456, %gather3A_459 : vector<16xf32>
      %broadcast_in_dim3A_461 = arith.constant 5 : i32
      %broadcast_in_dim3A_462 = vector.broadcast %broadcast_in_dim3A_461 : i32 to vector<16xi32>
      %gather3A_463 = tpu.vector_load_idx %arg15[%add3A_441, %broadcast_in_dim3A_462] : memref<128x16xf32, #tpu.memory_space<vmem>>[vector<16xi32>, vector<16xi32>], vector<16xf32>,
      %add3A_464 = arith.addf %add3A_460, %gather3A_463 : vector<16xf32>
      %broadcast_in_dim3A_465 = arith.constant 6 : i32
      %broadcast_in_dim3A_466 = vector.broadcast %broadcast_in_dim3A_465 : i32 to vector<16xi32>
      %gather3A_467 = tpu.vector_load_idx %arg15[%add3A_441, %broadcast_in_dim3A_466] : memref<128x16xf32, #tpu.memory_space<vmem>>[vector<16xi32>, vector<16xi32>], vector<16xf32>,
      %add3A_468 = arith.addf %add3A_464, %gather3A_467 : vector<16xf32>
      %broadcast_in_dim3A_469 = arith.constant 7 : i32
      %broadcast_in_dim3A_470 = vector.broadcast %broadcast_in_dim3A_469 : i32 to vector<16xi32>
      %gather3A_471 = tpu.vector_load_idx %arg15[%add3A_441, %broadcast_in_dim3A_470] : memref<128x16xf32, #tpu.memory_space<vmem>>[vector<16xi32>, vector<16xi32>], vector<16xf32>,
      %add3A_472 = arith.addf %add3A_468, %gather3A_471 : vector<16xf32>
      %broadcast_in_dim3A_473 = arith.constant 8 : i32
      %broadcast_in_dim3A_474 = vector.broadcast %broadcast_in_dim3A_473 : i32 to vector<16xi32>
      %gather3A_475 = tpu.vector_load_idx %arg15[%add3A_441, %broadcast_in_dim3A_474] : memref<128x16xf32, #tpu.memory_space<vmem>>[vector<16xi32>, vector<16xi32>], vector<16xf32>,
      %add3A_476 = arith.addf %add3A_472, %gather3A_475 : vector<16xf32>
      %broadcast_in_dim3A_477 = arith.constant 9 : i32
      %broadcast_in_dim3A_478 = vector.broadcast %broadcast_in_dim3A_477 : i32 to vector<16xi32>
      %gather3A_479 = tpu.vector_load_idx %arg15[%add3A_441, %broadcast_in_dim3A_478] : memref<128x16xf32, #tpu.memory_space<vmem>>[vector<16xi32>, vector<16xi32>], vector<16xf32>,
      %add3A_480 = arith.addf %add3A_476, %gather3A_479 : vector<16xf32>
      %broadcast_in_dim3A_481 = arith.constant 10 : i32
      %broadcast_in_dim3A_482 = vector.broadcast %broadcast_in_dim3A_481 : i32 to vector<16xi32>
      %gather3A_483 = tpu.vector_load_idx %arg15[%add3A_441, %broadcast_in_dim3A_482] : memref<128x16xf32, #tpu.memory_space<vmem>>[vector<16xi32>, vector<16xi32>], vector<16xf32>,
      %add3A_484 = arith.addf %add3A_480, %gather3A_483 : vector<16xf32>
      %broadcast_in_dim3A_485 = arith.constant 11 : i32
      %broadcast_in_dim3A_486 = vector.broadcast %broadcast_in_dim3A_485 : i32 to vector<16xi32>
      %gather3A_487 = tpu.vector_load_idx %arg15[%add3A_441, %broadcast_in_dim3A_486] : memref<128x16xf32, #tpu.memory_space<vmem>>[vector<16xi32>, vector<16xi32>], vector<16xf32>,
      %add3A_488 = arith.addf %add3A_484, %gather3A_487 : vector<16xf32>
      %broadcast_in_dim3A_489 = arith.constant 12 : i32
      %broadcast_in_dim3A_490 = vector.broadcast %broadcast_in_dim3A_489 : i32 to vector<16xi32>
      %gather3A_491 = tpu.vector_load_idx %arg15[%add3A_441, %broadcast_in_dim3A_490] : memref<128x16xf32, #tpu.memory_space<vmem>>[vector<16xi32>, vector<16xi32>], vector<16xf32>,
      %add3A_492 = arith.addf %add3A_488, %gather3A_491 : vector<16xf32>
      %broadcast_in_dim3A_493 = arith.constant 13 : i32
      %broadcast_in_dim3A_494 = vector.broadcast %broadcast_in_dim3A_493 : i32 to vector<16xi32>
      %gather3A_495 = tpu.vector_load_idx %arg15[%add3A_441, %broadcast_in_dim3A_494] : memref<128x16xf32, #tpu.memory_space<vmem>>[vector<16xi32>, vector<16xi32>], vector<16xf32>,
      %add3A_496 = arith.addf %add3A_492, %gather3A_495 : vector<16xf32>
      %broadcast_in_dim3A_497 = arith.constant 14 : i32
      %broadcast_in_dim3A_498 = vector.broadcast %broadcast_in_dim3A_497 : i32 to vector<16xi32>
      %gather3A_499 = tpu.vector_load_idx %arg15[%add3A_441, %broadcast_in_dim3A_498] : memref<128x16xf32, #tpu.memory_space<vmem>>[vector<16xi32>, vector<16xi32>], vector<16xf32>,
      %add3A_500 = arith.addf %add3A_496, %gather3A_499 : vector<16xf32>
      %broadcast_in_dim3A_501 = arith.constant 15 : i32
      %broadcast_in_dim3A_502 = vector.broadcast %broadcast_in_dim3A_501 : i32 to vector<16xi32>
      %gather3A_503 = tpu.vector_load_idx %arg15[%add3A_441, %broadcast_in_dim3A_502] : memref<128x16xf32, #tpu.memory_space<vmem>>[vector<16xi32>, vector<16xi32>], vector<16xf32>,
      %add3A_504 = arith.addf %add3A_500, %gather3A_503 : vector<16xf32>
      %swap3A_505 = arith.constant 96 : index
      %swap3A_506 = tpu.vector_load %arg16[%swap3A_505] {strides = array<i32>} : memref<128xf32, #tpu.memory_space<vmem>>, vector<16xf32>,
      tpu.vector_store %arg16[%swap3A_505], %add3A_504 {strides = array<i32>} : memref<128xf32, #tpu.memory_space<vmem>>, vector<16xf32>,
      %iota3A_507 = tpu.iota {dimensions = array<i32: 0>} : vector<16xi32>
      %add3A_508 = arith.constant 112 : i32
      %add3A_509 = vector.broadcast %add3A_508 : i32 to vector<16xi32>
      %add3A_510 = arith.addi %iota3A_507, %add3A_509 : vector<16xi32>
      %broadcast_in_dim3A_511 = arith.constant 0 : i32
      %broadcast_in_dim3A_512 = vector.broadcast %broadcast_in_dim3A_511 : i32 to vector<16xi32>
      %gather3A_513 = tpu.vector_load_idx %arg15[%add3A_510, %broadcast_in_dim3A_512] : memref<128x16xf32, #tpu.memory_space<vmem>>[vector<16xi32>, vector<16xi32>], vector<16xf32>,
      %broadcast_in_dim3A_514 = arith.constant 1 : i32
      %broadcast_in_dim3A_515 = vector.broadcast %broadcast_in_dim3A_514 : i32 to vector<16xi32>
      %gather3A_516 = tpu.vector_load_idx %arg15[%add3A_510, %broadcast_in_dim3A_515] : memref<128x16xf32, #tpu.memory_space<vmem>>[vector<16xi32>, vector<16xi32>], vector<16xf32>,
      %add3A_517 = arith.addf %gather3A_513, %gather3A_516 : vector<16xf32>
      %broadcast_in_dim3A_518 = arith.constant 2 : i32
      %broadcast_in_dim3A_519 = vector.broadcast %broadcast_in_dim3A_518 : i32 to vector<16xi32>
      %gather3A_520 = tpu.vector_load_idx %arg15[%add3A_510, %broadcast_in_dim3A_519] : memref<128x16xf32, #tpu.memory_space<vmem>>[vector<16xi32>, vector<16xi32>], vector<16xf32>,
      %add3A_521 = arith.addf %add3A_517, %gather3A_520 : vector<16xf32>
      %broadcast_in_dim3A_522 = arith.constant 3 : i32
      %broadcast_in_dim3A_523 = vector.broadcast %broadcast_in_dim3A_522 : i32 to vector<16xi32>
      %gather3A_524 = tpu.vector_load_idx %arg15[%add3A_510, %broadcast_in_dim3A_523] : memref<128x16xf32, #tpu.memory_space<vmem>>[vector<16xi32>, vector<16xi32>], vector<16xf32>,
      %add3A_525 = arith.addf %add3A_521, %gather3A_524 : vector<16xf32>
      %broadcast_in_dim3A_526 = arith.constant 4 : i32
      %broadcast_in_dim3A_527 = vector.broadcast %broadcast_in_dim3A_526 : i32 to vector<16xi32>
      %gather3A_528 = tpu.vector_load_idx %arg15[%add3A_510, %broadcast_in_dim3A_527] : memref<128x16xf32, #tpu.memory_space<vmem>>[vector<16xi32>, vector<16xi32>], vector<16xf32>,
      %add3A_529 = arith.addf %add3A_525, %gather3A_528 : vector<16xf32>
      %broadcast_in_dim3A_530 = arith.constant 5 : i32
      %broadcast_in_dim3A_531 = vector.broadcast %broadcast_in_dim3A_530 : i32 to vector<16xi32>
      %gather3A_532 = tpu.vector_load_idx %arg15[%add3A_510, %broadcast_in_dim3A_531] : memref<128x16xf32, #tpu.memory_space<vmem>>[vector<16xi32>, vector<16xi32>], vector<16xf32>,
      %add3A_533 = arith.addf %add3A_529, %gather3A_532 : vector<16xf32>
      %broadcast_in_dim3A_534 = arith.constant 6 : i32
      %broadcast_in_dim3A_535 = vector.broadcast %broadcast_in_dim3A_534 : i32 to vector<16xi32>
      %gather3A_536 = tpu.vector_load_idx %arg15[%add3A_510, %broadcast_in_dim3A_535] : memref<128x16xf32, #tpu.memory_space<vmem>>[vector<16xi32>, vector<16xi32>], vector<16xf32>,
      %add3A_537 = arith.addf %add3A_533, %gather3A_536 : vector<16xf32>
      %broadcast_in_dim3A_538 = arith.constant 7 : i32
      %broadcast_in_dim3A_539 = vector.broadcast %broadcast_in_dim3A_538 : i32 to vector<16xi32>
      %gather3A_540 = tpu.vector_load_idx %arg15[%add3A_510, %broadcast_in_dim3A_539] : memref<128x16xf32, #tpu.memory_space<vmem>>[vector<16xi32>, vector<16xi32>], vector<16xf32>,
      %add3A_541 = arith.addf %add3A_537, %gather3A_540 : vector<16xf32>
      %broadcast_in_dim3A_542 = arith.constant 8 : i32
      %broadcast_in_dim3A_543 = vector.broadcast %broadcast_in_dim3A_542 : i32 to vector<16xi32>
      %gather3A_544 = tpu.vector_load_idx %arg15[%add3A_510, %broadcast_in_dim3A_543] : memref<128x16xf32, #tpu.memory_space<vmem>>[vector<16xi32>, vector<16xi32>], vector<16xf32>,
      %add3A_545 = arith.addf %add3A_541, %gather3A_544 : vector<16xf32>
      %broadcast_in_dim3A_546 = arith.constant 9 : i32
      %broadcast_in_dim3A_547 = vector.broadcast %broadcast_in_dim3A_546 : i32 to vector<16xi32>
      %gather3A_548 = tpu.vector_load_idx %arg15[%add3A_510, %broadcast_in_dim3A_547] : memref<128x16xf32, #tpu.memory_space<vmem>>[vector<16xi32>, vector<16xi32>], vector<16xf32>,
      %add3A_549 = arith.addf %add3A_545, %gather3A_548 : vector<16xf32>
      %broadcast_in_dim3A_550 = arith.constant 10 : i32
      %broadcast_in_dim3A_551 = vector.broadcast %broadcast_in_dim3A_550 : i32 to vector<16xi32>
      %gather3A_552 = tpu.vector_load_idx %arg15[%add3A_510, %broadcast_in_dim3A_551] : memref<128x16xf32, #tpu.memory_space<vmem>>[vector<16xi32>, vector<16xi32>], vector<16xf32>,
      %add3A_553 = arith.addf %add3A_549, %gather3A_552 : vector<16xf32>
      %broadcast_in_dim3A_554 = arith.constant 11 : i32
      %broadcast_in_dim3A_555 = vector.broadcast %broadcast_in_dim3A_554 : i32 to vector<16xi32>
      %gather3A_556 = tpu.vector_load_idx %arg15[%add3A_510, %broadcast_in_dim3A_555] : memref<128x16xf32, #tpu.memory_space<vmem>>[vector<16xi32>, vector<16xi32>], vector<16xf32>,
      %add3A_557 = arith.addf %add3A_553, %gather3A_556 : vector<16xf32>
      %broadcast_in_dim3A_558 = arith.constant 12 : i32
      %broadcast_in_dim3A_559 = vector.broadcast %broadcast_in_dim3A_558 : i32 to vector<16xi32>
      %gather3A_560 = tpu.vector_load_idx %arg15[%add3A_510, %broadcast_in_dim3A_559] : memref<128x16xf32, #tpu.memory_space<vmem>>[vector<16xi32>, vector<16xi32>], vector<16xf32>,
      %add3A_561 = arith.addf %add3A_557, %gather3A_560 : vector<16xf32>
      %broadcast_in_dim3A_562 = arith.constant 13 : i32
      %broadcast_in_dim3A_563 = vector.broadcast %broadcast_in_dim3A_562 : i32 to vector<16xi32>
      %gather3A_564 = tpu.vector_load_idx %arg15[%add3A_510, %broadcast_in_dim3A_563] : memref<128x16xf32, #tpu.memory_space<vmem>>[vector<16xi32>, vector<16xi32>], vector<16xf32>,
      %add3A_565 = arith.addf %add3A_561, %gather3A_564 : vector<16xf32>
      %broadcast_in_dim3A_566 = arith.constant 14 : i32
      %broadcast_in_dim3A_567 = vector.broadcast %broadcast_in_dim3A_566 : i32 to vector<16xi32>
      %gather3A_568 = tpu.vector_load_idx %arg15[%add3A_510, %broadcast_in_dim3A_567] : memref<128x16xf32, #tpu.memory_space<vmem>>[vector<16xi32>, vector<16xi32>], vector<16xf32>,
      %add3A_569 = arith.addf %add3A_565, %gather3A_568 : vector<16xf32>
      %broadcast_in_dim3A_570 = arith.constant 15 : i32
      %broadcast_in_dim3A_571 = vector.broadcast %broadcast_in_dim3A_570 : i32 to vector<16xi32>
      %gather3A_572 = tpu.vector_load_idx %arg15[%add3A_510, %broadcast_in_dim3A_571] : memref<128x16xf32, #tpu.memory_space<vmem>>[vector<16xi32>, vector<16xi32>], vector<16xf32>,
      %add3A_573 = arith.addf %add3A_569, %gather3A_572 : vector<16xf32>
      %swap3A_574 = arith.constant 112 : index
      %swap3A_575 = tpu.vector_load %arg16[%swap3A_574] {strides = array<i32>} : memref<128xf32, #tpu.memory_space<vmem>>, vector<16xf32>,
      tpu.vector_store %arg16[%swap3A_574], %add3A_573 {strides = array<i32>} : memref<128xf32, #tpu.memory_space<vmem>>, vector<16xf32>,
      "tpu.region"() ({
        %run_scoped3A = tpu.sem_alloc : memref<!tpu.dma_semaphore, #tpu.memory_space<semaphore_mem>>
        %dma_start3A_576 = tpu.memref_slice %arg8[%add3A_11] : memref<323584xf32, #tpu.memory_space<hbm>> -> memref<128xf32, #tpu.memory_space<hbm>>
        %dma_start3A_577 = tpu.memref_slice %arg8[%add3A_11] : memref<323584xf32, #tpu.memory_space<hbm>> -> memref<128xf32, #tpu.memory_space<hbm>>
        tpu.enqueue_dma source(%arg16 : memref<128xf32, #tpu.memory_space<vmem>>) target(%dma_start3A_577 : memref<128xf32, #tpu.memory_space<hbm>>) target_semaphore(%run_scoped3A : memref<!tpu.dma_semaphore, #tpu.memory_space<semaphore_mem>>)
        %dma_wait3A_578 = tpu.memref_slice %arg8[%add3A_11] : memref<323584xf32, #tpu.memory_space<hbm>> -> memref<128xf32, #tpu.memory_space<hbm>>
        %dma_wait3A_579 = tpu.memref_slice %arg8[%add3A_11] : memref<323584xf32, #tpu.memory_space<hbm>> -> memref<128xf32, #tpu.memory_space<hbm>>
        tpu.wait_dma2 semaphore(%run_scoped3A : memref<!tpu.dma_semaphore, #tpu.memory_space<semaphore_mem>>) src(%arg16 : memref<128xf32, #tpu.memory_space<vmem>>) dst(%dma_wait3A_579 : memref<128xf32, #tpu.memory_space<hbm>>)
        tpu.yield
      }) : () -> ()
    }
    %scan3A_5 = arith.constant 79 : i32
    return
  }
}

module attributes {stable_mosaic.version = 14 : i64} {
  func.func @_tc1_body(%arg0: memref<10000x128xf32, #tpu.memory_space<vmem>>, %arg1: memref<128x256xf32, #tpu.memory_space<vmem>>, %arg2: memref<128x4xf32, #tpu.memory_space<vmem>>, %arg3: memref<10000x128xf32, #tpu.memory_space<vmem>>, %arg4: memref<10000x128xf32, #tpu.memory_space<vmem>>, %arg5: memref<10000x4xf32, #tpu.memory_space<vmem>>) attributes {dimension_semantics = [], scalar_prefetch = 0 : i64, scratch_operands = 0 : i64, tpu.core_type = #tpu.core_type<tc>} {
    %get3A = arith.constant 0 : index
    %get3A_0 = arith.constant 0 : index
    %get3A_1 = vector.load %arg0[%get3A, %get3A_0] : memref<10000x128xf32, #tpu.memory_space<vmem>>, vector<10000x128xf32>
    %get3A_2 = arith.constant 0 : index
    %get3A_3 = arith.constant 0 : index
    %get3A_4 = vector.load %arg1[%get3A_2, %get3A_3] : memref<128x256xf32, #tpu.memory_space<vmem>>, vector<128x256xf32>
    %dot_general3A = arith.constant dense<0.000000e+00> : vector<10000x256xf32>
    %dot_general3A_5 = tpu.matmul %get3A_1, %get3A_4, %dot_general3A {dimension_numbers = #tpu.dot_dimension_numbers<[1], [0], [0], [1], [0, 0, 1, 1], [], []>, transpose_lhs_hint = false} : vector<10000x128xf32>, vector<128x256xf32>, vector<10000x256xf32> -> vector<10000x256xf32>
    %slice3A = vector.extract_strided_slice %dot_general3A_5 {offsets = [0, 0], sizes = [10000, 128], strides = [1, 1]} : vector<10000x256xf32> to vector<10000x128xf32>
    %swap3A = arith.constant 0 : index
    %swap3A_6 = arith.constant 0 : index
    %swap3A_7 = vector.load %arg3[%swap3A, %swap3A_6] : memref<10000x128xf32, #tpu.memory_space<vmem>>, vector<10000x128xf32>
    tpu.vector_store %arg3[%swap3A, %swap3A_6], %slice3A {strides = array<i32>} : memref<10000x128xf32, #tpu.memory_space<vmem>>, vector<10000x128xf32>,
    %slice3A_8 = vector.extract_strided_slice %dot_general3A_5 {offsets = [0, 128], sizes = [10000, 128], strides = [1, 1]} : vector<10000x256xf32> to vector<10000x128xf32>
    %swap3A_9 = arith.constant 0 : index
    %swap3A_10 = arith.constant 0 : index
    %swap3A_11 = vector.load %arg4[%swap3A_9, %swap3A_10] : memref<10000x128xf32, #tpu.memory_space<vmem>>, vector<10000x128xf32>
    tpu.vector_store %arg4[%swap3A_9, %swap3A_10], %slice3A_8 {strides = array<i32>} : memref<10000x128xf32, #tpu.memory_space<vmem>>, vector<10000x128xf32>,
    %get3A_12 = arith.constant 0 : index
    %get3A_13 = arith.constant 0 : index
    %get3A_14 = vector.load %arg2[%get3A_12, %get3A_13] : memref<128x4xf32, #tpu.memory_space<vmem>>, vector<128x4xf32>
    %dot_general3A_15 = arith.constant dense<0.000000e+00> : vector<10000x4xf32>
    %dot_general3A_16 = tpu.matmul %get3A_1, %get3A_14, %dot_general3A_15 {dimension_numbers = #tpu.dot_dimension_numbers<[1], [0], [0], [1], [0, 0, 1, 1], [], []>, transpose_lhs_hint = false} : vector<10000x128xf32>, vector<128x4xf32>, vector<10000x4xf32> -> vector<10000x4xf32>
    %swap3A_17 = arith.constant 0 : index
    %swap3A_18 = arith.constant 0 : index
    %swap3A_19 = vector.load %arg5[%swap3A_17, %swap3A_18] : memref<10000x4xf32, #tpu.memory_space<vmem>>, vector<10000x4xf32>
    tpu.vector_store %arg5[%swap3A_17, %swap3A_18], %dot_general3A_16 {strides = array<i32>} : memref<10000x4xf32, #tpu.memory_space<vmem>>, vector<10000x4xf32>,
    return
  }
}

module attributes {stable_mosaic.version = 14 : i64} {
  func.func @_tc3_body(%arg0: memref<10000x128xf32, #tpu.memory_space<vmem>>, %arg1: memref<10000x128xf32, #tpu.memory_space<vmem>>, %arg2: memref<10000x1xf32, #tpu.memory_space<vmem>>, %arg3: memref<10000x1xf32, #tpu.memory_space<vmem>>, %arg4: memref<10000x1xf32, #tpu.memory_space<vmem>>, %arg5: memref<1x128xf32, #tpu.memory_space<vmem>>, %arg6: memref<1x128xf32, #tpu.memory_space<vmem>>, %arg7: memref<1x128xf32, #tpu.memory_space<vmem>>, %arg8: memref<128x64xf32, #tpu.memory_space<vmem>>, %arg9: memref<10000x64xf32, #tpu.memory_space<vmem>>, %arg10: memref<10000x1xf32, #tpu.memory_space<vmem>>) attributes {dimension_semantics = [], scalar_prefetch = 0 : i64, scratch_operands = 0 : i64, tpu.core_type = #tpu.core_type<tc>} {
    %get3A = arith.constant 0 : index
    %get3A_0 = arith.constant 0 : index
    %get3A_1 = vector.load %arg0[%get3A, %get3A_0] : memref<10000x128xf32, #tpu.memory_space<vmem>>, vector<10000x128xf32>
    %get3A_2 = arith.constant 0 : index
    %get3A_3 = arith.constant 0 : index
    %get3A_4 = vector.load %arg2[%get3A_2, %get3A_3] : memref<10000x1xf32, #tpu.memory_space<vmem>>, vector<10000x1xf32>
    %add3A = arith.constant 1.000000e-16 : f32
    %add3A_5 = vector.broadcast %add3A : f32 to vector<10000x1xf32>
    %add3A_6 = arith.addf %get3A_4, %add3A_5 : vector<10000x1xf32>
    %div3A = vector.broadcast %add3A_6 : vector<10000x1xf32> to vector<10000x128xf32>
    %div3A_7 = arith.divf %get3A_1, %div3A : vector<10000x128xf32>
    %get3A_8 = arith.constant 0 : index
    %get3A_9 = arith.constant 0 : index
    %get3A_10 = vector.load %arg1[%get3A_8, %get3A_9] : memref<10000x128xf32, #tpu.memory_space<vmem>>, vector<10000x128xf32>
    %get3A_11 = arith.constant 0 : index
    %get3A_12 = arith.constant 0 : index
    %get3A_13 = vector.load %arg3[%get3A_11, %get3A_12] : memref<10000x1xf32, #tpu.memory_space<vmem>>, vector<10000x1xf32>
    %add3A_14 = arith.constant 1.000000e-16 : f32
    %add3A_15 = vector.broadcast %add3A_14 : f32 to vector<10000x1xf32>
    %add3A_16 = arith.addf %get3A_13, %add3A_15 : vector<10000x1xf32>
    %div3A_17 = vector.broadcast %add3A_16 : vector<10000x1xf32> to vector<10000x128xf32>
    %div3A_18 = arith.divf %get3A_10, %div3A_17 : vector<10000x128xf32>
    %add3A_19 = arith.addf %div3A_7, %div3A_18 : vector<10000x128xf32>
    %mul3A = arith.constant 5.000000e-01 : f32
    %mul3A_20 = vector.broadcast %mul3A : f32 to vector<10000x128xf32>
    %mul3A_21 = arith.mulf %mul3A_20, %add3A_19 : vector<10000x128xf32>
    %get3A_22 = arith.constant 0 : index
    %get3A_23 = arith.constant 0 : index
    %get3A_24 = vector.load %arg5[%get3A_22, %get3A_23] : memref<1x128xf32, #tpu.memory_space<vmem>>, vector<1x128xf32>
    %add3A_25 = vector.broadcast %get3A_24 : vector<1x128xf32> to vector<10000x128xf32>
    %add3A_26 = arith.addf %mul3A_21, %add3A_25 : vector<10000x128xf32>
    %max3A = arith.constant 0.000000e+00 : f32
    %max3A_27 = vector.broadcast %max3A : f32 to vector<10000x128xf32>
    %max3A_28 = arith.maximumf %add3A_26, %max3A_27 : vector<10000x128xf32>
    %reduce_sum3A = arith.constant dense<0.000000e+00> : vector<128xf32>
    %reduce_sum3A_29 = vector.multi_reduction <add>, %max3A_28, %reduce_sum3A [0] : vector<10000x128xf32> to vector<128xf32>
    %broadcast_in_dim3A = vector.shape_cast %reduce_sum3A_29 : vector<128xf32> to vector<1x128xf32>
    %div3A_30 = arith.constant 1.000000e+04 : f32
    %div3A_31 = vector.broadcast %div3A_30 : f32 to vector<1x128xf32>
    %div3A_32 = arith.divf %broadcast_in_dim3A, %div3A_31 : vector<1x128xf32>
    %sub3A = vector.broadcast %div3A_32 : vector<1x128xf32> to vector<10000x128xf32>
    %sub3A_33 = arith.subf %max3A_28, %sub3A : vector<10000x128xf32>
    %integer_pow3A = arith.mulf %sub3A_33, %sub3A_33 : vector<10000x128xf32>
    %reduce_sum3A_34 = arith.constant dense<0.000000e+00> : vector<128xf32>
    %reduce_sum3A_35 = vector.multi_reduction <add>, %integer_pow3A, %reduce_sum3A_34 [0] : vector<10000x128xf32> to vector<128xf32>
    %broadcast_in_dim3A_36 = vector.shape_cast %reduce_sum3A_35 : vector<128xf32> to vector<1x128xf32>
    %div3A_37 = arith.constant 1.000000e+04 : f32
    %div3A_38 = vector.broadcast %div3A_37 : f32 to vector<1x128xf32>
    %div3A_39 = arith.divf %broadcast_in_dim3A_36, %div3A_38 : vector<1x128xf32>
    %sub3A_40 = vector.broadcast %div3A_32 : vector<1x128xf32> to vector<10000x128xf32>
    %sub3A_41 = arith.subf %max3A_28, %sub3A_40 : vector<10000x128xf32>
    %add3A_42 = arith.constant 9.99999974E-6 : f32
    %add3A_43 = vector.broadcast %add3A_42 : f32 to vector<1x128xf32>
    %add3A_44 = arith.addf %div3A_39, %add3A_43 : vector<1x128xf32>
    %sqrt3A = math.sqrt %add3A_44 : vector<1x128xf32>
    %div3A_45 = vector.broadcast %sqrt3A : vector<1x128xf32> to vector<10000x128xf32>
    %div3A_46 = arith.divf %sub3A_41, %div3A_45 : vector<10000x128xf32>
    %get3A_47 = arith.constant 0 : index
    %get3A_48 = arith.constant 0 : index
    %get3A_49 = vector.load %arg6[%get3A_47, %get3A_48] : memref<1x128xf32, #tpu.memory_space<vmem>>, vector<1x128xf32>
    %mul3A_50 = vector.broadcast %get3A_49 : vector<1x128xf32> to vector<10000x128xf32>
    %mul3A_51 = arith.mulf %div3A_46, %mul3A_50 : vector<10000x128xf32>
    %get3A_52 = arith.constant 0 : index
    %get3A_53 = arith.constant 0 : index
    %get3A_54 = vector.load %arg7[%get3A_52, %get3A_53] : memref<1x128xf32, #tpu.memory_space<vmem>>, vector<1x128xf32>
    %add3A_55 = vector.broadcast %get3A_54 : vector<1x128xf32> to vector<10000x128xf32>
    %add3A_56 = arith.addf %mul3A_51, %add3A_55 : vector<10000x128xf32>
    %get3A_57 = arith.constant 0 : index
    %get3A_58 = arith.constant 0 : index
    %get3A_59 = vector.load %arg8[%get3A_57, %get3A_58] : memref<128x64xf32, #tpu.memory_space<vmem>>, vector<128x64xf32>
    %dot_general3A = arith.constant dense<0.000000e+00> : vector<10000x64xf32>
    %dot_general3A_60 = tpu.matmul %add3A_56, %get3A_59, %dot_general3A {dimension_numbers = #tpu.dot_dimension_numbers<[1], [0], [0], [1], [0, 0, 1, 1], [], []>, transpose_lhs_hint = false} : vector<10000x128xf32>, vector<128x64xf32>, vector<10000x64xf32> -> vector<10000x64xf32>
    %swap3A = arith.constant 0 : index
    %swap3A_61 = arith.constant 0 : index
    %swap3A_62 = vector.load %arg9[%swap3A, %swap3A_61] : memref<10000x64xf32, #tpu.memory_space<vmem>>, vector<10000x64xf32>
    tpu.vector_store %arg9[%swap3A, %swap3A_61], %dot_general3A_60 {strides = array<i32>} : memref<10000x64xf32, #tpu.memory_space<vmem>>, vector<10000x64xf32>,
    %get3A_63 = arith.constant 0 : index
    %get3A_64 = arith.constant 0 : index
    %get3A_65 = vector.load %arg4[%get3A_63, %get3A_64] : memref<10000x1xf32, #tpu.memory_space<vmem>>, vector<10000x1xf32>
    %max3A_66 = arith.constant 1.000000e+00 : f32
    %max3A_67 = vector.broadcast %max3A_66 : f32 to vector<10000x1xf32>
    %max3A_68 = arith.maximumf %get3A_65, %max3A_67 : vector<10000x1xf32>
    %rsqrt3A = math.rsqrt %max3A_68 : vector<10000x1xf32>
    %swap3A_69 = arith.constant 0 : index
    %swap3A_70 = arith.constant 0 : index
    %swap3A_71 = vector.load %arg10[%swap3A_69, %swap3A_70] : memref<10000x1xf32, #tpu.memory_space<vmem>>, vector<10000x1xf32>
    tpu.vector_store %arg10[%swap3A_69, %swap3A_70], %rsqrt3A {strides = array<i32>} : memref<10000x1xf32, #tpu.memory_space<vmem>>, vector<10000x1xf32>,
    return
  }
}

module attributes {stable_mosaic.version = 14 : i64} {
  func.func @_tc5_body(%arg0: memref<10000x64xf32, #tpu.memory_space<vmem>>, %arg1: memref<10000x64xf32, #tpu.memory_space<vmem>>, %arg2: memref<1x64xf32, #tpu.memory_space<vmem>>, %arg3: memref<1x64xf32, #tpu.memory_space<vmem>>, %arg4: memref<1x64xf32, #tpu.memory_space<vmem>>, %arg5: memref<64x64xf32, #tpu.memory_space<vmem>>, %arg6: memref<1x64xf32, #tpu.memory_space<vmem>>, %arg7: memref<64x64xf32, #tpu.memory_space<vmem>>, %arg8: memref<1x64xf32, #tpu.memory_space<vmem>>, %arg9: memref<64x64xf32, #tpu.memory_space<vmem>>, %arg10: memref<1x64xf32, #tpu.memory_space<vmem>>, %arg11: memref<64x128xf32, #tpu.memory_space<vmem>>, %arg12: memref<64x128xf32, #tpu.memory_space<vmem>>, %arg13: memref<1x128xf32, #tpu.memory_space<vmem>>, %arg14: memref<10000x64xf32, #tpu.memory_space<vmem>>, %arg15: memref<10000x64xf32, #tpu.memory_space<vmem>>, %arg16: memref<10000x64xf32, #tpu.memory_space<vmem>>, %arg17: memref<10000x128xf32, #tpu.memory_space<vmem>>, %arg18: memref<10000x128xf32, #tpu.memory_space<vmem>>) attributes {dimension_semantics = [], scalar_prefetch = 0 : i64, scratch_operands = 0 : i64, tpu.core_type = #tpu.core_type<tc>} {
    %get3A = arith.constant 0 : index
    %get3A_0 = arith.constant 0 : index
    %get3A_1 = vector.load %arg0[%get3A, %get3A_0] : memref<10000x64xf32, #tpu.memory_space<vmem>>, vector<10000x64xf32>
    %get3A_2 = arith.constant 0 : index
    %get3A_3 = arith.constant 0 : index
    %get3A_4 = vector.load %arg1[%get3A_2, %get3A_3] : memref<10000x64xf32, #tpu.memory_space<vmem>>, vector<10000x64xf32>
    %add3A = arith.addf %get3A_1, %get3A_4 : vector<10000x64xf32>
    %get3A_5 = arith.constant 0 : index
    %get3A_6 = arith.constant 0 : index
    %get3A_7 = vector.load %arg2[%get3A_5, %get3A_6] : memref<1x64xf32, #tpu.memory_space<vmem>>, vector<1x64xf32>
    %add3A_8 = vector.broadcast %get3A_7 : vector<1x64xf32> to vector<10000x64xf32>
    %add3A_9 = arith.addf %add3A, %add3A_8 : vector<10000x64xf32>
    %max3A = arith.constant 0.000000e+00 : f32
    %max3A_10 = vector.broadcast %max3A : f32 to vector<10000x64xf32>
    %max3A_11 = arith.maximumf %add3A_9, %max3A_10 : vector<10000x64xf32>
    %reduce_sum3A = arith.constant dense<0.000000e+00> : vector<64xf32>
    %reduce_sum3A_12 = vector.multi_reduction <add>, %max3A_11, %reduce_sum3A [0] : vector<10000x64xf32> to vector<64xf32>
    %broadcast_in_dim3A = vector.shape_cast %reduce_sum3A_12 : vector<64xf32> to vector<1x64xf32>
    %div3A = arith.constant 1.000000e+04 : f32
    %div3A_13 = vector.broadcast %div3A : f32 to vector<1x64xf32>
    %div3A_14 = arith.divf %broadcast_in_dim3A, %div3A_13 : vector<1x64xf32>
    %sub3A = vector.broadcast %div3A_14 : vector<1x64xf32> to vector<10000x64xf32>
    %sub3A_15 = arith.subf %max3A_11, %sub3A : vector<10000x64xf32>
    %integer_pow3A = arith.mulf %sub3A_15, %sub3A_15 : vector<10000x64xf32>
    %reduce_sum3A_16 = arith.constant dense<0.000000e+00> : vector<64xf32>
    %reduce_sum3A_17 = vector.multi_reduction <add>, %integer_pow3A, %reduce_sum3A_16 [0] : vector<10000x64xf32> to vector<64xf32>
    %broadcast_in_dim3A_18 = vector.shape_cast %reduce_sum3A_17 : vector<64xf32> to vector<1x64xf32>
    %div3A_19 = arith.constant 1.000000e+04 : f32
    %div3A_20 = vector.broadcast %div3A_19 : f32 to vector<1x64xf32>
    %div3A_21 = arith.divf %broadcast_in_dim3A_18, %div3A_20 : vector<1x64xf32>
    %sub3A_22 = vector.broadcast %div3A_14 : vector<1x64xf32> to vector<10000x64xf32>
    %sub3A_23 = arith.subf %max3A_11, %sub3A_22 : vector<10000x64xf32>
    %add3A_24 = arith.constant 9.99999974E-6 : f32
    %add3A_25 = vector.broadcast %add3A_24 : f32 to vector<1x64xf32>
    %add3A_26 = arith.addf %div3A_21, %add3A_25 : vector<1x64xf32>
    %sqrt3A = math.sqrt %add3A_26 : vector<1x64xf32>
    %div3A_27 = vector.broadcast %sqrt3A : vector<1x64xf32> to vector<10000x64xf32>
    %div3A_28 = arith.divf %sub3A_23, %div3A_27 : vector<10000x64xf32>
    %get3A_29 = arith.constant 0 : index
    %get3A_30 = arith.constant 0 : index
    %get3A_31 = vector.load %arg3[%get3A_29, %get3A_30] : memref<1x64xf32, #tpu.memory_space<vmem>>, vector<1x64xf32>
    %mul3A = vector.broadcast %get3A_31 : vector<1x64xf32> to vector<10000x64xf32>
    %mul3A_32 = arith.mulf %div3A_28, %mul3A : vector<10000x64xf32>
    %get3A_33 = arith.constant 0 : index
    %get3A_34 = arith.constant 0 : index
    %get3A_35 = vector.load %arg4[%get3A_33, %get3A_34] : memref<1x64xf32, #tpu.memory_space<vmem>>, vector<1x64xf32>
    %add3A_36 = vector.broadcast %get3A_35 : vector<1x64xf32> to vector<10000x64xf32>
    %add3A_37 = arith.addf %mul3A_32, %add3A_36 : vector<10000x64xf32>
    %get3A_38 = arith.constant 0 : index
    %get3A_39 = arith.constant 0 : index
    %get3A_40 = vector.load %arg5[%get3A_38, %get3A_39] : memref<64x64xf32, #tpu.memory_space<vmem>>, vector<64x64xf32>
    %dot_general3A = arith.constant dense<0.000000e+00> : vector<10000x64xf32>
    %dot_general3A_41 = tpu.matmul %add3A_37, %get3A_40, %dot_general3A {dimension_numbers = #tpu.dot_dimension_numbers<[1], [0], [0], [1], [0, 0, 1, 1], [], []>, transpose_lhs_hint = false} : vector<10000x64xf32>, vector<64x64xf32>, vector<10000x64xf32> -> vector<10000x64xf32>
    %get3A_42 = arith.constant 0 : index
    %get3A_43 = arith.constant 0 : index
    %get3A_44 = vector.load %arg6[%get3A_42, %get3A_43] : memref<1x64xf32, #tpu.memory_space<vmem>>, vector<1x64xf32>
    %add3A_45 = vector.broadcast %get3A_44 : vector<1x64xf32> to vector<10000x64xf32>
    %add3A_46 = arith.addf %dot_general3A_41, %add3A_45 : vector<10000x64xf32>
    %get3A_47 = arith.constant 0 : index
    %get3A_48 = arith.constant 0 : index
    %get3A_49 = vector.load %arg7[%get3A_47, %get3A_48] : memref<64x64xf32, #tpu.memory_space<vmem>>, vector<64x64xf32>
    %dot_general3A_50 = arith.constant dense<0.000000e+00> : vector<10000x64xf32>
    %dot_general3A_51 = tpu.matmul %add3A_37, %get3A_49, %dot_general3A_50 {dimension_numbers = #tpu.dot_dimension_numbers<[1], [0], [0], [1], [0, 0, 1, 1], [], []>, transpose_lhs_hint = false} : vector<10000x64xf32>, vector<64x64xf32>, vector<10000x64xf32> -> vector<10000x64xf32>
    %get3A_52 = arith.constant 0 : index
    %get3A_53 = arith.constant 0 : index
    %get3A_54 = vector.load %arg8[%get3A_52, %get3A_53] : memref<1x64xf32, #tpu.memory_space<vmem>>, vector<1x64xf32>
    %add3A_55 = vector.broadcast %get3A_54 : vector<1x64xf32> to vector<10000x64xf32>
    %add3A_56 = arith.addf %dot_general3A_51, %add3A_55 : vector<10000x64xf32>
    %swap3A = arith.constant 0 : index
    %swap3A_57 = arith.constant 0 : index
    %swap3A_58 = vector.load %arg15[%swap3A, %swap3A_57] : memref<10000x64xf32, #tpu.memory_space<vmem>>, vector<10000x64xf32>
    tpu.vector_store %arg15[%swap3A, %swap3A_57], %add3A_46 {strides = array<i32>} : memref<10000x64xf32, #tpu.memory_space<vmem>>, vector<10000x64xf32>,
    %swap3A_59 = arith.constant 0 : index
    %swap3A_60 = arith.constant 0 : index
    %swap3A_61 = vector.load %arg16[%swap3A_59, %swap3A_60] : memref<10000x64xf32, #tpu.memory_space<vmem>>, vector<10000x64xf32>
    tpu.vector_store %arg16[%swap3A_59, %swap3A_60], %add3A_56 {strides = array<i32>} : memref<10000x64xf32, #tpu.memory_space<vmem>>, vector<10000x64xf32>,
    %get3A_62 = arith.constant 0 : index
    %get3A_63 = arith.constant 0 : index
    %get3A_64 = vector.load %arg14[%get3A_62, %get3A_63] : memref<10000x64xf32, #tpu.memory_space<vmem>>, vector<10000x64xf32>
    %mul3A_65 = arith.constant 5.000000e-01 : f32
    %mul3A_66 = vector.broadcast %mul3A_65 : f32 to vector<10000x64xf32>
    %mul3A_67 = arith.mulf %mul3A_66, %add3A_56 : vector<10000x64xf32>
    %exp3A = math.exp %mul3A_67 : vector<10000x64xf32>
    %mul3A_68 = arith.mulf %get3A_64, %exp3A : vector<10000x64xf32>
    %add3A_69 = arith.addf %add3A_46, %mul3A_68 : vector<10000x64xf32>
    %get3A_70 = arith.constant 0 : index
    %get3A_71 = arith.constant 0 : index
    %get3A_72 = vector.load %arg9[%get3A_70, %get3A_71] : memref<64x64xf32, #tpu.memory_space<vmem>>, vector<64x64xf32>
    %dot_general3A_73 = arith.constant dense<0.000000e+00> : vector<10000x64xf32>
    %dot_general3A_74 = tpu.matmul %add3A_69, %get3A_72, %dot_general3A_73 {dimension_numbers = #tpu.dot_dimension_numbers<[1], [0], [0], [1], [0, 0, 1, 1], [], []>, transpose_lhs_hint = false} : vector<10000x64xf32>, vector<64x64xf32>, vector<10000x64xf32> -> vector<10000x64xf32>
    %get3A_75 = arith.constant 0 : index
    %get3A_76 = arith.constant 0 : index
    %get3A_77 = vector.load %arg10[%get3A_75, %get3A_76] : memref<1x64xf32, #tpu.memory_space<vmem>>, vector<1x64xf32>
    %add3A_78 = vector.broadcast %get3A_77 : vector<1x64xf32> to vector<10000x64xf32>
    %add3A_79 = arith.addf %dot_general3A_74, %add3A_78 : vector<10000x64xf32>
    %get3A_80 = arith.constant 0 : index
    %get3A_81 = arith.constant 0 : index
    %get3A_82 = vector.load %arg11[%get3A_80, %get3A_81] : memref<64x128xf32, #tpu.memory_space<vmem>>, vector<64x128xf32>
    %dot_general3A_83 = arith.constant dense<0.000000e+00> : vector<10000x128xf32>
    %dot_general3A_84 = tpu.matmul %add3A_79, %get3A_82, %dot_general3A_83 {dimension_numbers = #tpu.dot_dimension_numbers<[1], [0], [0], [1], [0, 0, 1, 1], [], []>, transpose_lhs_hint = false} : vector<10000x64xf32>, vector<64x128xf32>, vector<10000x128xf32> -> vector<10000x128xf32>
    %get3A_85 = arith.constant 0 : index
    %get3A_86 = arith.constant 0 : index
    %get3A_87 = vector.load %arg13[%get3A_85, %get3A_86] : memref<1x128xf32, #tpu.memory_space<vmem>>, vector<1x128xf32>
    %add3A_88 = vector.broadcast %get3A_87 : vector<1x128xf32> to vector<10000x128xf32>
    %add3A_89 = arith.addf %dot_general3A_84, %add3A_88 : vector<10000x128xf32>
    %swap3A_90 = arith.constant 0 : index
    %swap3A_91 = arith.constant 0 : index
    %swap3A_92 = vector.load %arg17[%swap3A_90, %swap3A_91] : memref<10000x128xf32, #tpu.memory_space<vmem>>, vector<10000x128xf32>
    tpu.vector_store %arg17[%swap3A_90, %swap3A_91], %add3A_89 {strides = array<i32>} : memref<10000x128xf32, #tpu.memory_space<vmem>>, vector<10000x128xf32>,
    %get3A_93 = arith.constant 0 : index
    %get3A_94 = arith.constant 0 : index
    %get3A_95 = vector.load %arg12[%get3A_93, %get3A_94] : memref<64x128xf32, #tpu.memory_space<vmem>>, vector<64x128xf32>
    %dot_general3A_96 = arith.constant dense<0.000000e+00> : vector<10000x128xf32>
    %dot_general3A_97 = tpu.matmul %add3A_79, %get3A_95, %dot_general3A_96 {dimension_numbers = #tpu.dot_dimension_numbers<[1], [0], [0], [1], [0, 0, 1, 1], [], []>, transpose_lhs_hint = false} : vector<10000x64xf32>, vector<64x128xf32>, vector<10000x128xf32> -> vector<10000x128xf32>
    %swap3A_98 = arith.constant 0 : index
    %swap3A_99 = arith.constant 0 : index
    %swap3A_100 = vector.load %arg18[%swap3A_98, %swap3A_99] : memref<10000x128xf32, #tpu.memory_space<vmem>>, vector<10000x128xf32>
    tpu.vector_store %arg18[%swap3A_98, %swap3A_99], %dot_general3A_97 {strides = array<i32>} : memref<10000x128xf32, #tpu.memory_space<vmem>>, vector<10000x128xf32>,
    return
  }
}

</mosaic_0001>

<sc_bundles>
// kernel: kernel.11.cloned.1.call-start
scs
__scs_entry_jumppad:
0x0: {  	(pc) =	sbr.rel $0x88, $3  }
0x1: {  	(tag) =	ssettag $0x0;
	lr =	simm.s32 $0x1  }
0x2: {  	[smem:$0x3F8B] =	sst lr;
	_ =	strace $0xD0000000  }
0x3: {  	_ = 	snop  }
0x4: {  	_ = 	snop  }
0x5: {  	_ = 	snop  }
0x6: {  	_ = 	snop  }
0x7: {  	_ = 	snop  }
__scs_overlays_trampoline_lowered:
0x8: {  	[smem:$0x3F9A] =	sst s0  }
0x9: {  	[smem:$0x3F9B] =	sst s1  }
0xa: {  	[smem:$0x3F9C] =	sst s2  }
0xb: {  	[smem:$0x3F9D] =	sst s3  }
0xc: {  	[smem:$0x3F9E] =	sst s4  }
0xd: {  	[smem:$0x3F9F] =	sst s5  }
0xe: {  	[smem:$0x3FA0] =	sst s6  }
0xf: {  	[smem:$0x3FA1] =	sst s7  }
0x10: {  	[smem:$0x3FA2] =	sst s8  }
0x11: {  	[smem:$0x3FA3] =	sst s9;
	s0 =	simm.s32 @!p0 $0x0  }
0x12: {  	s1 =	sld [smem:$0x3F89];
	s0 =	simm.s32 @p0 $0x1  }
0x13: {  	[smem:$0x3FA4] =	sst s0;
	s0 =	simm.s32 @!p1 $0x0  }
0x14: {  	s2 =	sld [smem:$0x3F88];
	s0 =	simm.s32 @p1 $0x1  }
0x15: {  	[smem:$0x3FA5] =	sst s0;
	s0 =	simm.s32 @!p2 $0x0  }
0x16: {  	s3 =	sld [smem:$0x3FDB];
	s0 =	simm.s32 @p2 $0x1  }
0x17: {  	s4 =	simm.s32 $0x1BF5;
	[smem:$0x3FA7] =	sst s0  }
0x18: {  	s0 =	sld [smem:$0x3F8A];
	_ =	swait.ge [sflag:s4], $0x0  }
0x19: {  	s7 =	sld [smem:$0x3F8B]  }
0x1a: {  	s8 =	sadd.s32 $0xFFFFE003, lr  }
0x1b: {  	s9 =	sadd.s32 $0xFFFFFEF7, lr;
	s5 =	simm.s32 $0xFFFFFFFF;
	p2 =	slt.u32 s8, $0xFFFFF086  }
0x1c: {  	p1 =	slt.u32 s9, $0xF7A;
	s5 =	simm.s32 @!p2 $0x0  }
0x1d: {  	s5 =	simm.s32 @p1 $0x1;
	p0 =	seq.s32 s7, s2  }
0x1e: {  	s7 =	smul.u32 @!p0 $0xF7A, s2;
	p2 =	seq.s32 @!p0 s5, $0x0  }
0x1f: {  	s9 =	smul.u32 $0xF7A, s1;
	s8 =	simm.s32 @!p0 $0x1BF5;
	p2 =	por !p2, p0  }
0x20: {  	[sflag:s8] =	ssyncset.s32 @!p0 $0xFFFFF086;
	s6 =	sadd.s32 @!p0 s3, s7;
	s7 =	simm.s32 @!p0 $0x108  }
0x21: {  	s3 =	sadd.s32 s3, s9;
	s6 =	sadd.s32 @!p0 $0x88, s6;
	s7 =	simm.s32 @p2 $0x1082  }
0x22: {  	[simem:s7], [sflag:s8] =	dma.local @!p0 [hbm:s6], $0xF7A  }
0x23: {  	s9 =	sor.u32 $0xD0000000, s2;
	s6 =	simm.s32 $0x108;
	_ =	swait.ge @!p0 [sflag:s8], $0x0  }
0x24: {  	s3 =	sadd.s32 $0x88, s3;
	s6 =	simm.s32 @!p1 $0x1082;
	[sflag:s4] =	ssyncset.s32 $0xFFFFF086  }
0x25: {  	[simem:s6], [sflag:s4] =	dma.local [hbm:s3], $0xF7A  }
0x26: {  	[smem:$0x3F8B] =	sst s1;
	(tag) =	ssettag s2;
	_ =	strace s9  }
0x27: {  	s1 =	sld [smem:$0x3F9B]  }
0x28: {  	s2 =	sld [smem:$0x3F9C]  }
0x29: {  	s4 =	sld [smem:$0x3F9E]  }
0x2a: {  	p0 =	seq.s32 s5, $0x0;
	s5 =	sld [smem:$0x3F9F]  }
0x2b: {  	s6 =	sld [smem:$0x3FA0]  }
0x2c: {  	s7 =	sld [smem:$0x3FA1]  }
0x2d: {  	s3 =	simm.s32 $0x108;
	s8 =	sld [smem:$0x3FA2]  }
0x2e: {  	s3 =	simm.s32 @!p0 $0x1082;
	s9 =	sld [smem:$0x3FA3]  }
0x2f: {  	lr =	sadd.s32 s0, s3;
	s0 =	sld [smem:$0x3F9A]  }
0x30: {  	s3 =	sld [smem:$0x3F9D]  }
0x31: {  	[smem:$0x3FA6] =	sst s10  }
0x32: {  	s10 =	sld [smem:$0x3FA4];
	_ =	sdelay $0x3  }
0x33: {  	p0 =	seq.s32 s10, $0x1;
	s10 =	sld [smem:$0x3FA6];
	_ =	sdelay $0x3  }
0x34: {  	[smem:$0x3FA6] =	sst s10  }
0x35: {  	s10 =	sld [smem:$0x3FA5];
	_ =	sdelay $0x3  }
0x36: {  	p1 =	seq.s32 s10, $0x1;
	s10 =	sld [smem:$0x3FA6];
	_ =	sdelay $0x3  }
0x37: {  	[smem:$0x3FA6] =	sst s10  }
0x38: {  	s10 =	sld [smem:$0x3FA7]  }
0x39: {  	_ = 	snop;
	(pc) =	sbr.ind lr, $3  }
0x3a: {  	_ = 	snop  }
0x3b: {  	_ = 	snop  }
0x3c: {  	p2 =	seq.s32 s10, $0x1;
	s10 =	sld [smem:$0x3FA6]  }
0x3d: {  	_ =	shalt  }
0x3e: {  	_ =	shalt  }
0x3f: {  	_ =	shalt  }
0x40: {  	_ =	shalt  }
0x41: {  	_ =	shalt  }
0x42: {  	_ =	shalt  }
0x43: {  	_ =	shalt  }
0x44: {  	_ =	shalt  }
0x45: {  	_ =	shalt  }
0x46: {  	_ =	shalt  }
0x47: {  	_ =	shalt  }
0x48: {  	_ =	shalt  }
0x49: {  	_ =	shalt  }
0x4a: {  	_ =	shalt  }
0x4b: {  	_ =	shalt  }
0x4c: {  	_ =	shalt  }
0x4d: {  	_ =	shalt  }
0x4e: {  	_ =	shalt  }
0x4f: {  	_ =	shalt  }
0x50: {  	_ =	shalt  }
0x51: {  	_ =	shalt  }
0x52: {  	_ =	shalt  }
0x53: {  	_ =	shalt  }
0x54: {  	_ =	shalt  }
0x55: {  	_ =	shalt  }
0x56: {  	_ =	shalt  }
0x57: {  	_ =	shalt  }
0x58: {  	_ =	shalt  }
0x59: {  	_ =	shalt  }
0x5a: {  	_ =	shalt  }
0x5b: {  	_ =	shalt  }
0x5c: {  	_ =	shalt  }
0x5d: {  	_ =	shalt  }
0x5e: {  	_ =	shalt  }
0x5f: {  	_ =	shalt  }
0x60: {  	_ =	shalt  }
0x61: {  	_ =	shalt  }
0x62: {  	_ =	shalt  }
0x63: {  	_ =	shalt  }
0x64: {  	_ =	shalt  }
0x65: {  	_ =	shalt  }
0x66: {  	_ =	shalt  }
0x67: {  	_ =	shalt  }
0x68: {  	_ =	shalt  }
0x69: {  	_ =	shalt  }
0x6a: {  	_ =	shalt  }
0x6b: {  	_ =	shalt  }
0x6c: {  	_ =	shalt  }
0x6d: {  	_ =	shalt  }
0x6e: {  	_ =	shalt  }
0x6f: {  	_ =	shalt  }
0x70: {  	_ =	shalt  }
0x71: {  	_ =	shalt  }
0x72: {  	_ =	shalt  }
0x73: {  	_ =	shalt  }
0x74: {  	_ =	shalt  }
0x75: {  	_ =	shalt  }
0x76: {  	_ =	shalt  }
0x77: {  	_ =	shalt  }
0x78: {  	_ =	shalt  }
0x79: {  	_ =	shalt  }
0x7a: {  	_ =	shalt  }
0x7b: {  	_ =	shalt  }
0x7c: {  	_ =	shalt  }
0x7d: {  	_ =	shalt  }
0x7e: {  	_ =	shalt  }
0x7f: {  	_ =	shalt  }
0x80: {  	_ =	shalt  }
0x81: {  	_ =	shalt  }
0x82: {  	_ =	shalt  }
0x83: {  	_ =	shalt  }
0x84: {  	_ =	shalt  }
0x85: {  	_ =	shalt  }
0x86: {  	_ =	shalt  }
0x87: {  	_ =	shalt  }
.Lfunc_end0:
.L_simem_size_0:
called_computation.1_lowered:
.L_overlay_start_0:
0x88: {  	s2 =	sld [smem:$0x3FD9]  }
0x89: {  	s3 =	sld [smem:$0x3FFE];
	_ =	sdelay $0x1  }
0x8a: {  	s1 =	srdreg.scid  }
0x8b: {  	s0 =	sand.u32 $0x1, s1  }
0x8c: {  	s14 =	sshll.u32 s0, $0xA;
	s2 =	sadd.s32 s3, s2  }
0x8d: {  	s2 =	sadd.s32 s2, s14  }
0x8e: {  	[smem:$0x3FB2] =	sst s2  }
0x8f: {  	_ = 	snop  }
0x90: {  	s2 =	sld [smem:$0x3FD0];
	_ =	sdelay $0x2  }
0x91: {  	s15 =	simm.s32 $0xA;
	s4 =	simm.s32 $0x10  }
0x92: {  	[smem:s4], [sflag:s15] =	dma.local [hbm:s2], $0x1  }
0x93: {  	_ =	swait.eq [sflag:s15], $0x1  }
0x94: {  	s16 =	sld [smem:$0x10];
	[sflag:s15] =	ssyncset.done $0x0  }
0x95: {  	s17 =	sld [smem:$0x11];
	[sflag:s15] =	ssyncadd.s32 $0xFFFFFFFF  }
0x96: {  	s18 =	sld [smem:$0x12];
	(tm) =	ssettm $0x1  }
0x97: {  	s5 =	sld [smem:$0x3FFB];
	_ =	sdelay $0x3  }
0x98: {  	_ =	strace s5  }
0x99: {  	s5 =	sld [smem:$0x3FFC];
	_ =	sdelay $0x3  }
0x9a: {  	_ =	strace s5  }
0x9b: {  	s5 =	sld [smem:$0x3FFD];
	_ =	sdelay $0x3  }
0x9c: {  	_ =	strace s5  }
0x9d: {  	_ =	strace $0x8FFFFFFF  }
0x9e: {  	s19 =	sld [smem:$0x3FDB];
	_ =	sdelay $0x1  }
0x9f: {  	s6 =	simm.s32 $_scs_section_size  }
0xa0: {  	s7 =	simm.s32 $_size__tile_overlayer_lowered;
	s8 =	simm.s32 $_tile_overlayer_lowered  }
0xa1: {  	s22 =	simm.s32 $0x1BFF;
	s21 =	sshll.u32 s8, $0x1;
	s5 =	sadd.s32 s6, s19  }
0xa2: {  	s9 =	simm.s32 $0x0;
	s20 =	sshll.u32 s7, $0x1;
	s7 =	sadd.s32 s21, s5  }
0xa3: {  	[timem:s9], [sflag:s22] =	dma.local [hbm:s7], s20  }
0xa4: {  	_ =	swait.ge [sflag:s22], s20  }
0xa5: {  	s6 =	ssub.s32 $0x0, s20;
	[sflag:s22] =	ssyncset.done $0x0  }
0xa6: {  	[sflag:s22] =	ssyncadd.s32 s6;
	_ =	sdelay $0x1  }
0xa7: {  	s23 =	simm.s32 $0x1B8B  }
0xa8: {  	_ =	swait.ge [sflag:s23], $0x1  }
0xa9: {  	[sflag:s23] =	ssyncset.done $0x0  }
0xaa: {  	s25 =	simm.s32 $0x1B8E;
	s24 =	sld [smem:$0x3FFE];
	[sflag:s23] =	ssyncadd.s32 $0xFFFFFFFF  }
0xab: {  	s26 =	simm.s32 $execute0_lowered;
	[smem:$0x3FD2] =	sst s25  }
0xac: {  	s7 =	sshll.u32 s26, $0x1;
	_ =	strace $0x80000049;
	[dreg:$0x1] =	wrdreg $0xFFFFFFFF  }
0xad: {  	s28 =	simm.s32 $_size_execute0_lowered;
	s5 =	sadd.s32 s5, s7;
	[dreg:$0x0] =	wrdreg $0x0  }
0xae: {  	s7 =	sshll.u32 s28, $0x1;
	[dreg:$0x2] =	wrdreg s5  }
0xaf: {  	[dreg:$0x3] =	wrdreg s7  }
0xb0: {  	[dreg:$0x4] =	wrdreg $0xC0  }
0xb1: {  	_ =	task [dreg:s9], $0x5FFFF  }
0xb2: {  	[dreg:$0x1] =	wrdreg $0xFFFFFFFF  }
0xb3: {  	[dreg:$0x0] =	wrdreg $0x60  }
0xb4: {  	[dreg:$0x2] =	wrdreg s24  }
0xb5: {  	[dreg:$0x3] =	wrdreg s16  }
0xb6: {  	[dreg:$0x4] =	wrdreg s18  }
0xb7: {  	[dreg:$0x5] =	wrdreg s17  }
0xb8: {  	[dreg:$0x6] =	wrdreg $0x69800  }
0xb9: {  	[dreg:$0x7] =	wrdreg $0x9  }
0xba: {  	_ =	task.clear_ibuf [dreg:s9], $0x8FFFF;
	_ =	strace $0x90000049  }
0xbb: {  	s29 =	simm.s32 $0x9;
	_ =	strace $0x8000004B  }
0xbc: {  	_ =	swait.ge [sflag:s29], $0x1  }
0xbd: {  	[sflag:s29] =	ssyncadd.s32 $0xFFFFFFFF  }
0xbe: {  	_ =	strace $0x9000004B  }
0xbf: {  	_ =	sfence  }
0xc0: {  	s30 =	sld [smem:$0x0];
	_ =	sdelay $0x2  }
0xc1: {  	s31 =	sshll.u32 s1, $0xD;
	s1 =	sshrl.u32 s1, $0x2  }
0xc2: {  	s3 =	sand.u32 $0x4000, s31;
	s1 =	sadd.s32 s1, s30  }
0xc3: {  	s0 =	sor.u32 s3, s0;
	s1 =	sshll.u32 s1, $0x11  }
0xc4: {  	s0 =	sor.u32 s1, s0  }
0xc5: {  	s0 =	sadd.s32 $0x8F2B, s0  }
0xc6: {  	[sflag:s0] =	ssyncadd.remote.s32 $0x1  }
0xc7: {  	_ =	sfence.sel $0xFFFF  }
0xc8: {  	[dreg:$0x0] =	wrdreg $0xFFFFFFFF;
	(pc) =	sbr.abs _section_cstart, $3  }
0xc9: {  	[dreg:$0x1] =	wrdreg $0xFFFFFFFF  }
0xca: {  	_ =	task.clear_ibuf [dreg:s9], $0x2FFFF;
	_ =	strace $0x9FFFFFFF  }
0xcb: {  	(tm) =	ssettm $0x7FFFFFFF  }
tec
execute0_lowered:
.L_overlay_start_1:
0x0: {  	(tag) =	ssettag $0x1  }
0x1: {  	s9 =	rddreg [dreg:$0x0]  }
0x2: {  	s1 =	rddreg [dreg:$0x1]  }
0x3: {  	s2 =	rddreg [dreg:$0x2]  }
0x4: {  	s3 =	rddreg [dreg:$0x3]  }
0x5: {  	s5 =	rddreg [dreg:$0x4]  }
0x6: {  	s0 =	rddreg [dreg:$0x5];
	s6 =	simm.s32 $0x0;
	s7 =	srdreg.scid  }
0x7: {  	s4 =	stileid.u32;
	s19 =	simm.s32 $0x2800;
	s20 =	simm.s32 $0x2880  }
0x8: {  	s21 =	simm.s32 $0x80;
	s22 =	simm.s32 $0x2980;
	s23 =	simm.s32 $0x1  }
0x9: {  	s24 =	simm.s32 $0x0;
	[smem:$0x7FF] =	sst s6;
	s11 =	smul.u32 $0x2800, s4  }
0xa: {  	s10 =	sand.u32 $0x1, s7;
	s7 =	sadd.s32 $0x2A00, s9;
	s14 =	smul.u32 $0x50000, s4  }
0xb: {  	s8 =	sadd.s32 $0x53400, s9;
	s31 =	sshll.u32 s4, $0x6;
	_ =	strace $0x8000004A  }
0xc: {  	s12 =	smul.u32 $0x28000, s10;
	s13 =	ssub.s32 $0x2, s10;
	s10 =	sshll.u32 s10, $0x4  }
0xd: {  	s28 =	sshrl.u32 s13, $0x1;
	s29 =	sshrl.u32 s14, $0x2;
	s10 =	sor.u32 s4, s10  }
0xe: {  	s14 =	simm.s32 $0x2;
	s11 =	sadd.s32 s11, s12;
	s12 =	ssub.s32 s13, s28  }
0xf: {  	s30 =	sadd.s32 s29, s5;
	s10 =	smul.u32 $0x2880, s10;
	s11 =	sadd.s32 s11, s9  }
0x10: {  	s9 =	sor.u32 $0x1C02, s31;
	s15 =	sadd.s32 $0x4000, s30;
	s16 =	sadd.s32 $0x8000, s30  }
0x11: {  	s17 =	sadd.s32 $0xC000, s30;
	s18 =	sadd.s32 $0x10000, s30;
	s12 =	smax.u32 s12, $0x1  }
0x12: {  	s13 =	sshrl.u32 s30, $0x3;
	s11 =	sadd.s32 $0x53C00, s11;
	s15 =	sshrl.u32 s15, $0x3  }
0x13: {  	s16 =	sshrl.u32 s16, $0x3;
	s17 =	sshrl.u32 s17, $0x3;
	s18 =	sshrl.u32 s18, $0x3  }
.LBB2_1:
0x14: {  	[spmem:s13], [sflag:s9] =	dma.local [hbm:s8], $0x800  }
0x15: {  	_ =	swait.ge [sflag:s14], $0x800  }
0x16: {  	[sflag:s14] =	ssyncset.done $0x0  }
0x17: {  	[sflag:s14] =	ssyncadd.s32 $0xFFFFF800  }
0x18: {  	[spmem:s15], [sflag:s9] =	dma.local [hbm:s8], $0x800  }
0x19: {  	_ =	swait.ge [sflag:s14], $0x800  }
0x1a: {  	[sflag:s14] =	ssyncset.done $0x0  }
0x1b: {  	[sflag:s14] =	ssyncadd.s32 $0xFFFFF800  }
0x1c: {  	[spmem:s16], [sflag:s9] =	dma.local [hbm:s8], $0x800  }
0x1d: {  	_ =	swait.ge [sflag:s14], $0x800  }
0x1e: {  	[sflag:s14] =	ssyncset.done $0x0  }
0x1f: {  	[sflag:s14] =	ssyncadd.s32 $0xFFFFF800  }
0x20: {  	[spmem:s17], [sflag:s9] =	dma.local [hbm:s8], $0x800  }
0x21: {  	_ =	swait.ge [sflag:s14], $0x800  }
0x22: {  	[sflag:s14] =	ssyncset.done $0x0  }
0x23: {  	[sflag:s14] =	ssyncadd.s32 $0xFFFFF800  }
0x24: {  	[spmem:s18], [sflag:s9] =	dma.local [hbm:s8], $0x800  }
0x25: {  	_ =	swait.ge [sflag:s14], $0x800  }
0x26: {  	[sflag:s14] =	ssyncset.done $0x0  }
0x27: {  	[sflag:s14] =	ssyncadd.s32 $0xFFFFF800  }
0x28: {  	[tilespmem:s6], [sflag:$0x2] =	stream.linear.gather [hbm4b:s1+s6], $0x2800, $0x38;
	[tilespmem:$0x1A980] =	vst v63  }
0x29: {  	_ =	swait.ge [sflag:s14], $0x2800  }
0x2a: {  	[sflag:s14] =	ssyncset.done $0x0  }
0x2b: {  	[sflag:s14] =	ssyncadd.s32 $0xFFFFD800  }
0x2c: {  	s25 =	simm.s32 $0x0;
	[bflag:$0x0] =	sbarrier.arrive $0xFFFF  }
.LBB2_2:
0x2d: {  	s26 =	sshll.u32 s25, $0x7  }
0x2e: {  	s28 =	sadd.s32 s10, s26  }
0x2f: {  	s29 =	sshrl.u32 s28, $0x3  }
0x30: {  	s26 =	simm.s32 $0x0;
	s30 =	sadd.s32 s2, s29  }
0x31: {  	[tilespmem:s19], [sflag:$0x2] =	stream.linear.gather [hbm4b:s30+s26], $0x80, $0x38;
	[tilespmem:$0x1A980] =	vst v63  }
0x32: {  	_ =	swait.ge [sflag:s14], $0x80  }
0x33: {  	[sflag:s14] =	ssyncset.done $0x0  }
0x34: {  	s29 =	sadd.s32 s3, s29;
	[sflag:s14] =	ssyncadd.s32 $0xFFFFFF80  }
0x35: {  	[tilespmem:s20], [sflag:$0x2] =	stream.linear.gather [hbm4b:s29+s26], $0x80, $0x38;
	[tilespmem:$0x1A980] =	vst v63  }
0x36: {  	_ =	swait.ge [sflag:s14], $0x80  }
0x37: {  	[sflag:s14] =	ssyncset.done $0x0  }
0x38: {  	[sflag:s14] =	ssyncadd.s32 $0xFFFFFF80  }
0x39: {  	v0 =	vld [tilespmem:$0x2800]  }
0x3a: {  	v1 =	vld [tilespmem:$0x2880];
	_ =	sdelay $0x6  }
0x3b: {  	v0 =	vld.idx.msk [tilespmem:v0+s26+$0x0], $0xffff  }
0x3c: {  	v1 =	vld.idx.msk [tilespmem:v1+s26+$0x0], $0xffff  }
0x3d: {  	v2 =	vld [tilespmem:$0x2810]  }
0x3e: {  	v3 =	vld [tilespmem:$0x2890];
	_ =	sdelay $0x2  }
0x3f: {  	v0 =	vmul.f32 v1, v0  }
0x40: {  	p0 =	slt.u32 s28, $0x50910  }
0x41: {  	v0 =	vpsel !p0, $0x0, v0  }
0x42: {  	[tilespmem:$0x2900] =	vst v0  }
0x43: {  	v0 =	vld.idx.msk [tilespmem:v2+s26+$0x0], $0xffff  }
0x44: {  	v45 =	vld.idx.msk [tilespmem:v3+s26+$0x0], $0xffff  }
0x45: {  	v46 =	vld [tilespmem:$0x2820]  }
0x46: {  	v47 =	vld [tilespmem:$0x28A0];
	_ =	sdelay $0x2  }
0x47: {  	s30 =	sor.u32 $0x10, s28;
	v0 =	vmul.f32 v45, v0  }
0x48: {  	p6 =	slt.u32 s30, $0x50910  }
0x49: {  	v0 =	vpsel !p6, $0x0, v0  }
0x4a: {  	[tilespmem:$0x2910] =	vst v0  }
0x4b: {  	v0 =	vld.idx.msk [tilespmem:v46+s26+$0x0], $0xffff  }
0x4c: {  	v48 =	vld.idx.msk [tilespmem:v47+s26+$0x0], $0xffff  }
0x4d: {  	v49 =	vld [tilespmem:$0x2830]  }
0x4e: {  	v50 =	vld [tilespmem:$0x28B0];
	_ =	sdelay $0x2  }
0x4f: {  	s31 =	sor.u32 $0x20, s28;
	v0 =	vmul.f32 v48, v0  }
0x50: {  	p1 =	slt.u32 s31, $0x50910  }
0x51: {  	v0 =	vpsel !p1, $0x0, v0  }
0x52: {  	[tilespmem:$0x2920] =	vst v0  }
0x53: {  	v0 =	vld.idx.msk [tilespmem:v49+s26+$0x0], $0xffff  }
0x54: {  	v51 =	vld.idx.msk [tilespmem:v50+s26+$0x0], $0xffff  }
0x55: {  	v52 =	vld [tilespmem:$0x2840]  }
0x56: {  	v53 =	vld [tilespmem:$0x28C0];
	_ =	sdelay $0x2  }
0x57: {  	s30 =	sor.u32 $0x30, s28;
	v0 =	vmul.f32 v51, v0  }
0x58: {  	p2 =	slt.u32 s30, $0x50910  }
0x59: {  	v0 =	vpsel !p2, $0x0, v0  }
0x5a: {  	[tilespmem:$0x2930] =	vst v0  }
0x5b: {  	v0 =	vld.idx.msk [tilespmem:v52+s26+$0x0], $0xffff  }
0x5c: {  	v54 =	vld.idx.msk [tilespmem:v53+s26+$0x0], $0xffff  }
0x5d: {  	v55 =	vld [tilespmem:$0x2850]  }
0x5e: {  	v56 =	vld [tilespmem:$0x28D0];
	_ =	sdelay $0x2  }
0x5f: {  	s31 =	sor.u32 $0x40, s28;
	v0 =	vmul.f32 v54, v0  }
0x60: {  	p3 =	slt.u32 s31, $0x50910  }
0x61: {  	v0 =	vpsel !p3, $0x0, v0  }
0x62: {  	[tilespmem:$0x2940] =	vst v0  }
0x63: {  	v0 =	vld.idx.msk [tilespmem:v55+s26+$0x0], $0xffff  }
0x64: {  	v57 =	vld.idx.msk [tilespmem:v56+s26+$0x0], $0xffff  }
0x65: {  	v58 =	vld [tilespmem:$0x2860]  }
0x66: {  	v59 =	vld [tilespmem:$0x28E0];
	_ =	sdelay $0x2  }
0x67: {  	s30 =	sor.u32 $0x50, s28;
	v0 =	vmul.f32 v57, v0  }
0x68: {  	p4 =	slt.u32 s30, $0x50910  }
0x69: {  	v0 =	vpsel !p4, $0x0, v0  }
0x6a: {  	[tilespmem:$0x2950] =	vst v0  }
0x6b: {  	v0 =	vld.idx.msk [tilespmem:v58+s26+$0x0], $0xffff  }
0x6c: {  	v60 =	vld.idx.msk [tilespmem:v59+s26+$0x0], $0xffff  }
0x6d: {  	v61 =	vld [tilespmem:$0x2870]  }
0x6e: {  	v62 =	vld [tilespmem:$0x28F0];
	_ =	sdelay $0x2  }
0x6f: {  	s31 =	sor.u32 $0x60, s28;
	v0 =	vmul.f32 v60, v0  }
0x70: {  	p5 =	slt.u32 s31, $0x50910  }
0x71: {  	v0 =	vpsel !p5, $0x0, v0  }
0x72: {  	[tilespmem:$0x2960] =	vst v0  }
0x73: {  	v0 =	vld.idx.msk [tilespmem:v61+s26+$0x0], $0xffff  }
0x74: {  	v63 =	vld.idx.msk [tilespmem:v62+s26+$0x0], $0xffff;
	_ =	sdelay $0x4  }
0x75: {  	s28 =	sor.u32 $0x70, s28;
	v0 =	vmul.f32 v63, v0  }
0x76: {  	p6 =	slt.u32 s28, $0x50910  }
0x77: {  	v0 =	vpsel !p6, $0x0, v0  }
0x78: {  	[tilespmem:$0x2970] =	vst v0  }
0x79: {  	[tilespmem:s22], [sflag:$0x1] =	stream.indirect.gather [hbm4b:s7+s21], $0x80, s19, s21, $0xb8;
	[tilespmem:$0x1A980] =	vst v63  }
0x7a: {  	_ =	swait.ge [sflag:s23], $0x4000  }
0x7b: {  	[sflag:s23] =	ssyncset.done $0x0  }
0x7c: {  	s28 =	simm.s32 $0x2D80;
	[sflag:s23] =	ssyncadd.s32 $0xFFFFC000  }
.LBB2_3:
0x7d: {  	s29 =	sshra.s32 s26, $0x2  }
0x7e: {  	v0 =	vld [tilespmem:s29+$0x2900];
	_ =	sdelay $0x1  }
0x7f: {  	v1 =	vld [tilespmem:s28+$0xFFFFFC00]  }
0x80: {  	v2 =	vld [tilespmem:s28+$0xFFFFFC80]  }
0x81: {  	v3 =	vld [tilespmem:s28+$0xFFFFFD00]  }
0x82: {  	v5 =	vld [tilespmem:s28+$0xFFFFFD80];
	v4 =	vbroadcast v0, $0x0  }
0x83: {  	v7 =	vld [tilespmem:s28+$0xFFFFFE00];
	v6 =	vbroadcast v0, $0x1  }
0x84: {  	v9 =	vld [tilespmem:s28+$0xFFFFFE80];
	v8 =	vbroadcast v0, $0x2;
	v1 =	vmul.f32 v4, v1  }
0x85: {  	v11 =	vld [tilespmem:s28+$0xFFFFFF00];
	v10 =	vbroadcast v0, $0x3;
	v2 =	vmul.f32 v2, v6  }
0x86: {  	v12 =	vld [tilespmem:s28+$0xFFFFFF80];
	v33 =	vbroadcast v0, $0x4;
	v32 =	vmul.f32 v3, v8;
	[tilespmem:s28+$0xFFFFFC00] =	vst v1  }
0x87: {  	v13 =	vld [tilespmem:s28+$0xFFFFFC10];
	v35 =	vbroadcast v0, $0x5;
	v34 =	vmul.f32 v5, v10;
	[tilespmem:s28+$0xFFFFFC80] =	vst v2  }
0x88: {  	v14 =	vld [tilespmem:s28+$0xFFFFFC90];
	v37 =	vbroadcast v0, $0x6;
	v36 =	vmul.f32 v7, v33;
	[tilespmem:s28+$0xFFFFFD00] =	vst v32  }
0x89: {  	v15 =	vld [tilespmem:s28+$0xFFFFFD10];
	v39 =	vbroadcast v0, $0x7;
	v38 =	vmul.f32 v9, v35;
	[tilespmem:s28+$0xFFFFFD80] =	vst v34  }
0x8a: {  	v45 =	vld [tilespmem:s28+$0xFFFFFF90];
	v11 =	vmul.f32 v11, v37;
	[tilespmem:s28+$0xFFFFFE00] =	vst v36  }
0x8b: {  	v57 =	vld [tilespmem:s28+$0xFFFFFDB0];
	v12 =	vmul.f32 v12, v39;
	[tilespmem:s28+$0xFFFFFE80] =	vst v38  }
0x8c: {  	v60 =	vld [tilespmem:s28+$0xFFFFFF30];
	v13 =	vmul.f32 v13, v4;
	[tilespmem:s28+$0xFFFFFF00] =	vst v11  }
0x8d: {  	v61 =	vld [tilespmem:s28+$0xFFFFFFB0];
	v14 =	vmul.f32 v14, v6;
	[tilespmem:s28+$0xFFFFFF80] =	vst v12  }
0x8e: {  	v63 =	vld [tilespmem:s28+$0x0];
	v44 =	vmul.f32 v15, v8;
	[tilespmem:s28+$0xFFFFFC10] =	vst v13  }
0x8f: {  	v40 =	vld [tilespmem:s28+$0xFFFFFD90];
	v15 =	vmul.f32 v45, v39;
	[tilespmem:s28+$0xFFFFFC90] =	vst v14  }
0x90: {  	v41 =	vld [tilespmem:s28+$0xFFFFFE10];
	v62 =	vmul.f32 v57, v10;
	[tilespmem:s28+$0xFFFFFD10] =	vst v44  }
0x91: {  	v42 =	vld [tilespmem:s28+$0xFFFFFE90];
	v17 =	vbroadcast v0, $0x8;
	v16 =	vmul.f32 v60, v37;
	[tilespmem:s28+$0xFFFFFF90] =	vst v15  }
0x92: {  	v43 =	vld [tilespmem:s28+$0xFFFFFF10];
	v19 =	vmul.f32 v61, v39;
	[tilespmem:s28+$0xFFFFFDB0] =	vst v62  }
0x93: {  	v46 =	vld [tilespmem:s28+$0xFFFFFC20];
	v22 =	vmul.f32 v63, v17;
	[tilespmem:s28+$0xFFFFFF30] =	vst v16  }
0x94: {  	v47 =	vld [tilespmem:s28+$0xFFFFFCA0];
	v1 =	vmul.f32 v40, v10;
	[tilespmem:s28+$0xFFFFFFB0] =	vst v19  }
0x95: {  	v52 =	vld [tilespmem:s28+$0xFFFFFF20];
	v2 =	vmul.f32 v41, v33;
	[tilespmem:s28+$0x0] =	vst v22  }
0x96: {  	v54 =	vld [tilespmem:s28+$0xFFFFFC30];
	v11 =	vmul.f32 v42, v35;
	[tilespmem:s28+$0xFFFFFD90] =	vst v1  }
0x97: {  	v18 =	vld [tilespmem:s28+$0x180];
	v12 =	vmul.f32 v43, v37;
	[tilespmem:s28+$0xFFFFFE10] =	vst v2  }
0x98: {  	v48 =	vld [tilespmem:s28+$0xFFFFFD20];
	v14 =	vmul.f32 v46, v4;
	[tilespmem:s28+$0xFFFFFE90] =	vst v11  }
0x99: {  	v49 =	vld [tilespmem:s28+$0xFFFFFDA0];
	v13 =	vmul.f32 v47, v6;
	[tilespmem:s28+$0xFFFFFF10] =	vst v12  }
0x9a: {  	v50 =	vld [tilespmem:s28+$0xFFFFFE20];
	v26 =	vbroadcast v0, $0xB;
	v15 =	vmul.f32 v52, v37;
	[tilespmem:s28+$0xFFFFFC20] =	vst v14  }
0x9b: {  	v51 =	vld [tilespmem:s28+$0xFFFFFEA0];
	v4 =	vmul.f32 v54, v4;
	[tilespmem:s28+$0xFFFFFCA0] =	vst v13  }
0x9c: {  	v53 =	vld [tilespmem:s28+$0xFFFFFFA0];
	v32 =	vmul.f32 v18, v26;
	[tilespmem:s28+$0xFFFFFF20] =	vst v15  }
0x9d: {  	v31 =	vld [tilespmem:s28+$0x10];
	v1 =	vmul.f32 v48, v8;
	[tilespmem:s28+$0xFFFFFC30] =	vst v4  }
0x9e: {  	v57 =	vld [tilespmem:s28+$0x330];
	v2 =	vmul.f32 v49, v10;
	[tilespmem:s28+$0x180] =	vst v32  }
0x9f: {  	v55 =	vld [tilespmem:s28+$0xFFFFFCB0];
	v11 =	vmul.f32 v50, v33;
	[tilespmem:s28+$0xFFFFFD20] =	vst v1  }
0xa0: {  	v56 =	vld [tilespmem:s28+$0xFFFFFD30];
	v12 =	vmul.f32 v51, v35;
	[tilespmem:s28+$0xFFFFFDA0] =	vst v2  }
0xa1: {  	v58 =	vld [tilespmem:s28+$0xFFFFFE30];
	v36 =	vbroadcast v0, $0xE;
	v14 =	vmul.f32 v53, v39;
	[tilespmem:s28+$0xFFFFFE20] =	vst v11  }
0xa2: {  	v59 =	vld [tilespmem:s28+$0xFFFFFEB0];
	v13 =	vmul.f32 v31, v17;
	[tilespmem:s28+$0xFFFFFEA0] =	vst v12  }
0xa3: {  	v21 =	vld [tilespmem:s28+$0x200];
	v63 =	vmul.f32 v57, v36;
	[tilespmem:s28+$0xFFFFFFA0] =	vst v14  }
0xa4: {  	v54 =	vld [tilespmem:s28+$0x1B0];
	v1 =	vmul.f32 v55, v6;
	[tilespmem:s28+$0x10] =	vst v13  }
0xa5: {  	v24 =	vld [tilespmem:s28+$0x280];
	v2 =	vmul.f32 v56, v8;
	[tilespmem:s28+$0x330] =	vst v63  }
0xa6: {  	v27 =	vld [tilespmem:s28+$0x300];
	v29 =	vbroadcast v0, $0xC;
	v11 =	vmul.f32 v58, v33;
	[tilespmem:s28+$0xFFFFFCB0] =	vst v1  }
0xa7: {  	v34 =	vld [tilespmem:s28+$0x90];
	v14 =	vmul.f32 v59, v35;
	[tilespmem:s28+$0xFFFFFD30] =	vst v2  }
0xa8: {  	v37 =	vld [tilespmem:s28+$0x110];
	v33 =	vbroadcast v0, $0xD;
	v35 =	vmul.f32 v21, v29;
	[tilespmem:s28+$0xFFFFFE30] =	vst v11  }
0xa9: {  	v38 =	vld [tilespmem:s28+$0x190];
	v60 =	vmul.f32 v54, v26;
	[tilespmem:s28+$0xFFFFFEB0] =	vst v14  }
0xaa: {  	v20 =	vbroadcast v0, $0x9;
	v42 =	vld [tilespmem:s28+$0x390];
	v10 =	vmul.f32 v24, v33;
	[tilespmem:s28+$0x200] =	vst v35  }
0xab: {  	v23 =	vbroadcast v0, $0xA;
	v15 =	vld [tilespmem:s28+$0x100];
	v11 =	vmul.f32 v27, v36;
	[tilespmem:s28+$0x1B0] =	vst v60  }
0xac: {  	v53 =	vld [tilespmem:s28+$0x130];
	v14 =	vmul.f32 v34, v20;
	[tilespmem:s28+$0x280] =	vst v10  }
0xad: {  	v39 =	vld [tilespmem:s28+$0x210];
	v0 =	vbroadcast v0, $0xF;
	v1 =	vmul.f32 v37, v23;
	[tilespmem:s28+$0x300] =	vst v11  }
0xae: {  	v40 =	vld [tilespmem:s28+$0x290];
	v2 =	vmul.f32 v38, v26;
	[tilespmem:s28+$0x90] =	vst v14  }
0xaf: {  	v43 =	vld [tilespmem:s28+$0x20];
	v13 =	vmul.f32 v42, v0;
	[tilespmem:s28+$0x110] =	vst v1  }
0xb0: {  	v44 =	vld [tilespmem:s28+$0xA0];
	v28 =	vmul.f32 v15, v23;
	[tilespmem:s28+$0x190] =	vst v2  }
0xb1: {  	v45 =	vld [tilespmem:s28+$0x120];
	v58 =	vmul.f32 v53, v23;
	[tilespmem:s28+$0x390] =	vst v13  }
0xb2: {  	v49 =	vld [tilespmem:s28+$0x320];
	v10 =	vmul.f32 v39, v29;
	[tilespmem:s28+$0x100] =	vst v28  }
0xb3: {  	v12 =	vld [tilespmem:s28+$0x80];
	v11 =	vmul.f32 v40, v33;
	[tilespmem:s28+$0x130] =	vst v58  }
0xb4: {  	v30 =	vld [tilespmem:s28+$0x380];
	v14 =	vmul.f32 v43, v17;
	[tilespmem:s28+$0x210] =	vst v10  }
0xb5: {  	v55 =	vld [tilespmem:s28+$0x230];
	v1 =	vmul.f32 v44, v20;
	[tilespmem:s28+$0x290] =	vst v11  }
0xb6: {  	v56 =	vld [tilespmem:s28+$0x2B0];
	v2 =	vmul.f32 v45, v23;
	[tilespmem:s28+$0x20] =	vst v14  }
0xb7: {  	v46 =	vld [tilespmem:s28+$0x1A0];
	v13 =	vmul.f32 v49, v36;
	[tilespmem:s28+$0xA0] =	vst v1  }
0xb8: {  	v47 =	vld [tilespmem:s28+$0x220];
	v25 =	vmul.f32 v12, v20;
	[tilespmem:s28+$0x120] =	vst v2  }
0xb9: {  	v50 =	vld [tilespmem:s28+$0x3A0];
	v12 =	vmul.f32 v30, v0;
	[tilespmem:s28+$0x320] =	vst v13  }
0xba: {  	v51 =	vld [tilespmem:s28+$0x30];
	v61 =	vmul.f32 v55, v29;
	[tilespmem:s28+$0x80] =	vst v25  }
0xbb: {  	v52 =	vld [tilespmem:s28+$0xB0];
	v62 =	vmul.f32 v56, v33;
	[tilespmem:s28+$0x380] =	vst v12  }
0xbc: {  	v41 =	vld [tilespmem:s28+$0x310];
	v10 =	vmul.f32 v46, v26;
	[tilespmem:s28+$0x230] =	vst v61  }
0xbd: {  	v59 =	vld [tilespmem:s28+$0x3B0];
	v11 =	vmul.f32 v47, v29;
	[tilespmem:s28+$0x2B0] =	vst v62  }
0xbe: {  	v48 =	vld [tilespmem:s28+$0x2A0];
	v14 =	vmul.f32 v50, v0;
	[tilespmem:s28+$0x1A0] =	vst v10  }
0xbf: {  	v1 =	vmul.f32 v51, v17;
	[tilespmem:s28+$0x220] =	vst v11  }
0xc0: {  	p0 =	sne.s32 s26, $0x1C0;
	v2 =	vmul.f32 v52, v20;
	[tilespmem:s28+$0x3A0] =	vst v14  }
.Ltmp0:
0xc1: {  	v12 =	vmul.f32 v41, v36;
	[tilespmem:s28+$0x30] =	vst v1;
	(pc) =	sbr.rel @p0 .LBB2_3-.Ltmp0, $4  }
0xc2: {  	v0 =	vmul.f32 v59, v0;
	[tilespmem:s28+$0xB0] =	vst v2  }
0xc3: {  	[tilespmem:s28+$0x310] =	vst v12;
	v12 =	vmul.f32 v48, v33  }
0xc4: {  	[tilespmem:s28+$0x3B0] =	vst v0  }
0xc5: {  	s26 =	sadd.s32 $0x40, s26;
	[tilespmem:s28+$0x2A0] =	vst v12;
	s28 =	sadd.s32 $0x800, s28  }
0xc6: {  	s25 =	sadd.s32 $0x1, s25  }
0xc7: {  	p0 =	sne.s32 s25, $0x51  }
.Ltmp1:
0xc8: {  	_ = 	snop;
	(pc) =	sbr.rel @p0 .LBB2_2-.Ltmp1, $4  }
0xc9: {  	[spmem:s5] =	stream.indirect.scatter.add.f32 [tilespmem:s22], [sflag:$0x2], $0x80, s20, s21, $0xb8;
	[tilespmem:$0x1A980] =	vst v63  }
0xca: {  	_ =	swait.ge [sflag:s14], $0x4000  }
0xcb: {  	[sflag:s14] =	ssyncset.done $0x0  }
0xcc: {  	[sflag:s14] =	ssyncadd.s32 $0xFFFFC000  }
0xcd: {  	s24 =	sadd.s32 $0x1, s24  }
0xce: {  	p0 =	sne.s32 s24, s12  }
.Ltmp2:
0xcf: {  	[bflag:$0x0] =	sbarrier.arrive $0xFFFF;
	(pc) =	sbr.rel @p0 .LBB2_1-.Ltmp2, $4  }
0xd0: {  	[hbm:s11], [sflag:s9] =	dma.local [spmem:s13], $0x2800  }
0xd1: {  	_ =	swait.ge [sflag:s14], $0x2800  }
0xd2: {  	[sflag:s14] =	ssyncset.done $0x0  }
0xd3: {  	[sflag:s14] =	ssyncadd.s32 $0xFFFFD800  }
0xd4: {  	_ =	sfence.sel $0x180000  }
0xd5: {  	[bflag:$0x0] =	sbarrier.arrive $0xFFFF  }
0xd6: {  	p0 =	sne.s32 s4, $0x0;
	_ =	strace $0x9000004A  }
0xd7: {  	s0 =	sadd.s32 @!p0 $0x100000, s0;
	[bflag:$0x2] =	sbarrier.arrive $0xFFFF  }
0xd8: {  	[sflag:s0] =	ssyncadd.tile.s32 @!p0 $0x1;
	_ =	shalt  }
.Lfunc_end2:
_tile_overlayer_lowered:
.L_overlay_start_2:
0xd9: {  	(tag) =	ssettag $0x2  }
0xda: {  	s0 =	rddreg [dreg:$0x0];
	s2 =	stileid.u32  }
0xdb: {  	s1 =	rddreg [dreg:$0x1];
	p0 =	sne.s32 s2, $0x0  }
0xdc: {  	s3 =	rddreg [dreg:$0x2];
	[bflag:$0x3] =	sbarrier.arrive $0xFFFF;
	s2 =	simm.s32 @!p0 $0x1C02  }
0xdd: {  	[timem:s3], [sflag:s2] =	dma.local @!p0 [hbm:s0], s1  }
0xde: {  	s0 =	simm.s32 @!p0 $0x2  }
0xdf: {  	_ =	swait.ge @!p0 [sflag:s0], s1  }
0xe0: {  	s1 =	ssub.s32 @!p0 $0x0, s1;
	[sflag:s0] =	ssyncset.done @!p0 $0x0  }
0xe1: {  	[sflag:s0] =	ssyncadd.s32 @!p0 s1  }
0xe2: {  	[bflag:$0x3] =	sbarrier.arrive $0xFFFF  }
0xe3: {  	_ =	shalt  }

// kernel: kernel.14.cloned.1.call-start
scs
__scs_entry_jumppad:
0x0: {  	(pc) =	sbr.rel $0x88, $3  }
0x1: {  	(tag) =	ssettag $0x0;
	lr =	simm.s32 $0x1  }
0x2: {  	[smem:$0x3F8B] =	sst lr;
	_ =	strace $0xD0000000  }
0x3: {  	_ = 	snop  }
0x4: {  	_ = 	snop  }
0x5: {  	_ = 	snop  }
0x6: {  	_ = 	snop  }
0x7: {  	_ = 	snop  }
__scs_overlays_trampoline_lowered:
0x8: {  	[smem:$0x3F9A] =	sst s0  }
0x9: {  	[smem:$0x3F9B] =	sst s1  }
0xa: {  	[smem:$0x3F9C] =	sst s2  }
0xb: {  	[smem:$0x3F9D] =	sst s3  }
0xc: {  	[smem:$0x3F9E] =	sst s4  }
0xd: {  	[smem:$0x3F9F] =	sst s5  }
0xe: {  	[smem:$0x3FA0] =	sst s6  }
0xf: {  	[smem:$0x3FA1] =	sst s7  }
0x10: {  	[smem:$0x3FA2] =	sst s8  }
0x11: {  	[smem:$0x3FA3] =	sst s9;
	s0 =	simm.s32 @!p0 $0x0  }
0x12: {  	s1 =	sld [smem:$0x3F89];
	s0 =	simm.s32 @p0 $0x1  }
0x13: {  	[smem:$0x3FA4] =	sst s0;
	s0 =	simm.s32 @!p1 $0x0  }
0x14: {  	s2 =	sld [smem:$0x3F88];
	s0 =	simm.s32 @p1 $0x1  }
0x15: {  	[smem:$0x3FA5] =	sst s0;
	s0 =	simm.s32 @!p2 $0x0  }
0x16: {  	s3 =	sld [smem:$0x3FDB];
	s0 =	simm.s32 @p2 $0x1  }
0x17: {  	s4 =	simm.s32 $0x1BF5;
	[smem:$0x3FA7] =	sst s0  }
0x18: {  	s0 =	sld [smem:$0x3F8A];
	_ =	swait.ge [sflag:s4], $0x0  }
0x19: {  	s7 =	sld [smem:$0x3F8B]  }
0x1a: {  	s8 =	sadd.s32 $0xFFFFE003, lr  }
0x1b: {  	s9 =	sadd.s32 $0xFFFFFEF7, lr;
	s5 =	simm.s32 $0xFFFFFFFF;
	p2 =	slt.u32 s8, $0xFFFFF086  }
0x1c: {  	p1 =	slt.u32 s9, $0xF7A;
	s5 =	simm.s32 @!p2 $0x0  }
0x1d: {  	s5 =	simm.s32 @p1 $0x1;
	p0 =	seq.s32 s7, s2  }
0x1e: {  	s7 =	smul.u32 @!p0 $0xF7A, s2;
	p2 =	seq.s32 @!p0 s5, $0x0  }
0x1f: {  	s9 =	smul.u32 $0xF7A, s1;
	s8 =	simm.s32 @!p0 $0x1BF5;
	p2 =	por !p2, p0  }
0x20: {  	[sflag:s8] =	ssyncset.s32 @!p0 $0xFFFFF086;
	s6 =	sadd.s32 @!p0 s3, s7;
	s7 =	simm.s32 @!p0 $0x108  }
0x21: {  	s3 =	sadd.s32 s3, s9;
	s6 =	sadd.s32 @!p0 $0x88, s6;
	s7 =	simm.s32 @p2 $0x1082  }
0x22: {  	[simem:s7], [sflag:s8] =	dma.local @!p0 [hbm:s6], $0xF7A  }
0x23: {  	s9 =	sor.u32 $0xD0000000, s2;
	s6 =	simm.s32 $0x108;
	_ =	swait.ge @!p0 [sflag:s8], $0x0  }
0x24: {  	s3 =	sadd.s32 $0x88, s3;
	s6 =	simm.s32 @!p1 $0x1082;
	[sflag:s4] =	ssyncset.s32 $0xFFFFF086  }
0x25: {  	[simem:s6], [sflag:s4] =	dma.local [hbm:s3], $0xF7A  }
0x26: {  	[smem:$0x3F8B] =	sst s1;
	(tag) =	ssettag s2;
	_ =	strace s9  }
0x27: {  	s1 =	sld [smem:$0x3F9B]  }
0x28: {  	s2 =	sld [smem:$0x3F9C]  }
0x29: {  	s4 =	sld [smem:$0x3F9E]  }
0x2a: {  	p0 =	seq.s32 s5, $0x0;
	s5 =	sld [smem:$0x3F9F]  }
0x2b: {  	s6 =	sld [smem:$0x3FA0]  }
0x2c: {  	s7 =	sld [smem:$0x3FA1]  }
0x2d: {  	s3 =	simm.s32 $0x108;
	s8 =	sld [smem:$0x3FA2]  }
0x2e: {  	s3 =	simm.s32 @!p0 $0x1082;
	s9 =	sld [smem:$0x3FA3]  }
0x2f: {  	lr =	sadd.s32 s0, s3;
	s0 =	sld [smem:$0x3F9A]  }
0x30: {  	s3 =	sld [smem:$0x3F9D]  }
0x31: {  	[smem:$0x3FA6] =	sst s10  }
0x32: {  	s10 =	sld [smem:$0x3FA4];
	_ =	sdelay $0x3  }
0x33: {  	p0 =	seq.s32 s10, $0x1;
	s10 =	sld [smem:$0x3FA6];
	_ =	sdelay $0x3  }
0x34: {  	[smem:$0x3FA6] =	sst s10  }
0x35: {  	s10 =	sld [smem:$0x3FA5];
	_ =	sdelay $0x3  }
0x36: {  	p1 =	seq.s32 s10, $0x1;
	s10 =	sld [smem:$0x3FA6];
	_ =	sdelay $0x3  }
0x37: {  	[smem:$0x3FA6] =	sst s10  }
0x38: {  	s10 =	sld [smem:$0x3FA7]  }
0x39: {  	_ = 	snop;
	(pc) =	sbr.ind lr, $3  }
0x3a: {  	_ = 	snop  }
0x3b: {  	_ = 	snop  }
0x3c: {  	p2 =	seq.s32 s10, $0x1;
	s10 =	sld [smem:$0x3FA6]  }
0x3d: {  	_ =	shalt  }
0x3e: {  	_ =	shalt  }
0x3f: {  	_ =	shalt  }
0x40: {  	_ =	shalt  }
0x41: {  	_ =	shalt  }
0x42: {  	_ =	shalt  }
0x43: {  	_ =	shalt  }
0x44: {  	_ =	shalt  }
0x45: {  	_ =	shalt  }
0x46: {  	_ =	shalt  }
0x47: {  	_ =	shalt  }
0x48: {  	_ =	shalt  }
0x49: {  	_ =	shalt  }
0x4a: {  	_ =	shalt  }
0x4b: {  	_ =	shalt  }
0x4c: {  	_ =	shalt  }
0x4d: {  	_ =	shalt  }
0x4e: {  	_ =	shalt  }
0x4f: {  	_ =	shalt  }
0x50: {  	_ =	shalt  }
0x51: {  	_ =	shalt  }
0x52: {  	_ =	shalt  }
0x53: {  	_ =	shalt  }
0x54: {  	_ =	shalt  }
0x55: {  	_ =	shalt  }
0x56: {  	_ =	shalt  }
0x57: {  	_ =	shalt  }
0x58: {  	_ =	shalt  }
0x59: {  	_ =	shalt  }
0x5a: {  	_ =	shalt  }
0x5b: {  	_ =	shalt  }
0x5c: {  	_ =	shalt  }
0x5d: {  	_ =	shalt  }
0x5e: {  	_ =	shalt  }
0x5f: {  	_ =	shalt  }
0x60: {  	_ =	shalt  }
0x61: {  	_ =	shalt  }
0x62: {  	_ =	shalt  }
0x63: {  	_ =	shalt  }
0x64: {  	_ =	shalt  }
0x65: {  	_ =	shalt  }
0x66: {  	_ =	shalt  }
0x67: {  	_ =	shalt  }
0x68: {  	_ =	shalt  }
0x69: {  	_ =	shalt  }
0x6a: {  	_ =	shalt  }
0x6b: {  	_ =	shalt  }
0x6c: {  	_ =	shalt  }
0x6d: {  	_ =	shalt  }
0x6e: {  	_ =	shalt  }
0x6f: {  	_ =	shalt  }
0x70: {  	_ =	shalt  }
0x71: {  	_ =	shalt  }
0x72: {  	_ =	shalt  }
0x73: {  	_ =	shalt  }
0x74: {  	_ =	shalt  }
0x75: {  	_ =	shalt  }
0x76: {  	_ =	shalt  }
0x77: {  	_ =	shalt  }
0x78: {  	_ =	shalt  }
0x79: {  	_ =	shalt  }
0x7a: {  	_ =	shalt  }
0x7b: {  	_ =	shalt  }
0x7c: {  	_ =	shalt  }
0x7d: {  	_ =	shalt  }
0x7e: {  	_ =	shalt  }
0x7f: {  	_ =	shalt  }
0x80: {  	_ =	shalt  }
0x81: {  	_ =	shalt  }
0x82: {  	_ =	shalt  }
0x83: {  	_ =	shalt  }
0x84: {  	_ =	shalt  }
0x85: {  	_ =	shalt  }
0x86: {  	_ =	shalt  }
0x87: {  	_ =	shalt  }
.Lfunc_end0:
.L_simem_size_0:
called_computation.2_lowered:
.L_overlay_start_0:
0x88: {  	s2 =	sld [smem:$0x3FD9]  }
0x89: {  	s3 =	sld [smem:$0x3FFE];
	_ =	sdelay $0x1  }
0x8a: {  	s1 =	srdreg.scid  }
0x8b: {  	s0 =	sand.u32 $0x1, s1  }
0x8c: {  	s14 =	sshll.u32 s0, $0xA;
	s2 =	sadd.s32 s3, s2  }
0x8d: {  	s2 =	sadd.s32 s2, s14  }
0x8e: {  	[smem:$0x3FB2] =	sst s2  }
0x8f: {  	_ = 	snop  }
0x90: {  	s2 =	sld [smem:$0x3FD0];
	_ =	sdelay $0x2  }
0x91: {  	s4 =	simm.s32 $0xA;
	s5 =	simm.s32 $0x10;
	s15 =	sld [smem:$0x3FB5]  }
0x92: {  	[smem:s5], [sflag:s4] =	dma.local [hbm:s2], $0x1  }
0x93: {  	_ =	swait.eq [sflag:s4], $0x1  }
0x94: {  	[sflag:s4] =	ssyncset.done $0x0  }
0x95: {  	[sflag:s4] =	ssyncadd.s32 $0xFFFFFFFF  }
0x96: {  	s16 =	sld [smem:$0x10];
	(tm) =	ssettm $0x1  }
0x97: {  	s17 =	sld [smem:$0x3FFB];
	_ =	sdelay $0x3  }
0x98: {  	_ =	strace s17  }
0x99: {  	s4 =	sld [smem:$0x3FFC];
	_ =	sdelay $0x3  }
0x9a: {  	_ =	strace s4  }
0x9b: {  	s4 =	sld [smem:$0x3FFD];
	_ =	sdelay $0x3  }
0x9c: {  	_ =	strace s4  }
0x9d: {  	_ =	strace $0x8FFFFFFF  }
0x9e: {  	s18 =	sld [smem:$0x3FDB];
	_ =	sdelay $0x1  }
0x9f: {  	s19 =	simm.s32 $_scs_section_size  }
0xa0: {  	s6 =	simm.s32 $_size__tile_overlayer_lowered;
	s7 =	simm.s32 $_tile_overlayer_lowered  }
0xa1: {  	s22 =	simm.s32 $0x1BFF;
	s21 =	sshll.u32 s7, $0x1;
	s4 =	sadd.s32 s19, s18  }
0xa2: {  	s8 =	simm.s32 $0x0;
	s20 =	sshll.u32 s6, $0x1;
	s6 =	sadd.s32 s21, s4  }
0xa3: {  	[timem:s8], [sflag:s22] =	dma.local [hbm:s6], s20  }
0xa4: {  	_ =	swait.ge [sflag:s22], s20  }
0xa5: {  	s5 =	ssub.s32 $0x0, s20;
	[sflag:s22] =	ssyncset.done $0x0  }
0xa6: {  	[sflag:s22] =	ssyncadd.s32 s5;
	_ =	sdelay $0x1  }
0xa7: {  	s23 =	simm.s32 $0x1B8B  }
0xa8: {  	_ =	swait.ge [sflag:s23], $0x1  }
0xa9: {  	[sflag:s23] =	ssyncset.done $0x0  }
0xaa: {  	s25 =	simm.s32 $0x1B8E;
	s24 =	sld [smem:$0x3FFE];
	[sflag:s23] =	ssyncadd.s32 $0xFFFFFFFF  }
0xab: {  	s26 =	simm.s32 $execute0_lowered;
	[smem:$0x3FD2] =	sst s25  }
0xac: {  	s6 =	sshll.u32 s26, $0x1;
	_ =	strace $0x8000004C;
	[dreg:$0x1] =	wrdreg $0xFFFFFFFF  }
0xad: {  	s28 =	simm.s32 $_size_execute0_lowered;
	s4 =	sadd.s32 s4, s6;
	[dreg:$0x0] =	wrdreg $0x0  }
0xae: {  	s6 =	sshll.u32 s28, $0x1;
	[dreg:$0x2] =	wrdreg s4  }
0xaf: {  	[dreg:$0x3] =	wrdreg s6  }
0xb0: {  	[dreg:$0x4] =	wrdreg $0xC0  }
0xb1: {  	_ =	task [dreg:s8], $0x5FFFF  }
0xb2: {  	[dreg:$0x1] =	wrdreg $0xFFFFFFFF  }
0xb3: {  	[dreg:$0x0] =	wrdreg $0x60  }
0xb4: {  	[dreg:$0x2] =	wrdreg s24  }
0xb5: {  	[dreg:$0x3] =	wrdreg s15  }
0xb6: {  	[dreg:$0x4] =	wrdreg s16  }
0xb7: {  	[dreg:$0x5] =	wrdreg $0x9  }
0xb8: {  	_ =	task.clear_ibuf [dreg:s8], $0x6FFFF;
	_ =	strace $0x9000004C  }
0xb9: {  	s29 =	simm.s32 $0x9;
	_ =	strace $0x8000004E  }
0xba: {  	_ =	swait.ge [sflag:s29], $0x1  }
0xbb: {  	[sflag:s29] =	ssyncadd.s32 $0xFFFFFFFF  }
0xbc: {  	_ =	strace $0x9000004E  }
0xbd: {  	_ =	sfence  }
0xbe: {  	s30 =	sld [smem:$0x0];
	_ =	sdelay $0x2  }
0xbf: {  	s31 =	sshll.u32 s1, $0xD;
	s1 =	sshrl.u32 s1, $0x2  }
0xc0: {  	s3 =	sand.u32 $0x4000, s31;
	s1 =	sadd.s32 s1, s30  }
0xc1: {  	s0 =	sor.u32 s3, s0;
	s1 =	sshll.u32 s1, $0x11  }
0xc2: {  	s0 =	sor.u32 s1, s0  }
0xc3: {  	s0 =	sadd.s32 $0x8F2B, s0  }
0xc4: {  	[sflag:s0] =	ssyncadd.remote.s32 $0x1  }
0xc5: {  	_ =	sfence.sel $0xFFFF  }
0xc6: {  	[dreg:$0x0] =	wrdreg $0xFFFFFFFF;
	(pc) =	sbr.abs _section_cstart, $3  }
0xc7: {  	[dreg:$0x1] =	wrdreg $0xFFFFFFFF  }
0xc8: {  	_ =	task.clear_ibuf [dreg:s8], $0x2FFFF;
	_ =	strace $0x9FFFFFFF  }
0xc9: {  	(tm) =	ssettm $0x7FFFFFFF  }
tec
execute0_lowered:
.L_overlay_start_1:
0x0: {  	(tag) =	ssettag $0x1  }
0x1: {  	v0 =	vlaneseq.u32  }
0x2: {  	v0 =	vmul.u32 $0x80, v0;
	_ =	sdelay $0x1  }
0x3: {  	v1 =	vor.u32 $0x1, v0;
	v15 =	vor.u32 $0xF, v0;
	v16 =	vor.u32 $0x800, v0  }
0x4: {  	v17 =	vor.u32 $0x801, v0;
	v18 =	vor.u32 $0x802, v0;
	v19 =	vor.u32 $0x803, v0  }
0x5: {  	v20 =	vor.u32 $0x804, v0;
	v21 =	vor.u32 $0x805, v0;
	v22 =	vor.u32 $0x806, v0  }
0x6: {  	v23 =	vor.u32 $0x807, v0;
	v24 =	vor.u32 $0x808, v0;
	v25 =	vor.u32 $0x809, v0  }
0x7: {  	v26 =	vor.u32 $0x80A, v0;
	v27 =	vor.u32 $0x80B, v0;
	v28 =	vor.u32 $0x80C, v0  }
0x8: {  	v29 =	vor.u32 $0x80D, v0;
	v30 =	vor.u32 $0x80E, v0;
	v31 =	vor.u32 $0x80F, v0  }
0x9: {  	v32 =	vor.u32 $0x1000, v0;
	v33 =	vor.u32 $0x1001, v0;
	[tilespmem:$0x1FF20] =	vst v1;
	v1 =	vor.u32 $0x2, v0  }
0xa: {  	v34 =	vor.u32 $0x1002, v0;
	v35 =	vor.u32 $0x1003, v0;
	[tilespmem:$0x1FF30] =	vst v1;
	v1 =	vor.u32 $0x3, v0  }
0xb: {  	v36 =	vor.u32 $0x1004, v0;
	v37 =	vor.u32 $0x1005, v0;
	[tilespmem:$0x1FF40] =	vst v1;
	v1 =	vor.u32 $0x4, v0  }
0xc: {  	s1 =	rddreg [dreg:$0x0];
	v38 =	vor.u32 $0x1006, v0;
	v39 =	vor.u32 $0x1007, v0;
	[tilespmem:$0x1FF50] =	vst v1;
	v1 =	vor.u32 $0x5, v0  }
0xd: {  	s0 =	rddreg [dreg:$0x1];
	v40 =	vor.u32 $0x1008, v0;
	v41 =	vor.u32 $0x1009, v0;
	[tilespmem:$0x1FF60] =	vst v1;
	v1 =	vor.u32 $0x6, v0  }
0xe: {  	s2 =	rddreg [dreg:$0x2];
	s3 =	simm.s32 $0x0;
	s7 =	srdreg.scid;
	v42 =	vor.u32 $0x100A, v0;
	v43 =	vor.u32 $0x100B, v0;
	[tilespmem:$0x1FF70] =	vst v1;
	v1 =	vor.u32 $0x7, v0  }
0xf: {  	s13 =	simm.s32 $0x3;
	s14 =	simm.s32 $0x8180;
	s15 =	simm.s32 $0x80;
	v44 =	vor.u32 $0x100C, v0;
	v45 =	vor.u32 $0x100D, v0;
	[tilespmem:$0x1FF80] =	vst v1;
	v1 =	vor.u32 $0x8, v0  }
0x10: {  	s16 =	simm.s32 $0x100;
	s17 =	simm.s32 $0x4100;
	s18 =	simm.s32 $0x1;
	v46 =	vor.u32 $0x100E, v0;
	v47 =	vor.u32 $0x100F, v0;
	[tilespmem:$0x1FF90] =	vst v1;
	v1 =	vor.u32 $0x9, v0  }
0x11: {  	s19 =	simm.s32 $0x2;
	s20 =	simm.s32 $0x8200;
	s21 =	simm.s32 $0xC200;
	v48 =	vor.u32 $0x1800, v0;
	v49 =	vor.u32 $0x1801, v0;
	[tilespmem:$0x1FFA0] =	vst v1;
	v1 =	vor.u32 $0xA, v0  }
0x12: {  	s22 =	simm.s32 $0x0;
	[smem:$0x7FF] =	sst s3;
	s4 =	sadd.s32 $0x2A00, s1;
	v50 =	vor.u32 $0x1802, v0;
	v51 =	vor.u32 $0x1803, v0;
	[tilespmem:$0x1FFB0] =	vst v1;
	v1 =	vor.u32 $0xB, v0  }
0x13: {  	s5 =	sadd.s32 $0x3E800, s1;
	s6 =	sadd.s32 $0x34A00, s1;
	s8 =	sand.u32 $0x1, s7;
	v52 =	vor.u32 $0x1804, v0;
	v53 =	vor.u32 $0x1805, v0;
	[tilespmem:$0x1FFC0] =	vst v1;
	v1 =	vor.u32 $0xC, v0  }
0x14: {  	s7 =	stileid.u32;
	s10 =	ssub.s32 $0x2, s8;
	s9 =	sshll.u32 s8, $0x4;
	v54 =	vor.u32 $0x1806, v0;
	v55 =	vor.u32 $0x1807, v0;
	[tilespmem:$0x1FFD0] =	vst v1;
	v1 =	vor.u32 $0xD, v0  }
0x15: {  	s8 =	sadd.s32 $0x2AC00, s1;
	s11 =	sshrl.u32 s10, $0x1;
	s12 =	sor.u32 s7, s9;
	v56 =	vor.u32 $0x1808, v0;
	v57 =	vor.u32 $0x1809, v0;
	[tilespmem:$0x1FFE0] =	vst v1;
	v1 =	vor.u32 $0xE, v0  }
0x16: {  	s9 =	sadd.s32 $0x65A00, s1;
	v58 =	vor.u32 $0x180A, v0;
	v59 =	vor.u32 $0x180B, v0;
	v60 =	vor.u32 $0x180C, v0;
	s31 =	ssub.s32 s10, s11;
	s10 =	smul.u32 $0x4F, s12;
	[tilespmem:$0x1FFF0] =	vst v1  }
0x17: {  	v61 =	vor.u32 $0x180D, v0;
	v62 =	vor.u32 $0x180E, v0;
	v63 =	vor.u32 $0x180F, v0;
	s12 =	simm.s32 $0x8100;
	s11 =	smax.u32 s31, $0x1;
	_ =	strace $0x8000004D  }
.LBB2_1:
0x18: {  	[tilespmem:s12], [sflag:$0x3] =	stream.linear.gather [hbm4b:s0+s3], $0x80, $0x38;
	[tilespmem:$0xC280] =	vst v63  }
0x19: {  	_ =	swait.ge [sflag:s13], $0x80  }
0x1a: {  	[sflag:s13] =	ssyncset.done $0x0  }
0x1b: {  	[sflag:s13] =	ssyncadd.s32 $0xFFFFFF80  }
0x1c: {  	[tilespmem:s14], [sflag:$0x3] =	stream.linear.gather [hbm4b:s2+s3], $0x80, $0x38;
	[tilespmem:$0xC280] =	vst v63  }
0x1d: {  	_ =	swait.ge [sflag:s13], $0x80  }
0x1e: {  	[sflag:s13] =	ssyncset.done $0x0  }
0x1f: {  	s23 =	simm.s32 $0x0;
	[sflag:s13] =	ssyncadd.s32 $0xFFFFFF80  }
.LBB2_2:
0x20: {  	s1 =	sadd.s32 s10, s23  }
0x21: {  	s24 =	sshll.u32 s1, $0x4  }
0x22: {  	s1 =	sadd.s32 s6, s24  }
0x23: {  	[tilespmem:s3], [sflag:$0x3] =	stream.linear.gather [hbm4b:s1+s3], $0x80, $0x38;
	[tilespmem:$0xC280] =	vst v63  }
0x24: {  	_ =	swait.ge [sflag:s13], $0x80  }
0x25: {  	[sflag:s13] =	ssyncset.done $0x0  }
0x26: {  	s26 =	sadd.s32 s8, s24;
	[sflag:s13] =	ssyncadd.s32 $0xFFFFFF80  }
0x27: {  	[tilespmem:s15], [sflag:$0x3] =	stream.linear.gather [hbm4b:s26+s3], $0x80, $0x38;
	[tilespmem:$0xC280] =	vst v63  }
0x28: {  	_ =	swait.ge [sflag:s13], $0x80  }
0x29: {  	[sflag:s13] =	ssyncset.done $0x0  }
0x2a: {  	[sflag:s13] =	ssyncadd.s32 $0xFFFFFF80  }
0x2b: {  	[tilespmem:s16], [sflag:$0x1] =	stream.indirect.gather [hbm4b:s4+s15], $0x80, s3, s15, $0xb8;
	[tilespmem:$0xC280] =	vst v63  }
0x2c: {  	_ = 	snop  }
0x2d: {  	[tilespmem:s17], [sflag:$0x2] =	stream.indirect.gather [hbm4b:s5+s15], $0x80, s15, s15, $0xb8;
	[tilespmem:$0xC280] =	vst v63  }
0x2e: {  	_ =	swait.ge [sflag:s18], $0x4000  }
0x2f: {  	[sflag:s18] =	ssyncset.done $0x0  }
0x30: {  	[sflag:s18] =	ssyncadd.s32 $0xFFFFC000  }
0x31: {  	_ =	swait.ge [sflag:s19], $0x4000  }
0x32: {  	[sflag:s19] =	ssyncset.done $0x0  }
0x33: {  	[sflag:s19] =	ssyncadd.s32 $0xFFFFC000  }
0x34: {  	s25 =	simm.s32 $0x180;
	v1 =	vld [tilespmem:$0x8140]  }
0x35: {  	v2 =	vld [tilespmem:s25+$0xFFFFFFC0]  }
0x36: {  	v3 =	vld [tilespmem:s25+$0xFFFFFFB0]  }
0x37: {  	v4 =	vld [tilespmem:s25+$0xFFFFFFA0]  }
0x38: {  	s26 =	simm.s32 $0x4180;
	v5 =	vld [tilespmem:s25+$0xFFFFFF90]  }
0x39: {  	v6 =	vld [tilespmem:s26+$0xFFFFFF90]  }
0x3a: {  	v7 =	vld [tilespmem:s26+$0xFFFFFFC0]  }
0x3b: {  	v8 =	vld [tilespmem:s25+$0xFFFFFF80]  }
0x3c: {  	v9 =	vld [tilespmem:s26+$0xFFFFFF80]  }
0x3d: {  	v10 =	vld [tilespmem:s26+$0xFFFFFFA0]  }
0x3e: {  	v11 =	vld [tilespmem:s26+$0xFFFFFFB0]  }
0x3f: {  	v12 =	vld [tilespmem:$0x8100]  }
0x40: {  	v13 =	vld [tilespmem:$0x8110]  }
0x41: {  	v14 =	vld [tilespmem:$0x8180];
	v8 =	vadd.f32 v9, v8  }
0x42: {  	v9 =	vld [tilespmem:s26+$0xFFFFFFF0]  }
0x43: {  	v5 =	vadd.f32 v6, v5;
	v6 =	vmax.f32 v8, $0.0e+00;
	v8 =	vld [tilespmem:$0x8120]  }
0x44: {  	v4 =	vadd.f32 v10, v4;
	v10 =	vld [tilespmem:$0x8130];
	v6 =	vmul.f32 v6, v12  }
0x45: {  	v5 =	vmax.f32 v5, $0.0e+00;
	v12 =	vld [tilespmem:s26+$0xFFFFFFD0]  }
0x46: {  	v5 =	vmul.f32 v5, v13;
	v13 =	vld [tilespmem:s25+$0xFFFFFFD0];
	v6 =	vadd.f32 v6, v14  }
0x47: {  	v3 =	vadd.f32 v11, v3;
	v11 =	vld [tilespmem:s26+$0xFFFFFFE0];
	v4 =	vmax.f32 v4, $0.0e+00  }
0x48: {  	v5 =	vadd.f32 v5, v6;
	v4 =	vmul.f32 v4, v8;
	v6 =	vld [tilespmem:s25+$0xFFFFFFE0]  }
0x49: {  	v2 =	vadd.f32 v7, v2;
	v7 =	vld [tilespmem:$0x8150];
	v3 =	vmax.f32 v3, $0.0e+00  }
0x4a: {  	v3 =	vmul.f32 v3, v10;
	v4 =	vadd.f32 v4, v5;
	v5 =	vld [tilespmem:s25+$0xFFFFFFF0]  }
0x4b: {  	v2 =	vmax.f32 v2, $0.0e+00;
	v10 =	vld [tilespmem:$0x8160];
	v8 =	vadd.f32 v12, v13  }
0x4c: {  	v1 =	vmul.f32 v2, v1;
	v2 =	vadd.f32 v3, v4  }
0x4d: {  	v3 =	vmax.f32 v8, $0.0e+00;
	v4 =	vadd.f32 v11, v6;
	v6 =	vld [tilespmem:$0x8170]  }
0x4e: {  	v1 =	vadd.f32 v1, v2;
	v2 =	vmul.f32 v3, v7  }
0x4f: {  	v3 =	vmax.f32 v4, $0.0e+00;
	v4 =	vadd.f32 v9, v5  }
0x50: {  	v1 =	vadd.f32 v2, v1;
	v2 =	vmul.f32 v3, v10  }
0x51: {  	v3 =	vmax.f32 v4, $0.0e+00  }
0x52: {  	v1 =	vadd.f32 v2, v1;
	v2 =	vmul.f32 v3, v6;
	_ =	sdelay $0x1  }
0x53: {  	v1 =	vadd.f32 v2, v1  }
0x54: {  	s29 =	simm.s32 $0x8280  }
0x55: {  	[tilespmem:s29+$0xFFFFFF80] =	vst v1  }
0x56: {  	v6 =	vld [tilespmem:s25+$0x0]  }
0x57: {  	v7 =	vld [tilespmem:s26+$0x0]  }
0x58: {  	v1 =	vld [tilespmem:s26+$0x70]  }
0x59: {  	v2 =	vld [tilespmem:s26+$0x60]  }
0x5a: {  	v3 =	vld [tilespmem:s26+$0x50]  }
0x5b: {  	v4 =	vld [tilespmem:s26+$0x40]  }
0x5c: {  	s30 =	simm.s32 $0x0;
	v5 =	vld [tilespmem:s26+$0x30]  }
0x5d: {  	s31 =	simm.s32 $0x280;
	s28 =	simm.s32 $0x8280;
	s1 =	simm.s32 $0x4180;
	v7 =	vadd.f32 v7, v6;
	v6 =	vld [tilespmem:$0x8110]  }
.LBB2_3:
0x5e: {  	s30 =	sadd.s32 $0x2, s30;
	v8 =	vld [tilespmem:s26+$0x20];
	s29 =	sadd.s32 $0x100, s29;
	s1 =	sadd.s32 $0x100, s1  }
0x5f: {  	p0 =	slt.u32 s30, $0x7E;
	v9 =	vld [tilespmem:s26+$0x10];
	s26 =	smov.u32 s1  }
0x60: {  	v10 =	vld [tilespmem:s25+$0x10]  }
0x61: {  	v11 =	vld [tilespmem:$0x8100]  }
0x62: {  	v12 =	vld [tilespmem:s25+$0x20]  }
0x63: {  	v13 =	vld [tilespmem:$0x8180]  }
0x64: {  	v14 =	vld [tilespmem:s25+$0x30]  }
0x65: {  	v7 =	vmax.f32 v7, $0.0e+00;
	v9 =	vadd.f32 v9, v10;
	v10 =	vld [tilespmem:$0x8120]  }
0x66: {  	v7 =	vmul.f32 v7, v11;
	v11 =	vld [tilespmem:s25+$0x40]  }
0x67: {  	v9 =	vmax.f32 v9, $0.0e+00;
	v8 =	vadd.f32 v8, v12;
	v12 =	vld [tilespmem:$0x8130]  }
0x68: {  	v7 =	vadd.f32 v7, v13;
	v6 =	vmul.f32 v9, v6;
	v9 =	vld [tilespmem:s25+$0x50]  }
0x69: {  	v8 =	vmax.f32 v8, $0.0e+00;
	v5 =	vadd.f32 v5, v14;
	v13 =	vld [tilespmem:$0x8140]  }
0x6a: {  	v6 =	vadd.f32 v6, v7;
	v7 =	vmul.f32 v8, v10;
	v8 =	vld [tilespmem:s25+$0x60]  }
0x6b: {  	v5 =	vmax.f32 v5, $0.0e+00;
	v4 =	vadd.f32 v4, v11;
	v10 =	vld [tilespmem:$0x8150]  }
0x6c: {  	v6 =	vadd.f32 v7, v6;
	v5 =	vmul.f32 v5, v12;
	v7 =	vld [tilespmem:s25+$0x70];
	s25 =	smov.u32 s31  }
0x6d: {  	v4 =	vmax.f32 v4, $0.0e+00;
	v3 =	vadd.f32 v3, v9;
	v9 =	vld [tilespmem:$0x8160]  }
0x6e: {  	v5 =	vadd.f32 v5, v6;
	v4 =	vmul.f32 v4, v13  }
0x6f: {  	v3 =	vmax.f32 v3, $0.0e+00;
	v2 =	vadd.f32 v2, v8;
	v6 =	vld [tilespmem:$0x8170]  }
0x70: {  	v4 =	vadd.f32 v4, v5;
	v3 =	vmul.f32 v3, v10  }
0x71: {  	v2 =	vmax.f32 v2, $0.0e+00;
	v1 =	vadd.f32 v1, v7  }
0x72: {  	v3 =	vadd.f32 v3, v4;
	v2 =	vmul.f32 v2, v9  }
0x73: {  	v1 =	vmax.f32 v1, $0.0e+00  }
0x74: {  	v2 =	vadd.f32 v2, v3;
	v1 =	vmul.f32 v1, v6;
	_ =	sdelay $0x1  }
0x75: {  	v1 =	vadd.f32 v1, v2;
	_ =	sdelay $0x1  }
0x76: {  	[tilespmem:s28+$0x0] =	vst v1;
	s28 =	smov.u32 s29  }
0x77: {  	v1 =	vld [tilespmem:$0x8140]  }
0x78: {  	v2 =	vld [tilespmem:s31+$0xFFFFFFC0]  }
0x79: {  	v3 =	vld [tilespmem:s31+$0xFFFFFFB0]  }
0x7a: {  	v4 =	vld [tilespmem:s31+$0xFFFFFFA0]  }
0x7b: {  	v5 =	vld [tilespmem:s31+$0xFFFFFF90]  }
0x7c: {  	v6 =	vld [tilespmem:s1+$0xFFFFFF90]  }
0x7d: {  	v7 =	vld [tilespmem:s1+$0xFFFFFFC0]  }
0x7e: {  	v8 =	vld [tilespmem:s31+$0xFFFFFF80]  }
0x7f: {  	v9 =	vld [tilespmem:s1+$0xFFFFFF80]  }
0x80: {  	v10 =	vld [tilespmem:s1+$0xFFFFFFA0]  }
0x81: {  	v5 =	vadd.f32 v6, v5;
	v6 =	vld [tilespmem:s1+$0xFFFFFFB0]  }
0x82: {  	v11 =	vld [tilespmem:$0x8100];
	v2 =	vadd.f32 v7, v2  }
0x83: {  	v7 =	vld [tilespmem:$0x8110]  }
0x84: {  	v12 =	vld [tilespmem:$0x8180];
	v8 =	vadd.f32 v9, v8;
	v2 =	vmax.f32 v2, $0.0e+00  }
0x85: {  	v4 =	vadd.f32 v10, v4;
	v1 =	vmul.f32 v2, v1;
	v2 =	vld [tilespmem:s1+$0xFFFFFFF0]  }
0x86: {  	v8 =	vmax.f32 v8, $0.0e+00;
	v9 =	vld [tilespmem:$0x8120];
	v3 =	vadd.f32 v6, v3  }
0x87: {  	v6 =	vmul.f32 v8, v11;
	v8 =	vld [tilespmem:s1+$0xFFFFFFD0]  }
0x88: {  	v5 =	vmax.f32 v5, $0.0e+00;
	v10 =	vld [tilespmem:$0x8130]  }
0x89: {  	v5 =	vmul.f32 v5, v7;
	v6 =	vadd.f32 v6, v12;
	v7 =	vld [tilespmem:s31+$0xFFFFFFD0]  }
0x8a: {  	v4 =	vmax.f32 v4, $0.0e+00;
	v11 =	vld [tilespmem:s1+$0xFFFFFFE0]  }
0x8b: {  	v5 =	vadd.f32 v5, v6;
	v4 =	vmul.f32 v4, v9;
	v6 =	vld [tilespmem:s31+$0xFFFFFFE0]  }
0x8c: {  	v3 =	vmax.f32 v3, $0.0e+00;
	v9 =	vld [tilespmem:$0x8150]  }
0x8d: {  	v4 =	vadd.f32 v4, v5;
	v3 =	vmul.f32 v3, v10;
	v5 =	vld [tilespmem:s31+$0xFFFFFFF0]  }
0x8e: {  	v7 =	vadd.f32 v8, v7;
	v8 =	vld [tilespmem:$0x8160]  }
0x8f: {  	v3 =	vadd.f32 v3, v4  }
0x90: {  	v4 =	vmax.f32 v7, $0.0e+00;
	v6 =	vadd.f32 v11, v6;
	v7 =	vld [tilespmem:$0x8170]  }
0x91: {  	v1 =	vadd.f32 v1, v3;
	v3 =	vmul.f32 v4, v9  }
0x92: {  	v4 =	vmax.f32 v6, $0.0e+00;
	v2 =	vadd.f32 v2, v5  }
0x93: {  	v1 =	vadd.f32 v3, v1;
	v3 =	vmul.f32 v4, v8  }
0x94: {  	v2 =	vmax.f32 v2, $0.0e+00  }
0x95: {  	v1 =	vadd.f32 v3, v1;
	v2 =	vmul.f32 v2, v7;
	_ =	sdelay $0x1  }
0x96: {  	v1 =	vadd.f32 v2, v1;
	_ =	sdelay $0x1  }
0x97: {  	[tilespmem:s29+$0xFFFFFF80] =	vst v1  }
0x98: {  	v5 =	vld [tilespmem:s31+$0x0]  }
0x99: {  	v6 =	vld [tilespmem:s1+$0x0]  }
0x9a: {  	v1 =	vld [tilespmem:s1+$0x70]  }
.Ltmp0:
0x9b: {  	v2 =	vld [tilespmem:s1+$0x60];
	(pc) =	sbr.rel @p0 .LBB2_3-.Ltmp0, $4  }
0x9c: {  	v3 =	vld [tilespmem:s1+$0x50]  }
0x9d: {  	v4 =	vld [tilespmem:s1+$0x40]  }
0x9e: {  	v7 =	vadd.f32 v6, v5;
	v5 =	vld [tilespmem:s1+$0x30]  }
0x9f: {  	s31 =	sadd.s32 $0x100, s31;
	v6 =	vld [tilespmem:$0x8110]  }
0xa0: {  	v8 =	vld [tilespmem:s26+$0x20]  }
0xa1: {  	v9 =	vld [tilespmem:s26+$0x10]  }
0xa2: {  	v10 =	vld [tilespmem:s25+$0x10]  }
0xa3: {  	v11 =	vld [tilespmem:$0x8100]  }
0xa4: {  	v12 =	vld [tilespmem:s25+$0x20]  }
0xa5: {  	v13 =	vld [tilespmem:$0x8180]  }
0xa6: {  	v14 =	vld [tilespmem:s25+$0x30]  }
0xa7: {  	v7 =	vmax.f32 v7, $0.0e+00;
	v9 =	vadd.f32 v9, v10;
	v10 =	vld [tilespmem:$0x8120]  }
0xa8: {  	v7 =	vmul.f32 v7, v11;
	v11 =	vld [tilespmem:s25+$0x40]  }
0xa9: {  	v8 =	vadd.f32 v8, v12;
	v12 =	vld [tilespmem:$0x8130];
	v9 =	vmax.f32 v9, $0.0e+00  }
0xaa: {  	v7 =	vadd.f32 v7, v13;
	v6 =	vmul.f32 v9, v6;
	v9 =	vld [tilespmem:s25+$0x50]  }
0xab: {  	v5 =	vadd.f32 v5, v14;
	v8 =	vmax.f32 v8, $0.0e+00;
	v13 =	vld [tilespmem:$0x8140]  }
0xac: {  	v6 =	vadd.f32 v6, v7;
	v7 =	vmul.f32 v8, v10;
	v8 =	vld [tilespmem:s25+$0x60]  }
0xad: {  	v5 =	vmax.f32 v5, $0.0e+00;
	v4 =	vadd.f32 v4, v11;
	v10 =	vld [tilespmem:$0x8150]  }
0xae: {  	v5 =	vmul.f32 v5, v12;
	v6 =	vadd.f32 v7, v6;
	v7 =	vld [tilespmem:s25+$0x70]  }
0xaf: {  	v4 =	vmax.f32 v4, $0.0e+00;
	v3 =	vadd.f32 v3, v9;
	v9 =	vld [tilespmem:$0x8160]  }
0xb0: {  	v4 =	vmul.f32 v4, v13;
	v5 =	vadd.f32 v5, v6  }
0xb1: {  	v11 =	vld [tilespmem:$0x8170];
	v3 =	vmax.f32 v3, $0.0e+00;
	v2 =	vadd.f32 v2, v8  }
0xb2: {  	v4 =	vadd.f32 v4, v5;
	v3 =	vmul.f32 v3, v10  }
0xb3: {  	v1 =	vadd.f32 v1, v7;
	v2 =	vmax.f32 v2, $0.0e+00  }
0xb4: {  	v3 =	vadd.f32 v3, v4;
	v2 =	vmul.f32 v2, v9  }
0xb5: {  	v1 =	vmax.f32 v1, $0.0e+00  }
0xb6: {  	v2 =	vadd.f32 v2, v3;
	v1 =	vmul.f32 v1, v11;
	_ =	sdelay $0x1  }
0xb7: {  	v1 =	vadd.f32 v1, v2;
	v2 =	vld [tilespmem:$0x1FF20];
	_ =	sdelay $0x1  }
0xb8: {  	v3 =	vld [tilespmem:$0x1FF30];
	_ =	sdelay $0x3  }
0xb9: {  	[tilespmem:s28+$0x0] =	vst v1  }
0xba: {  	v1 =	vld.idx.msk [tilespmem:v0+s20+$0x0], $0xffff  }
0xbb: {  	v2 =	vld.idx.msk [tilespmem:v2+s20+$0x0], $0xffff;
	_ =	sdelay $0x1  }
0xbc: {  	v3 =	vld.idx.msk [tilespmem:v3+s20+$0x0], $0xffff  }
0xbd: {  	v8 =	vld [tilespmem:$0x1FF40];
	_ =	sdelay $0x1  }
0xbe: {  	v1 =	vadd.f32 v2, v1;
	v2 =	vld [tilespmem:$0x1FF50];
	_ =	sdelay $0x1  }
0xbf: {  	v1 =	vadd.f32 v3, v1;
	v3 =	vld [tilespmem:$0x1FF60];
	_ =	sdelay $0x3  }
0xc0: {  	v4 =	vld.idx.msk [tilespmem:v8+s20+$0x0], $0xffff;
	_ =	sdelay $0x1  }
0xc1: {  	v2 =	vld.idx.msk [tilespmem:v2+s20+$0x0], $0xffff;
	_ =	sdelay $0x1  }
0xc2: {  	v3 =	vld.idx.msk [tilespmem:v3+s20+$0x0], $0xffff  }
0xc3: {  	v9 =	vld [tilespmem:$0x1FF70];
	v1 =	vadd.f32 v4, v1;
	_ =	sdelay $0x1  }
0xc4: {  	v1 =	vadd.f32 v2, v1;
	v2 =	vld [tilespmem:$0x1FF80];
	_ =	sdelay $0x1  }
0xc5: {  	v1 =	vadd.f32 v3, v1;
	v3 =	vld [tilespmem:$0x1FF90];
	_ =	sdelay $0x3  }
0xc6: {  	v4 =	vld.idx.msk [tilespmem:v9+s20+$0x0], $0xffff;
	_ =	sdelay $0x1  }
0xc7: {  	v2 =	vld.idx.msk [tilespmem:v2+s20+$0x0], $0xffff;
	_ =	sdelay $0x1  }
0xc8: {  	v3 =	vld.idx.msk [tilespmem:v3+s20+$0x0], $0xffff  }
0xc9: {  	v10 =	vld [tilespmem:$0x1FFA0];
	v1 =	vadd.f32 v4, v1;
	_ =	sdelay $0x1  }
0xca: {  	v1 =	vadd.f32 v2, v1;
	v2 =	vld [tilespmem:$0x1FFB0];
	_ =	sdelay $0x1  }
0xcb: {  	v1 =	vadd.f32 v3, v1;
	v3 =	vld [tilespmem:$0x1FFC0];
	_ =	sdelay $0x3  }
0xcc: {  	v4 =	vld.idx.msk [tilespmem:v10+s20+$0x0], $0xffff;
	_ =	sdelay $0x1  }
0xcd: {  	v2 =	vld.idx.msk [tilespmem:v2+s20+$0x0], $0xffff;
	_ =	sdelay $0x1  }
0xce: {  	v3 =	vld.idx.msk [tilespmem:v3+s20+$0x0], $0xffff  }
0xcf: {  	v11 =	vld [tilespmem:$0x1FFD0];
	v1 =	vadd.f32 v4, v1;
	_ =	sdelay $0x1  }
0xd0: {  	v1 =	vadd.f32 v2, v1;
	v2 =	vld [tilespmem:$0x1FFE0];
	_ =	sdelay $0x1  }
0xd1: {  	v1 =	vadd.f32 v3, v1;
	v3 =	vld [tilespmem:$0x1FFF0];
	_ =	sdelay $0x3  }
0xd2: {  	v4 =	vld.idx.msk [tilespmem:v11+s20+$0x0], $0xffff;
	_ =	sdelay $0x1  }
0xd3: {  	v2 =	vld.idx.msk [tilespmem:v2+s20+$0x0], $0xffff;
	_ =	sdelay $0x1  }
0xd4: {  	v3 =	vld.idx.msk [tilespmem:v3+s20+$0x0], $0xffff  }
0xd5: {  	v1 =	vadd.f32 v4, v1  }
0xd6: {  	v8 =	vld.idx.msk [tilespmem:v15+s20+$0x0], $0xffff  }
0xd7: {  	v1 =	vadd.f32 v2, v1;
	_ =	sdelay $0x1  }
0xd8: {  	v1 =	vadd.f32 v3, v1;
	_ =	sdelay $0x1  }
0xd9: {  	v1 =	vadd.f32 v8, v1;
	_ =	sdelay $0x1  }
0xda: {  	[tilespmem:$0xC200] =	vst v1  }
0xdb: {  	v1 =	vld.idx.msk [tilespmem:v16+s20+$0x0], $0xffff  }
0xdc: {  	v2 =	vld.idx.msk [tilespmem:v17+s20+$0x0], $0xffff;
	_ =	sdelay $0x1  }
0xdd: {  	v3 =	vld.idx.msk [tilespmem:v18+s20+$0x0], $0xffff;
	_ =	sdelay $0x1  }
0xde: {  	v9 =	vld.idx.msk [tilespmem:v19+s20+$0x0], $0xffff  }
0xdf: {  	v1 =	vadd.f32 v2, v1  }
0xe0: {  	v2 =	vld.idx.msk [tilespmem:v20+s20+$0x0], $0xffff  }
0xe1: {  	v1 =	vadd.f32 v3, v1  }
0xe2: {  	v3 =	vld.idx.msk [tilespmem:v21+s20+$0x0], $0xffff  }
0xe3: {  	v1 =	vadd.f32 v9, v1  }
0xe4: {  	v10 =	vld.idx.msk [tilespmem:v22+s20+$0x0], $0xffff  }
0xe5: {  	v1 =	vadd.f32 v2, v1  }
0xe6: {  	v2 =	vld.idx.msk [tilespmem:v23+s20+$0x0], $0xffff  }
0xe7: {  	v1 =	vadd.f32 v3, v1  }
0xe8: {  	v3 =	vld.idx.msk [tilespmem:v24+s20+$0x0], $0xffff  }
0xe9: {  	v1 =	vadd.f32 v10, v1  }
0xea: {  	v11 =	vld.idx.msk [tilespmem:v25+s20+$0x0], $0xffff  }
0xeb: {  	v1 =	vadd.f32 v2, v1  }
0xec: {  	v2 =	vld.idx.msk [tilespmem:v26+s20+$0x0], $0xffff  }
0xed: {  	v1 =	vadd.f32 v3, v1  }
0xee: {  	v3 =	vld.idx.msk [tilespmem:v27+s20+$0x0], $0xffff  }
0xef: {  	v1 =	vadd.f32 v11, v1  }
0xf0: {  	v8 =	vld.idx.msk [tilespmem:v28+s20+$0x0], $0xffff  }
0xf1: {  	v1 =	vadd.f32 v2, v1  }
0xf2: {  	v2 =	vld.idx.msk [tilespmem:v29+s20+$0x0], $0xffff  }
0xf3: {  	v1 =	vadd.f32 v3, v1  }
0xf4: {  	v3 =	vld.idx.msk [tilespmem:v30+s20+$0x0], $0xffff  }
0xf5: {  	v1 =	vadd.f32 v8, v1  }
0xf6: {  	v9 =	vld.idx.msk [tilespmem:v31+s20+$0x0], $0xffff  }
0xf7: {  	v1 =	vadd.f32 v2, v1;
	_ =	sdelay $0x1  }
0xf8: {  	v1 =	vadd.f32 v3, v1;
	_ =	sdelay $0x1  }
0xf9: {  	v1 =	vadd.f32 v9, v1;
	_ =	sdelay $0x1  }
0xfa: {  	[tilespmem:$0xC210] =	vst v1  }
0xfb: {  	v1 =	vld.idx.msk [tilespmem:v32+s20+$0x0], $0xffff  }
0xfc: {  	v2 =	vld.idx.msk [tilespmem:v33+s20+$0x0], $0xffff;
	_ =	sdelay $0x1  }
0xfd: {  	v3 =	vld.idx.msk [tilespmem:v34+s20+$0x0], $0xffff;
	_ =	sdelay $0x1  }
0xfe: {  	v10 =	vld.idx.msk [tilespmem:v35+s20+$0x0], $0xffff  }
0xff: {  	v1 =	vadd.f32 v2, v1  }
0x100: {  	v2 =	vld.idx.msk [tilespmem:v36+s20+$0x0], $0xffff  }
0x101: {  	v1 =	vadd.f32 v3, v1  }
0x102: {  	v3 =	vld.idx.msk [tilespmem:v37+s20+$0x0], $0xffff  }
0x103: {  	v1 =	vadd.f32 v10, v1  }
0x104: {  	v11 =	vld.idx.msk [tilespmem:v38+s20+$0x0], $0xffff  }
0x105: {  	v1 =	vadd.f32 v2, v1  }
0x106: {  	v2 =	vld.idx.msk [tilespmem:v39+s20+$0x0], $0xffff  }
0x107: {  	v1 =	vadd.f32 v3, v1  }
0x108: {  	v3 =	vld.idx.msk [tilespmem:v40+s20+$0x0], $0xffff  }
0x109: {  	v1 =	vadd.f32 v11, v1  }
0x10a: {  	v8 =	vld.idx.msk [tilespmem:v41+s20+$0x0], $0xffff  }
0x10b: {  	v1 =	vadd.f32 v2, v1  }
0x10c: {  	v2 =	vld.idx.msk [tilespmem:v42+s20+$0x0], $0xffff  }
0x10d: {  	v1 =	vadd.f32 v3, v1  }
0x10e: {  	v3 =	vld.idx.msk [tilespmem:v43+s20+$0x0], $0xffff  }
0x10f: {  	v1 =	vadd.f32 v8, v1  }
0x110: {  	v9 =	vld.idx.msk [tilespmem:v44+s20+$0x0], $0xffff  }
0x111: {  	v1 =	vadd.f32 v2, v1  }
0x112: {  	v2 =	vld.idx.msk [tilespmem:v45+s20+$0x0], $0xffff  }
0x113: {  	v1 =	vadd.f32 v3, v1  }
0x114: {  	v3 =	vld.idx.msk [tilespmem:v46+s20+$0x0], $0xffff  }
0x115: {  	v1 =	vadd.f32 v9, v1  }
0x116: {  	v10 =	vld.idx.msk [tilespmem:v47+s20+$0x0], $0xffff  }
0x117: {  	v1 =	vadd.f32 v2, v1;
	_ =	sdelay $0x1  }
0x118: {  	v1 =	vadd.f32 v3, v1;
	_ =	sdelay $0x1  }
0x119: {  	v1 =	vadd.f32 v10, v1;
	_ =	sdelay $0x1  }
0x11a: {  	[tilespmem:$0xC220] =	vst v1  }
0x11b: {  	v1 =	vld.idx.msk [tilespmem:v48+s20+$0x0], $0xffff  }
0x11c: {  	v2 =	vld.idx.msk [tilespmem:v49+s20+$0x0], $0xffff;
	_ =	sdelay $0x1  }
0x11d: {  	v3 =	vld.idx.msk [tilespmem:v50+s20+$0x0], $0xffff;
	_ =	sdelay $0x1  }
0x11e: {  	v11 =	vld.idx.msk [tilespmem:v51+s20+$0x0], $0xffff  }
0x11f: {  	v1 =	vadd.f32 v2, v1  }
0x120: {  	v2 =	vld.idx.msk [tilespmem:v52+s20+$0x0], $0xffff  }
0x121: {  	v1 =	vadd.f32 v3, v1  }
0x122: {  	v3 =	vld.idx.msk [tilespmem:v53+s20+$0x0], $0xffff  }
0x123: {  	v1 =	vadd.f32 v11, v1  }
0x124: {  	v8 =	vld.idx.msk [tilespmem:v54+s20+$0x0], $0xffff  }
0x125: {  	v1 =	vadd.f32 v2, v1  }
0x126: {  	v2 =	vld.idx.msk [tilespmem:v55+s20+$0x0], $0xffff  }
0x127: {  	v1 =	vadd.f32 v3, v1  }
0x128: {  	v3 =	vld.idx.msk [tilespmem:v56+s20+$0x0], $0xffff  }
0x129: {  	v1 =	vadd.f32 v8, v1  }
0x12a: {  	v9 =	vld.idx.msk [tilespmem:v57+s20+$0x0], $0xffff  }
0x12b: {  	v1 =	vadd.f32 v2, v1  }
0x12c: {  	v2 =	vld.idx.msk [tilespmem:v58+s20+$0x0], $0xffff  }
0x12d: {  	v1 =	vadd.f32 v3, v1  }
0x12e: {  	v3 =	vld.idx.msk [tilespmem:v59+s20+$0x0], $0xffff  }
0x12f: {  	v1 =	vadd.f32 v9, v1  }
0x130: {  	v10 =	vld.idx.msk [tilespmem:v60+s20+$0x0], $0xffff  }
0x131: {  	v1 =	vadd.f32 v2, v1  }
0x132: {  	v2 =	vld.idx.msk [tilespmem:v61+s20+$0x0], $0xffff  }
0x133: {  	v1 =	vadd.f32 v3, v1  }
0x134: {  	v3 =	vld.idx.msk [tilespmem:v62+s20+$0x0], $0xffff  }
0x135: {  	v1 =	vadd.f32 v10, v1  }
0x136: {  	v11 =	vld.idx.msk [tilespmem:v63+s20+$0x0], $0xffff  }
0x137: {  	v1 =	vadd.f32 v2, v1;
	_ =	sdelay $0x1  }
0x138: {  	v2 =	vor.u32 $0x2000, v0;
	v1 =	vadd.f32 v3, v1  }
0x139: {  	v3 =	vor.u32 $0x2001, v0  }
0x13a: {  	v1 =	vadd.f32 v11, v1  }
0x13b: {  	v8 =	vor.u32 $0x2002, v0  }
0x13c: {  	[tilespmem:$0xC230] =	vst v1  }
0x13d: {  	v1 =	vld.idx.msk [tilespmem:v2+s20+$0x0], $0xffff;
	v2 =	vor.u32 $0x2003, v0  }
0x13e: {  	v3 =	vld.idx.msk [tilespmem:v3+s20+$0x0], $0xffff  }
0x13f: {  	v9 =	vor.u32 $0x2004, v0  }
0x140: {  	v4 =	vld.idx.msk [tilespmem:v8+s20+$0x0], $0xffff  }
0x141: {  	v10 =	vor.u32 $0x2005, v0  }
0x142: {  	v2 =	vld.idx.msk [tilespmem:v2+s20+$0x0], $0xffff  }
0x143: {  	v1 =	vadd.f32 v3, v1;
	v3 =	vor.u32 $0x2006, v0  }
0x144: {  	v5 =	vld.idx.msk [tilespmem:v9+s20+$0x0], $0xffff  }
0x145: {  	v11 =	vor.u32 $0x2007, v0;
	v1 =	vadd.f32 v4, v1  }
0x146: {  	v6 =	vld.idx.msk [tilespmem:v10+s20+$0x0], $0xffff  }
0x147: {  	v1 =	vadd.f32 v2, v1;
	v2 =	vor.u32 $0x2008, v0  }
0x148: {  	v3 =	vld.idx.msk [tilespmem:v3+s20+$0x0], $0xffff  }
0x149: {  	v9 =	vor.u32 $0x2009, v0;
	v1 =	vadd.f32 v5, v1  }
0x14a: {  	v4 =	vld.idx.msk [tilespmem:v11+s20+$0x0], $0xffff  }
0x14b: {  	v10 =	vor.u32 $0x200A, v0;
	v1 =	vadd.f32 v6, v1  }
0x14c: {  	v2 =	vld.idx.msk [tilespmem:v2+s20+$0x0], $0xffff  }
0x14d: {  	v1 =	vadd.f32 v3, v1;
	v3 =	vor.u32 $0x200B, v0  }
0x14e: {  	v5 =	vld.idx.msk [tilespmem:v9+s20+$0x0], $0xffff  }
0x14f: {  	v11 =	vor.u32 $0x200C, v0;
	v1 =	vadd.f32 v4, v1  }
0x150: {  	v6 =	vld.idx.msk [tilespmem:v10+s20+$0x0], $0xffff  }
0x151: {  	v1 =	vadd.f32 v2, v1;
	v2 =	vor.u32 $0x200D, v0  }
0x152: {  	v3 =	vld.idx.msk [tilespmem:v3+s20+$0x0], $0xffff  }
0x153: {  	v9 =	vor.u32 $0x200E, v0;
	v1 =	vadd.f32 v5, v1  }
0x154: {  	v4 =	vld.idx.msk [tilespmem:v11+s20+$0x0], $0xffff  }
0x155: {  	v10 =	vor.u32 $0x200F, v0;
	v1 =	vadd.f32 v6, v1  }
0x156: {  	v2 =	vld.idx.msk [tilespmem:v2+s20+$0x0], $0xffff  }
0x157: {  	v1 =	vadd.f32 v3, v1  }
0x158: {  	v3 =	vld.idx.msk [tilespmem:v9+s20+$0x0], $0xffff  }
0x159: {  	v1 =	vadd.f32 v4, v1  }
0x15a: {  	v11 =	vld.idx.msk [tilespmem:v10+s20+$0x0], $0xffff  }
0x15b: {  	v1 =	vadd.f32 v2, v1;
	_ =	sdelay $0x1  }
0x15c: {  	v2 =	vor.u32 $0x2800, v0;
	v1 =	vadd.f32 v3, v1  }
0x15d: {  	v3 =	vor.u32 $0x2801, v0  }
0x15e: {  	v1 =	vadd.f32 v11, v1  }
0x15f: {  	v8 =	vor.u32 $0x2802, v0  }
0x160: {  	[tilespmem:$0xC240] =	vst v1  }
0x161: {  	v1 =	vld.idx.msk [tilespmem:v2+s20+$0x0], $0xffff;
	v2 =	vor.u32 $0x2803, v0  }
0x162: {  	v3 =	vld.idx.msk [tilespmem:v3+s20+$0x0], $0xffff  }
0x163: {  	v9 =	vor.u32 $0x2804, v0  }
0x164: {  	v4 =	vld.idx.msk [tilespmem:v8+s20+$0x0], $0xffff  }
0x165: {  	v10 =	vor.u32 $0x2805, v0  }
0x166: {  	v2 =	vld.idx.msk [tilespmem:v2+s20+$0x0], $0xffff  }
0x167: {  	v1 =	vadd.f32 v3, v1;
	v3 =	vor.u32 $0x2806, v0  }
0x168: {  	v5 =	vld.idx.msk [tilespmem:v9+s20+$0x0], $0xffff  }
0x169: {  	v11 =	vor.u32 $0x2807, v0;
	v1 =	vadd.f32 v4, v1  }
0x16a: {  	v6 =	vld.idx.msk [tilespmem:v10+s20+$0x0], $0xffff  }
0x16b: {  	v1 =	vadd.f32 v2, v1;
	v2 =	vor.u32 $0x2808, v0  }
0x16c: {  	v3 =	vld.idx.msk [tilespmem:v3+s20+$0x0], $0xffff  }
0x16d: {  	v9 =	vor.u32 $0x2809, v0;
	v1 =	vadd.f32 v5, v1  }
0x16e: {  	v4 =	vld.idx.msk [tilespmem:v11+s20+$0x0], $0xffff  }
0x16f: {  	v10 =	vor.u32 $0x280A, v0;
	v1 =	vadd.f32 v6, v1  }
0x170: {  	v2 =	vld.idx.msk [tilespmem:v2+s20+$0x0], $0xffff  }
0x171: {  	v1 =	vadd.f32 v3, v1;
	v3 =	vor.u32 $0x280B, v0  }
0x172: {  	v5 =	vld.idx.msk [tilespmem:v9+s20+$0x0], $0xffff  }
0x173: {  	v11 =	vor.u32 $0x280C, v0;
	v1 =	vadd.f32 v4, v1  }
0x174: {  	v6 =	vld.idx.msk [tilespmem:v10+s20+$0x0], $0xffff  }
0x175: {  	v1 =	vadd.f32 v2, v1;
	v2 =	vor.u32 $0x280D, v0  }
0x176: {  	v3 =	vld.idx.msk [tilespmem:v3+s20+$0x0], $0xffff  }
0x177: {  	v9 =	vor.u32 $0x280E, v0;
	v1 =	vadd.f32 v5, v1  }
0x178: {  	v4 =	vld.idx.msk [tilespmem:v11+s20+$0x0], $0xffff  }
0x179: {  	v10 =	vor.u32 $0x280F, v0;
	v1 =	vadd.f32 v6, v1  }
0x17a: {  	v2 =	vld.idx.msk [tilespmem:v2+s20+$0x0], $0xffff  }
0x17b: {  	v1 =	vadd.f32 v3, v1  }
0x17c: {  	v3 =	vld.idx.msk [tilespmem:v9+s20+$0x0], $0xffff  }
0x17d: {  	v1 =	vadd.f32 v4, v1  }
0x17e: {  	v11 =	vld.idx.msk [tilespmem:v10+s20+$0x0], $0xffff  }
0x17f: {  	v1 =	vadd.f32 v2, v1;
	_ =	sdelay $0x1  }
0x180: {  	v2 =	vor.u32 $0x3000, v0;
	v1 =	vadd.f32 v3, v1  }
0x181: {  	v3 =	vor.u32 $0x3001, v0  }
0x182: {  	v1 =	vadd.f32 v11, v1  }
0x183: {  	v8 =	vor.u32 $0x3002, v0  }
0x184: {  	[tilespmem:$0xC250] =	vst v1  }
0x185: {  	v1 =	vld.idx.msk [tilespmem:v2+s20+$0x0], $0xffff;
	v2 =	vor.u32 $0x3003, v0  }
0x186: {  	v3 =	vld.idx.msk [tilespmem:v3+s20+$0x0], $0xffff  }
0x187: {  	v9 =	vor.u32 $0x3004, v0  }
0x188: {  	v4 =	vld.idx.msk [tilespmem:v8+s20+$0x0], $0xffff  }
0x189: {  	v10 =	vor.u32 $0x3005, v0  }
0x18a: {  	v2 =	vld.idx.msk [tilespmem:v2+s20+$0x0], $0xffff  }
0x18b: {  	v1 =	vadd.f32 v3, v1;
	v3 =	vor.u32 $0x3006, v0  }
0x18c: {  	v5 =	vld.idx.msk [tilespmem:v9+s20+$0x0], $0xffff  }
0x18d: {  	v11 =	vor.u32 $0x3007, v0;
	v1 =	vadd.f32 v4, v1  }
0x18e: {  	v6 =	vld.idx.msk [tilespmem:v10+s20+$0x0], $0xffff  }
0x18f: {  	v1 =	vadd.f32 v2, v1;
	v2 =	vor.u32 $0x3008, v0  }
0x190: {  	v3 =	vld.idx.msk [tilespmem:v3+s20+$0x0], $0xffff  }
0x191: {  	v9 =	vor.u32 $0x3009, v0;
	v1 =	vadd.f32 v5, v1  }
0x192: {  	v4 =	vld.idx.msk [tilespmem:v11+s20+$0x0], $0xffff  }
0x193: {  	v10 =	vor.u32 $0x300A, v0;
	v1 =	vadd.f32 v6, v1  }
0x194: {  	v2 =	vld.idx.msk [tilespmem:v2+s20+$0x0], $0xffff  }
0x195: {  	v1 =	vadd.f32 v3, v1;
	v3 =	vor.u32 $0x300B, v0  }
0x196: {  	v5 =	vld.idx.msk [tilespmem:v9+s20+$0x0], $0xffff  }
0x197: {  	v11 =	vor.u32 $0x300C, v0;
	v1 =	vadd.f32 v4, v1  }
0x198: {  	v6 =	vld.idx.msk [tilespmem:v10+s20+$0x0], $0xffff  }
0x199: {  	v1 =	vadd.f32 v2, v1;
	v2 =	vor.u32 $0x300D, v0  }
0x19a: {  	v3 =	vld.idx.msk [tilespmem:v3+s20+$0x0], $0xffff  }
0x19b: {  	v9 =	vor.u32 $0x300E, v0;
	v1 =	vadd.f32 v5, v1  }
0x19c: {  	v4 =	vld.idx.msk [tilespmem:v11+s20+$0x0], $0xffff  }
0x19d: {  	v10 =	vor.u32 $0x300F, v0;
	v1 =	vadd.f32 v6, v1  }
0x19e: {  	v2 =	vld.idx.msk [tilespmem:v2+s20+$0x0], $0xffff  }
0x19f: {  	v1 =	vadd.f32 v3, v1  }
0x1a0: {  	v3 =	vld.idx.msk [tilespmem:v9+s20+$0x0], $0xffff  }
0x1a1: {  	v1 =	vadd.f32 v4, v1  }
0x1a2: {  	v11 =	vld.idx.msk [tilespmem:v10+s20+$0x0], $0xffff  }
0x1a3: {  	v1 =	vadd.f32 v2, v1;
	_ =	sdelay $0x1  }
0x1a4: {  	v2 =	vor.u32 $0x3800, v0;
	v1 =	vadd.f32 v3, v1  }
0x1a5: {  	v3 =	vor.u32 $0x3801, v0  }
0x1a6: {  	v1 =	vadd.f32 v11, v1  }
0x1a7: {  	v8 =	vor.u32 $0x3802, v0  }
0x1a8: {  	[tilespmem:$0xC260] =	vst v1  }
0x1a9: {  	v1 =	vld.idx.msk [tilespmem:v2+s20+$0x0], $0xffff;
	v2 =	vor.u32 $0x3803, v0  }
0x1aa: {  	v3 =	vld.idx.msk [tilespmem:v3+s20+$0x0], $0xffff  }
0x1ab: {  	v9 =	vor.u32 $0x3804, v0  }
0x1ac: {  	v4 =	vld.idx.msk [tilespmem:v8+s20+$0x0], $0xffff  }
0x1ad: {  	v10 =	vor.u32 $0x3805, v0  }
0x1ae: {  	v2 =	vld.idx.msk [tilespmem:v2+s20+$0x0], $0xffff  }
0x1af: {  	v1 =	vadd.f32 v3, v1;
	v3 =	vor.u32 $0x3806, v0  }
0x1b0: {  	v5 =	vld.idx.msk [tilespmem:v9+s20+$0x0], $0xffff  }
0x1b1: {  	v11 =	vor.u32 $0x3807, v0;
	v1 =	vadd.f32 v4, v1  }
0x1b2: {  	v6 =	vld.idx.msk [tilespmem:v10+s20+$0x0], $0xffff  }
0x1b3: {  	v1 =	vadd.f32 v2, v1;
	v2 =	vor.u32 $0x3808, v0  }
0x1b4: {  	v3 =	vld.idx.msk [tilespmem:v3+s20+$0x0], $0xffff  }
0x1b5: {  	v9 =	vor.u32 $0x3809, v0;
	v1 =	vadd.f32 v5, v1  }
0x1b6: {  	v4 =	vld.idx.msk [tilespmem:v11+s20+$0x0], $0xffff  }
0x1b7: {  	v10 =	vor.u32 $0x380A, v0;
	v1 =	vadd.f32 v6, v1  }
0x1b8: {  	v2 =	vld.idx.msk [tilespmem:v2+s20+$0x0], $0xffff  }
0x1b9: {  	v1 =	vadd.f32 v3, v1;
	v3 =	vor.u32 $0x380B, v0  }
0x1ba: {  	v5 =	vld.idx.msk [tilespmem:v9+s20+$0x0], $0xffff  }
0x1bb: {  	v11 =	vor.u32 $0x380C, v0;
	v1 =	vadd.f32 v4, v1  }
0x1bc: {  	v6 =	vld.idx.msk [tilespmem:v10+s20+$0x0], $0xffff  }
0x1bd: {  	v1 =	vadd.f32 v2, v1;
	v2 =	vor.u32 $0x380D, v0  }
0x1be: {  	v3 =	vld.idx.msk [tilespmem:v3+s20+$0x0], $0xffff  }
0x1bf: {  	v9 =	vor.u32 $0x380E, v0;
	v1 =	vadd.f32 v5, v1  }
0x1c0: {  	v4 =	vld.idx.msk [tilespmem:v11+s20+$0x0], $0xffff  }
0x1c1: {  	v10 =	vor.u32 $0x380F, v0;
	v1 =	vadd.f32 v6, v1  }
0x1c2: {  	v2 =	vld.idx.msk [tilespmem:v2+s20+$0x0], $0xffff  }
0x1c3: {  	v1 =	vadd.f32 v3, v1  }
0x1c4: {  	v3 =	vld.idx.msk [tilespmem:v9+s20+$0x0], $0xffff  }
0x1c5: {  	v1 =	vadd.f32 v4, v1  }
0x1c6: {  	v11 =	vld.idx.msk [tilespmem:v10+s20+$0x0], $0xffff  }
0x1c7: {  	v1 =	vadd.f32 v2, v1;
	_ =	sdelay $0x1  }
0x1c8: {  	v1 =	vadd.f32 v3, v1;
	_ =	sdelay $0x1  }
0x1c9: {  	s23 =	sadd.s32 $0x1, s23;
	v1 =	vadd.f32 v11, v1  }
0x1ca: {  	p0 =	sne.s32 s23, $0x4F  }
.Ltmp1:
0x1cb: {  	s1 =	sadd.s32 s9, s24;
	[tilespmem:$0xC270] =	vst v1;
	(pc) =	sbr.rel @p0 .LBB2_2-.Ltmp1, $4  }
0x1cc: {  	[hbm4b:s1+s3] =	stream.linear.scatter [tilespmem:s21], [sflag:$0x3], $0x80, $0x38;
	[tilespmem:$0xC280] =	vst v63  }
0x1cd: {  	_ =	swait.ge [sflag:s13], $0x80  }
0x1ce: {  	[sflag:s13] =	ssyncset.done $0x0  }
0x1cf: {  	[sflag:s13] =	ssyncadd.s32 $0xFFFFFF80  }
0x1d0: {  	s22 =	sadd.s32 $0x1, s22  }
0x1d1: {  	p0 =	sne.s32 s22, s11  }
.Ltmp2:
0x1d2: {  	_ = 	snop;
	(pc) =	sbr.rel @p0 .LBB2_1-.Ltmp2, $1  }
0x1d3: {  	_ =	sdelay $0x3  }
0x1d4: {  	_ =	sfence.sel $0x180000  }
0x1d5: {  	[bflag:$0x0] =	sbarrier.arrive $0xFFFF  }
0x1d6: {  	_ =	strace $0x9000004D  }
0x1d7: {  	[bflag:$0x2] =	sbarrier.arrive $0xFFFF  }
0x1d8: {  	p0 =	sne.s32 s7, $0x0;
	s0 =	rddreg [dreg:$0x3]  }
0x1d9: {  	s0 =	sadd.s32 @!p0 $0x100000, s0  }
0x1da: {  	[sflag:s0] =	ssyncadd.tile.s32 @!p0 $0x1;
	_ =	shalt  }
.Lfunc_end2:
_tile_overlayer_lowered:
.L_overlay_start_2:
0x1db: {  	(tag) =	ssettag $0x2  }
0x1dc: {  	s0 =	rddreg [dreg:$0x0];
	s2 =	stileid.u32  }
0x1dd: {  	s1 =	rddreg [dreg:$0x1];
	p0 =	sne.s32 s2, $0x0  }
0x1de: {  	s3 =	rddreg [dreg:$0x2];
	[bflag:$0x3] =	sbarrier.arrive $0xFFFF;
	s2 =	simm.s32 @!p0 $0x1C03  }
0x1df: {  	[timem:s3], [sflag:s2] =	dma.local @!p0 [hbm:s0], s1  }
0x1e0: {  	s0 =	simm.s32 @!p0 $0x3  }
0x1e1: {  	_ =	swait.ge @!p0 [sflag:s0], s1  }
0x1e2: {  	s1 =	ssub.s32 @!p0 $0x0, s1;
	[sflag:s0] =	ssyncset.done @!p0 $0x0  }
0x1e3: {  	[sflag:s0] =	ssyncadd.s32 @!p0 s1  }
0x1e4: {  	[bflag:$0x3] =	sbarrier.arrive $0xFFFF  }
0x1e5: {  	_ =	shalt  }

// kernel: kernel.8.cloned.1.call-start
scs
__scs_entry_jumppad:
0x0: {  	(pc) =	sbr.rel $0x88, $3  }
0x1: {  	(tag) =	ssettag $0x0;
	lr =	simm.s32 $0x1  }
0x2: {  	[smem:$0x3F8B] =	sst lr;
	_ =	strace $0xD0000000  }
0x3: {  	_ = 	snop  }
0x4: {  	_ = 	snop  }
0x5: {  	_ = 	snop  }
0x6: {  	_ = 	snop  }
0x7: {  	_ = 	snop  }
__scs_overlays_trampoline_lowered:
0x8: {  	[smem:$0x3F9A] =	sst s0  }
0x9: {  	[smem:$0x3F9B] =	sst s1  }
0xa: {  	[smem:$0x3F9C] =	sst s2  }
0xb: {  	[smem:$0x3F9D] =	sst s3  }
0xc: {  	[smem:$0x3F9E] =	sst s4  }
0xd: {  	[smem:$0x3F9F] =	sst s5  }
0xe: {  	[smem:$0x3FA0] =	sst s6  }
0xf: {  	[smem:$0x3FA1] =	sst s7  }
0x10: {  	[smem:$0x3FA2] =	sst s8  }
0x11: {  	[smem:$0x3FA3] =	sst s9;
	s0 =	simm.s32 @!p0 $0x0  }
0x12: {  	s1 =	sld [smem:$0x3F89];
	s0 =	simm.s32 @p0 $0x1  }
0x13: {  	[smem:$0x3FA4] =	sst s0;
	s0 =	simm.s32 @!p1 $0x0  }
0x14: {  	s2 =	sld [smem:$0x3F88];
	s0 =	simm.s32 @p1 $0x1  }
0x15: {  	[smem:$0x3FA5] =	sst s0;
	s0 =	simm.s32 @!p2 $0x0  }
0x16: {  	s3 =	sld [smem:$0x3FDB];
	s0 =	simm.s32 @p2 $0x1  }
0x17: {  	s4 =	simm.s32 $0x1BF5;
	[smem:$0x3FA7] =	sst s0  }
0x18: {  	s0 =	sld [smem:$0x3F8A];
	_ =	swait.ge [sflag:s4], $0x0  }
0x19: {  	s7 =	sld [smem:$0x3F8B]  }
0x1a: {  	s8 =	sadd.s32 $0xFFFFE003, lr  }
0x1b: {  	s9 =	sadd.s32 $0xFFFFFEF7, lr;
	s5 =	simm.s32 $0xFFFFFFFF;
	p2 =	slt.u32 s8, $0xFFFFF086  }
0x1c: {  	p1 =	slt.u32 s9, $0xF7A;
	s5 =	simm.s32 @!p2 $0x0  }
0x1d: {  	s5 =	simm.s32 @p1 $0x1;
	p0 =	seq.s32 s7, s2  }
0x1e: {  	s7 =	smul.u32 @!p0 $0xF7A, s2;
	p2 =	seq.s32 @!p0 s5, $0x0  }
0x1f: {  	s9 =	smul.u32 $0xF7A, s1;
	s8 =	simm.s32 @!p0 $0x1BF5;
	p2 =	por !p2, p0  }
0x20: {  	[sflag:s8] =	ssyncset.s32 @!p0 $0xFFFFF086;
	s6 =	sadd.s32 @!p0 s3, s7;
	s7 =	simm.s32 @!p0 $0x108  }
0x21: {  	s3 =	sadd.s32 s3, s9;
	s6 =	sadd.s32 @!p0 $0x88, s6;
	s7 =	simm.s32 @p2 $0x1082  }
0x22: {  	[simem:s7], [sflag:s8] =	dma.local @!p0 [hbm:s6], $0xF7A  }
0x23: {  	s9 =	sor.u32 $0xD0000000, s2;
	s6 =	simm.s32 $0x108;
	_ =	swait.ge @!p0 [sflag:s8], $0x0  }
0x24: {  	s3 =	sadd.s32 $0x88, s3;
	s6 =	simm.s32 @!p1 $0x1082;
	[sflag:s4] =	ssyncset.s32 $0xFFFFF086  }
0x25: {  	[simem:s6], [sflag:s4] =	dma.local [hbm:s3], $0xF7A  }
0x26: {  	[smem:$0x3F8B] =	sst s1;
	(tag) =	ssettag s2;
	_ =	strace s9  }
0x27: {  	s1 =	sld [smem:$0x3F9B]  }
0x28: {  	s2 =	sld [smem:$0x3F9C]  }
0x29: {  	s4 =	sld [smem:$0x3F9E]  }
0x2a: {  	p0 =	seq.s32 s5, $0x0;
	s5 =	sld [smem:$0x3F9F]  }
0x2b: {  	s6 =	sld [smem:$0x3FA0]  }
0x2c: {  	s7 =	sld [smem:$0x3FA1]  }
0x2d: {  	s3 =	simm.s32 $0x108;
	s8 =	sld [smem:$0x3FA2]  }
0x2e: {  	s3 =	simm.s32 @!p0 $0x1082;
	s9 =	sld [smem:$0x3FA3]  }
0x2f: {  	lr =	sadd.s32 s0, s3;
	s0 =	sld [smem:$0x3F9A]  }
0x30: {  	s3 =	sld [smem:$0x3F9D]  }
0x31: {  	[smem:$0x3FA6] =	sst s10  }
0x32: {  	s10 =	sld [smem:$0x3FA4];
	_ =	sdelay $0x3  }
0x33: {  	p0 =	seq.s32 s10, $0x1;
	s10 =	sld [smem:$0x3FA6];
	_ =	sdelay $0x3  }
0x34: {  	[smem:$0x3FA6] =	sst s10  }
0x35: {  	s10 =	sld [smem:$0x3FA5];
	_ =	sdelay $0x3  }
0x36: {  	p1 =	seq.s32 s10, $0x1;
	s10 =	sld [smem:$0x3FA6];
	_ =	sdelay $0x3  }
0x37: {  	[smem:$0x3FA6] =	sst s10  }
0x38: {  	s10 =	sld [smem:$0x3FA7]  }
0x39: {  	_ = 	snop;
	(pc) =	sbr.ind lr, $3  }
0x3a: {  	_ = 	snop  }
0x3b: {  	_ = 	snop  }
0x3c: {  	p2 =	seq.s32 s10, $0x1;
	s10 =	sld [smem:$0x3FA6]  }
0x3d: {  	_ =	shalt  }
0x3e: {  	_ =	shalt  }
0x3f: {  	_ =	shalt  }
0x40: {  	_ =	shalt  }
0x41: {  	_ =	shalt  }
0x42: {  	_ =	shalt  }
0x43: {  	_ =	shalt  }
0x44: {  	_ =	shalt  }
0x45: {  	_ =	shalt  }
0x46: {  	_ =	shalt  }
0x47: {  	_ =	shalt  }
0x48: {  	_ =	shalt  }
0x49: {  	_ =	shalt  }
0x4a: {  	_ =	shalt  }
0x4b: {  	_ =	shalt  }
0x4c: {  	_ =	shalt  }
0x4d: {  	_ =	shalt  }
0x4e: {  	_ =	shalt  }
0x4f: {  	_ =	shalt  }
0x50: {  	_ =	shalt  }
0x51: {  	_ =	shalt  }
0x52: {  	_ =	shalt  }
0x53: {  	_ =	shalt  }
0x54: {  	_ =	shalt  }
0x55: {  	_ =	shalt  }
0x56: {  	_ =	shalt  }
0x57: {  	_ =	shalt  }
0x58: {  	_ =	shalt  }
0x59: {  	_ =	shalt  }
0x5a: {  	_ =	shalt  }
0x5b: {  	_ =	shalt  }
0x5c: {  	_ =	shalt  }
0x5d: {  	_ =	shalt  }
0x5e: {  	_ =	shalt  }
0x5f: {  	_ =	shalt  }
0x60: {  	_ =	shalt  }
0x61: {  	_ =	shalt  }
0x62: {  	_ =	shalt  }
0x63: {  	_ =	shalt  }
0x64: {  	_ =	shalt  }
0x65: {  	_ =	shalt  }
0x66: {  	_ =	shalt  }
0x67: {  	_ =	shalt  }
0x68: {  	_ =	shalt  }
0x69: {  	_ =	shalt  }
0x6a: {  	_ =	shalt  }
0x6b: {  	_ =	shalt  }
0x6c: {  	_ =	shalt  }
0x6d: {  	_ =	shalt  }
0x6e: {  	_ =	shalt  }
0x6f: {  	_ =	shalt  }
0x70: {  	_ =	shalt  }
0x71: {  	_ =	shalt  }
0x72: {  	_ =	shalt  }
0x73: {  	_ =	shalt  }
0x74: {  	_ =	shalt  }
0x75: {  	_ =	shalt  }
0x76: {  	_ =	shalt  }
0x77: {  	_ =	shalt  }
0x78: {  	_ =	shalt  }
0x79: {  	_ =	shalt  }
0x7a: {  	_ =	shalt  }
0x7b: {  	_ =	shalt  }
0x7c: {  	_ =	shalt  }
0x7d: {  	_ =	shalt  }
0x7e: {  	_ =	shalt  }
0x7f: {  	_ =	shalt  }
0x80: {  	_ =	shalt  }
0x81: {  	_ =	shalt  }
0x82: {  	_ =	shalt  }
0x83: {  	_ =	shalt  }
0x84: {  	_ =	shalt  }
0x85: {  	_ =	shalt  }
0x86: {  	_ =	shalt  }
0x87: {  	_ =	shalt  }
.Lfunc_end0:
.L_simem_size_0:
called_computation_lowered:
.L_overlay_start_0:
0x88: {  	s2 =	sld [smem:$0x3FD9]  }
0x89: {  	s3 =	sld [smem:$0x3FFE];
	_ =	sdelay $0x1  }
0x8a: {  	s1 =	srdreg.scid  }
0x8b: {  	s0 =	sand.u32 $0x1, s1  }
0x8c: {  	s14 =	sshll.u32 s0, $0xA;
	s2 =	sadd.s32 s3, s2  }
0x8d: {  	s2 =	sadd.s32 s2, s14  }
0x8e: {  	[smem:$0x3FB2] =	sst s2  }
0x8f: {  	_ = 	snop  }
0x90: {  	s2 =	sld [smem:$0x3FD0];
	_ =	sdelay $0x2  }
0x91: {  	s15 =	simm.s32 $0xA;
	s4 =	simm.s32 $0x10  }
0x92: {  	[smem:s4], [sflag:s15] =	dma.local [hbm:s2], $0x1  }
0x93: {  	_ =	swait.eq [sflag:s15], $0x1  }
0x94: {  	s16 =	sld [smem:$0x10];
	[sflag:s15] =	ssyncset.done $0x0  }
0x95: {  	s17 =	sld [smem:$0x11];
	[sflag:s15] =	ssyncadd.s32 $0xFFFFFFFF  }
0x96: {  	s18 =	sld [smem:$0x12];
	(tm) =	ssettm $0x1  }
0x97: {  	s5 =	sld [smem:$0x3FFB];
	_ =	sdelay $0x3  }
0x98: {  	_ =	strace s5  }
0x99: {  	s5 =	sld [smem:$0x3FFC];
	_ =	sdelay $0x3  }
0x9a: {  	_ =	strace s5  }
0x9b: {  	s5 =	sld [smem:$0x3FFD];
	_ =	sdelay $0x3  }
0x9c: {  	_ =	strace s5  }
0x9d: {  	_ =	strace $0x8FFFFFFF  }
0x9e: {  	s19 =	sld [smem:$0x3FDB];
	_ =	sdelay $0x1  }
0x9f: {  	s6 =	simm.s32 $_scs_section_size  }
0xa0: {  	s7 =	simm.s32 $_size__tile_overlayer_lowered;
	s8 =	simm.s32 $_tile_overlayer_lowered  }
0xa1: {  	s22 =	simm.s32 $0x1BFF;
	s21 =	sshll.u32 s8, $0x1;
	s5 =	sadd.s32 s6, s19  }
0xa2: {  	s9 =	simm.s32 $0x0;
	s20 =	sshll.u32 s7, $0x1;
	s7 =	sadd.s32 s21, s5  }
0xa3: {  	[timem:s9], [sflag:s22] =	dma.local [hbm:s7], s20  }
0xa4: {  	_ =	swait.ge [sflag:s22], s20  }
0xa5: {  	s6 =	ssub.s32 $0x0, s20;
	[sflag:s22] =	ssyncset.done $0x0  }
0xa6: {  	[sflag:s22] =	ssyncadd.s32 s6;
	_ =	sdelay $0x1  }
0xa7: {  	s23 =	simm.s32 $0x1B8B  }
0xa8: {  	_ =	swait.ge [sflag:s23], $0x1  }
0xa9: {  	[sflag:s23] =	ssyncset.done $0x0  }
0xaa: {  	s25 =	simm.s32 $0x1B8E;
	s24 =	sld [smem:$0x3FFE];
	[sflag:s23] =	ssyncadd.s32 $0xFFFFFFFF  }
0xab: {  	s26 =	simm.s32 $execute0_lowered;
	[smem:$0x3FD2] =	sst s25  }
0xac: {  	s7 =	sshll.u32 s26, $0x1;
	_ =	strace $0x80000046;
	[dreg:$0x1] =	wrdreg $0xFFFFFFFF  }
0xad: {  	s28 =	simm.s32 $_size_execute0_lowered;
	s5 =	sadd.s32 s5, s7;
	[dreg:$0x0] =	wrdreg $0x0  }
0xae: {  	s7 =	sshll.u32 s28, $0x1;
	[dreg:$0x2] =	wrdreg s5  }
0xaf: {  	[dreg:$0x3] =	wrdreg s7  }
0xb0: {  	[dreg:$0x4] =	wrdreg $0xC0  }
0xb1: {  	_ =	task [dreg:s9], $0x5FFFF  }
0xb2: {  	[dreg:$0x1] =	wrdreg $0xFFFFFFFF  }
0xb3: {  	[dreg:$0x0] =	wrdreg $0x60  }
0xb4: {  	[dreg:$0x2] =	wrdreg s24  }
0xb5: {  	[dreg:$0x3] =	wrdreg s16  }
0xb6: {  	[dreg:$0x4] =	wrdreg s18  }
0xb7: {  	[dreg:$0x5] =	wrdreg s17  }
0xb8: {  	[dreg:$0x6] =	wrdreg $0x92800  }
0xb9: {  	[dreg:$0x7] =	wrdreg $0x1D2800  }
0xba: {  	[dreg:$0x8] =	wrdreg $0x1D5000  }
0xbb: {  	[dreg:$0x9] =	wrdreg $0x9  }
0xbc: {  	_ =	task.clear_ibuf [dreg:s9], $0xAFFFF;
	_ =	strace $0x90000046  }
0xbd: {  	s29 =	simm.s32 $0x9;
	_ =	strace $0x80000048  }
0xbe: {  	_ =	swait.ge [sflag:s29], $0x1  }
0xbf: {  	[sflag:s29] =	ssyncadd.s32 $0xFFFFFFFF  }
0xc0: {  	_ =	strace $0x90000048  }
0xc1: {  	_ =	sfence  }
0xc2: {  	s30 =	sld [smem:$0x0];
	_ =	sdelay $0x2  }
0xc3: {  	s31 =	sshll.u32 s1, $0xD;
	s1 =	sshrl.u32 s1, $0x2  }
0xc4: {  	s3 =	sand.u32 $0x4000, s31;
	s1 =	sadd.s32 s1, s30  }
0xc5: {  	s0 =	sor.u32 s3, s0;
	s1 =	sshll.u32 s1, $0x11  }
0xc6: {  	s0 =	sor.u32 s1, s0  }
0xc7: {  	s0 =	sadd.s32 $0x8F2B, s0  }
0xc8: {  	[sflag:s0] =	ssyncadd.remote.s32 $0x1  }
0xc9: {  	_ =	sfence.sel $0xFFFF  }
0xca: {  	[dreg:$0x0] =	wrdreg $0xFFFFFFFF;
	(pc) =	sbr.abs _section_cstart, $3  }
0xcb: {  	[dreg:$0x1] =	wrdreg $0xFFFFFFFF  }
0xcc: {  	_ =	task.clear_ibuf [dreg:s9], $0x2FFFF;
	_ =	strace $0x9FFFFFFF  }
0xcd: {  	(tm) =	ssettm $0x7FFFFFFF  }
tec
execute0_lowered:
.L_overlay_start_1:
0x0: {  	(tag) =	ssettag $0x1  }
0x1: {  	s0 =	rddreg [dreg:$0x0]  }
0x2: {  	s6 =	rddreg [dreg:$0x1]  }
0x3: {  	s1 =	rddreg [dreg:$0x2]  }
0x4: {  	s2 =	rddreg [dreg:$0x3]  }
0x5: {  	s3 =	rddreg [dreg:$0x4]  }
0x6: {  	s4 =	rddreg [dreg:$0x5]  }
0x7: {  	s5 =	rddreg [dreg:$0x6];
	s7 =	srdreg.scid  }
0x8: {  	s8 =	simm.s32 $0x0;
	s22 =	stileid.u32;
	s28 =	simm.s32 $0x2800  }
0x9: {  	s29 =	simm.s32 $0x5000;
	s30 =	simm.s32 $0x3;
	s31 =	simm.s32 $0x5080  }
0xa: {  	s7 =	sand.u32 $0x1, s7;
	[smem:$0x7FF] =	sst s8;
	s14 =	smul.u32 $0x280, s22  }
0xb: {  	s8 =	sadd.s32 $0x2A00, s0;
	s9 =	sadd.s32 $0x53400, s0;
	s23 =	smul.u32 $0x50000, s22  }
0xc: {  	s10 =	sadd.s32 $0x53C00, s0;
	s26 =	sshll.u32 s22, $0x6;
	s13 =	smul.u32 $0x2800, s7  }
0xd: {  	_ =	strace $0x80000047;
	s19 =	ssub.s32 $0x2, s7;
	p0 =	sne.s32 s7, $0x0  }
0xe: {  	s7 =	simm.s32 $0x5280;
	s24 =	sshrl.u32 s14, $0x3;
	s25 =	sshrl.u32 s19, $0x1  }
0xf: {  	s15 =	sshrl.u32 s13, $0x3;
	s11 =	sadd.s32 s14, s13;
	s19 =	ssub.s32 s19, s25  }
0x10: {  	v0 =	vmov s13;
	s13 =	simm.s32 $0x1;
	s16 =	sadd.s32 s15, s0;
	s12 =	sshll.u32 s11, $0x4  }
0x11: {  	s11 =	sshrl.u32 s11, $0x3;
	s6 =	sadd.s32 s6, s15;
	s15 =	sadd.s32 s14, s4  }
0x12: {  	s19 =	smax.u32 s19, $0x1;
	s17 =	sadd.s32 s12, s0;
	s18 =	sadd.s32 s11, s0  }
0x13: {  	s0 =	sadd.s32 s24, s0;
	s12 =	sshrl.u32 s23, $0x2;
	[dreg:$0x8] =	wrdreg s6  }
0x14: {  	[dreg:$0x9] =	wrdreg s15;
	s15 =	sadd.s32 s14, s5;
	s16 =	sadd.s32 $0x52A00, s16  }
0x15: {  	[dreg:$0xe] =	wrdreg s19;
	s14 =	simm.s32 $0x5180;
	s11 =	sadd.s32 s12, s3  }
0x16: {  	s12 =	sor.u32 $0x1C02, s26;
	[dreg:$0xa] =	wrdreg s16;
	s17 =	sadd.s32 $0x53E00, s17  }
0x17: {  	s18 =	sadd.s32 $0xA3E00, s18;
	s0 =	sadd.s32 $0xA4800, s0;
	[dreg:$0xb] =	wrdreg s17  }
0x18: {  	s16 =	simm.s32 $0x0;
	s20 =	sadd.s32 $0x4000, s11;
	[dreg:$0xc] =	wrdreg s18  }
0x19: {  	s21 =	sadd.s32 $0x8000, s11;
	[dreg:$0xd] =	wrdreg s0;
	s24 =	sshrl.u32 s20, $0x3  }
0x1a: {  	s23 =	sadd.s32 $0xC000, s11;
	s25 =	sshrl.u32 s21, $0x3;
	[dreg:$0xf] =	wrdreg s24  }
0x1b: {  	s6 =	sadd.s32 $0x10000, s11;
	s26 =	sshrl.u32 s23, $0x3;
	[dreg:$0x10] =	wrdreg s25  }
0x1c: {  	s0 =	simm.s32 $0x80;
	[dreg:$0x11] =	wrdreg s26;
	s24 =	sshrl.u32 s6, $0x3  }
0x1d: {  	v1 =	vimm.f32 $1.000000000e+00;
	s25 =	smul.u32 $0x5100, s22;
	s26 =	simm.s32 $0x2;
	s6 =	simm.s32 $0x5100  }
.LBB2_1:
0x1e: {  	s17 =	sshrl.u32 s11, $0x3  }
0x1f: {  	[spmem:s17], [sflag:s12] =	dma.local [hbm:s9], $0x800  }
0x20: {  	_ =	swait.ge [sflag:s26], $0x800  }
0x21: {  	[sflag:s26] =	ssyncset.done $0x0  }
0x22: {  	s18 =	rddreg [dreg:$0xf];
	[sflag:s26] =	ssyncadd.s32 $0xFFFFF800  }
0x23: {  	[spmem:s18], [sflag:s12] =	dma.local [hbm:s9], $0x800  }
0x24: {  	_ =	swait.ge [sflag:s26], $0x800  }
0x25: {  	[sflag:s26] =	ssyncset.done $0x0  }
0x26: {  	s19 =	rddreg [dreg:$0x10];
	[sflag:s26] =	ssyncadd.s32 $0xFFFFF800  }
0x27: {  	[spmem:s19], [sflag:s12] =	dma.local [hbm:s9], $0x800  }
0x28: {  	_ =	swait.ge [sflag:s26], $0x800  }
0x29: {  	[sflag:s26] =	ssyncset.done $0x0  }
0x2a: {  	s20 =	rddreg [dreg:$0x11];
	[sflag:s26] =	ssyncadd.s32 $0xFFFFF800  }
0x2b: {  	[spmem:s20], [sflag:s12] =	dma.local [hbm:s9], $0x800  }
0x2c: {  	_ =	swait.ge [sflag:s26], $0x800  }
0x2d: {  	[sflag:s26] =	ssyncset.done $0x0  }
0x2e: {  	[sflag:s26] =	ssyncadd.s32 $0xFFFFF800  }
0x2f: {  	[spmem:s24], [sflag:s12] =	dma.local [hbm:s9], $0x800  }
0x30: {  	_ =	swait.ge [sflag:s26], $0x800  }
0x31: {  	[sflag:s26] =	ssyncset.done $0x0;
	s21 =	rddreg [dreg:$0x9]  }
0x32: {  	[sflag:s26] =	ssyncadd.s32 $0xFFFFF800;
	s18 =	sshrl.u32 s21, $0x3  }
0x33: {  	[spmem:s18], [sflag:s12] =	dma.local [hbm:s10], $0x50  }
0x34: {  	_ =	swait.ge [sflag:s26], $0x50  }
0x35: {  	[sflag:s26] =	ssyncset.done $0x0  }
0x36: {  	s19 =	sshrl.u32 s15, $0x3;
	[sflag:s26] =	ssyncadd.s32 $0xFFFFFFB0  }
0x37: {  	[spmem:s19], [sflag:s12] =	dma.local [hbm:s10], $0x50  }
0x38: {  	_ =	swait.ge [sflag:s26], $0x50  }
0x39: {  	[sflag:s26] =	ssyncset.done $0x0  }
0x3a: {  	s22 =	simm.s32 $0x0;
	s20 =	rddreg [dreg:$0xa];
	[sflag:s26] =	ssyncadd.s32 $0xFFFFFFB0  }
0x3b: {  	[tilespmem:s22], [sflag:$0x2] =	stream.linear.gather [hbm4b:s20+s22], $0x2800, $0x38;
	[tilespmem:$0x1D780] =	vst v63  }
0x3c: {  	_ =	swait.ge [sflag:s26], $0x2800  }
0x3d: {  	[sflag:s26] =	ssyncset.done $0x0  }
0x3e: {  	s23 =	rddreg [dreg:$0x8];
	[sflag:s26] =	ssyncadd.s32 $0xFFFFD800  }
0x3f: {  	[tilespmem:s28], [sflag:$0x2] =	stream.linear.gather [hbm4b:s23+s22], $0x2800, $0x38;
	[tilespmem:$0x1D780] =	vst v63  }
0x40: {  	_ =	swait.ge [sflag:s26], $0x2800  }
0x41: {  	[sflag:s26] =	ssyncset.done $0x0  }
0x42: {  	[sflag:s26] =	ssyncadd.s32 $0xFFFFD800  }
0x43: {  	s19 =	simm.s32 $0x0;
	[bflag:$0x0] =	sbarrier.arrive $0xFFFF  }
.LBB2_2:
0x44: {  	s20 =	sshll.u32 s19, $0x7  }
0x45: {  	s20 =	sadd.s32 s25, s20  }
0x46: {  	s22 =	sshrl.u32 s20, $0x3  }
0x47: {  	s21 =	simm.s32 $0x0;
	s23 =	sadd.s32 s1, s22  }
0x48: {  	[tilespmem:s29], [sflag:$0x3] =	stream.linear.gather [hbm4b:s23+s21], $0x80, $0x38;
	[tilespmem:$0x1D780] =	vst v63  }
0x49: {  	_ =	swait.ge [sflag:s30], $0x80  }
0x4a: {  	[sflag:s30] =	ssyncset.done $0x0  }
0x4b: {  	s22 =	sadd.s32 s2, s22;
	[sflag:s30] =	ssyncadd.s32 $0xFFFFFF80  }
0x4c: {  	[tilespmem:s31], [sflag:$0x3] =	stream.linear.gather [hbm4b:s22+s21], $0x80, $0x38;
	[tilespmem:$0x1D780] =	vst v63  }
0x4d: {  	_ =	swait.ge [sflag:s30], $0x80  }
0x4e: {  	[sflag:s30] =	ssyncset.done $0x0  }
0x4f: {  	[sflag:s30] =	ssyncadd.s32 $0xFFFFFF80  }
0x50: {  	v2 =	vld [tilespmem:$0x5000]  }
0x51: {  	v3 =	vld [tilespmem:$0x5080];
	_ =	sdelay $0x4  }
0x52: {  	v4 =	vadd.s32 v0, v2  }
0x53: {  	[tilespmem:$0x5100] =	vst v4  }
0x54: {  	v2 =	vld.idx.msk [tilespmem:v2+s21+$0x0], $0xffff  }
0x55: {  	v3 =	vld.idx.msk [tilespmem:v3+s28+$0x0], $0xffff;
	_ =	sdelay $0x4  }
0x56: {  	v2 =	vadd.f32 v3, v2;
	_ =	sdelay $0x1  }
0x57: {  	v3 =	vmin.f32 v2, $0.0e+00  }
0x58: {  	v3 =	vmul.f32 $2.000000030e-01, v3  }
0x59: {  	v2 =	vmax.f32 v2, $0.0e+00  }
0x5a: {  	v2 =	vadd.f32 v3, v2;
	_ =	sdelay $0x1  }
0x5b: {  	v2 =	vmul.f32 $1.442695020e+00, v2;
	_ =	sdelay $0x1  }
0x5c: {  	(erf) = vpow2.f32 v2;
	_ =	sdelay $0x5  }
0x5d: {  	v2 =	vld [tilespmem:$0x5010]  }
0x5e: {  	v3 =	vld [tilespmem:$0x5090];
	_ =	sdelay $0x1  }
0x5f: {  	p1 =	slt.u32 s20, $0x50910;
	v4 =	vpop (erf)  }
0x60: {  	v4 =	vpsel !p1, $0x0, v4  }
0x61: {  	[tilespmem:$0x5180] =	vst v4;
	v4 =	vpsel !p1, $0x0, v1  }
0x62: {  	[tilespmem:$0x5200] =	vst v4;
	v4 =	vadd.s32 v0, v2  }
0x63: {  	[tilespmem:$0x5110] =	vst v4  }
0x64: {  	v2 =	vld.idx.msk [tilespmem:v2+s21+$0x0], $0xffff  }
0x65: {  	v3 =	vld.idx.msk [tilespmem:v3+s28+$0x0], $0xffff;
	_ =	sdelay $0x4  }
0x66: {  	v2 =	vadd.f32 v3, v2;
	_ =	sdelay $0x1  }
0x67: {  	v3 =	vmin.f32 v2, $0.0e+00  }
0x68: {  	v3 =	vmul.f32 $2.000000030e-01, v3  }
0x69: {  	v2 =	vmax.f32 v2, $0.0e+00  }
0x6a: {  	v2 =	vadd.f32 v3, v2;
	_ =	sdelay $0x1  }
0x6b: {  	v2 =	vmul.f32 $1.442695020e+00, v2;
	_ =	sdelay $0x1  }
0x6c: {  	(erf) = vpow2.f32 v2;
	_ =	sdelay $0x5  }
0x6d: {  	v2 =	vld [tilespmem:$0x5020]  }
0x6e: {  	v3 =	vld [tilespmem:$0x50A0]  }
0x6f: {  	s23 =	sor.u32 $0x10, s20  }
0x70: {  	p5 =	slt.u32 s23, $0x50910;
	v4 =	vpop (erf)  }
0x71: {  	v4 =	vpsel !p5, $0x0, v4  }
0x72: {  	[tilespmem:$0x5190] =	vst v4;
	v4 =	vpsel !p5, $0x0, v1  }
0x73: {  	[tilespmem:$0x5210] =	vst v4;
	v4 =	vadd.s32 v0, v2  }
0x74: {  	[tilespmem:$0x5120] =	vst v4  }
0x75: {  	v2 =	vld.idx.msk [tilespmem:v2+s21+$0x0], $0xffff  }
0x76: {  	v3 =	vld.idx.msk [tilespmem:v3+s28+$0x0], $0xffff;
	_ =	sdelay $0x4  }
0x77: {  	v2 =	vadd.f32 v3, v2;
	_ =	sdelay $0x1  }
0x78: {  	v3 =	vmin.f32 v2, $0.0e+00  }
0x79: {  	v3 =	vmul.f32 $2.000000030e-01, v3  }
0x7a: {  	v2 =	vmax.f32 v2, $0.0e+00  }
0x7b: {  	v2 =	vadd.f32 v3, v2;
	_ =	sdelay $0x1  }
0x7c: {  	v2 =	vmul.f32 $1.442695020e+00, v2;
	_ =	sdelay $0x1  }
0x7d: {  	(erf) = vpow2.f32 v2;
	_ =	sdelay $0x5  }
0x7e: {  	v2 =	vld [tilespmem:$0x5030]  }
0x7f: {  	v3 =	vld [tilespmem:$0x50B0]  }
0x80: {  	s23 =	sor.u32 $0x20, s20  }
0x81: {  	p6 =	slt.u32 s23, $0x50910;
	v4 =	vpop (erf)  }
0x82: {  	v4 =	vpsel !p6, $0x0, v4  }
0x83: {  	[tilespmem:$0x51A0] =	vst v4;
	v4 =	vpsel !p6, $0x0, v1  }
0x84: {  	[tilespmem:$0x5220] =	vst v4;
	v4 =	vadd.s32 v0, v2  }
0x85: {  	[tilespmem:$0x5130] =	vst v4  }
0x86: {  	v2 =	vld.idx.msk [tilespmem:v2+s21+$0x0], $0xffff  }
0x87: {  	v3 =	vld.idx.msk [tilespmem:v3+s28+$0x0], $0xffff;
	_ =	sdelay $0x4  }
0x88: {  	v2 =	vadd.f32 v3, v2;
	_ =	sdelay $0x1  }
0x89: {  	v3 =	vmin.f32 v2, $0.0e+00  }
0x8a: {  	v3 =	vmul.f32 $2.000000030e-01, v3  }
0x8b: {  	v2 =	vmax.f32 v2, $0.0e+00  }
0x8c: {  	v2 =	vadd.f32 v3, v2;
	_ =	sdelay $0x1  }
0x8d: {  	v2 =	vmul.f32 $1.442695020e+00, v2;
	_ =	sdelay $0x1  }
0x8e: {  	(erf) = vpow2.f32 v2;
	_ =	sdelay $0x5  }
0x8f: {  	v2 =	vld [tilespmem:$0x5040]  }
0x90: {  	v3 =	vld [tilespmem:$0x50C0]  }
0x91: {  	s23 =	sor.u32 $0x30, s20  }
0x92: {  	p2 =	slt.u32 s23, $0x50910;
	v4 =	vpop (erf)  }
0x93: {  	v4 =	vpsel !p2, $0x0, v4  }
0x94: {  	[tilespmem:$0x51B0] =	vst v4;
	v4 =	vpsel !p2, $0x0, v1  }
0x95: {  	[tilespmem:$0x5230] =	vst v4;
	v4 =	vadd.s32 v0, v2  }
0x96: {  	[tilespmem:$0x5140] =	vst v4  }
0x97: {  	v2 =	vld.idx.msk [tilespmem:v2+s21+$0x0], $0xffff  }
0x98: {  	v3 =	vld.idx.msk [tilespmem:v3+s28+$0x0], $0xffff;
	_ =	sdelay $0x4  }
0x99: {  	v2 =	vadd.f32 v3, v2;
	_ =	sdelay $0x1  }
0x9a: {  	v3 =	vmin.f32 v2, $0.0e+00  }
0x9b: {  	v3 =	vmul.f32 $2.000000030e-01, v3  }
0x9c: {  	v2 =	vmax.f32 v2, $0.0e+00  }
0x9d: {  	v2 =	vadd.f32 v3, v2;
	_ =	sdelay $0x1  }
0x9e: {  	v2 =	vmul.f32 $1.442695020e+00, v2;
	_ =	sdelay $0x1  }
0x9f: {  	(erf) = vpow2.f32 v2;
	_ =	sdelay $0x5  }
0xa0: {  	v2 =	vld [tilespmem:$0x5050]  }
0xa1: {  	v3 =	vld [tilespmem:$0x50D0]  }
0xa2: {  	s23 =	sor.u32 $0x40, s20  }
0xa3: {  	p3 =	slt.u32 s23, $0x50910;
	v4 =	vpop (erf)  }
0xa4: {  	v4 =	vpsel !p3, $0x0, v4  }
0xa5: {  	[tilespmem:$0x51C0] =	vst v4;
	v4 =	vpsel !p3, $0x0, v1  }
0xa6: {  	[tilespmem:$0x5240] =	vst v4;
	v4 =	vadd.s32 v0, v2  }
0xa7: {  	[tilespmem:$0x5150] =	vst v4  }
0xa8: {  	v2 =	vld.idx.msk [tilespmem:v2+s21+$0x0], $0xffff  }
0xa9: {  	v3 =	vld.idx.msk [tilespmem:v3+s28+$0x0], $0xffff;
	_ =	sdelay $0x4  }
0xaa: {  	v2 =	vadd.f32 v3, v2;
	_ =	sdelay $0x1  }
0xab: {  	v3 =	vmin.f32 v2, $0.0e+00  }
0xac: {  	v3 =	vmul.f32 $2.000000030e-01, v3  }
0xad: {  	v2 =	vmax.f32 v2, $0.0e+00  }
0xae: {  	v2 =	vadd.f32 v3, v2;
	_ =	sdelay $0x1  }
0xaf: {  	v2 =	vmul.f32 $1.442695020e+00, v2;
	_ =	sdelay $0x1  }
0xb0: {  	(erf) = vpow2.f32 v2;
	_ =	sdelay $0x5  }
0xb1: {  	v2 =	vld [tilespmem:$0x5060]  }
0xb2: {  	v3 =	vld [tilespmem:$0x50E0]  }
0xb3: {  	s23 =	sor.u32 $0x50, s20  }
0xb4: {  	p4 =	slt.u32 s23, $0x50910;
	v4 =	vpop (erf)  }
0xb5: {  	v4 =	vpsel !p4, $0x0, v4  }
0xb6: {  	[tilespmem:$0x51D0] =	vst v4;
	v4 =	vpsel !p4, $0x0, v1  }
0xb7: {  	[tilespmem:$0x5250] =	vst v4;
	v4 =	vadd.s32 v0, v2  }
0xb8: {  	[tilespmem:$0x5160] =	vst v4  }
0xb9: {  	v2 =	vld.idx.msk [tilespmem:v2+s21+$0x0], $0xffff  }
0xba: {  	v3 =	vld.idx.msk [tilespmem:v3+s28+$0x0], $0xffff;
	_ =	sdelay $0x4  }
0xbb: {  	v2 =	vadd.f32 v3, v2;
	_ =	sdelay $0x1  }
0xbc: {  	v3 =	vmin.f32 v2, $0.0e+00  }
0xbd: {  	v3 =	vmul.f32 $2.000000030e-01, v3  }
0xbe: {  	v2 =	vmax.f32 v2, $0.0e+00  }
0xbf: {  	v2 =	vadd.f32 v3, v2;
	_ =	sdelay $0x1  }
0xc0: {  	v2 =	vmul.f32 $1.442695020e+00, v2;
	_ =	sdelay $0x1  }
0xc1: {  	(erf) = vpow2.f32 v2;
	_ =	sdelay $0x5  }
0xc2: {  	v2 =	vld [tilespmem:$0x5070]  }
0xc3: {  	v3 =	vld [tilespmem:$0x50F0]  }
0xc4: {  	s23 =	sor.u32 $0x60, s20  }
0xc5: {  	p5 =	slt.u32 s23, $0x50910;
	v4 =	vpop (erf)  }
0xc6: {  	v4 =	vpsel !p5, $0x0, v4  }
0xc7: {  	[tilespmem:$0x51E0] =	vst v4;
	v4 =	vpsel !p5, $0x0, v1  }
0xc8: {  	[tilespmem:$0x5260] =	vst v4;
	v4 =	vadd.s32 v0, v2  }
0xc9: {  	[tilespmem:$0x5170] =	vst v4  }
0xca: {  	v2 =	vld.idx.msk [tilespmem:v2+s21+$0x0], $0xffff  }
0xcb: {  	v3 =	vld.idx.msk [tilespmem:v3+s28+$0x0], $0xffff;
	_ =	sdelay $0x4  }
0xcc: {  	v2 =	vadd.f32 v3, v2;
	_ =	sdelay $0x1  }
0xcd: {  	v3 =	vmin.f32 v2, $0.0e+00  }
0xce: {  	v3 =	vmul.f32 $2.000000030e-01, v3  }
0xcf: {  	v2 =	vmax.f32 v2, $0.0e+00  }
0xd0: {  	v2 =	vadd.f32 v3, v2;
	_ =	sdelay $0x1  }
0xd1: {  	v2 =	vmul.f32 $1.442695020e+00, v2;
	_ =	sdelay $0x1  }
0xd2: {  	(erf) = vpow2.f32 v2;
	_ =	sdelay $0x7  }
0xd3: {  	s20 =	sor.u32 $0x70, s20  }
0xd4: {  	p6 =	slt.u32 s20, $0x50910;
	v2 =	vpop (erf)  }
0xd5: {  	v2 =	vpsel !p6, $0x0, v2  }
0xd6: {  	[tilespmem:$0x51F0] =	vst v2;
	v2 =	vpsel !p6, $0x0, v1  }
0xd7: {  	[tilespmem:$0x5270] =	vst v2  }
0xd8: {  	[tilespmem:s7], [sflag:$0x1] =	stream.indirect.gather [hbm4b:s8+s0], $0x80, s6, s0, $0xb8;
	[tilespmem:$0x1D780] =	vst v63  }
0xd9: {  	_ =	swait.ge [sflag:s13], $0x4000  }
0xda: {  	s22 =	simm.s32 $0x0;
	[sflag:s13] =	ssyncset.done $0x0  }
0xdb: {  	s23 =	simm.s32 $0x0;
	s20 =	sand.u32 $0x3FFFFFF0, s22;
	[sflag:s13] =	ssyncadd.s32 $0xFFFFC000  }
0xdc: {  	v2 =	vld [tilespmem:s20+$0x5180];
	s20 =	sand.u32 $0x3FFFF800, s23  }
0xdd: {  	v8 =	vld [tilespmem:s20+$0x5340]  }
0xde: {  	v4 =	vld [tilespmem:s20+$0x52A0]  }
0xdf: {  	v5 =	vld [tilespmem:s20+$0x52B0]  }
0xe0: {  	v11 =	vld [tilespmem:s20+$0x52E0]  }
0xe1: {  	v12 =	vld [tilespmem:s20+$0x52F0];
	v3 =	vbroadcast v2, $0x0  }
0xe2: {  	v13 =	vld [tilespmem:s20+$0x5300]  }
0xe3: {  	v14 =	vld [tilespmem:s20+$0x5310];
	v4 =	vmul.f32 v4, v3  }
0xe4: {  	v15 =	vld [tilespmem:s20+$0x5320];
	v5 =	vmul.f32 v5, v3  }
0xe5: {  	v10 =	vld [tilespmem:s20+$0x5330];
	v21 =	vbroadcast v2, $0x1;
	v20 =	vmul.f32 v11, v3;
	[tilespmem:s20+$0x52A0] =	vst v4  }
0xe6: {  	v9 =	vld [tilespmem:s20+$0x5350];
	v12 =	vmul.f32 v12, v3;
	[tilespmem:s20+$0x52B0] =	vst v5  }
0xe7: {  	v7 =	vld [tilespmem:s20+$0x57F0];
	v13 =	vmul.f32 v13, v21;
	[tilespmem:s20+$0x52E0] =	vst v20  }
0xe8: {  	v23 =	vld [tilespmem:s20+$0x5370];
	v14 =	vmul.f32 v14, v21;
	[tilespmem:s20+$0x52F0] =	vst v12  }
0xe9: {  	v24 =	vld [tilespmem:s20+$0x5380];
	v15 =	vmul.f32 v15, v21;
	[tilespmem:s20+$0x5300] =	vst v13  }
0xea: {  	v25 =	vld [tilespmem:s20+$0x5390];
	v10 =	vmul.f32 v10, v21;
	[tilespmem:s20+$0x5310] =	vst v14  }
0xeb: {  	v22 =	vld [tilespmem:s20+$0x5360];
	v8 =	vmul.f32 v8, v21;
	[tilespmem:s20+$0x5320] =	vst v15  }
0xec: {  	v26 =	vld [tilespmem:s20+$0x53A0];
	v16 =	vbroadcast v2, $0x2;
	v9 =	vmul.f32 v9, v21;
	[tilespmem:s20+$0x5330] =	vst v10  }
0xed: {  	v27 =	vld [tilespmem:s20+$0x53B0];
	v11 =	vmul.f32 v23, v21;
	[tilespmem:s20+$0x5340] =	vst v8  }
0xee: {  	v28 =	vld [tilespmem:s20+$0x53C0];
	v6 =	vbroadcast v2, $0xA;
	v30 =	vmul.f32 v24, v16;
	[tilespmem:s20+$0x5350] =	vst v9  }
0xef: {  	v29 =	vld [tilespmem:s20+$0x53D0];
	v32 =	vmul.f32 v25, v16;
	[tilespmem:s20+$0x5370] =	vst v11  }
0xf0: {  	v31 =	vld [tilespmem:s20+$0x53E0];
	v4 =	vmul.f32 v7, v6;
	[tilespmem:s20+$0x5380] =	vst v30  }
0xf1: {  	v33 =	vld [tilespmem:s20+$0x53F0];
	v12 =	vmul.f32 v22, v21;
	[tilespmem:s20+$0x5390] =	vst v32  }
0xf2: {  	v34 =	vld [tilespmem:s20+$0x5400];
	v10 =	vmul.f32 v26, v16;
	[tilespmem:s20+$0x57F0] =	vst v4  }
0xf3: {  	v35 =	vld [tilespmem:s20+$0x5410];
	v8 =	vmul.f32 v27, v16;
	[tilespmem:s20+$0x5360] =	vst v12  }
0xf4: {  	v36 =	vld [tilespmem:s20+$0x5420];
	v9 =	vmul.f32 v28, v16;
	[tilespmem:s20+$0x53A0] =	vst v10  }
0xf5: {  	v37 =	vld [tilespmem:s20+$0x5430];
	v39 =	vbroadcast v2, $0x3;
	v11 =	vmul.f32 v31, v16;
	[tilespmem:s20+$0x53B0] =	vst v8  }
0xf6: {  	v38 =	vld [tilespmem:s20+$0x5440];
	v13 =	vmul.f32 v33, v16;
	[tilespmem:s20+$0x53C0] =	vst v9  }
0xf7: {  	v40 =	vld [tilespmem:s20+$0x5450];
	v14 =	vmul.f32 v34, v39;
	[tilespmem:s20+$0x53E0] =	vst v11  }
0xf8: {  	v41 =	vld [tilespmem:s20+$0x5460];
	v12 =	vmul.f32 v29, v16;
	[tilespmem:s20+$0x53F0] =	vst v13  }
0xf9: {  	v42 =	vld [tilespmem:s20+$0x5470];
	v10 =	vmul.f32 v35, v39;
	[tilespmem:s20+$0x5400] =	vst v14  }
0xfa: {  	v43 =	vld [tilespmem:s20+$0x5480];
	v8 =	vmul.f32 v36, v39;
	[tilespmem:s20+$0x53D0] =	vst v12  }
0xfb: {  	v44 =	vld [tilespmem:s20+$0x5490];
	v9 =	vmul.f32 v37, v39;
	[tilespmem:s20+$0x5410] =	vst v10  }
0xfc: {  	v45 =	vld [tilespmem:s20+$0x54A0];
	v11 =	vmul.f32 v40, v39;
	[tilespmem:s20+$0x5420] =	vst v8  }
0xfd: {  	v46 =	vld [tilespmem:s20+$0x54B0];
	v13 =	vmul.f32 v41, v39;
	[tilespmem:s20+$0x5430] =	vst v9  }
0xfe: {  	v47 =	vld [tilespmem:s20+$0x54C0];
	v48 =	vbroadcast v2, $0x4;
	v14 =	vmul.f32 v42, v39;
	[tilespmem:s20+$0x5450] =	vst v11  }
0xff: {  	v49 =	vld [tilespmem:s20+$0x54D0];
	v12 =	vmul.f32 v38, v39;
	[tilespmem:s20+$0x5460] =	vst v13  }
0x100: {  	v50 =	vld [tilespmem:s20+$0x54E0];
	v10 =	vmul.f32 v43, v48;
	[tilespmem:s20+$0x5470] =	vst v14  }
0x101: {  	v51 =	vld [tilespmem:s20+$0x54F0];
	v8 =	vmul.f32 v44, v48;
	[tilespmem:s20+$0x5440] =	vst v12  }
0x102: {  	v52 =	vld [tilespmem:s20+$0x5500];
	v9 =	vmul.f32 v45, v48;
	[tilespmem:s20+$0x5480] =	vst v10  }
0x103: {  	v53 =	vld [tilespmem:s20+$0x5510];
	v11 =	vmul.f32 v47, v48;
	[tilespmem:s20+$0x5490] =	vst v8  }
0x104: {  	v54 =	vld [tilespmem:s20+$0x5520];
	v13 =	vmul.f32 v49, v48;
	[tilespmem:s20+$0x54A0] =	vst v9  }
0x105: {  	v55 =	vld [tilespmem:s20+$0x5530];
	v14 =	vmul.f32 v50, v48;
	[tilespmem:s20+$0x54C0] =	vst v11  }
0x106: {  	v56 =	vld [tilespmem:s20+$0x5540];
	v57 =	vbroadcast v2, $0x5;
	v12 =	vmul.f32 v46, v48;
	[tilespmem:s20+$0x54D0] =	vst v13  }
0x107: {  	v58 =	vld [tilespmem:s20+$0x5550];
	v10 =	vmul.f32 v51, v48;
	[tilespmem:s20+$0x54E0] =	vst v14  }
0x108: {  	v59 =	vld [tilespmem:s20+$0x5560];
	v8 =	vmul.f32 v52, v57;
	[tilespmem:s20+$0x54B0] =	vst v12  }
0x109: {  	v60 =	vld [tilespmem:s20+$0x5570];
	v9 =	vmul.f32 v53, v57;
	[tilespmem:s20+$0x54F0] =	vst v10  }
0x10a: {  	v61 =	vld [tilespmem:s20+$0x5580];
	v11 =	vmul.f32 v55, v57;
	[tilespmem:s20+$0x5500] =	vst v8  }
0x10b: {  	v62 =	vld [tilespmem:s20+$0x5590];
	v13 =	vmul.f32 v56, v57;
	[tilespmem:s20+$0x5510] =	vst v9  }
0x10c: {  	v63 =	vld [tilespmem:s20+$0x55A0];
	v14 =	vmul.f32 v58, v57;
	[tilespmem:s20+$0x5530] =	vst v11  }
0x10d: {  	v20 =	vld [tilespmem:s20+$0x55B0];
	v12 =	vmul.f32 v54, v57;
	[tilespmem:s20+$0x5540] =	vst v13  }
0x10e: {  	v21 =	vld [tilespmem:s20+$0x55C0];
	v22 =	vbroadcast v2, $0x6;
	v10 =	vmul.f32 v59, v57;
	[tilespmem:s20+$0x5550] =	vst v14  }
0x10f: {  	v23 =	vld [tilespmem:s20+$0x55D0];
	v8 =	vmul.f32 v60, v57;
	[tilespmem:s20+$0x5520] =	vst v12  }
0x110: {  	v24 =	vld [tilespmem:s20+$0x55E0];
	v9 =	vmul.f32 v61, v22;
	[tilespmem:s20+$0x5560] =	vst v10  }
0x111: {  	v25 =	vld [tilespmem:s20+$0x55F0];
	v11 =	vmul.f32 v63, v22;
	[tilespmem:s20+$0x5570] =	vst v8  }
0x112: {  	v5 =	vld [tilespmem:s20+$0x5800];
	v13 =	vmul.f32 v20, v22;
	[tilespmem:s20+$0x5580] =	vst v9  }
0x113: {  	v27 =	vld [tilespmem:s20+$0x5610];
	v14 =	vmul.f32 v21, v22;
	[tilespmem:s20+$0x55A0] =	vst v11  }
0x114: {  	v28 =	vld [tilespmem:s20+$0x5620];
	v12 =	vmul.f32 v62, v22;
	[tilespmem:s20+$0x55B0] =	vst v13  }
0x115: {  	v29 =	vld [tilespmem:s20+$0x5630];
	v10 =	vmul.f32 v23, v22;
	[tilespmem:s20+$0x55C0] =	vst v14  }
0x116: {  	v31 =	vbroadcast v2, $0x7;
	v53 =	vld [tilespmem:s20+$0x5780];
	v8 =	vmul.f32 v24, v22;
	[tilespmem:s20+$0x5590] =	vst v12  }
0x117: {  	v58 =	vld [tilespmem:s20+$0x57D0];
	v9 =	vmul.f32 v25, v22;
	[tilespmem:s20+$0x55D0] =	vst v10  }
0x118: {  	v26 =	vld [tilespmem:s20+$0x5600];
	v11 =	vmul.f32 v27, v31;
	[tilespmem:s20+$0x55E0] =	vst v8  }
0x119: {  	v30 =	vld [tilespmem:s20+$0x5640];
	v13 =	vmul.f32 v28, v31;
	[tilespmem:s20+$0x55F0] =	vst v9  }
0x11a: {  	v32 =	vld [tilespmem:s20+$0x5650];
	v14 =	vmul.f32 v29, v31;
	[tilespmem:s20+$0x5610] =	vst v11  }
0x11b: {  	v33 =	vld [tilespmem:s20+$0x5660];
	v59 =	vmul.f32 v53, v6;
	[tilespmem:s20+$0x5620] =	vst v13  }
0x11c: {  	v35 =	vld [tilespmem:s20+$0x5680];
	v21 =	vmul.f32 v58, v6;
	[tilespmem:s20+$0x5630] =	vst v14  }
0x11d: {  	v36 =	vld [tilespmem:s20+$0x5690];
	v12 =	vmul.f32 v26, v31;
	[tilespmem:s20+$0x5780] =	vst v59  }
0x11e: {  	v37 =	vld [tilespmem:s20+$0x56A0];
	v10 =	vmul.f32 v30, v31;
	[tilespmem:s20+$0x57D0] =	vst v21  }
0x11f: {  	v7 =	vld [tilespmem:s20+$0x5810];
	v40 =	vbroadcast v2, $0x8;
	v8 =	vmul.f32 v32, v31;
	[tilespmem:s20+$0x5600] =	vst v12  }
0x120: {  	v34 =	vld [tilespmem:s20+$0x5670];
	v9 =	vmul.f32 v33, v31;
	[tilespmem:s20+$0x5640] =	vst v10  }
0x121: {  	v57 =	vld [tilespmem:s20+$0x57C0];
	v11 =	vmul.f32 v35, v40;
	[tilespmem:s20+$0x5650] =	vst v8  }
0x122: {  	v61 =	vld [tilespmem:s20+$0x5280];
	v24 =	vbroadcast v2, $0xB;
	v13 =	vmul.f32 v36, v40;
	[tilespmem:s20+$0x5660] =	vst v9  }
0x123: {  	v4 =	vld [tilespmem:s20+$0x5A50];
	v14 =	vmul.f32 v37, v40;
	[tilespmem:s20+$0x5680] =	vst v11  }
0x124: {  	v38 =	vld [tilespmem:s20+$0x56B0];
	v5 =	vmul.f32 v5, v24;
	[tilespmem:s20+$0x5690] =	vst v13  }
0x125: {  	v39 =	vld [tilespmem:s20+$0x56C0];
	v7 =	vmul.f32 v7, v24;
	[tilespmem:s20+$0x56A0] =	vst v14  }
0x126: {  	v41 =	vld [tilespmem:s20+$0x56D0];
	v19 =	vmul.f32 v57, v6;
	[tilespmem:s20+$0x5800] =	vst v5  }
0x127: {  	v43 =	vld [tilespmem:s20+$0x56F0];
	v25 =	vmul.f32 v3, v61;
	[tilespmem:s20+$0x5810] =	vst v7  }
0x128: {  	v44 =	vld [tilespmem:s20+$0x5700];
	v12 =	vmul.f32 v34, v31;
	[tilespmem:s20+$0x57C0] =	vst v19  }
0x129: {  	v45 =	vld [tilespmem:s20+$0x5710];
	v10 =	vmul.f32 v38, v40;
	[tilespmem:s20+$0x5280] =	vst v25  }
0x12a: {  	v27 =	vld [tilespmem:s20+$0x5850];
	v8 =	vmul.f32 v39, v40;
	[tilespmem:s20+$0x5670] =	vst v12  }
0x12b: {  	v49 =	vbroadcast v2, $0x9;
	v29 =	vld [tilespmem:s20+$0x5870];
	v9 =	vmul.f32 v41, v40;
	[tilespmem:s20+$0x56B0] =	vst v10  }
0x12c: {  	v42 =	vld [tilespmem:s20+$0x56E0];
	v11 =	vmul.f32 v43, v40;
	[tilespmem:s20+$0x56C0] =	vst v8  }
0x12d: {  	v46 =	vld [tilespmem:s20+$0x5720];
	v13 =	vmul.f32 v44, v49;
	[tilespmem:s20+$0x56D0] =	vst v9  }
0x12e: {  	v47 =	vld [tilespmem:s20+$0x5730];
	v14 =	vmul.f32 v45, v49;
	[tilespmem:s20+$0x56F0] =	vst v11  }
0x12f: {  	v48 =	vld [tilespmem:s20+$0x5740];
	v32 =	vmul.f32 v27, v24;
	[tilespmem:s20+$0x5700] =	vst v13  }
0x130: {  	v51 =	vld [tilespmem:s20+$0x5760];
	v7 =	vmul.f32 v29, v24;
	[tilespmem:s20+$0x5710] =	vst v14  }
0x131: {  	v52 =	vld [tilespmem:s20+$0x5770];
	v12 =	vmul.f32 v42, v40;
	[tilespmem:s20+$0x5850] =	vst v32  }
0x132: {  	v10 =	vmul.f32 v46, v49;
	[tilespmem:s20+$0x5870] =	vst v7  }
0x133: {  	v28 =	vld [tilespmem:s20+$0x5860];
	v8 =	vmul.f32 v47, v49;
	[tilespmem:s20+$0x56E0] =	vst v12  }
0x134: {  	v30 =	vld [tilespmem:s20+$0x5880];
	v9 =	vmul.f32 v48, v49;
	[tilespmem:s20+$0x5720] =	vst v10  }
0x135: {  	v50 =	vld [tilespmem:s20+$0x5750];
	v5 =	vbroadcast v2, $0xF;
	v11 =	vmul.f32 v51, v49;
	[tilespmem:s20+$0x5730] =	vst v8  }
0x136: {  	v54 =	vld [tilespmem:s20+$0x5790];
	v13 =	vmul.f32 v52, v49;
	[tilespmem:s20+$0x5740] =	vst v9  }
0x137: {  	v55 =	vld [tilespmem:s20+$0x57A0];
	v35 =	vbroadcast v2, $0xC;
	v4 =	vmul.f32 v4, v5;
	[tilespmem:s20+$0x5760] =	vst v11  }
0x138: {  	v56 =	vld [tilespmem:s20+$0x57B0];
	v40 =	vmul.f32 v28, v24;
	[tilespmem:s20+$0x5770] =	vst v13  }
0x139: {  	v60 =	vld [tilespmem:s20+$0x57E0];
	v16 =	vmul.f32 v30, v35;
	[tilespmem:s20+$0x5A50] =	vst v4  }
0x13a: {  	v62 =	vld [tilespmem:s20+$0x5290];
	v12 =	vmul.f32 v50, v49;
	[tilespmem:s20+$0x5860] =	vst v40  }
0x13b: {  	v63 =	vld [tilespmem:s20+$0x52C0];
	v10 =	vmul.f32 v54, v6;
	[tilespmem:s20+$0x5880] =	vst v16  }
0x13c: {  	v20 =	vld [tilespmem:s20+$0x52D0];
	v8 =	vmul.f32 v55, v6;
	[tilespmem:s20+$0x5750] =	vst v12  }
0x13d: {  	v33 =	vld [tilespmem:s20+$0x58B0];
	v9 =	vmul.f32 v56, v6;
	[tilespmem:s20+$0x5790] =	vst v10  }
0x13e: {  	v61 =	vld [tilespmem:s20+$0x5A70];
	v6 =	vmul.f32 v60, v6;
	[tilespmem:s20+$0x57A0] =	vst v8  }
0x13f: {  	v38 =	vld [tilespmem:s20+$0x58F0];
	v13 =	vmul.f32 v62, v3;
	[tilespmem:s20+$0x57B0] =	vst v9  }
0x140: {  	v22 =	vld [tilespmem:s20+$0x5820];
	v4 =	vmul.f32 v63, v3;
	[tilespmem:s20+$0x57E0] =	vst v6  }
0x141: {  	v23 =	vld [tilespmem:s20+$0x5830];
	v3 =	vmul.f32 v20, v3;
	[tilespmem:s20+$0x5290] =	vst v13  }
0x142: {  	v26 =	vld [tilespmem:s20+$0x5840];
	v62 =	vmul.f32 v33, v35;
	[tilespmem:s20+$0x52C0] =	vst v4  }
0x143: {  	v31 =	vld [tilespmem:s20+$0x5890];
	v63 =	vmul.f32 v61, v5;
	[tilespmem:s20+$0x52D0] =	vst v3  }
0x144: {  	v34 =	vld [tilespmem:s20+$0x58C0];
	v16 =	vmul.f32 v38, v35;
	[tilespmem:s20+$0x58B0] =	vst v62  }
0x145: {  	v41 =	vld [tilespmem:s20+$0x5920];
	v8 =	vmul.f32 v22, v24;
	[tilespmem:s20+$0x5A70] =	vst v63  }
0x146: {  	v46 =	vld [tilespmem:s20+$0x5960];
	v9 =	vmul.f32 v23, v24;
	[tilespmem:s20+$0x58F0] =	vst v16  }
0x147: {  	v6 =	vmul.f32 v26, v24;
	v3 =	vld [tilespmem:s20+$0x5910];
	[tilespmem:s20+$0x5820] =	vst v8  }
0x148: {  	v36 =	vld [tilespmem:s20+$0x58D0];
	v44 =	vbroadcast v2, $0xD;
	v10 =	vmul.f32 v31, v35;
	[tilespmem:s20+$0x5830] =	vst v9  }
0x149: {  	v37 =	vld [tilespmem:s20+$0x58E0];
	v13 =	vmul.f32 v34, v35;
	[tilespmem:s20+$0x5840] =	vst v6  }
0x14a: {  	v39 =	vld [tilespmem:s20+$0x5900];
	v12 =	vmul.f32 v41, v44;
	[tilespmem:s20+$0x5890] =	vst v10  }
0x14b: {  	v42 =	vld [tilespmem:s20+$0x5930];
	v51 =	vmul.f32 v46, v44;
	[tilespmem:s20+$0x58C0] =	vst v13  }
0x14c: {  	v48 =	vld [tilespmem:s20+$0x5990];
	[tilespmem:s20+$0x5920] =	vst v12;
	v3 =	vmul.f32 v3, v44  }
0x14d: {  	v49 =	vld [tilespmem:s20+$0x59A0];
	v9 =	vmul.f32 v36, v35;
	[tilespmem:s20+$0x5960] =	vst v51  }
0x14e: {  	v6 =	vmul.f32 v37, v35;
	[tilespmem:s20+$0x5910] =	vst v3;
	v3 =	vld [tilespmem:s20+$0x5980]  }
0x14f: {  	v2 =	vbroadcast v2, $0xE;
	v50 =	vld [tilespmem:s20+$0x59B0];
	v10 =	vmul.f32 v39, v44;
	[tilespmem:s20+$0x58D0] =	vst v9  }
0x150: {  	v45 =	vld [tilespmem:s20+$0x5950];
	v13 =	vmul.f32 v42, v44;
	[tilespmem:s20+$0x58E0] =	vst v6  }
0x151: {  	v47 =	vld [tilespmem:s20+$0x5970];
	v12 =	vmul.f32 v48, v2;
	[tilespmem:s20+$0x5900] =	vst v10  }
0x152: {  	v43 =	vld [tilespmem:s20+$0x5940];
	v11 =	vmul.f32 v49, v2;
	[tilespmem:s20+$0x5930] =	vst v13  }
0x153: {  	v55 =	vld [tilespmem:s20+$0x5A00];
	[tilespmem:s20+$0x5990] =	vst v12;
	v3 =	vmul.f32 v3, v2  }
0x154: {  	v57 =	vld [tilespmem:s20+$0x5A20];
	v7 =	vmul.f32 v50, v2;
	[tilespmem:s20+$0x59A0] =	vst v11  }
0x155: {  	v6 =	vmul.f32 v45, v44;
	[tilespmem:s20+$0x5980] =	vst v3;
	v3 =	vld [tilespmem:s20+$0x59F0]  }
0x156: {  	v52 =	vld [tilespmem:s20+$0x59C0];
	v10 =	vmul.f32 v47, v44;
	[tilespmem:s20+$0x59B0] =	vst v7  }
0x157: {  	v56 =	vld [tilespmem:s20+$0x5A10];
	v9 =	vmul.f32 v43, v44;
	[tilespmem:s20+$0x5950] =	vst v6  }
0x158: {  	v54 =	vld [tilespmem:s20+$0x59E0];
	v12 =	vmul.f32 v55, v5;
	[tilespmem:s20+$0x5970] =	vst v10  }
0x159: {  	v58 =	vld [tilespmem:s20+$0x5A30];
	v7 =	vmul.f32 v57, v5;
	[tilespmem:s20+$0x5940] =	vst v9  }
0x15a: {  	v53 =	vld [tilespmem:s20+$0x59D0];
	[tilespmem:s20+$0x5A00] =	vst v12;
	v3 =	vmul.f32 v3, v2  }
0x15b: {  	v59 =	vld [tilespmem:s20+$0x5A40];
	v6 =	vmul.f32 v52, v2;
	[tilespmem:s20+$0x5A20] =	vst v7  }
0x15c: {  	v60 =	vld [tilespmem:s20+$0x5A60];
	[tilespmem:s20+$0x59F0] =	vst v3;
	v3 =	vmul.f32 v56, v5  }
0x15d: {  	v10 =	vmul.f32 v54, v2;
	[tilespmem:s20+$0x59C0] =	vst v6  }
0x15e: {  	v4 =	vld [tilespmem:s20+$0x58A0];
	[tilespmem:s20+$0x5A10] =	vst v3;
	v3 =	vmul.f32 v58, v5  }
0x15f: {  	[tilespmem:s20+$0x59E0] =	vst v10;
	v2 =	vmul.f32 v53, v2  }
0x160: {  	[tilespmem:s20+$0x5A30] =	vst v3;
	v3 =	vmul.f32 v59, v5  }
0x161: {  	[tilespmem:s20+$0x59D0] =	vst v2;
	v5 =	vmul.f32 v60, v5  }
0x162: {  	[tilespmem:s20+$0x5A40] =	vst v3  }
0x163: {  	s21 =	simm.s32 $0x1;
	v3 =	vmul.f32 v4, v35;
	[tilespmem:s20+$0x5A60] =	vst v5  }
.LBB2_3:
0x164: {  	s22 =	sshll.u32 s21, $0x4  }
0x165: {  	p1 =	sne.s32 s21, $0x7;
	[tilespmem:s20+$0x58A0] =	vst v3;
	s20 =	smov.u32 s21;
	s21 =	sadd.s32 $0x1, s21  }
0x166: {  	s22 =	sand.u32 $0x3FFFFFF0, s22  }
0x167: {  	s20 =	sshll.u32 s20, $0xB;
	v2 =	vld [tilespmem:s22+$0x5180]  }
0x168: {  	s20 =	sand.u32 $0x3FFFF800, s20  }
0x169: {  	v9 =	vld [tilespmem:s20+$0x5340]  }
0x16a: {  	v10 =	vld [tilespmem:s20+$0x5350]  }
0x16b: {  	v11 =	vld [tilespmem:s20+$0x5330]  }
0x16c: {  	v3 =	vbroadcast v2, $0x0;
	v4 =	vld [tilespmem:s20+$0x52A0];
	v8 =	vbroadcast v2, $0x4  }
0x16d: {  	v6 =	vld [tilespmem:s20+$0x52B0]  }
0x16e: {  	v7 =	vld [tilespmem:s20+$0x57F0]  }
0x16f: {  	v12 =	vld [tilespmem:s20+$0x52E0]  }
0x170: {  	v13 =	vld [tilespmem:s20+$0x52F0]  }
0x171: {  	v5 =	vbroadcast v2, $0xA;
	v4 =	vmul.f32 v4, v3;
	v14 =	vld [tilespmem:s20+$0x5300]  }
0x172: {  	v6 =	vmul.f32 v6, v3;
	v15 =	vld [tilespmem:s20+$0x5310]  }
0x173: {  	[tilespmem:s20+$0x52A0] =	vst v4;
	v16 =	vld [tilespmem:s20+$0x5320];
	v4 =	vmul.f32 v7, v5  }
0x174: {  	[tilespmem:s20+$0x52B0] =	vst v6;
	v7 =	vmul.f32 v12, v3;
	v12 =	vbroadcast v2, $0x1;
	v6 =	vld [tilespmem:s20+$0x5800]  }
0x175: {  	v13 =	vmul.f32 v13, v3;
	[tilespmem:s20+$0x57F0] =	vst v4;
	v4 =	vld [tilespmem:s20+$0x5A50]  }
0x176: {  	[tilespmem:s20+$0x52E0] =	vst v7;
	v14 =	vmul.f32 v14, v12;
	v7 =	vld [tilespmem:s20+$0x5810]  }
0x177: {  	[tilespmem:s20+$0x52F0] =	vst v13;
	v13 =	vmul.f32 v15, v12;
	v15 =	vld [tilespmem:s20+$0x5360]  }
0x178: {  	[tilespmem:s20+$0x5300] =	vst v14;
	v14 =	vmul.f32 v16, v12;
	v16 =	vld [tilespmem:s20+$0x5370]  }
0x179: {  	v11 =	vmul.f32 v11, v12;
	[tilespmem:s20+$0x5310] =	vst v13;
	v13 =	vld [tilespmem:s20+$0x5380]  }
0x17a: {  	v9 =	vmul.f32 v9, v12;
	[tilespmem:s20+$0x5320] =	vst v14;
	v14 =	vld [tilespmem:s20+$0x5390]  }
0x17b: {  	v10 =	vmul.f32 v10, v12;
	[tilespmem:s20+$0x5330] =	vst v11;
	v11 =	vld [tilespmem:s20+$0x53A0]  }
0x17c: {  	[tilespmem:s20+$0x5340] =	vst v9;
	v9 =	vmul.f32 v15, v12;
	v15 =	vbroadcast v2, $0x2;
	v17 =	vld [tilespmem:s20+$0x53B0]  }
0x17d: {  	[tilespmem:s20+$0x5350] =	vst v10;
	v10 =	vmul.f32 v16, v12;
	v12 =	vld [tilespmem:s20+$0x53C0]  }
0x17e: {  	[tilespmem:s20+$0x5360] =	vst v9;
	v9 =	vmul.f32 v13, v15;
	v13 =	vld [tilespmem:s20+$0x53D0]  }
0x17f: {  	[tilespmem:s20+$0x5370] =	vst v10;
	v10 =	vmul.f32 v14, v15;
	v14 =	vld [tilespmem:s20+$0x53E0]  }
0x180: {  	[tilespmem:s20+$0x5380] =	vst v9;
	v9 =	vmul.f32 v11, v15;
	v11 =	vld [tilespmem:s20+$0x53F0]  }
0x181: {  	[tilespmem:s20+$0x5390] =	vst v10;
	v10 =	vmul.f32 v17, v15;
	v16 =	vld [tilespmem:s20+$0x5400]  }
0x182: {  	[tilespmem:s20+$0x53A0] =	vst v9;
	v9 =	vmul.f32 v12, v15;
	v12 =	vld [tilespmem:s20+$0x5410]  }
0x183: {  	[tilespmem:s20+$0x53B0] =	vst v10;
	v10 =	vmul.f32 v13, v15;
	v13 =	vld [tilespmem:s20+$0x5420]  }
0x184: {  	[tilespmem:s20+$0x53C0] =	vst v9;
	v9 =	vmul.f32 v14, v15;
	v14 =	vbroadcast v2, $0x3;
	v17 =	vld [tilespmem:s20+$0x5430]  }
0x185: {  	[tilespmem:s20+$0x53D0] =	vst v10;
	v10 =	vmul.f32 v11, v15;
	v11 =	vld [tilespmem:s20+$0x5440]  }
0x186: {  	[tilespmem:s20+$0x53E0] =	vst v9;
	v9 =	vmul.f32 v16, v14;
	v15 =	vld [tilespmem:s20+$0x5450]  }
0x187: {  	[tilespmem:s20+$0x53F0] =	vst v10;
	v10 =	vmul.f32 v12, v14;
	v12 =	vld [tilespmem:s20+$0x5460]  }
0x188: {  	[tilespmem:s20+$0x5400] =	vst v9;
	v9 =	vmul.f32 v13, v14;
	v13 =	vld [tilespmem:s20+$0x5470]  }
0x189: {  	[tilespmem:s20+$0x5410] =	vst v10;
	v10 =	vmul.f32 v17, v14;
	v16 =	vld [tilespmem:s20+$0x5480]  }
0x18a: {  	[tilespmem:s20+$0x5420] =	vst v9;
	v9 =	vmul.f32 v11, v14;
	v11 =	vld [tilespmem:s20+$0x5490]  }
0x18b: {  	[tilespmem:s20+$0x5430] =	vst v10;
	v10 =	vmul.f32 v15, v14;
	v15 =	vld [tilespmem:s20+$0x54A0]  }
0x18c: {  	[tilespmem:s20+$0x5440] =	vst v9;
	v9 =	vmul.f32 v12, v14;
	v12 =	vld [tilespmem:s20+$0x54B0]  }
0x18d: {  	[tilespmem:s20+$0x5450] =	vst v10;
	v10 =	vmul.f32 v13, v14;
	v13 =	vld [tilespmem:s20+$0x54C0]  }
0x18e: {  	[tilespmem:s20+$0x5460] =	vst v9;
	v9 =	vmul.f32 v16, v8;
	v14 =	vld [tilespmem:s20+$0x54D0]  }
0x18f: {  	[tilespmem:s20+$0x5470] =	vst v10;
	v10 =	vmul.f32 v11, v8;
	v11 =	vld [tilespmem:s20+$0x54E0]  }
0x190: {  	[tilespmem:s20+$0x5480] =	vst v9;
	v9 =	vmul.f32 v15, v8;
	v15 =	vld [tilespmem:s20+$0x54F0]  }
0x191: {  	[tilespmem:s20+$0x5490] =	vst v10;
	v10 =	vmul.f32 v12, v8;
	v12 =	vld [tilespmem:s20+$0x5500]  }
0x192: {  	[tilespmem:s20+$0x54A0] =	vst v9;
	v9 =	vmul.f32 v13, v8;
	v13 =	vld [tilespmem:s20+$0x5510]  }
0x193: {  	[tilespmem:s20+$0x54B0] =	vst v10;
	v10 =	vmul.f32 v14, v8;
	v14 =	vld [tilespmem:s20+$0x5520]  }
0x194: {  	[tilespmem:s20+$0x54C0] =	vst v9;
	v9 =	vmul.f32 v11, v8;
	v11 =	vbroadcast v2, $0x5;
	v16 =	vld [tilespmem:s20+$0x5530]  }
0x195: {  	[tilespmem:s20+$0x54D0] =	vst v10;
	v8 =	vmul.f32 v15, v8;
	v10 =	vld [tilespmem:s20+$0x5540]  }
0x196: {  	[tilespmem:s20+$0x54E0] =	vst v9;
	v9 =	vmul.f32 v12, v11;
	v12 =	vld [tilespmem:s20+$0x5550]  }
0x197: {  	[tilespmem:s20+$0x54F0] =	vst v8;
	v8 =	vmul.f32 v13, v11;
	v13 =	vld [tilespmem:s20+$0x5560]  }
0x198: {  	[tilespmem:s20+$0x5500] =	vst v9;
	v9 =	vmul.f32 v14, v11;
	v14 =	vld [tilespmem:s20+$0x5570]  }
0x199: {  	[tilespmem:s20+$0x5510] =	vst v8;
	v8 =	vmul.f32 v16, v11;
	v15 =	vld [tilespmem:s20+$0x5580]  }
0x19a: {  	[tilespmem:s20+$0x5520] =	vst v9;
	v9 =	vmul.f32 v10, v11;
	v10 =	vld [tilespmem:s20+$0x5590]  }
0x19b: {  	[tilespmem:s20+$0x5530] =	vst v8;
	v8 =	vmul.f32 v12, v11;
	v12 =	vld [tilespmem:s20+$0x55A0]  }
0x19c: {  	[tilespmem:s20+$0x5540] =	vst v9;
	v9 =	vmul.f32 v13, v11;
	v13 =	vbroadcast v2, $0x6;
	v16 =	vld [tilespmem:s20+$0x55B0]  }
0x19d: {  	[tilespmem:s20+$0x5550] =	vst v8;
	v8 =	vmul.f32 v14, v11;
	v11 =	vld [tilespmem:s20+$0x55C0]  }
0x19e: {  	[tilespmem:s20+$0x5560] =	vst v9;
	v9 =	vmul.f32 v15, v13;
	v14 =	vld [tilespmem:s20+$0x55D0]  }
0x19f: {  	[tilespmem:s20+$0x5570] =	vst v8;
	v8 =	vmul.f32 v10, v13;
	v10 =	vld [tilespmem:s20+$0x55E0]  }
0x1a0: {  	[tilespmem:s20+$0x5580] =	vst v9;
	v9 =	vmul.f32 v12, v13;
	v12 =	vld [tilespmem:s20+$0x55F0]  }
0x1a1: {  	[tilespmem:s20+$0x5590] =	vst v8;
	v8 =	vmul.f32 v16, v13;
	v15 =	vld [tilespmem:s20+$0x5600]  }
0x1a2: {  	[tilespmem:s20+$0x55A0] =	vst v9;
	v9 =	vmul.f32 v11, v13;
	v11 =	vld [tilespmem:s20+$0x5610]  }
0x1a3: {  	[tilespmem:s20+$0x55B0] =	vst v8;
	v8 =	vmul.f32 v14, v13;
	v14 =	vld [tilespmem:s20+$0x5620]  }
0x1a4: {  	[tilespmem:s20+$0x55C0] =	vst v9;
	v9 =	vmul.f32 v10, v13;
	v10 =	vbroadcast v2, $0x7;
	v16 =	vld [tilespmem:s20+$0x5630]  }
0x1a5: {  	[tilespmem:s20+$0x55D0] =	vst v8;
	v8 =	vmul.f32 v12, v13;
	v12 =	vld [tilespmem:s20+$0x5640]  }
0x1a6: {  	[tilespmem:s20+$0x55E0] =	vst v9;
	v9 =	vmul.f32 v15, v10;
	v13 =	vld [tilespmem:s20+$0x5650]  }
0x1a7: {  	[tilespmem:s20+$0x55F0] =	vst v8;
	v8 =	vmul.f32 v11, v10;
	v11 =	vld [tilespmem:s20+$0x5660]  }
0x1a8: {  	[tilespmem:s20+$0x5600] =	vst v9;
	v9 =	vmul.f32 v14, v10;
	v14 =	vld [tilespmem:s20+$0x5670]  }
0x1a9: {  	[tilespmem:s20+$0x5610] =	vst v8;
	v8 =	vmul.f32 v16, v10;
	v15 =	vld [tilespmem:s20+$0x5680]  }
0x1aa: {  	[tilespmem:s20+$0x5620] =	vst v9;
	v9 =	vmul.f32 v12, v10;
	v12 =	vld [tilespmem:s20+$0x5690]  }
0x1ab: {  	[tilespmem:s20+$0x5630] =	vst v8;
	v8 =	vmul.f32 v13, v10;
	v13 =	vld [tilespmem:s20+$0x56A0]  }
0x1ac: {  	[tilespmem:s20+$0x5640] =	vst v9;
	v9 =	vmul.f32 v11, v10;
	v11 =	vbroadcast v2, $0x8;
	v16 =	vld [tilespmem:s20+$0x56B0]  }
0x1ad: {  	[tilespmem:s20+$0x5650] =	vst v8;
	v8 =	vmul.f32 v14, v10;
	v10 =	vld [tilespmem:s20+$0x56C0]  }
0x1ae: {  	[tilespmem:s20+$0x5660] =	vst v9;
	v9 =	vmul.f32 v15, v11;
	v14 =	vld [tilespmem:s20+$0x56D0]  }
0x1af: {  	[tilespmem:s20+$0x5670] =	vst v8;
	v8 =	vmul.f32 v12, v11;
	v12 =	vld [tilespmem:s20+$0x56E0]  }
0x1b0: {  	[tilespmem:s20+$0x5680] =	vst v9;
	v9 =	vmul.f32 v13, v11;
	v13 =	vld [tilespmem:s20+$0x56F0]  }
0x1b1: {  	[tilespmem:s20+$0x5690] =	vst v8;
	v8 =	vmul.f32 v16, v11;
	v15 =	vld [tilespmem:s20+$0x5700]  }
0x1b2: {  	[tilespmem:s20+$0x56A0] =	vst v9;
	v9 =	vmul.f32 v10, v11;
	v10 =	vld [tilespmem:s20+$0x5710]  }
0x1b3: {  	[tilespmem:s20+$0x56B0] =	vst v8;
	v8 =	vmul.f32 v14, v11;
	v14 =	vld [tilespmem:s20+$0x5720]  }
0x1b4: {  	[tilespmem:s20+$0x56C0] =	vst v9;
	v9 =	vmul.f32 v12, v11;
	v12 =	vbroadcast v2, $0x9;
	v16 =	vld [tilespmem:s20+$0x5730]  }
0x1b5: {  	[tilespmem:s20+$0x56D0] =	vst v8;
	v8 =	vmul.f32 v13, v11;
	v11 =	vld [tilespmem:s20+$0x5740]  }
0x1b6: {  	[tilespmem:s20+$0x56E0] =	vst v9;
	v9 =	vmul.f32 v15, v12;
	v13 =	vld [tilespmem:s20+$0x5750]  }
0x1b7: {  	[tilespmem:s20+$0x56F0] =	vst v8;
	v8 =	vmul.f32 v10, v12;
	v10 =	vld [tilespmem:s20+$0x5760]  }
0x1b8: {  	[tilespmem:s20+$0x5700] =	vst v9;
	v9 =	vmul.f32 v14, v12;
	v14 =	vld [tilespmem:s20+$0x5770]  }
0x1b9: {  	[tilespmem:s20+$0x5710] =	vst v8;
	v8 =	vmul.f32 v16, v12;
	v15 =	vld [tilespmem:s20+$0x5780]  }
0x1ba: {  	[tilespmem:s20+$0x5720] =	vst v9;
	v9 =	vmul.f32 v11, v12;
	v11 =	vld [tilespmem:s20+$0x5790]  }
0x1bb: {  	[tilespmem:s20+$0x5730] =	vst v8;
	v8 =	vmul.f32 v13, v12;
	v13 =	vld [tilespmem:s20+$0x57A0]  }
0x1bc: {  	[tilespmem:s20+$0x5740] =	vst v9;
	v9 =	vmul.f32 v10, v12;
	v10 =	vld [tilespmem:s20+$0x57B0]  }
0x1bd: {  	[tilespmem:s20+$0x5750] =	vst v8;
	v8 =	vmul.f32 v14, v12;
	v12 =	vld [tilespmem:s20+$0x57C0]  }
0x1be: {  	[tilespmem:s20+$0x5760] =	vst v9;
	v9 =	vmul.f32 v15, v5;
	v14 =	vld [tilespmem:s20+$0x57D0]  }
0x1bf: {  	[tilespmem:s20+$0x5770] =	vst v8;
	v8 =	vmul.f32 v11, v5;
	v11 =	vld [tilespmem:s20+$0x57E0]  }
0x1c0: {  	v15 =	vld [tilespmem:s20+$0x5280];
	[tilespmem:s20+$0x5780] =	vst v9;
	v9 =	vmul.f32 v13, v5  }
0x1c1: {  	v13 =	vld [tilespmem:s20+$0x5290];
	[tilespmem:s20+$0x5790] =	vst v8;
	v8 =	vmul.f32 v10, v5  }
0x1c2: {  	v10 =	vld [tilespmem:s20+$0x52C0];
	[tilespmem:s20+$0x57A0] =	vst v9;
	v9 =	vmul.f32 v12, v5  }
0x1c3: {  	v12 =	vld [tilespmem:s20+$0x52D0];
	[tilespmem:s20+$0x57B0] =	vst v8;
	v8 =	vmul.f32 v14, v5  }
0x1c4: {  	[tilespmem:s20+$0x57C0] =	vst v9;
	v9 =	vmul.f32 v11, v5;
	v11 =	vbroadcast v2, $0xB;
	v14 =	vld [tilespmem:s20+$0x5820]  }
0x1c5: {  	v5 =	vbroadcast v2, $0xF;
	v15 =	vmul.f32 v3, v15;
	[tilespmem:s20+$0x57D0] =	vst v8;
	v8 =	vld [tilespmem:s20+$0x5830]  }
0x1c6: {  	v13 =	vmul.f32 v13, v3;
	[tilespmem:s20+$0x57E0] =	vst v9;
	v6 =	vmul.f32 v6, v11;
	v9 =	vld [tilespmem:s20+$0x5840]  }
0x1c7: {  	v7 =	vmul.f32 v7, v11;
	[tilespmem:s20+$0x5280] =	vst v15;
	v10 =	vmul.f32 v10, v3;
	v15 =	vld [tilespmem:s20+$0x5850]  }
0x1c8: {  	v4 =	vmul.f32 v4, v5;
	v12 =	vmul.f32 v12, v3;
	[tilespmem:s20+$0x5800] =	vst v6;
	v3 =	vld [tilespmem:s20+$0x5860]  }
0x1c9: {  	[tilespmem:s20+$0x5810] =	vst v7;
	v6 =	vmul.f32 v14, v11;
	v7 =	vld [tilespmem:s20+$0x5870]  }
0x1ca: {  	v8 =	vmul.f32 v8, v11;
	v14 =	vld [tilespmem:s20+$0x5880];
	[tilespmem:s20+$0x5A50] =	vst v4  }
0x1cb: {  	[tilespmem:s20+$0x5290] =	vst v13;
	v4 =	vmul.f32 v9, v11;
	v9 =	vld [tilespmem:s20+$0x5890]  }
0x1cc: {  	[tilespmem:s20+$0x52C0] =	vst v10;
	v10 =	vmul.f32 v15, v11;
	v13 =	vld [tilespmem:s20+$0x58A0]  }
0x1cd: {  	v15 =	vbroadcast v2, $0xC;
	[tilespmem:s20+$0x5820] =	vst v6;
	v6 =	vmul.f32 v3, v11;
	v16 =	vld [tilespmem:s20+$0x58B0]  }
0x1ce: {  	[tilespmem:s20+$0x5850] =	vst v10;
	v7 =	vmul.f32 v7, v11;
	v10 =	vld [tilespmem:s20+$0x58C0]  }
0x1cf: {  	[tilespmem:s20+$0x5830] =	vst v8;
	v3 =	vmul.f32 v14, v15;
	v8 =	vld [tilespmem:s20+$0x58D0]  }
0x1d0: {  	[tilespmem:s20+$0x5840] =	vst v4;
	v4 =	vmul.f32 v9, v15;
	v9 =	vld [tilespmem:s20+$0x58E0]  }
0x1d1: {  	[tilespmem:s20+$0x5880] =	vst v3;
	v3 =	vmul.f32 v13, v15;
	v11 =	vld [tilespmem:s20+$0x58F0]  }
0x1d2: {  	[tilespmem:s20+$0x5890] =	vst v4;
	v4 =	vld [tilespmem:s20+$0x5900]  }
0x1d3: {  	[tilespmem:s20+$0x52D0] =	vst v12;
	v10 =	vmul.f32 v10, v15;
	v12 =	vld [tilespmem:s20+$0x5910]  }
0x1d4: {  	[tilespmem:s20+$0x5860] =	vst v6;
	v6 =	vmul.f32 v8, v15;
	v8 =	vld [tilespmem:s20+$0x5920]  }
0x1d5: {  	[tilespmem:s20+$0x58C0] =	vst v10;
	v9 =	vmul.f32 v9, v15;
	v10 =	vbroadcast v2, $0xD;
	v13 =	vld [tilespmem:s20+$0x5930]  }
0x1d6: {  	[tilespmem:s20+$0x58D0] =	vst v6;
	v6 =	vmul.f32 v11, v15;
	v11 =	vld [tilespmem:s20+$0x5940]  }
0x1d7: {  	[tilespmem:s20+$0x58E0] =	vst v9;
	v4 =	vmul.f32 v4, v10;
	v9 =	vld [tilespmem:s20+$0x5950]  }
0x1d8: {  	[tilespmem:s20+$0x58F0] =	vst v6;
	v6 =	vmul.f32 v12, v10;
	v12 =	vld [tilespmem:s20+$0x5960]  }
0x1d9: {  	[tilespmem:s20+$0x5900] =	vst v4;
	v4 =	vmul.f32 v8, v10;
	v8 =	vld [tilespmem:s20+$0x5970]  }
0x1da: {  	[tilespmem:s20+$0x5910] =	vst v6;
	v6 =	vmul.f32 v13, v10;
	v13 =	vld [tilespmem:s20+$0x5980]  }
0x1db: {  	[tilespmem:s20+$0x5920] =	vst v4;
	v4 =	vmul.f32 v11, v10;
	v11 =	vld [tilespmem:s20+$0x5990]  }
0x1dc: {  	[tilespmem:s20+$0x5930] =	vst v6;
	v6 =	vmul.f32 v9, v10;
	v9 =	vld [tilespmem:s20+$0x59A0]  }
0x1dd: {  	v2 =	vbroadcast v2, $0xE;
	[tilespmem:s20+$0x5870] =	vst v7;
	v7 =	vmul.f32 v12, v10;
	v12 =	vld [tilespmem:s20+$0x59B0]  }
0x1de: {  	[tilespmem:s20+$0x5950] =	vst v6;
	v6 =	vmul.f32 v8, v10;
	v8 =	vld [tilespmem:s20+$0x59C0]  }
0x1df: {  	[tilespmem:s20+$0x5960] =	vst v7;
	v7 =	vmul.f32 v13, v2;
	v10 =	vld [tilespmem:s20+$0x59D0]  }
0x1e0: {  	[tilespmem:s20+$0x5970] =	vst v6;
	v6 =	vmul.f32 v11, v2;
	v11 =	vld [tilespmem:s20+$0x59E0]  }
0x1e1: {  	[tilespmem:s20+$0x5980] =	vst v7;
	v7 =	vmul.f32 v9, v2;
	v9 =	vld [tilespmem:s20+$0x59F0]  }
0x1e2: {  	[tilespmem:s20+$0x5990] =	vst v6;
	v6 =	vmul.f32 v12, v2;
	v12 =	vld [tilespmem:s20+$0x5A00]  }
0x1e3: {  	[tilespmem:s20+$0x59A0] =	vst v7;
	v7 =	vmul.f32 v8, v2;
	v8 =	vld [tilespmem:s20+$0x5A10]  }
0x1e4: {  	[tilespmem:s20+$0x59B0] =	vst v6;
	v6 =	vmul.f32 v10, v2;
	v10 =	vld [tilespmem:s20+$0x5A20]  }
0x1e5: {  	[tilespmem:s20+$0x59C0] =	vst v7;
	v7 =	vmul.f32 v11, v2;
	v11 =	vld [tilespmem:s20+$0x5A30]  }
0x1e6: {  	[tilespmem:s20+$0x5940] =	vst v4;
	v2 =	vmul.f32 v9, v2;
	v4 =	vld [tilespmem:s20+$0x5A40]  }
0x1e7: {  	[tilespmem:s20+$0x59E0] =	vst v7;
	v7 =	vmul.f32 v12, v5;
	v9 =	vld [tilespmem:s20+$0x5A60]  }
0x1e8: {  	[tilespmem:s20+$0x59F0] =	vst v2;
	v2 =	vmul.f32 v8, v5;
	v8 =	vld [tilespmem:s20+$0x5A70]  }
0x1e9: {  	[tilespmem:s20+$0x5A00] =	vst v7;
	v7 =	vmul.f32 v10, v5  }
0x1ea: {  	[tilespmem:s20+$0x5A10] =	vst v2;
	v2 =	vmul.f32 v11, v5  }
0x1eb: {  	v10 =	vmul.f32 v16, v15;
	[tilespmem:s20+$0x5A20] =	vst v7  }
0x1ec: {  	[tilespmem:s20+$0x5A30] =	vst v2;
	v2 =	vmul.f32 v4, v5  }
.Ltmp0:
0x1ed: {  	[tilespmem:s20+$0x58B0] =	vst v10;
	v4 =	vmul.f32 v8, v5;
	(pc) =	sbr.rel @p1 .LBB2_3-.Ltmp0, $4  }
0x1ee: {  	[tilespmem:s20+$0x5A40] =	vst v2  }
0x1ef: {  	v2 =	vmul.f32 v9, v5;
	[tilespmem:s20+$0x5A70] =	vst v4  }
0x1f0: {  	[tilespmem:s20+$0x59D0] =	vst v6  }
0x1f1: {  	[tilespmem:s20+$0x5A60] =	vst v2  }
0x1f2: {  	[tilespmem:s20+$0x58A0] =	vst v3  }
0x1f3: {  	[spmem:s3] =	stream.indirect.scatter.add.f32 [tilespmem:s7], [sflag:$0x3], $0x80, s31, s0, $0xb8;
	[tilespmem:$0x1D780] =	vst v63  }
0x1f4: {  	_ =	swait.ge [sflag:s30], $0x4000  }
0x1f5: {  	[sflag:s30] =	ssyncset.done $0x0  }
0x1f6: {  	[sflag:s30] =	ssyncadd.s32 $0xFFFFC000  }
0x1f7: {  	[spmem:s4] =	stream.indirect.scatter.add.f32 [tilespmem:s14], [sflag:$0x3], $0x1, s31, s0, $0xb8;
	[tilespmem:$0x1D780] =	vst v63  }
0x1f8: {  	s20 =	simm.s32 @!p0 $0x80;
	_ =	swait.ge [sflag:s30], $0x80  }
0x1f9: {  	s21 =	simm.s32 @!p0 $0x5080;
	s19 =	sadd.s32 $0x1, s19;
	[sflag:s30] =	ssyncset.done $0x0  }
0x1fa: {  	s22 =	simm.s32 @!p0 $0x5200;
	p1 =	sne.s32 s19, $0xA2;
	[sflag:s30] =	ssyncadd.s32 $0xFFFFFF80  }
0x1fb: {  	[spmem:s5] =	stream.indirect.scatter.add.f32 @!p0 [tilespmem:s22], [sflag:$0x2], $0x1, s21, s20, $0xb8;
	[tilespmem:$0x1D780] =	vst v63  }
.Ltmp1:
0x1fc: {  	_ = 	snop;
	(pc) =	sbr.rel @p1 .LBB2_2-.Ltmp1, $4  }
0x1fd: {  	s20 =	simm.s32 @!p0 $0x2  }
0x1fe: {  	_ =	swait.ge @!p0 [sflag:s20], $0x80  }
0x1ff: {  	[sflag:s20] =	ssyncset.done @!p0 $0x0  }
0x200: {  	[sflag:s20] =	ssyncadd.s32 @!p0 $0xFFFFFF80  }
0x201: {  	[bflag:$0x0] =	sbarrier.arrive $0xFFFF  }
0x202: {  	s19 =	rddreg [dreg:$0xb]  }
0x203: {  	[hbm:s19], [sflag:s12] =	dma.local [spmem:s17], $0x2800  }
0x204: {  	_ =	swait.ge [sflag:s26], $0x2800  }
0x205: {  	[sflag:s26] =	ssyncset.done $0x0  }
0x206: {  	s22 =	rddreg [dreg:$0xc];
	[sflag:s26] =	ssyncadd.s32 $0xFFFFD800  }
0x207: {  	[hbm:s22], [sflag:s12] =	dma.local [spmem:s18], $0x50  }
0x208: {  	_ =	swait.ge [sflag:s26], $0x50  }
0x209: {  	[sflag:s26] =	ssyncset.done $0x0  }
0x20a: {  	s17 =	sshrl.u32 @!p0 s15, $0x3;
	s18 =	rddreg [dreg:$0xd];
	[sflag:s26] =	ssyncadd.s32 $0xFFFFFFB0  }
0x20b: {  	[hbm:s18], [sflag:s12] =	dma.local @!p0 [spmem:s17], $0x50  }
0x20c: {  	_ =	swait.ge @!p0 [sflag:s20], $0x50  }
0x20d: {  	s16 =	sadd.s32 $0x1, s16;
	s23 =	rddreg [dreg:$0xe]  }
0x20e: {  	p1 =	sne.s32 s16, s23  }
.Ltmp2:
0x20f: {  	_ = 	snop;
	(pc) =	sbr.rel @p1 .LBB2_1-.Ltmp2, $3  }
0x210: {  	_ =	sdelay $0x1  }
0x211: {  	[sflag:s20] =	ssyncset.done @!p0 $0x0  }
0x212: {  	[sflag:s20] =	ssyncadd.s32 @!p0 $0xFFFFFFB0  }
0x213: {  	_ =	sfence.sel $0x180000  }
0x214: {  	[bflag:$0x0] =	sbarrier.arrive $0xFFFF  }
0x215: {  	_ =	strace $0x90000047  }
0x216: {  	s0 =	stileid.u32;
	[bflag:$0x2] =	sbarrier.arrive $0xFFFF  }
0x217: {  	p0 =	sne.s32 s0, $0x0;
	s0 =	rddreg [dreg:$0x7]  }
0x218: {  	s0 =	sadd.s32 @!p0 $0x100000, s0  }
0x219: {  	[sflag:s0] =	ssyncadd.tile.s32 @!p0 $0x1;
	_ =	shalt  }
.Lfunc_end2:
_tile_overlayer_lowered:
.L_overlay_start_2:
0x21a: {  	(tag) =	ssettag $0x2  }
0x21b: {  	s0 =	rddreg [dreg:$0x0];
	s2 =	stileid.u32  }
0x21c: {  	s1 =	rddreg [dreg:$0x1];
	p0 =	sne.s32 s2, $0x0  }
0x21d: {  	s3 =	rddreg [dreg:$0x2];
	[bflag:$0x3] =	sbarrier.arrive $0xFFFF;
	s2 =	simm.s32 @!p0 $0x1C02  }
0x21e: {  	[timem:s3], [sflag:s2] =	dma.local @!p0 [hbm:s0], s1  }
0x21f: {  	s0 =	simm.s32 @!p0 $0x2  }
0x220: {  	_ =	swait.ge @!p0 [sflag:s0], s1  }
0x221: {  	s1 =	ssub.s32 @!p0 $0x0, s1;
	[sflag:s0] =	ssyncset.done @!p0 $0x0  }
0x222: {  	[sflag:s0] =	ssyncadd.s32 @!p0 s1  }
0x223: {  	[bflag:$0x3] =	sbarrier.arrive $0xFFFF  }
0x224: {  	_ =	shalt  }

</sc_bundles>
